<compile_context>
chip_gen: v7x
topology: tpu7x:2x2x1
jax: 0.10.2.dev20260603
libtpu: 0.0.44.dev20260713+nightly
codegen_flags: <defaults>
</compile_context>

<pallas_src>
import functools

import jax
import jax.numpy as jnp
from jax import lax
from jax.experimental import pallas as pl
from jax.experimental.pallas import tpu as pltpu
from jax.experimental.pallas import tpu_sc as plsc

B = 4096
DIM_NUM = 26
DIM_EMB = 128
MAX_LEN = 50
DIM_BIAS = DIM_NUM + MAX_LEN
N_DENSE = DIM_NUM + 1
N_OUT = N_DENSE + MAX_LEN
LANES = 16
NCHUNK = DIM_EMB // LANES

_NC = 2
_NS = 16
NW = _NC * _NS
BPW = B // NW

BB = 512


def _sc_body(xc_hbm, tab_hbm, be_hbm, out_hbm,
             xc_v, be_v, t0, t1, t2, t3,
             gs0, gs1, gs2, gs3, os0, os1, os2, os3):
    cid = lax.axis_index("c")
    sid = lax.axis_index("s")
    wid = sid * _NC + cid
    base = wid * BPW

    pltpu.sync_copy(xc_hbm.at[:, pl.ds(base, BPW)], xc_v)
    pltpu.sync_copy(be_hbm, be_v)

    def issue_gather(l, buf, sem):
        pltpu.async_copy(tab_hbm.at[xc_v.at[l]], buf, sem)

    def wait_gather(buf, sem):
        pltpu.make_async_copy(tab_hbm.at[xc_v.at[0]], buf, sem).wait()

    def issue_out(l, buf, sem):
        pltpu.async_copy(buf, out_hbm.at[N_DENSE + l, pl.ds(base, BPW)], sem)

    def wait_out(buf, sem):
        pltpu.make_async_copy(buf, out_hbm.at[0, pl.ds(base, BPW)], sem).wait()

    def add_bias(l, buf):
        for c in range(NCHUNK):
            sl = pl.ds(c * LANES, LANES)
            vb = be_v[l, sl]

            def row(i, _):
                plsc.addupdate(buf.at[i, sl], vb)
                return 0

            lax.fori_loop(0, BPW, row, 0, unroll=8)

    bufs = (t0, t1, t2, t3)
    gss = (gs0, gs1, gs2, gs3)
    oss = (os0, os1, os2, os3)
    NB = 4

    for q in range(NB):
        issue_gather(q, bufs[q], gss[q])

    def quad(k, carry):
        lb = NB * k
        for q in range(NB):
            wait_gather(bufs[q], gss[q])
            add_bias(lb + q, bufs[q])
            issue_out(lb + q, bufs[q], oss[q])
        for q in range(NB):
            nx = jnp.minimum(lb + NB + q, MAX_LEN - 1)
            wait_out(bufs[q], oss[q])
            issue_gather(nx, bufs[q], gss[q])
        return 0

    lax.fori_loop(0, MAX_LEN // NB, quad, 0)
    for q in range(NB):
        wait_gather(bufs[q], gss[q])
    for q in range(MAX_LEN % NB):
        l = (MAX_LEN // NB) * NB + q
        add_bias(l, bufs[q])
        issue_out(l, bufs[q], oss[q])
    for q in range(MAX_LEN % NB):
        wait_out(bufs[q], oss[q])


def _tc_dense_body(_buf_ref, xn_ref, w_ref, bd_ref, out_ref):
    w = w_ref[...]
    xn = xn_ref[...]
    bd = bd_ref[...]
    out_ref[...] = w[:, None, :] * xn[:, :, None] + bd[:, None, :]


@jax.jit
def kernel(x_num, x_cat, emb_table, weight, bias):
    xc_t = jnp.transpose(x_cat)
    xn_t = jnp.transpose(x_num)
    xn_aug = jnp.concatenate(
        [jnp.ones((1, B), jnp.float32), xn_t], axis=0)
    b_dense = jnp.concatenate(
        [jnp.zeros((1, DIM_EMB), jnp.float32), bias[: DIM_NUM]], axis=0)
    b_emb = bias[DIM_NUM:]

    sc = functools.partial(
        pl.kernel,
        mesh=plsc.VectorSubcoreMesh(core_axis_name="c", subcore_axis_name="s"),
        out_type=jax.ShapeDtypeStruct((N_OUT, B, DIM_EMB), jnp.float32),
        scratch_types=[
            pltpu.VMEM((MAX_LEN, BPW), jnp.int32),
            pltpu.VMEM((MAX_LEN, DIM_EMB), jnp.float32),
            pltpu.VMEM((BPW, DIM_EMB), jnp.float32),
            pltpu.VMEM((BPW, DIM_EMB), jnp.float32),
            pltpu.VMEM((BPW, DIM_EMB), jnp.float32),
            pltpu.VMEM((BPW, DIM_EMB), jnp.float32),
            pltpu.SemaphoreType.DMA,
            pltpu.SemaphoreType.DMA,
            pltpu.SemaphoreType.DMA,
            pltpu.SemaphoreType.DMA,
            pltpu.SemaphoreType.DMA,
            pltpu.SemaphoreType.DMA,
            pltpu.SemaphoreType.DMA,
            pltpu.SemaphoreType.DMA,
        ],
    )(_sc_body)
    part = sc(xc_t, emb_table, b_emb)

    full = pl.pallas_call(
        _tc_dense_body,
        grid=(B // BB,),
        in_specs=[
            pl.BlockSpec(memory_space=pl.ANY),
            pl.BlockSpec((N_DENSE, BB), lambda i: (0, i)),
            pl.BlockSpec((N_DENSE, DIM_EMB), lambda i: (0, 0)),
            pl.BlockSpec((N_DENSE, DIM_EMB), lambda i: (0, 0)),
        ],
        out_specs=pl.BlockSpec((N_DENSE, BB, DIM_EMB), lambda i: (0, i, 0)),
        out_shape=jax.ShapeDtypeStruct((N_OUT, B, DIM_EMB), jnp.float32),
        input_output_aliases={0: 0},
    )(part, xn_aug, weight, b_dense)

    return jnp.transpose(full, (1, 0, 2))

# --- scband reference (transcript-rebuilt; emitter-appended) ---
"""Pipeline reference for scband-embedding-86440511799573 (READ-ONLY COPY).

The authoritative reference and input builder live on the scoring server;
editing this copy changes nothing except your own understanding.
"""

import jax, jax.numpy as jnp
import numpy as np

B = 4096
DIM_NUM = 26
DIM_EMB = 128
DIM_CAT = 100000
MAX_LEN = 50
DIM_BIAS = DIM_NUM + MAX_LEN


def setup_inputs(seed: int = 0) -> dict:
    key = jax.random.key(seed)
    k1, k2, k3, k4, k5 = jax.random.split(key, 5)
    x_num = jax.random.normal(k1, (B, DIM_NUM), dtype=jnp.float32)
    x_cat = jax.random.randint(k2, (B, MAX_LEN), 0, DIM_CAT, dtype=jnp.int32)
    emb_table = jax.random.normal(k3, (DIM_CAT, DIM_EMB), dtype=jnp.float32) * 0.05
    weight = jax.random.normal(k4, (DIM_NUM + 1, DIM_EMB), dtype=jnp.float32) * 0.05
    bias = jax.random.normal(k5, (DIM_BIAS, DIM_EMB), dtype=jnp.float32) * 0.05
    return {"x_num": x_num, "x_cat": x_cat, "emb_table": emb_table, "weight": weight, "bias": bias}


def reference(x_num, x_cat, emb_table, weight, bias):
    b = x_num.shape[0]
    # x_cat is already a dense padded [B, L] tensor (pad_sequence is identity here)
    x_num_aug = jnp.concatenate([jnp.ones((b, 1), dtype=x_num.dtype), x_num], axis=1)
    x = weight[None, :, :] * x_num_aug[:, :, None]
    x = jnp.concatenate([x, jnp.take(emb_table, x_cat, axis=0)], axis=1)
    bias_full = jnp.concatenate([jnp.zeros((1, bias.shape[1]), dtype=bias.dtype), bias], axis=0)
    if x.shape[1] < DIM_BIAS:
        pad = jnp.zeros((x.shape[0], DIM_BIAS + 1 - x.shape[1], DIM_EMB), dtype=x.dtype)
        x = jnp.concatenate([x, pad], axis=1)
    x = x + bias_full[None]
    return x

if __name__ == "__main__":
    import jax
    _d = setup_inputs()
    print(jax.jit(kernel)(*tuple(_d.values())))

</pallas_src>

<mosaic_0001>
#map = affine_map<(d0, d1) -> (0, 0)>
#map1 = affine_map<(d0, d1) -> (0, 0, 0)>
module attributes {stable_mosaic.version = 14 : i64} {
  func.func @_sc_body(%arg0: i32, %arg1: i32, %arg2: memref<50x4096xi32, #tpu.memory_space<hbm>>, %arg3: memref<100000x128xf32, #tpu.memory_space<hbm>>, %arg4: memref<50x128xf32, #tpu.memory_space<hbm>>, %arg5: memref<77x4096x128xf32, #tpu.memory_space<hbm>>, %arg6: memref<50x128xi32, #tpu.memory_space<vmem>>, %arg7: memref<50x128xf32, #tpu.memory_space<vmem>>, %arg8: memref<128x128xf32, #tpu.memory_space<vmem>>, %arg9: memref<128x128xf32, #tpu.memory_space<vmem>>, %arg10: memref<128x128xf32, #tpu.memory_space<vmem>>, %arg11: memref<128x128xf32, #tpu.memory_space<vmem>>, %arg12: memref<!tpu.dma_semaphore, #tpu.memory_space<semaphore_mem>>, %arg13: memref<!tpu.dma_semaphore, #tpu.memory_space<semaphore_mem>>, %arg14: memref<!tpu.dma_semaphore, #tpu.memory_space<semaphore_mem>>, %arg15: memref<!tpu.dma_semaphore, #tpu.memory_space<semaphore_mem>>, %arg16: memref<!tpu.dma_semaphore, #tpu.memory_space<semaphore_mem>>, %arg17: memref<!tpu.dma_semaphore, #tpu.memory_space<semaphore_mem>>, %arg18: memref<!tpu.dma_semaphore, #tpu.memory_space<semaphore_mem>>, %arg19: memref<!tpu.dma_semaphore, #tpu.memory_space<semaphore_mem>>) attributes {dimension_semantics = [#tpu.dimension_semantics<core_parallel>, #tpu.dimension_semantics<subcore_parallel>], iteration_bounds = array<i64: 2, 16>, scalar_prefetch = 0 : i64, scratch_operands = 14 : i64, tpu.core_type = #tpu.core_type<sc_vector_subcore>, window_params = [{transform_indices = #map}, {transform_indices = #map}, {transform_indices = #map}, {transform_indices = #map1}]} {
    %mul3A = arith.constant 2 : i32
    %mul3A_0 = arith.muli %arg1, %mul3A : i32
    %add3A = arith.addi %mul3A_0, %arg0 : i32
    %mul3A_1 = arith.constant 128 : i32
    %mul3A_2 = arith.muli %add3A, %mul3A_1 : i32
    "tpu.region"() ({
      %run_scoped3A = tpu.sem_alloc : memref<!tpu.dma_semaphore, #tpu.memory_space<semaphore_mem>>
      %dma_start3A_282 = arith.constant 0 : i32
      %dma_start3A_283 = tpu.memref_slice %arg2[%dma_start3A_282, %mul3A_2] : memref<50x4096xi32, #tpu.memory_space<hbm>> -> memref<50x128xi32, #tpu.memory_space<hbm>>
      %dma_start3A_284 = arith.constant 0 : i32
      %dma_start3A_285 = tpu.memref_slice %arg2[%dma_start3A_284, %mul3A_2] : memref<50x4096xi32, #tpu.memory_space<hbm>> -> memref<50x128xi32, #tpu.memory_space<hbm>>
      tpu.enqueue_dma source(%dma_start3A_285 : memref<50x128xi32, #tpu.memory_space<hbm>>) target(%arg6 : memref<50x128xi32, #tpu.memory_space<vmem>>) target_semaphore(%run_scoped3A : memref<!tpu.dma_semaphore, #tpu.memory_space<semaphore_mem>>)
      %dma_wait3A_286 = arith.constant 0 : i32
      %dma_wait3A_287 = tpu.memref_slice %arg2[%dma_wait3A_286, %mul3A_2] : memref<50x4096xi32, #tpu.memory_space<hbm>> -> memref<50x128xi32, #tpu.memory_space<hbm>>
      %dma_wait3A_288 = arith.constant 0 : i32
      %dma_wait3A_289 = tpu.memref_slice %arg2[%dma_wait3A_288, %mul3A_2] : memref<50x4096xi32, #tpu.memory_space<hbm>> -> memref<50x128xi32, #tpu.memory_space<hbm>>
      tpu.wait_dma2 semaphore(%run_scoped3A : memref<!tpu.dma_semaphore, #tpu.memory_space<semaphore_mem>>) src(%dma_wait3A_289 : memref<50x128xi32, #tpu.memory_space<hbm>>) dst(%arg6 : memref<50x128xi32, #tpu.memory_space<vmem>>)
      tpu.yield
    }) : () -> ()
    "tpu.region"() ({
      %run_scoped3A = tpu.sem_alloc : memref<!tpu.dma_semaphore, #tpu.memory_space<semaphore_mem>>
      tpu.enqueue_dma source(%arg4 : memref<50x128xf32, #tpu.memory_space<hbm>>) target(%arg7 : memref<50x128xf32, #tpu.memory_space<vmem>>) target_semaphore(%run_scoped3A : memref<!tpu.dma_semaphore, #tpu.memory_space<semaphore_mem>>)
      tpu.wait_dma2 semaphore(%run_scoped3A : memref<!tpu.dma_semaphore, #tpu.memory_space<semaphore_mem>>) src(%arg4 : memref<50x128xf32, #tpu.memory_space<hbm>>) dst(%arg7 : memref<50x128xf32, #tpu.memory_space<vmem>>)
      tpu.yield
    }) : () -> ()
    %dma_start3A = arith.constant 0 : i32
    %dma_start3A_3 = arith.constant 0 : i32
    %dma_start3A_4 = tpu.memref_slice %arg6[%dma_start3A, %dma_start3A_3] : memref<50x128xi32, #tpu.memory_space<vmem>> -> memref<1x128xi32, #tpu.memory_space<vmem>>
    %dma_start3A_5 = tpu.memref_squeeze %dma_start3A_4 : memref<1x128xi32, #tpu.memory_space<vmem>> -> memref<128xi32, #tpu.memory_space<vmem>>
    %dma_start3A_6 = arith.constant 0 : i32
    %dma_start3A_7 = arith.constant 0 : i32
    %dma_start3A_8 = tpu.memref_slice %arg3[%dma_start3A_6, %dma_start3A_7] : memref<100000x128xf32, #tpu.memory_space<hbm>> -> memref<100000x128xf32, #tpu.memory_space<hbm>>
    tpu.enqueue_indirect_dma source(%dma_start3A_8 : memref<100000x128xf32, #tpu.memory_space<hbm>>) target(%arg8 : memref<128x128xf32, #tpu.memory_space<vmem>>) offsets(%dma_start3A_5 : memref<128xi32, #tpu.memory_space<vmem>>) semaphore(%arg12 : memref<!tpu.dma_semaphore, #tpu.memory_space<semaphore_mem>>)
    %dma_start3A_9 = arith.constant 1 : i32
    %dma_start3A_10 = arith.constant 0 : i32
    %dma_start3A_11 = tpu.memref_slice %arg6[%dma_start3A_9, %dma_start3A_10] : memref<50x128xi32, #tpu.memory_space<vmem>> -> memref<1x128xi32, #tpu.memory_space<vmem>>
    %dma_start3A_12 = tpu.memref_squeeze %dma_start3A_11 : memref<1x128xi32, #tpu.memory_space<vmem>> -> memref<128xi32, #tpu.memory_space<vmem>>
    %dma_start3A_13 = arith.constant 0 : i32
    %dma_start3A_14 = arith.constant 0 : i32
    %dma_start3A_15 = tpu.memref_slice %arg3[%dma_start3A_13, %dma_start3A_14] : memref<100000x128xf32, #tpu.memory_space<hbm>> -> memref<100000x128xf32, #tpu.memory_space<hbm>>
    tpu.enqueue_indirect_dma source(%dma_start3A_15 : memref<100000x128xf32, #tpu.memory_space<hbm>>) target(%arg9 : memref<128x128xf32, #tpu.memory_space<vmem>>) offsets(%dma_start3A_12 : memref<128xi32, #tpu.memory_space<vmem>>) semaphore(%arg13 : memref<!tpu.dma_semaphore, #tpu.memory_space<semaphore_mem>>)
    %dma_start3A_16 = arith.constant 2 : i32
    %dma_start3A_17 = arith.constant 0 : i32
    %dma_start3A_18 = tpu.memref_slice %arg6[%dma_start3A_16, %dma_start3A_17] : memref<50x128xi32, #tpu.memory_space<vmem>> -> memref<1x128xi32, #tpu.memory_space<vmem>>
    %dma_start3A_19 = tpu.memref_squeeze %dma_start3A_18 : memref<1x128xi32, #tpu.memory_space<vmem>> -> memref<128xi32, #tpu.memory_space<vmem>>
    %dma_start3A_20 = arith.constant 0 : i32
    %dma_start3A_21 = arith.constant 0 : i32
    %dma_start3A_22 = tpu.memref_slice %arg3[%dma_start3A_20, %dma_start3A_21] : memref<100000x128xf32, #tpu.memory_space<hbm>> -> memref<100000x128xf32, #tpu.memory_space<hbm>>
    tpu.enqueue_indirect_dma source(%dma_start3A_22 : memref<100000x128xf32, #tpu.memory_space<hbm>>) target(%arg10 : memref<128x128xf32, #tpu.memory_space<vmem>>) offsets(%dma_start3A_19 : memref<128xi32, #tpu.memory_space<vmem>>) semaphore(%arg14 : memref<!tpu.dma_semaphore, #tpu.memory_space<semaphore_mem>>)
    %dma_start3A_23 = arith.constant 3 : i32
    %dma_start3A_24 = arith.constant 0 : i32
    %dma_start3A_25 = tpu.memref_slice %arg6[%dma_start3A_23, %dma_start3A_24] : memref<50x128xi32, #tpu.memory_space<vmem>> -> memref<1x128xi32, #tpu.memory_space<vmem>>
    %dma_start3A_26 = tpu.memref_squeeze %dma_start3A_25 : memref<1x128xi32, #tpu.memory_space<vmem>> -> memref<128xi32, #tpu.memory_space<vmem>>
    %dma_start3A_27 = arith.constant 0 : i32
    %dma_start3A_28 = arith.constant 0 : i32
    %dma_start3A_29 = tpu.memref_slice %arg3[%dma_start3A_27, %dma_start3A_28] : memref<100000x128xf32, #tpu.memory_space<hbm>> -> memref<100000x128xf32, #tpu.memory_space<hbm>>
    tpu.enqueue_indirect_dma source(%dma_start3A_29 : memref<100000x128xf32, #tpu.memory_space<hbm>>) target(%arg11 : memref<128x128xf32, #tpu.memory_space<vmem>>) offsets(%dma_start3A_26 : memref<128xi32, #tpu.memory_space<vmem>>) semaphore(%arg15 : memref<!tpu.dma_semaphore, #tpu.memory_space<semaphore_mem>>)
    %scan3A = arith.constant 0 : i32
    %scan3A_30 = arith.constant 0 : i32
    %scan3A_31 = arith.constant 12 : i32
    %scan3A_32 = arith.addi %scan3A_30, %scan3A_31 : i32
    %scan3A_33 = arith.constant 1 : i32
    %scan3A_34 = scf.for %scan3A_282 = %scan3A_30 to %scan3A_32 step %scan3A_33 iter_args(%scan3A_283 = %scan3A) -> (i32)  : i32 {
      %mul3A_284 = arith.constant 4 : i32
      %mul3A_285 = arith.muli %mul3A_284, %scan3A_282 : i32
      %dma_wait3A_286 = arith.constant 0 : i32
      %dma_wait3A_287 = arith.constant 0 : i32
      %dma_wait3A_288 = tpu.memref_slice %arg6[%dma_wait3A_286, %dma_wait3A_287] : memref<50x128xi32, #tpu.memory_space<vmem>> -> memref<1x128xi32, #tpu.memory_space<vmem>>
      %dma_wait3A_289 = tpu.memref_squeeze %dma_wait3A_288 : memref<1x128xi32, #tpu.memory_space<vmem>> -> memref<128xi32, #tpu.memory_space<vmem>>
      %dma_wait3A_290 = arith.constant 0 : i32
      %dma_wait3A_291 = arith.constant 0 : i32
      %dma_wait3A_292 = tpu.memref_slice %arg3[%dma_wait3A_290, %dma_wait3A_291] : memref<100000x128xf32, #tpu.memory_space<hbm>> -> memref<100000x128xf32, #tpu.memory_space<hbm>>
      tpu.wait_indirect_dma semaphore(%arg12 : memref<!tpu.dma_semaphore, #tpu.memory_space<semaphore_mem>>) src(%dma_wait3A_292 : memref<100000x128xf32, #tpu.memory_space<hbm>>) dst(%arg8 : memref<128x128xf32, #tpu.memory_space<vmem>>)
      %add3A_293 = arith.constant 0 : i32
      %add3A_294 = arith.addi %mul3A_285, %add3A_293 : i32
      %get3A_295 = arith.index_cast %add3A_294 : i32 to index
      %get3A_296 = arith.constant 0 : index
      %get3A_297 = tpu.vector_load %arg7[%get3A_295, %get3A_296] {strides = array<i32>} : memref<50x128xf32, #tpu.memory_space<vmem>>, vector<1x16xf32>,
      %get3A_298 = vector.shape_cast %get3A_297 : vector<1x16xf32> to vector<16xf32>
      %scan3A_299 = arith.constant 0 : i32
      %scan3A_300 = arith.constant 0 : i32
      %scan3A_301 = arith.constant 128 : i32
      %scan3A_302 = arith.addi %scan3A_300, %scan3A_301 : i32
      %scan3A_303 = arith.constant 8 : i32
      %scan3A_304 = scf.for %scan3A_790 = %scan3A_300 to %scan3A_302 step %scan3A_303 iter_args(%scan3A_791 = %scan3A_299) -> (i32)  : i32 {
        %swap3A = arith.index_cast %scan3A_790 : i32 to index
        %swap3A_792 = arith.constant 0 : index
        %swap3A_793 = tpu.vector_load %arg8[%swap3A, %swap3A_792] {strides = array<i32>} : memref<128x128xf32, #tpu.memory_space<vmem>>, vector<1x16xf32>,
        %swap3A_794 = vector.shape_cast %swap3A_793 : vector<1x16xf32> to vector<16xf32>
        %swap3A_795 = vector.shape_cast %get3A_298 : vector<16xf32> to vector<1x16xf32>
        tpu.vector_store %arg8[%swap3A, %swap3A_792], %swap3A_795 {add = true, strides = array<i32>} : memref<128x128xf32, #tpu.memory_space<vmem>>, vector<1x16xf32>,
        %scan3A_796 = arith.constant 0 : i32
        %scan3A_797 = arith.constant 1 : i32
        %scan3A_798 = arith.addi %scan3A_790, %scan3A_797 : i32
        %swap3A_799 = arith.index_cast %scan3A_798 : i32 to index
        %swap3A_800 = arith.constant 0 : index
        %swap3A_801 = tpu.vector_load %arg8[%swap3A_799, %swap3A_800] {strides = array<i32>} : memref<128x128xf32, #tpu.memory_space<vmem>>, vector<1x16xf32>,
        %swap3A_802 = vector.shape_cast %swap3A_801 : vector<1x16xf32> to vector<16xf32>
        %swap3A_803 = vector.shape_cast %get3A_298 : vector<16xf32> to vector<1x16xf32>
        tpu.vector_store %arg8[%swap3A_799, %swap3A_800], %swap3A_803 {add = true, strides = array<i32>} : memref<128x128xf32, #tpu.memory_space<vmem>>, vector<1x16xf32>,
        %scan3A_804 = arith.constant 0 : i32
        %scan3A_805 = arith.constant 2 : i32
        %scan3A_806 = arith.addi %scan3A_790, %scan3A_805 : i32
        %swap3A_807 = arith.index_cast %scan3A_806 : i32 to index
        %swap3A_808 = arith.constant 0 : index
        %swap3A_809 = tpu.vector_load %arg8[%swap3A_807, %swap3A_808] {strides = array<i32>} : memref<128x128xf32, #tpu.memory_space<vmem>>, vector<1x16xf32>,
        %swap3A_810 = vector.shape_cast %swap3A_809 : vector<1x16xf32> to vector<16xf32>
        %swap3A_811 = vector.shape_cast %get3A_298 : vector<16xf32> to vector<1x16xf32>
        tpu.vector_store %arg8[%swap3A_807, %swap3A_808], %swap3A_811 {add = true, strides = array<i32>} : memref<128x128xf32, #tpu.memory_space<vmem>>, vector<1x16xf32>,
        %scan3A_812 = arith.constant 0 : i32
        %scan3A_813 = arith.constant 3 : i32
        %scan3A_814 = arith.addi %scan3A_790, %scan3A_813 : i32
        %swap3A_815 = arith.index_cast %scan3A_814 : i32 to index
        %swap3A_816 = arith.constant 0 : index
        %swap3A_817 = tpu.vector_load %arg8[%swap3A_815, %swap3A_816] {strides = array<i32>} : memref<128x128xf32, #tpu.memory_space<vmem>>, vector<1x16xf32>,
        %swap3A_818 = vector.shape_cast %swap3A_817 : vector<1x16xf32> to vector<16xf32>
        %swap3A_819 = vector.shape_cast %get3A_298 : vector<16xf32> to vector<1x16xf32>
        tpu.vector_store %arg8[%swap3A_815, %swap3A_816], %swap3A_819 {add = true, strides = array<i32>} : memref<128x128xf32, #tpu.memory_space<vmem>>, vector<1x16xf32>,
        %scan3A_820 = arith.constant 0 : i32
        %scan3A_821 = arith.constant 4 : i32
        %scan3A_822 = arith.addi %scan3A_790, %scan3A_821 : i32
        %swap3A_823 = arith.index_cast %scan3A_822 : i32 to index
        %swap3A_824 = arith.constant 0 : index
        %swap3A_825 = tpu.vector_load %arg8[%swap3A_823, %swap3A_824] {strides = array<i32>} : memref<128x128xf32, #tpu.memory_space<vmem>>, vector<1x16xf32>,
        %swap3A_826 = vector.shape_cast %swap3A_825 : vector<1x16xf32> to vector<16xf32>
        %swap3A_827 = vector.shape_cast %get3A_298 : vector<16xf32> to vector<1x16xf32>
        tpu.vector_store %arg8[%swap3A_823, %swap3A_824], %swap3A_827 {add = true, strides = array<i32>} : memref<128x128xf32, #tpu.memory_space<vmem>>, vector<1x16xf32>,
        %scan3A_828 = arith.constant 0 : i32
        %scan3A_829 = arith.constant 5 : i32
        %scan3A_830 = arith.addi %scan3A_790, %scan3A_829 : i32
        %swap3A_831 = arith.index_cast %scan3A_830 : i32 to index
        %swap3A_832 = arith.constant 0 : index
        %swap3A_833 = tpu.vector_load %arg8[%swap3A_831, %swap3A_832] {strides = array<i32>} : memref<128x128xf32, #tpu.memory_space<vmem>>, vector<1x16xf32>,
        %swap3A_834 = vector.shape_cast %swap3A_833 : vector<1x16xf32> to vector<16xf32>
        %swap3A_835 = vector.shape_cast %get3A_298 : vector<16xf32> to vector<1x16xf32>
        tpu.vector_store %arg8[%swap3A_831, %swap3A_832], %swap3A_835 {add = true, strides = array<i32>} : memref<128x128xf32, #tpu.memory_space<vmem>>, vector<1x16xf32>,
        %scan3A_836 = arith.constant 0 : i32
        %scan3A_837 = arith.constant 6 : i32
        %scan3A_838 = arith.addi %scan3A_790, %scan3A_837 : i32
        %swap3A_839 = arith.index_cast %scan3A_838 : i32 to index
        %swap3A_840 = arith.constant 0 : index
        %swap3A_841 = tpu.vector_load %arg8[%swap3A_839, %swap3A_840] {strides = array<i32>} : memref<128x128xf32, #tpu.memory_space<vmem>>, vector<1x16xf32>,
        %swap3A_842 = vector.shape_cast %swap3A_841 : vector<1x16xf32> to vector<16xf32>
        %swap3A_843 = vector.shape_cast %get3A_298 : vector<16xf32> to vector<1x16xf32>
        tpu.vector_store %arg8[%swap3A_839, %swap3A_840], %swap3A_843 {add = true, strides = array<i32>} : memref<128x128xf32, #tpu.memory_space<vmem>>, vector<1x16xf32>,
        %scan3A_844 = arith.constant 0 : i32
        %scan3A_845 = arith.constant 7 : i32
        %scan3A_846 = arith.addi %scan3A_790, %scan3A_845 : i32
        %swap3A_847 = arith.index_cast %scan3A_846 : i32 to index
        %swap3A_848 = arith.constant 0 : index
        %swap3A_849 = tpu.vector_load %arg8[%swap3A_847, %swap3A_848] {strides = array<i32>} : memref<128x128xf32, #tpu.memory_space<vmem>>, vector<1x16xf32>,
        %swap3A_850 = vector.shape_cast %swap3A_849 : vector<1x16xf32> to vector<16xf32>
        %swap3A_851 = vector.shape_cast %get3A_298 : vector<16xf32> to vector<1x16xf32>
        tpu.vector_store %arg8[%swap3A_847, %swap3A_848], %swap3A_851 {add = true, strides = array<i32>} : memref<128x128xf32, #tpu.memory_space<vmem>>, vector<1x16xf32>,
        %scan3A_852 = arith.constant 0 : i32
        scf.yield %scan3A_852 : i32
      }
      %scan3A_305 = arith.constant 128 : i32
      %get3A_306 = arith.index_cast %add3A_294 : i32 to index
      %get3A_307 = arith.constant 16 : index
      %get3A_308 = tpu.vector_load %arg7[%get3A_306, %get3A_307] {strides = array<i32>} : memref<50x128xf32, #tpu.memory_space<vmem>>, vector<1x16xf32>,
      %get3A_309 = vector.shape_cast %get3A_308 : vector<1x16xf32> to vector<16xf32>
      %scan3A_310 = arith.constant 0 : i32
      %scan3A_311 = arith.constant 0 : i32
      %scan3A_312 = arith.constant 128 : i32
      %scan3A_313 = arith.addi %scan3A_311, %scan3A_312 : i32
      %scan3A_314 = arith.constant 8 : i32
      %scan3A_315 = scf.for %scan3A_790 = %scan3A_311 to %scan3A_313 step %scan3A_314 iter_args(%scan3A_791 = %scan3A_310) -> (i32)  : i32 {
        %swap3A = arith.index_cast %scan3A_790 : i32 to index
        %swap3A_792 = arith.constant 16 : index
        %swap3A_793 = tpu.vector_load %arg8[%swap3A, %swap3A_792] {strides = array<i32>} : memref<128x128xf32, #tpu.memory_space<vmem>>, vector<1x16xf32>,
        %swap3A_794 = vector.shape_cast %swap3A_793 : vector<1x16xf32> to vector<16xf32>
        %swap3A_795 = vector.shape_cast %get3A_309 : vector<16xf32> to vector<1x16xf32>
        tpu.vector_store %arg8[%swap3A, %swap3A_792], %swap3A_795 {add = true, strides = array<i32>} : memref<128x128xf32, #tpu.memory_space<vmem>>, vector<1x16xf32>,
        %scan3A_796 = arith.constant 0 : i32
        %scan3A_797 = arith.constant 1 : i32
        %scan3A_798 = arith.addi %scan3A_790, %scan3A_797 : i32
        %swap3A_799 = arith.index_cast %scan3A_798 : i32 to index
        %swap3A_800 = arith.constant 16 : index
        %swap3A_801 = tpu.vector_load %arg8[%swap3A_799, %swap3A_800] {strides = array<i32>} : memref<128x128xf32, #tpu.memory_space<vmem>>, vector<1x16xf32>,
        %swap3A_802 = vector.shape_cast %swap3A_801 : vector<1x16xf32> to vector<16xf32>
        %swap3A_803 = vector.shape_cast %get3A_309 : vector<16xf32> to vector<1x16xf32>
        tpu.vector_store %arg8[%swap3A_799, %swap3A_800], %swap3A_803 {add = true, strides = array<i32>} : memref<128x128xf32, #tpu.memory_space<vmem>>, vector<1x16xf32>,
        %scan3A_804 = arith.constant 0 : i32
        %scan3A_805 = arith.constant 2 : i32
        %scan3A_806 = arith.addi %scan3A_790, %scan3A_805 : i32
        %swap3A_807 = arith.index_cast %scan3A_806 : i32 to index
        %swap3A_808 = arith.constant 16 : index
        %swap3A_809 = tpu.vector_load %arg8[%swap3A_807, %swap3A_808] {strides = array<i32>} : memref<128x128xf32, #tpu.memory_space<vmem>>, vector<1x16xf32>,
        %swap3A_810 = vector.shape_cast %swap3A_809 : vector<1x16xf32> to vector<16xf32>
        %swap3A_811 = vector.shape_cast %get3A_309 : vector<16xf32> to vector<1x16xf32>
        tpu.vector_store %arg8[%swap3A_807, %swap3A_808], %swap3A_811 {add = true, strides = array<i32>} : memref<128x128xf32, #tpu.memory_space<vmem>>, vector<1x16xf32>,
        %scan3A_812 = arith.constant 0 : i32
        %scan3A_813 = arith.constant 3 : i32
        %scan3A_814 = arith.addi %scan3A_790, %scan3A_813 : i32
        %swap3A_815 = arith.index_cast %scan3A_814 : i32 to index
        %swap3A_816 = arith.constant 16 : index
        %swap3A_817 = tpu.vector_load %arg8[%swap3A_815, %swap3A_816] {strides = array<i32>} : memref<128x128xf32, #tpu.memory_space<vmem>>, vector<1x16xf32>,
        %swap3A_818 = vector.shape_cast %swap3A_817 : vector<1x16xf32> to vector<16xf32>
        %swap3A_819 = vector.shape_cast %get3A_309 : vector<16xf32> to vector<1x16xf32>
        tpu.vector_store %arg8[%swap3A_815, %swap3A_816], %swap3A_819 {add = true, strides = array<i32>} : memref<128x128xf32, #tpu.memory_space<vmem>>, vector<1x16xf32>,
        %scan3A_820 = arith.constant 0 : i32
        %scan3A_821 = arith.constant 4 : i32
        %scan3A_822 = arith.addi %scan3A_790, %scan3A_821 : i32
        %swap3A_823 = arith.index_cast %scan3A_822 : i32 to index
        %swap3A_824 = arith.constant 16 : index
        %swap3A_825 = tpu.vector_load %arg8[%swap3A_823, %swap3A_824] {strides = array<i32>} : memref<128x128xf32, #tpu.memory_space<vmem>>, vector<1x16xf32>,
        %swap3A_826 = vector.shape_cast %swap3A_825 : vector<1x16xf32> to vector<16xf32>
        %swap3A_827 = vector.shape_cast %get3A_309 : vector<16xf32> to vector<1x16xf32>
        tpu.vector_store %arg8[%swap3A_823, %swap3A_824], %swap3A_827 {add = true, strides = array<i32>} : memref<128x128xf32, #tpu.memory_space<vmem>>, vector<1x16xf32>,
        %scan3A_828 = arith.constant 0 : i32
        %scan3A_829 = arith.constant 5 : i32
        %scan3A_830 = arith.addi %scan3A_790, %scan3A_829 : i32
        %swap3A_831 = arith.index_cast %scan3A_830 : i32 to index
        %swap3A_832 = arith.constant 16 : index
        %swap3A_833 = tpu.vector_load %arg8[%swap3A_831, %swap3A_832] {strides = array<i32>} : memref<128x128xf32, #tpu.memory_space<vmem>>, vector<1x16xf32>,
        %swap3A_834 = vector.shape_cast %swap3A_833 : vector<1x16xf32> to vector<16xf32>
        %swap3A_835 = vector.shape_cast %get3A_309 : vector<16xf32> to vector<1x16xf32>
        tpu.vector_store %arg8[%swap3A_831, %swap3A_832], %swap3A_835 {add = true, strides = array<i32>} : memref<128x128xf32, #tpu.memory_space<vmem>>, vector<1x16xf32>,
        %scan3A_836 = arith.constant 0 : i32
        %scan3A_837 = arith.constant 6 : i32
        %scan3A_838 = arith.addi %scan3A_790, %scan3A_837 : i32
        %swap3A_839 = arith.index_cast %scan3A_838 : i32 to index
        %swap3A_840 = arith.constant 16 : index
        %swap3A_841 = tpu.vector_load %arg8[%swap3A_839, %swap3A_840] {strides = array<i32>} : memref<128x128xf32, #tpu.memory_space<vmem>>, vector<1x16xf32>,
        %swap3A_842 = vector.shape_cast %swap3A_841 : vector<1x16xf32> to vector<16xf32>
        %swap3A_843 = vector.shape_cast %get3A_309 : vector<16xf32> to vector<1x16xf32>
        tpu.vector_store %arg8[%swap3A_839, %swap3A_840], %swap3A_843 {add = true, strides = array<i32>} : memref<128x128xf32, #tpu.memory_space<vmem>>, vector<1x16xf32>,
        %scan3A_844 = arith.constant 0 : i32
        %scan3A_845 = arith.constant 7 : i32
        %scan3A_846 = arith.addi %scan3A_790, %scan3A_845 : i32
        %swap3A_847 = arith.index_cast %scan3A_846 : i32 to index
        %swap3A_848 = arith.constant 16 : index
        %swap3A_849 = tpu.vector_load %arg8[%swap3A_847, %swap3A_848] {strides = array<i32>} : memref<128x128xf32, #tpu.memory_space<vmem>>, vector<1x16xf32>,
        %swap3A_850 = vector.shape_cast %swap3A_849 : vector<1x16xf32> to vector<16xf32>
        %swap3A_851 = vector.shape_cast %get3A_309 : vector<16xf32> to vector<1x16xf32>
        tpu.vector_store %arg8[%swap3A_847, %swap3A_848], %swap3A_851 {add = true, strides = array<i32>} : memref<128x128xf32, #tpu.memory_space<vmem>>, vector<1x16xf32>,
        %scan3A_852 = arith.constant 0 : i32
        scf.yield %scan3A_852 : i32
      }
      %scan3A_316 = arith.constant 128 : i32
      %get3A_317 = arith.index_cast %add3A_294 : i32 to index
      %get3A_318 = arith.constant 32 : index
      %get3A_319 = tpu.vector_load %arg7[%get3A_317, %get3A_318] {strides = array<i32>} : memref<50x128xf32, #tpu.memory_space<vmem>>, vector<1x16xf32>,
      %get3A_320 = vector.shape_cast %get3A_319 : vector<1x16xf32> to vector<16xf32>
      %scan3A_321 = arith.constant 0 : i32
      %scan3A_322 = arith.constant 0 : i32
      %scan3A_323 = arith.constant 128 : i32
      %scan3A_324 = arith.addi %scan3A_322, %scan3A_323 : i32
      %scan3A_325 = arith.constant 8 : i32
      %scan3A_326 = scf.for %scan3A_790 = %scan3A_322 to %scan3A_324 step %scan3A_325 iter_args(%scan3A_791 = %scan3A_321) -> (i32)  : i32 {
        %swap3A = arith.index_cast %scan3A_790 : i32 to index
        %swap3A_792 = arith.constant 32 : index
        %swap3A_793 = tpu.vector_load %arg8[%swap3A, %swap3A_792] {strides = array<i32>} : memref<128x128xf32, #tpu.memory_space<vmem>>, vector<1x16xf32>,
        %swap3A_794 = vector.shape_cast %swap3A_793 : vector<1x16xf32> to vector<16xf32>
        %swap3A_795 = vector.shape_cast %get3A_320 : vector<16xf32> to vector<1x16xf32>
        tpu.vector_store %arg8[%swap3A, %swap3A_792], %swap3A_795 {add = true, strides = array<i32>} : memref<128x128xf32, #tpu.memory_space<vmem>>, vector<1x16xf32>,
        %scan3A_796 = arith.constant 0 : i32
        %scan3A_797 = arith.constant 1 : i32
        %scan3A_798 = arith.addi %scan3A_790, %scan3A_797 : i32
        %swap3A_799 = arith.index_cast %scan3A_798 : i32 to index
        %swap3A_800 = arith.constant 32 : index
        %swap3A_801 = tpu.vector_load %arg8[%swap3A_799, %swap3A_800] {strides = array<i32>} : memref<128x128xf32, #tpu.memory_space<vmem>>, vector<1x16xf32>,
        %swap3A_802 = vector.shape_cast %swap3A_801 : vector<1x16xf32> to vector<16xf32>
        %swap3A_803 = vector.shape_cast %get3A_320 : vector<16xf32> to vector<1x16xf32>
        tpu.vector_store %arg8[%swap3A_799, %swap3A_800], %swap3A_803 {add = true, strides = array<i32>} : memref<128x128xf32, #tpu.memory_space<vmem>>, vector<1x16xf32>,
        %scan3A_804 = arith.constant 0 : i32
        %scan3A_805 = arith.constant 2 : i32
        %scan3A_806 = arith.addi %scan3A_790, %scan3A_805 : i32
        %swap3A_807 = arith.index_cast %scan3A_806 : i32 to index
        %swap3A_808 = arith.constant 32 : index
        %swap3A_809 = tpu.vector_load %arg8[%swap3A_807, %swap3A_808] {strides = array<i32>} : memref<128x128xf32, #tpu.memory_space<vmem>>, vector<1x16xf32>,
        %swap3A_810 = vector.shape_cast %swap3A_809 : vector<1x16xf32> to vector<16xf32>
        %swap3A_811 = vector.shape_cast %get3A_320 : vector<16xf32> to vector<1x16xf32>
        tpu.vector_store %arg8[%swap3A_807, %swap3A_808], %swap3A_811 {add = true, strides = array<i32>} : memref<128x128xf32, #tpu.memory_space<vmem>>, vector<1x16xf32>,
        %scan3A_812 = arith.constant 0 : i32
        %scan3A_813 = arith.constant 3 : i32
        %scan3A_814 = arith.addi %scan3A_790, %scan3A_813 : i32
        %swap3A_815 = arith.index_cast %scan3A_814 : i32 to index
        %swap3A_816 = arith.constant 32 : index
        %swap3A_817 = tpu.vector_load %arg8[%swap3A_815, %swap3A_816] {strides = array<i32>} : memref<128x128xf32, #tpu.memory_space<vmem>>, vector<1x16xf32>,
        %swap3A_818 = vector.shape_cast %swap3A_817 : vector<1x16xf32> to vector<16xf32>
        %swap3A_819 = vector.shape_cast %get3A_320 : vector<16xf32> to vector<1x16xf32>
        tpu.vector_store %arg8[%swap3A_815, %swap3A_816], %swap3A_819 {add = true, strides = array<i32>} : memref<128x128xf32, #tpu.memory_space<vmem>>, vector<1x16xf32>,
        %scan3A_820 = arith.constant 0 : i32
        %scan3A_821 = arith.constant 4 : i32
        %scan3A_822 = arith.addi %scan3A_790, %scan3A_821 : i32
        %swap3A_823 = arith.index_cast %scan3A_822 : i32 to index
        %swap3A_824 = arith.constant 32 : index
        %swap3A_825 = tpu.vector_load %arg8[%swap3A_823, %swap3A_824] {strides = array<i32>} : memref<128x128xf32, #tpu.memory_space<vmem>>, vector<1x16xf32>,
        %swap3A_826 = vector.shape_cast %swap3A_825 : vector<1x16xf32> to vector<16xf32>
        %swap3A_827 = vector.shape_cast %get3A_320 : vector<16xf32> to vector<1x16xf32>
        tpu.vector_store %arg8[%swap3A_823, %swap3A_824], %swap3A_827 {add = true, strides = array<i32>} : memref<128x128xf32, #tpu.memory_space<vmem>>, vector<1x16xf32>,
        %scan3A_828 = arith.constant 0 : i32
        %scan3A_829 = arith.constant 5 : i32
        %scan3A_830 = arith.addi %scan3A_790, %scan3A_829 : i32
        %swap3A_831 = arith.index_cast %scan3A_830 : i32 to index
        %swap3A_832 = arith.constant 32 : index
        %swap3A_833 = tpu.vector_load %arg8[%swap3A_831, %swap3A_832] {strides = array<i32>} : memref<128x128xf32, #tpu.memory_space<vmem>>, vector<1x16xf32>,
        %swap3A_834 = vector.shape_cast %swap3A_833 : vector<1x16xf32> to vector<16xf32>
        %swap3A_835 = vector.shape_cast %get3A_320 : vector<16xf32> to vector<1x16xf32>
        tpu.vector_store %arg8[%swap3A_831, %swap3A_832], %swap3A_835 {add = true, strides = array<i32>} : memref<128x128xf32, #tpu.memory_space<vmem>>, vector<1x16xf32>,
        %scan3A_836 = arith.constant 0 : i32
        %scan3A_837 = arith.constant 6 : i32
        %scan3A_838 = arith.addi %scan3A_790, %scan3A_837 : i32
        %swap3A_839 = arith.index_cast %scan3A_838 : i32 to index
        %swap3A_840 = arith.constant 32 : index
        %swap3A_841 = tpu.vector_load %arg8[%swap3A_839, %swap3A_840] {strides = array<i32>} : memref<128x128xf32, #tpu.memory_space<vmem>>, vector<1x16xf32>,
        %swap3A_842 = vector.shape_cast %swap3A_841 : vector<1x16xf32> to vector<16xf32>
        %swap3A_843 = vector.shape_cast %get3A_320 : vector<16xf32> to vector<1x16xf32>
        tpu.vector_store %arg8[%swap3A_839, %swap3A_840], %swap3A_843 {add = true, strides = array<i32>} : memref<128x128xf32, #tpu.memory_space<vmem>>, vector<1x16xf32>,
        %scan3A_844 = arith.constant 0 : i32
        %scan3A_845 = arith.constant 7 : i32
        %scan3A_846 = arith.addi %scan3A_790, %scan3A_845 : i32
        %swap3A_847 = arith.index_cast %scan3A_846 : i32 to index
        %swap3A_848 = arith.constant 32 : index
        %swap3A_849 = tpu.vector_load %arg8[%swap3A_847, %swap3A_848] {strides = array<i32>} : memref<128x128xf32, #tpu.memory_space<vmem>>, vector<1x16xf32>,
        %swap3A_850 = vector.shape_cast %swap3A_849 : vector<1x16xf32> to vector<16xf32>
        %swap3A_851 = vector.shape_cast %get3A_320 : vector<16xf32> to vector<1x16xf32>
        tpu.vector_store %arg8[%swap3A_847, %swap3A_848], %swap3A_851 {add = true, strides = array<i32>} : memref<128x128xf32, #tpu.memory_space<vmem>>, vector<1x16xf32>,
        %scan3A_852 = arith.constant 0 : i32
        scf.yield %scan3A_852 : i32
      }
      %scan3A_327 = arith.constant 128 : i32
      %get3A_328 = arith.index_cast %add3A_294 : i32 to index
      %get3A_329 = arith.constant 48 : index
      %get3A_330 = tpu.vector_load %arg7[%get3A_328, %get3A_329] {strides = array<i32>} : memref<50x128xf32, #tpu.memory_space<vmem>>, vector<1x16xf32>,
      %get3A_331 = vector.shape_cast %get3A_330 : vector<1x16xf32> to vector<16xf32>
      %scan3A_332 = arith.constant 0 : i32
      %scan3A_333 = arith.constant 0 : i32
      %scan3A_334 = arith.constant 128 : i32
      %scan3A_335 = arith.addi %scan3A_333, %scan3A_334 : i32
      %scan3A_336 = arith.constant 8 : i32
      %scan3A_337 = scf.for %scan3A_790 = %scan3A_333 to %scan3A_335 step %scan3A_336 iter_args(%scan3A_791 = %scan3A_332) -> (i32)  : i32 {
        %swap3A = arith.index_cast %scan3A_790 : i32 to index
        %swap3A_792 = arith.constant 48 : index
        %swap3A_793 = tpu.vector_load %arg8[%swap3A, %swap3A_792] {strides = array<i32>} : memref<128x128xf32, #tpu.memory_space<vmem>>, vector<1x16xf32>,
        %swap3A_794 = vector.shape_cast %swap3A_793 : vector<1x16xf32> to vector<16xf32>
        %swap3A_795 = vector.shape_cast %get3A_331 : vector<16xf32> to vector<1x16xf32>
        tpu.vector_store %arg8[%swap3A, %swap3A_792], %swap3A_795 {add = true, strides = array<i32>} : memref<128x128xf32, #tpu.memory_space<vmem>>, vector<1x16xf32>,
        %scan3A_796 = arith.constant 0 : i32
        %scan3A_797 = arith.constant 1 : i32
        %scan3A_798 = arith.addi %scan3A_790, %scan3A_797 : i32
        %swap3A_799 = arith.index_cast %scan3A_798 : i32 to index
        %swap3A_800 = arith.constant 48 : index
        %swap3A_801 = tpu.vector_load %arg8[%swap3A_799, %swap3A_800] {strides = array<i32>} : memref<128x128xf32, #tpu.memory_space<vmem>>, vector<1x16xf32>,
        %swap3A_802 = vector.shape_cast %swap3A_801 : vector<1x16xf32> to vector<16xf32>
        %swap3A_803 = vector.shape_cast %get3A_331 : vector<16xf32> to vector<1x16xf32>
        tpu.vector_store %arg8[%swap3A_799, %swap3A_800], %swap3A_803 {add = true, strides = array<i32>} : memref<128x128xf32, #tpu.memory_space<vmem>>, vector<1x16xf32>,
        %scan3A_804 = arith.constant 0 : i32
        %scan3A_805 = arith.constant 2 : i32
        %scan3A_806 = arith.addi %scan3A_790, %scan3A_805 : i32
        %swap3A_807 = arith.index_cast %scan3A_806 : i32 to index
        %swap3A_808 = arith.constant 48 : index
        %swap3A_809 = tpu.vector_load %arg8[%swap3A_807, %swap3A_808] {strides = array<i32>} : memref<128x128xf32, #tpu.memory_space<vmem>>, vector<1x16xf32>,
        %swap3A_810 = vector.shape_cast %swap3A_809 : vector<1x16xf32> to vector<16xf32>
        %swap3A_811 = vector.shape_cast %get3A_331 : vector<16xf32> to vector<1x16xf32>
        tpu.vector_store %arg8[%swap3A_807, %swap3A_808], %swap3A_811 {add = true, strides = array<i32>} : memref<128x128xf32, #tpu.memory_space<vmem>>, vector<1x16xf32>,
        %scan3A_812 = arith.constant 0 : i32
        %scan3A_813 = arith.constant 3 : i32
        %scan3A_814 = arith.addi %scan3A_790, %scan3A_813 : i32
        %swap3A_815 = arith.index_cast %scan3A_814 : i32 to index
        %swap3A_816 = arith.constant 48 : index
        %swap3A_817 = tpu.vector_load %arg8[%swap3A_815, %swap3A_816] {strides = array<i32>} : memref<128x128xf32, #tpu.memory_space<vmem>>, vector<1x16xf32>,
        %swap3A_818 = vector.shape_cast %swap3A_817 : vector<1x16xf32> to vector<16xf32>
        %swap3A_819 = vector.shape_cast %get3A_331 : vector<16xf32> to vector<1x16xf32>
        tpu.vector_store %arg8[%swap3A_815, %swap3A_816], %swap3A_819 {add = true, strides = array<i32>} : memref<128x128xf32, #tpu.memory_space<vmem>>, vector<1x16xf32>,
        %scan3A_820 = arith.constant 0 : i32
        %scan3A_821 = arith.constant 4 : i32
        %scan3A_822 = arith.addi %scan3A_790, %scan3A_821 : i32
        %swap3A_823 = arith.index_cast %scan3A_822 : i32 to index
        %swap3A_824 = arith.constant 48 : index
        %swap3A_825 = tpu.vector_load %arg8[%swap3A_823, %swap3A_824] {strides = array<i32>} : memref<128x128xf32, #tpu.memory_space<vmem>>, vector<1x16xf32>,
        %swap3A_826 = vector.shape_cast %swap3A_825 : vector<1x16xf32> to vector<16xf32>
        %swap3A_827 = vector.shape_cast %get3A_331 : vector<16xf32> to vector<1x16xf32>
        tpu.vector_store %arg8[%swap3A_823, %swap3A_824], %swap3A_827 {add = true, strides = array<i32>} : memref<128x128xf32, #tpu.memory_space<vmem>>, vector<1x16xf32>,
        %scan3A_828 = arith.constant 0 : i32
        %scan3A_829 = arith.constant 5 : i32
        %scan3A_830 = arith.addi %scan3A_790, %scan3A_829 : i32
        %swap3A_831 = arith.index_cast %scan3A_830 : i32 to index
        %swap3A_832 = arith.constant 48 : index
        %swap3A_833 = tpu.vector_load %arg8[%swap3A_831, %swap3A_832] {strides = array<i32>} : memref<128x128xf32, #tpu.memory_space<vmem>>, vector<1x16xf32>,
        %swap3A_834 = vector.shape_cast %swap3A_833 : vector<1x16xf32> to vector<16xf32>
        %swap3A_835 = vector.shape_cast %get3A_331 : vector<16xf32> to vector<1x16xf32>
        tpu.vector_store %arg8[%swap3A_831, %swap3A_832], %swap3A_835 {add = true, strides = array<i32>} : memref<128x128xf32, #tpu.memory_space<vmem>>, vector<1x16xf32>,
        %scan3A_836 = arith.constant 0 : i32
        %scan3A_837 = arith.constant 6 : i32
        %scan3A_838 = arith.addi %scan3A_790, %scan3A_837 : i32
        %swap3A_839 = arith.index_cast %scan3A_838 : i32 to index
        %swap3A_840 = arith.constant 48 : index
        %swap3A_841 = tpu.vector_load %arg8[%swap3A_839, %swap3A_840] {strides = array<i32>} : memref<128x128xf32, #tpu.memory_space<vmem>>, vector<1x16xf32>,
        %swap3A_842 = vector.shape_cast %swap3A_841 : vector<1x16xf32> to vector<16xf32>
        %swap3A_843 = vector.shape_cast %get3A_331 : vector<16xf32> to vector<1x16xf32>
        tpu.vector_store %arg8[%swap3A_839, %swap3A_840], %swap3A_843 {add = true, strides = array<i32>} : memref<128x128xf32, #tpu.memory_space<vmem>>, vector<1x16xf32>,
        %scan3A_844 = arith.constant 0 : i32
        %scan3A_845 = arith.constant 7 : i32
        %scan3A_846 = arith.addi %scan3A_790, %scan3A_845 : i32
        %swap3A_847 = arith.index_cast %scan3A_846 : i32 to index
        %swap3A_848 = arith.constant 48 : index
        %swap3A_849 = tpu.vector_load %arg8[%swap3A_847, %swap3A_848] {strides = array<i32>} : memref<128x128xf32, #tpu.memory_space<vmem>>, vector<1x16xf32>,
        %swap3A_850 = vector.shape_cast %swap3A_849 : vector<1x16xf32> to vector<16xf32>
        %swap3A_851 = vector.shape_cast %get3A_331 : vector<16xf32> to vector<1x16xf32>
        tpu.vector_store %arg8[%swap3A_847, %swap3A_848], %swap3A_851 {add = true, strides = array<i32>} : memref<128x128xf32, #tpu.memory_space<vmem>>, vector<1x16xf32>,
        %scan3A_852 = arith.constant 0 : i32
        scf.yield %scan3A_852 : i32
      }
      %scan3A_338 = arith.constant 128 : i32
      %get3A_339 = arith.index_cast %add3A_294 : i32 to index
      %get3A_340 = arith.constant 64 : index
      %get3A_341 = tpu.vector_load %arg7[%get3A_339, %get3A_340] {strides = array<i32>} : memref<50x128xf32, #tpu.memory_space<vmem>>, vector<1x16xf32>,
      %get3A_342 = vector.shape_cast %get3A_341 : vector<1x16xf32> to vector<16xf32>
      %scan3A_343 = arith.constant 0 : i32
      %scan3A_344 = arith.constant 0 : i32
      %scan3A_345 = arith.constant 128 : i32
      %scan3A_346 = arith.addi %scan3A_344, %scan3A_345 : i32
      %scan3A_347 = arith.constant 8 : i32
      %scan3A_348 = scf.for %scan3A_790 = %scan3A_344 to %scan3A_346 step %scan3A_347 iter_args(%scan3A_791 = %scan3A_343) -> (i32)  : i32 {
        %swap3A = arith.index_cast %scan3A_790 : i32 to index
        %swap3A_792 = arith.constant 64 : index
        %swap3A_793 = tpu.vector_load %arg8[%swap3A, %swap3A_792] {strides = array<i32>} : memref<128x128xf32, #tpu.memory_space<vmem>>, vector<1x16xf32>,
        %swap3A_794 = vector.shape_cast %swap3A_793 : vector<1x16xf32> to vector<16xf32>
        %swap3A_795 = vector.shape_cast %get3A_342 : vector<16xf32> to vector<1x16xf32>
        tpu.vector_store %arg8[%swap3A, %swap3A_792], %swap3A_795 {add = true, strides = array<i32>} : memref<128x128xf32, #tpu.memory_space<vmem>>, vector<1x16xf32>,
        %scan3A_796 = arith.constant 0 : i32
        %scan3A_797 = arith.constant 1 : i32
        %scan3A_798 = arith.addi %scan3A_790, %scan3A_797 : i32
        %swap3A_799 = arith.index_cast %scan3A_798 : i32 to index
        %swap3A_800 = arith.constant 64 : index
        %swap3A_801 = tpu.vector_load %arg8[%swap3A_799, %swap3A_800] {strides = array<i32>} : memref<128x128xf32, #tpu.memory_space<vmem>>, vector<1x16xf32>,
        %swap3A_802 = vector.shape_cast %swap3A_801 : vector<1x16xf32> to vector<16xf32>
        %swap3A_803 = vector.shape_cast %get3A_342 : vector<16xf32> to vector<1x16xf32>
        tpu.vector_store %arg8[%swap3A_799, %swap3A_800], %swap3A_803 {add = true, strides = array<i32>} : memref<128x128xf32, #tpu.memory_space<vmem>>, vector<1x16xf32>,
        %scan3A_804 = arith.constant 0 : i32
        %scan3A_805 = arith.constant 2 : i32
        %scan3A_806 = arith.addi %scan3A_790, %scan3A_805 : i32
        %swap3A_807 = arith.index_cast %scan3A_806 : i32 to index
        %swap3A_808 = arith.constant 64 : index
        %swap3A_809 = tpu.vector_load %arg8[%swap3A_807, %swap3A_808] {strides = array<i32>} : memref<128x128xf32, #tpu.memory_space<vmem>>, vector<1x16xf32>,
        %swap3A_810 = vector.shape_cast %swap3A_809 : vector<1x16xf32> to vector<16xf32>
        %swap3A_811 = vector.shape_cast %get3A_342 : vector<16xf32> to vector<1x16xf32>
        tpu.vector_store %arg8[%swap3A_807, %swap3A_808], %swap3A_811 {add = true, strides = array<i32>} : memref<128x128xf32, #tpu.memory_space<vmem>>, vector<1x16xf32>,
        %scan3A_812 = arith.constant 0 : i32
        %scan3A_813 = arith.constant 3 : i32
        %scan3A_814 = arith.addi %scan3A_790, %scan3A_813 : i32
        %swap3A_815 = arith.index_cast %scan3A_814 : i32 to index
        %swap3A_816 = arith.constant 64 : index
        %swap3A_817 = tpu.vector_load %arg8[%swap3A_815, %swap3A_816] {strides = array<i32>} : memref<128x128xf32, #tpu.memory_space<vmem>>, vector<1x16xf32>,
        %swap3A_818 = vector.shape_cast %swap3A_817 : vector<1x16xf32> to vector<16xf32>
        %swap3A_819 = vector.shape_cast %get3A_342 : vector<16xf32> to vector<1x16xf32>
        tpu.vector_store %arg8[%swap3A_815, %swap3A_816], %swap3A_819 {add = true, strides = array<i32>} : memref<128x128xf32, #tpu.memory_space<vmem>>, vector<1x16xf32>,
        %scan3A_820 = arith.constant 0 : i32
        %scan3A_821 = arith.constant 4 : i32
        %scan3A_822 = arith.addi %scan3A_790, %scan3A_821 : i32
        %swap3A_823 = arith.index_cast %scan3A_822 : i32 to index
        %swap3A_824 = arith.constant 64 : index
        %swap3A_825 = tpu.vector_load %arg8[%swap3A_823, %swap3A_824] {strides = array<i32>} : memref<128x128xf32, #tpu.memory_space<vmem>>, vector<1x16xf32>,
        %swap3A_826 = vector.shape_cast %swap3A_825 : vector<1x16xf32> to vector<16xf32>
        %swap3A_827 = vector.shape_cast %get3A_342 : vector<16xf32> to vector<1x16xf32>
        tpu.vector_store %arg8[%swap3A_823, %swap3A_824], %swap3A_827 {add = true, strides = array<i32>} : memref<128x128xf32, #tpu.memory_space<vmem>>, vector<1x16xf32>,
        %scan3A_828 = arith.constant 0 : i32
        %scan3A_829 = arith.constant 5 : i32
        %scan3A_830 = arith.addi %scan3A_790, %scan3A_829 : i32
        %swap3A_831 = arith.index_cast %scan3A_830 : i32 to index
        %swap3A_832 = arith.constant 64 : index
        %swap3A_833 = tpu.vector_load %arg8[%swap3A_831, %swap3A_832] {strides = array<i32>} : memref<128x128xf32, #tpu.memory_space<vmem>>, vector<1x16xf32>,
        %swap3A_834 = vector.shape_cast %swap3A_833 : vector<1x16xf32> to vector<16xf32>
        %swap3A_835 = vector.shape_cast %get3A_342 : vector<16xf32> to vector<1x16xf32>
        tpu.vector_store %arg8[%swap3A_831, %swap3A_832], %swap3A_835 {add = true, strides = array<i32>} : memref<128x128xf32, #tpu.memory_space<vmem>>, vector<1x16xf32>,
        %scan3A_836 = arith.constant 0 : i32
        %scan3A_837 = arith.constant 6 : i32
        %scan3A_838 = arith.addi %scan3A_790, %scan3A_837 : i32
        %swap3A_839 = arith.index_cast %scan3A_838 : i32 to index
        %swap3A_840 = arith.constant 64 : index
        %swap3A_841 = tpu.vector_load %arg8[%swap3A_839, %swap3A_840] {strides = array<i32>} : memref<128x128xf32, #tpu.memory_space<vmem>>, vector<1x16xf32>,
        %swap3A_842 = vector.shape_cast %swap3A_841 : vector<1x16xf32> to vector<16xf32>
        %swap3A_843 = vector.shape_cast %get3A_342 : vector<16xf32> to vector<1x16xf32>
        tpu.vector_store %arg8[%swap3A_839, %swap3A_840], %swap3A_843 {add = true, strides = array<i32>} : memref<128x128xf32, #tpu.memory_space<vmem>>, vector<1x16xf32>,
        %scan3A_844 = arith.constant 0 : i32
        %scan3A_845 = arith.constant 7 : i32
        %scan3A_846 = arith.addi %scan3A_790, %scan3A_845 : i32
        %swap3A_847 = arith.index_cast %scan3A_846 : i32 to index
        %swap3A_848 = arith.constant 64 : index
        %swap3A_849 = tpu.vector_load %arg8[%swap3A_847, %swap3A_848] {strides = array<i32>} : memref<128x128xf32, #tpu.memory_space<vmem>>, vector<1x16xf32>,
        %swap3A_850 = vector.shape_cast %swap3A_849 : vector<1x16xf32> to vector<16xf32>
        %swap3A_851 = vector.shape_cast %get3A_342 : vector<16xf32> to vector<1x16xf32>
        tpu.vector_store %arg8[%swap3A_847, %swap3A_848], %swap3A_851 {add = true, strides = array<i32>} : memref<128x128xf32, #tpu.memory_space<vmem>>, vector<1x16xf32>,
        %scan3A_852 = arith.constant 0 : i32
        scf.yield %scan3A_852 : i32
      }
      %scan3A_349 = arith.constant 128 : i32
      %get3A_350 = arith.index_cast %add3A_294 : i32 to index
      %get3A_351 = arith.constant 80 : index
      %get3A_352 = tpu.vector_load %arg7[%get3A_350, %get3A_351] {strides = array<i32>} : memref<50x128xf32, #tpu.memory_space<vmem>>, vector<1x16xf32>,
      %get3A_353 = vector.shape_cast %get3A_352 : vector<1x16xf32> to vector<16xf32>
      %scan3A_354 = arith.constant 0 : i32
      %scan3A_355 = arith.constant 0 : i32
      %scan3A_356 = arith.constant 128 : i32
      %scan3A_357 = arith.addi %scan3A_355, %scan3A_356 : i32
      %scan3A_358 = arith.constant 8 : i32
      %scan3A_359 = scf.for %scan3A_790 = %scan3A_355 to %scan3A_357 step %scan3A_358 iter_args(%scan3A_791 = %scan3A_354) -> (i32)  : i32 {
        %swap3A = arith.index_cast %scan3A_790 : i32 to index
        %swap3A_792 = arith.constant 80 : index
        %swap3A_793 = tpu.vector_load %arg8[%swap3A, %swap3A_792] {strides = array<i32>} : memref<128x128xf32, #tpu.memory_space<vmem>>, vector<1x16xf32>,
        %swap3A_794 = vector.shape_cast %swap3A_793 : vector<1x16xf32> to vector<16xf32>
        %swap3A_795 = vector.shape_cast %get3A_353 : vector<16xf32> to vector<1x16xf32>
        tpu.vector_store %arg8[%swap3A, %swap3A_792], %swap3A_795 {add = true, strides = array<i32>} : memref<128x128xf32, #tpu.memory_space<vmem>>, vector<1x16xf32>,
        %scan3A_796 = arith.constant 0 : i32
        %scan3A_797 = arith.constant 1 : i32
        %scan3A_798 = arith.addi %scan3A_790, %scan3A_797 : i32
        %swap3A_799 = arith.index_cast %scan3A_798 : i32 to index
        %swap3A_800 = arith.constant 80 : index
        %swap3A_801 = tpu.vector_load %arg8[%swap3A_799, %swap3A_800] {strides = array<i32>} : memref<128x128xf32, #tpu.memory_space<vmem>>, vector<1x16xf32>,
        %swap3A_802 = vector.shape_cast %swap3A_801 : vector<1x16xf32> to vector<16xf32>
        %swap3A_803 = vector.shape_cast %get3A_353 : vector<16xf32> to vector<1x16xf32>
        tpu.vector_store %arg8[%swap3A_799, %swap3A_800], %swap3A_803 {add = true, strides = array<i32>} : memref<128x128xf32, #tpu.memory_space<vmem>>, vector<1x16xf32>,
        %scan3A_804 = arith.constant 0 : i32
        %scan3A_805 = arith.constant 2 : i32
        %scan3A_806 = arith.addi %scan3A_790, %scan3A_805 : i32
        %swap3A_807 = arith.index_cast %scan3A_806 : i32 to index
        %swap3A_808 = arith.constant 80 : index
        %swap3A_809 = tpu.vector_load %arg8[%swap3A_807, %swap3A_808] {strides = array<i32>} : memref<128x128xf32, #tpu.memory_space<vmem>>, vector<1x16xf32>,
        %swap3A_810 = vector.shape_cast %swap3A_809 : vector<1x16xf32> to vector<16xf32>
        %swap3A_811 = vector.shape_cast %get3A_353 : vector<16xf32> to vector<1x16xf32>
        tpu.vector_store %arg8[%swap3A_807, %swap3A_808], %swap3A_811 {add = true, strides = array<i32>} : memref<128x128xf32, #tpu.memory_space<vmem>>, vector<1x16xf32>,
        %scan3A_812 = arith.constant 0 : i32
        %scan3A_813 = arith.constant 3 : i32
        %scan3A_814 = arith.addi %scan3A_790, %scan3A_813 : i32
        %swap3A_815 = arith.index_cast %scan3A_814 : i32 to index
        %swap3A_816 = arith.constant 80 : index
        %swap3A_817 = tpu.vector_load %arg8[%swap3A_815, %swap3A_816] {strides = array<i32>} : memref<128x128xf32, #tpu.memory_space<vmem>>, vector<1x16xf32>,
        %swap3A_818 = vector.shape_cast %swap3A_817 : vector<1x16xf32> to vector<16xf32>
        %swap3A_819 = vector.shape_cast %get3A_353 : vector<16xf32> to vector<1x16xf32>
        tpu.vector_store %arg8[%swap3A_815, %swap3A_816], %swap3A_819 {add = true, strides = array<i32>} : memref<128x128xf32, #tpu.memory_space<vmem>>, vector<1x16xf32>,
        %scan3A_820 = arith.constant 0 : i32
        %scan3A_821 = arith.constant 4 : i32
        %scan3A_822 = arith.addi %scan3A_790, %scan3A_821 : i32
        %swap3A_823 = arith.index_cast %scan3A_822 : i32 to index
        %swap3A_824 = arith.constant 80 : index
        %swap3A_825 = tpu.vector_load %arg8[%swap3A_823, %swap3A_824] {strides = array<i32>} : memref<128x128xf32, #tpu.memory_space<vmem>>, vector<1x16xf32>,
        %swap3A_826 = vector.shape_cast %swap3A_825 : vector<1x16xf32> to vector<16xf32>
        %swap3A_827 = vector.shape_cast %get3A_353 : vector<16xf32> to vector<1x16xf32>
        tpu.vector_store %arg8[%swap3A_823, %swap3A_824], %swap3A_827 {add = true, strides = array<i32>} : memref<128x128xf32, #tpu.memory_space<vmem>>, vector<1x16xf32>,
        %scan3A_828 = arith.constant 0 : i32
        %scan3A_829 = arith.constant 5 : i32
        %scan3A_830 = arith.addi %scan3A_790, %scan3A_829 : i32
        %swap3A_831 = arith.index_cast %scan3A_830 : i32 to index
        %swap3A_832 = arith.constant 80 : index
        %swap3A_833 = tpu.vector_load %arg8[%swap3A_831, %swap3A_832] {strides = array<i32>} : memref<128x128xf32, #tpu.memory_space<vmem>>, vector<1x16xf32>,
        %swap3A_834 = vector.shape_cast %swap3A_833 : vector<1x16xf32> to vector<16xf32>
        %swap3A_835 = vector.shape_cast %get3A_353 : vector<16xf32> to vector<1x16xf32>
        tpu.vector_store %arg8[%swap3A_831, %swap3A_832], %swap3A_835 {add = true, strides = array<i32>} : memref<128x128xf32, #tpu.memory_space<vmem>>, vector<1x16xf32>,
        %scan3A_836 = arith.constant 0 : i32
        %scan3A_837 = arith.constant 6 : i32
        %scan3A_838 = arith.addi %scan3A_790, %scan3A_837 : i32
        %swap3A_839 = arith.index_cast %scan3A_838 : i32 to index
        %swap3A_840 = arith.constant 80 : index
        %swap3A_841 = tpu.vector_load %arg8[%swap3A_839, %swap3A_840] {strides = array<i32>} : memref<128x128xf32, #tpu.memory_space<vmem>>, vector<1x16xf32>,
        %swap3A_842 = vector.shape_cast %swap3A_841 : vector<1x16xf32> to vector<16xf32>
        %swap3A_843 = vector.shape_cast %get3A_353 : vector<16xf32> to vector<1x16xf32>
        tpu.vector_store %arg8[%swap3A_839, %swap3A_840], %swap3A_843 {add = true, strides = array<i32>} : memref<128x128xf32, #tpu.memory_space<vmem>>, vector<1x16xf32>,
        %scan3A_844 = arith.constant 0 : i32
        %scan3A_845 = arith.constant 7 : i32
        %scan3A_846 = arith.addi %scan3A_790, %scan3A_845 : i32
        %swap3A_847 = arith.index_cast %scan3A_846 : i32 to index
        %swap3A_848 = arith.constant 80 : index
        %swap3A_849 = tpu.vector_load %arg8[%swap3A_847, %swap3A_848] {strides = array<i32>} : memref<128x128xf32, #tpu.memory_space<vmem>>, vector<1x16xf32>,
        %swap3A_850 = vector.shape_cast %swap3A_849 : vector<1x16xf32> to vector<16xf32>
        %swap3A_851 = vector.shape_cast %get3A_353 : vector<16xf32> to vector<1x16xf32>
        tpu.vector_store %arg8[%swap3A_847, %swap3A_848], %swap3A_851 {add = true, strides = array<i32>} : memref<128x128xf32, #tpu.memory_space<vmem>>, vector<1x16xf32>,
        %scan3A_852 = arith.constant 0 : i32
        scf.yield %scan3A_852 : i32
      }
      %scan3A_360 = arith.constant 128 : i32
      %get3A_361 = arith.index_cast %add3A_294 : i32 to index
      %get3A_362 = arith.constant 96 : index
      %get3A_363 = tpu.vector_load %arg7[%get3A_361, %get3A_362] {strides = array<i32>} : memref<50x128xf32, #tpu.memory_space<vmem>>, vector<1x16xf32>,
      %get3A_364 = vector.shape_cast %get3A_363 : vector<1x16xf32> to vector<16xf32>
      %scan3A_365 = arith.constant 0 : i32
      %scan3A_366 = arith.constant 0 : i32
      %scan3A_367 = arith.constant 128 : i32
      %scan3A_368 = arith.addi %scan3A_366, %scan3A_367 : i32
      %scan3A_369 = arith.constant 8 : i32
      %scan3A_370 = scf.for %scan3A_790 = %scan3A_366 to %scan3A_368 step %scan3A_369 iter_args(%scan3A_791 = %scan3A_365) -> (i32)  : i32 {
        %swap3A = arith.index_cast %scan3A_790 : i32 to index
        %swap3A_792 = arith.constant 96 : index
        %swap3A_793 = tpu.vector_load %arg8[%swap3A, %swap3A_792] {strides = array<i32>} : memref<128x128xf32, #tpu.memory_space<vmem>>, vector<1x16xf32>,
        %swap3A_794 = vector.shape_cast %swap3A_793 : vector<1x16xf32> to vector<16xf32>
        %swap3A_795 = vector.shape_cast %get3A_364 : vector<16xf32> to vector<1x16xf32>
        tpu.vector_store %arg8[%swap3A, %swap3A_792], %swap3A_795 {add = true, strides = array<i32>} : memref<128x128xf32, #tpu.memory_space<vmem>>, vector<1x16xf32>,
        %scan3A_796 = arith.constant 0 : i32
        %scan3A_797 = arith.constant 1 : i32
        %scan3A_798 = arith.addi %scan3A_790, %scan3A_797 : i32
        %swap3A_799 = arith.index_cast %scan3A_798 : i32 to index
        %swap3A_800 = arith.constant 96 : index
        %swap3A_801 = tpu.vector_load %arg8[%swap3A_799, %swap3A_800] {strides = array<i32>} : memref<128x128xf32, #tpu.memory_space<vmem>>, vector<1x16xf32>,
        %swap3A_802 = vector.shape_cast %swap3A_801 : vector<1x16xf32> to vector<16xf32>
        %swap3A_803 = vector.shape_cast %get3A_364 : vector<16xf32> to vector<1x16xf32>
        tpu.vector_store %arg8[%swap3A_799, %swap3A_800], %swap3A_803 {add = true, strides = array<i32>} : memref<128x128xf32, #tpu.memory_space<vmem>>, vector<1x16xf32>,
        %scan3A_804 = arith.constant 0 : i32
        %scan3A_805 = arith.constant 2 : i32
        %scan3A_806 = arith.addi %scan3A_790, %scan3A_805 : i32
        %swap3A_807 = arith.index_cast %scan3A_806 : i32 to index
        %swap3A_808 = arith.constant 96 : index
        %swap3A_809 = tpu.vector_load %arg8[%swap3A_807, %swap3A_808] {strides = array<i32>} : memref<128x128xf32, #tpu.memory_space<vmem>>, vector<1x16xf32>,
        %swap3A_810 = vector.shape_cast %swap3A_809 : vector<1x16xf32> to vector<16xf32>
        %swap3A_811 = vector.shape_cast %get3A_364 : vector<16xf32> to vector<1x16xf32>
        tpu.vector_store %arg8[%swap3A_807, %swap3A_808], %swap3A_811 {add = true, strides = array<i32>} : memref<128x128xf32, #tpu.memory_space<vmem>>, vector<1x16xf32>,
        %scan3A_812 = arith.constant 0 : i32
        %scan3A_813 = arith.constant 3 : i32
        %scan3A_814 = arith.addi %scan3A_790, %scan3A_813 : i32
        %swap3A_815 = arith.index_cast %scan3A_814 : i32 to index
        %swap3A_816 = arith.constant 96 : index
        %swap3A_817 = tpu.vector_load %arg8[%swap3A_815, %swap3A_816] {strides = array<i32>} : memref<128x128xf32, #tpu.memory_space<vmem>>, vector<1x16xf32>,
        %swap3A_818 = vector.shape_cast %swap3A_817 : vector<1x16xf32> to vector<16xf32>
        %swap3A_819 = vector.shape_cast %get3A_364 : vector<16xf32> to vector<1x16xf32>
        tpu.vector_store %arg8[%swap3A_815, %swap3A_816], %swap3A_819 {add = true, strides = array<i32>} : memref<128x128xf32, #tpu.memory_space<vmem>>, vector<1x16xf32>,
        %scan3A_820 = arith.constant 0 : i32
        %scan3A_821 = arith.constant 4 : i32
        %scan3A_822 = arith.addi %scan3A_790, %scan3A_821 : i32
        %swap3A_823 = arith.index_cast %scan3A_822 : i32 to index
        %swap3A_824 = arith.constant 96 : index
        %swap3A_825 = tpu.vector_load %arg8[%swap3A_823, %swap3A_824] {strides = array<i32>} : memref<128x128xf32, #tpu.memory_space<vmem>>, vector<1x16xf32>,
        %swap3A_826 = vector.shape_cast %swap3A_825 : vector<1x16xf32> to vector<16xf32>
        %swap3A_827 = vector.shape_cast %get3A_364 : vector<16xf32> to vector<1x16xf32>
        tpu.vector_store %arg8[%swap3A_823, %swap3A_824], %swap3A_827 {add = true, strides = array<i32>} : memref<128x128xf32, #tpu.memory_space<vmem>>, vector<1x16xf32>,
        %scan3A_828 = arith.constant 0 : i32
        %scan3A_829 = arith.constant 5 : i32
        %scan3A_830 = arith.addi %scan3A_790, %scan3A_829 : i32
        %swap3A_831 = arith.index_cast %scan3A_830 : i32 to index
        %swap3A_832 = arith.constant 96 : index
        %swap3A_833 = tpu.vector_load %arg8[%swap3A_831, %swap3A_832] {strides = array<i32>} : memref<128x128xf32, #tpu.memory_space<vmem>>, vector<1x16xf32>,
        %swap3A_834 = vector.shape_cast %swap3A_833 : vector<1x16xf32> to vector<16xf32>
        %swap3A_835 = vector.shape_cast %get3A_364 : vector<16xf32> to vector<1x16xf32>
        tpu.vector_store %arg8[%swap3A_831, %swap3A_832], %swap3A_835 {add = true, strides = array<i32>} : memref<128x128xf32, #tpu.memory_space<vmem>>, vector<1x16xf32>,
        %scan3A_836 = arith.constant 0 : i32
        %scan3A_837 = arith.constant 6 : i32
        %scan3A_838 = arith.addi %scan3A_790, %scan3A_837 : i32
        %swap3A_839 = arith.index_cast %scan3A_838 : i32 to index
        %swap3A_840 = arith.constant 96 : index
        %swap3A_841 = tpu.vector_load %arg8[%swap3A_839, %swap3A_840] {strides = array<i32>} : memref<128x128xf32, #tpu.memory_space<vmem>>, vector<1x16xf32>,
        %swap3A_842 = vector.shape_cast %swap3A_841 : vector<1x16xf32> to vector<16xf32>
        %swap3A_843 = vector.shape_cast %get3A_364 : vector<16xf32> to vector<1x16xf32>
        tpu.vector_store %arg8[%swap3A_839, %swap3A_840], %swap3A_843 {add = true, strides = array<i32>} : memref<128x128xf32, #tpu.memory_space<vmem>>, vector<1x16xf32>,
        %scan3A_844 = arith.constant 0 : i32
        %scan3A_845 = arith.constant 7 : i32
        %scan3A_846 = arith.addi %scan3A_790, %scan3A_845 : i32
        %swap3A_847 = arith.index_cast %scan3A_846 : i32 to index
        %swap3A_848 = arith.constant 96 : index
        %swap3A_849 = tpu.vector_load %arg8[%swap3A_847, %swap3A_848] {strides = array<i32>} : memref<128x128xf32, #tpu.memory_space<vmem>>, vector<1x16xf32>,
        %swap3A_850 = vector.shape_cast %swap3A_849 : vector<1x16xf32> to vector<16xf32>
        %swap3A_851 = vector.shape_cast %get3A_364 : vector<16xf32> to vector<1x16xf32>
        tpu.vector_store %arg8[%swap3A_847, %swap3A_848], %swap3A_851 {add = true, strides = array<i32>} : memref<128x128xf32, #tpu.memory_space<vmem>>, vector<1x16xf32>,
        %scan3A_852 = arith.constant 0 : i32
        scf.yield %scan3A_852 : i32
      }
      %scan3A_371 = arith.constant 128 : i32
      %get3A_372 = arith.index_cast %add3A_294 : i32 to index
      %get3A_373 = arith.constant 112 : index
      %get3A_374 = tpu.vector_load %arg7[%get3A_372, %get3A_373] {strides = array<i32>} : memref<50x128xf32, #tpu.memory_space<vmem>>, vector<1x16xf32>,
      %get3A_375 = vector.shape_cast %get3A_374 : vector<1x16xf32> to vector<16xf32>
      %scan3A_376 = arith.constant 0 : i32
      %scan3A_377 = arith.constant 0 : i32
      %scan3A_378 = arith.constant 128 : i32
      %scan3A_379 = arith.addi %scan3A_377, %scan3A_378 : i32
      %scan3A_380 = arith.constant 8 : i32
      %scan3A_381 = scf.for %scan3A_790 = %scan3A_377 to %scan3A_379 step %scan3A_380 iter_args(%scan3A_791 = %scan3A_376) -> (i32)  : i32 {
        %swap3A = arith.index_cast %scan3A_790 : i32 to index
        %swap3A_792 = arith.constant 112 : index
        %swap3A_793 = tpu.vector_load %arg8[%swap3A, %swap3A_792] {strides = array<i32>} : memref<128x128xf32, #tpu.memory_space<vmem>>, vector<1x16xf32>,
        %swap3A_794 = vector.shape_cast %swap3A_793 : vector<1x16xf32> to vector<16xf32>
        %swap3A_795 = vector.shape_cast %get3A_375 : vector<16xf32> to vector<1x16xf32>
        tpu.vector_store %arg8[%swap3A, %swap3A_792], %swap3A_795 {add = true, strides = array<i32>} : memref<128x128xf32, #tpu.memory_space<vmem>>, vector<1x16xf32>,
        %scan3A_796 = arith.constant 0 : i32
        %scan3A_797 = arith.constant 1 : i32
        %scan3A_798 = arith.addi %scan3A_790, %scan3A_797 : i32
        %swap3A_799 = arith.index_cast %scan3A_798 : i32 to index
        %swap3A_800 = arith.constant 112 : index
        %swap3A_801 = tpu.vector_load %arg8[%swap3A_799, %swap3A_800] {strides = array<i32>} : memref<128x128xf32, #tpu.memory_space<vmem>>, vector<1x16xf32>,
        %swap3A_802 = vector.shape_cast %swap3A_801 : vector<1x16xf32> to vector<16xf32>
        %swap3A_803 = vector.shape_cast %get3A_375 : vector<16xf32> to vector<1x16xf32>
        tpu.vector_store %arg8[%swap3A_799, %swap3A_800], %swap3A_803 {add = true, strides = array<i32>} : memref<128x128xf32, #tpu.memory_space<vmem>>, vector<1x16xf32>,
        %scan3A_804 = arith.constant 0 : i32
        %scan3A_805 = arith.constant 2 : i32
        %scan3A_806 = arith.addi %scan3A_790, %scan3A_805 : i32
        %swap3A_807 = arith.index_cast %scan3A_806 : i32 to index
        %swap3A_808 = arith.constant 112 : index
        %swap3A_809 = tpu.vector_load %arg8[%swap3A_807, %swap3A_808] {strides = array<i32>} : memref<128x128xf32, #tpu.memory_space<vmem>>, vector<1x16xf32>,
        %swap3A_810 = vector.shape_cast %swap3A_809 : vector<1x16xf32> to vector<16xf32>
        %swap3A_811 = vector.shape_cast %get3A_375 : vector<16xf32> to vector<1x16xf32>
        tpu.vector_store %arg8[%swap3A_807, %swap3A_808], %swap3A_811 {add = true, strides = array<i32>} : memref<128x128xf32, #tpu.memory_space<vmem>>, vector<1x16xf32>,
        %scan3A_812 = arith.constant 0 : i32
        %scan3A_813 = arith.constant 3 : i32
        %scan3A_814 = arith.addi %scan3A_790, %scan3A_813 : i32
        %swap3A_815 = arith.index_cast %scan3A_814 : i32 to index
        %swap3A_816 = arith.constant 112 : index
        %swap3A_817 = tpu.vector_load %arg8[%swap3A_815, %swap3A_816] {strides = array<i32>} : memref<128x128xf32, #tpu.memory_space<vmem>>, vector<1x16xf32>,
        %swap3A_818 = vector.shape_cast %swap3A_817 : vector<1x16xf32> to vector<16xf32>
        %swap3A_819 = vector.shape_cast %get3A_375 : vector<16xf32> to vector<1x16xf32>
        tpu.vector_store %arg8[%swap3A_815, %swap3A_816], %swap3A_819 {add = true, strides = array<i32>} : memref<128x128xf32, #tpu.memory_space<vmem>>, vector<1x16xf32>,
        %scan3A_820 = arith.constant 0 : i32
        %scan3A_821 = arith.constant 4 : i32
        %scan3A_822 = arith.addi %scan3A_790, %scan3A_821 : i32
        %swap3A_823 = arith.index_cast %scan3A_822 : i32 to index
        %swap3A_824 = arith.constant 112 : index
        %swap3A_825 = tpu.vector_load %arg8[%swap3A_823, %swap3A_824] {strides = array<i32>} : memref<128x128xf32, #tpu.memory_space<vmem>>, vector<1x16xf32>,
        %swap3A_826 = vector.shape_cast %swap3A_825 : vector<1x16xf32> to vector<16xf32>
        %swap3A_827 = vector.shape_cast %get3A_375 : vector<16xf32> to vector<1x16xf32>
        tpu.vector_store %arg8[%swap3A_823, %swap3A_824], %swap3A_827 {add = true, strides = array<i32>} : memref<128x128xf32, #tpu.memory_space<vmem>>, vector<1x16xf32>,
        %scan3A_828 = arith.constant 0 : i32
        %scan3A_829 = arith.constant 5 : i32
        %scan3A_830 = arith.addi %scan3A_790, %scan3A_829 : i32
        %swap3A_831 = arith.index_cast %scan3A_830 : i32 to index
        %swap3A_832 = arith.constant 112 : index
        %swap3A_833 = tpu.vector_load %arg8[%swap3A_831, %swap3A_832] {strides = array<i32>} : memref<128x128xf32, #tpu.memory_space<vmem>>, vector<1x16xf32>,
        %swap3A_834 = vector.shape_cast %swap3A_833 : vector<1x16xf32> to vector<16xf32>
        %swap3A_835 = vector.shape_cast %get3A_375 : vector<16xf32> to vector<1x16xf32>
        tpu.vector_store %arg8[%swap3A_831, %swap3A_832], %swap3A_835 {add = true, strides = array<i32>} : memref<128x128xf32, #tpu.memory_space<vmem>>, vector<1x16xf32>,
        %scan3A_836 = arith.constant 0 : i32
        %scan3A_837 = arith.constant 6 : i32
        %scan3A_838 = arith.addi %scan3A_790, %scan3A_837 : i32
        %swap3A_839 = arith.index_cast %scan3A_838 : i32 to index
        %swap3A_840 = arith.constant 112 : index
        %swap3A_841 = tpu.vector_load %arg8[%swap3A_839, %swap3A_840] {strides = array<i32>} : memref<128x128xf32, #tpu.memory_space<vmem>>, vector<1x16xf32>,
        %swap3A_842 = vector.shape_cast %swap3A_841 : vector<1x16xf32> to vector<16xf32>
        %swap3A_843 = vector.shape_cast %get3A_375 : vector<16xf32> to vector<1x16xf32>
        tpu.vector_store %arg8[%swap3A_839, %swap3A_840], %swap3A_843 {add = true, strides = array<i32>} : memref<128x128xf32, #tpu.memory_space<vmem>>, vector<1x16xf32>,
        %scan3A_844 = arith.constant 0 : i32
        %scan3A_845 = arith.constant 7 : i32
        %scan3A_846 = arith.addi %scan3A_790, %scan3A_845 : i32
        %swap3A_847 = arith.index_cast %scan3A_846 : i32 to index
        %swap3A_848 = arith.constant 112 : index
        %swap3A_849 = tpu.vector_load %arg8[%swap3A_847, %swap3A_848] {strides = array<i32>} : memref<128x128xf32, #tpu.memory_space<vmem>>, vector<1x16xf32>,
        %swap3A_850 = vector.shape_cast %swap3A_849 : vector<1x16xf32> to vector<16xf32>
        %swap3A_851 = vector.shape_cast %get3A_375 : vector<16xf32> to vector<1x16xf32>
        tpu.vector_store %arg8[%swap3A_847, %swap3A_848], %swap3A_851 {add = true, strides = array<i32>} : memref<128x128xf32, #tpu.memory_space<vmem>>, vector<1x16xf32>,
        %scan3A_852 = arith.constant 0 : i32
        scf.yield %scan3A_852 : i32
      }
      %scan3A_382 = arith.constant 128 : i32
      %add3A_383 = arith.constant 0 : i32
      %add3A_384 = arith.addi %mul3A_285, %add3A_383 : i32
      %add3A_385 = arith.constant 27 : i32
      %add3A_386 = arith.addi %add3A_385, %add3A_384 : i32
      %dma_start3A_387 = arith.constant 0 : i32
      %dma_start3A_388 = tpu.memref_slice %arg5[%add3A_386, %mul3A_2, %dma_start3A_387] : memref<77x4096x128xf32, #tpu.memory_space<hbm>> -> memref<1x128x128xf32, #tpu.memory_space<hbm>>
      %dma_start3A_389 = tpu.memref_squeeze %dma_start3A_388 : memref<1x128x128xf32, #tpu.memory_space<hbm>> -> memref<128x128xf32, #tpu.memory_space<hbm>>
      %dma_start3A_390 = arith.constant 0 : i32
      %dma_start3A_391 = tpu.memref_slice %arg5[%add3A_386, %mul3A_2, %dma_start3A_390] : memref<77x4096x128xf32, #tpu.memory_space<hbm>> -> memref<1x128x128xf32, #tpu.memory_space<hbm>>
      %dma_start3A_392 = tpu.memref_squeeze %dma_start3A_391 : memref<1x128x128xf32, #tpu.memory_space<hbm>> -> memref<128x128xf32, #tpu.memory_space<hbm>>
      tpu.enqueue_dma source(%arg8 : memref<128x128xf32, #tpu.memory_space<vmem>>) target(%dma_start3A_392 : memref<128x128xf32, #tpu.memory_space<hbm>>) target_semaphore(%arg16 : memref<!tpu.dma_semaphore, #tpu.memory_space<semaphore_mem>>)
      %dma_wait3A_393 = arith.constant 0 : i32
      %dma_wait3A_394 = arith.constant 0 : i32
      %dma_wait3A_395 = tpu.memref_slice %arg6[%dma_wait3A_393, %dma_wait3A_394] : memref<50x128xi32, #tpu.memory_space<vmem>> -> memref<1x128xi32, #tpu.memory_space<vmem>>
      %dma_wait3A_396 = tpu.memref_squeeze %dma_wait3A_395 : memref<1x128xi32, #tpu.memory_space<vmem>> -> memref<128xi32, #tpu.memory_space<vmem>>
      %dma_wait3A_397 = arith.constant 0 : i32
      %dma_wait3A_398 = arith.constant 0 : i32
      %dma_wait3A_399 = tpu.memref_slice %arg3[%dma_wait3A_397, %dma_wait3A_398] : memref<100000x128xf32, #tpu.memory_space<hbm>> -> memref<100000x128xf32, #tpu.memory_space<hbm>>
      tpu.wait_indirect_dma semaphore(%arg13 : memref<!tpu.dma_semaphore, #tpu.memory_space<semaphore_mem>>) src(%dma_wait3A_399 : memref<100000x128xf32, #tpu.memory_space<hbm>>) dst(%arg9 : memref<128x128xf32, #tpu.memory_space<vmem>>)
      %add3A_400 = arith.constant 1 : i32
      %add3A_401 = arith.addi %mul3A_285, %add3A_400 : i32
      %get3A_402 = arith.index_cast %add3A_401 : i32 to index
      %get3A_403 = arith.constant 0 : index
      %get3A_404 = tpu.vector_load %arg7[%get3A_402, %get3A_403] {strides = array<i32>} : memref<50x128xf32, #tpu.memory_space<vmem>>, vector<1x16xf32>,
      %get3A_405 = vector.shape_cast %get3A_404 : vector<1x16xf32> to vector<16xf32>
      %scan3A_406 = arith.constant 0 : i32
      %scan3A_407 = arith.constant 0 : i32
      %scan3A_408 = arith.constant 128 : i32
      %scan3A_409 = arith.addi %scan3A_407, %scan3A_408 : i32
      %scan3A_410 = arith.constant 8 : i32
      %scan3A_411 = scf.for %scan3A_790 = %scan3A_407 to %scan3A_409 step %scan3A_410 iter_args(%scan3A_791 = %scan3A_406) -> (i32)  : i32 {
        %swap3A = arith.index_cast %scan3A_790 : i32 to index
        %swap3A_792 = arith.constant 0 : index
        %swap3A_793 = tpu.vector_load %arg9[%swap3A, %swap3A_792] {strides = array<i32>} : memref<128x128xf32, #tpu.memory_space<vmem>>, vector<1x16xf32>,
        %swap3A_794 = vector.shape_cast %swap3A_793 : vector<1x16xf32> to vector<16xf32>
        %swap3A_795 = vector.shape_cast %get3A_405 : vector<16xf32> to vector<1x16xf32>
        tpu.vector_store %arg9[%swap3A, %swap3A_792], %swap3A_795 {add = true, strides = array<i32>} : memref<128x128xf32, #tpu.memory_space<vmem>>, vector<1x16xf32>,
        %scan3A_796 = arith.constant 0 : i32
        %scan3A_797 = arith.constant 1 : i32
        %scan3A_798 = arith.addi %scan3A_790, %scan3A_797 : i32
        %swap3A_799 = arith.index_cast %scan3A_798 : i32 to index
        %swap3A_800 = arith.constant 0 : index
        %swap3A_801 = tpu.vector_load %arg9[%swap3A_799, %swap3A_800] {strides = array<i32>} : memref<128x128xf32, #tpu.memory_space<vmem>>, vector<1x16xf32>,
        %swap3A_802 = vector.shape_cast %swap3A_801 : vector<1x16xf32> to vector<16xf32>
        %swap3A_803 = vector.shape_cast %get3A_405 : vector<16xf32> to vector<1x16xf32>
        tpu.vector_store %arg9[%swap3A_799, %swap3A_800], %swap3A_803 {add = true, strides = array<i32>} : memref<128x128xf32, #tpu.memory_space<vmem>>, vector<1x16xf32>,
        %scan3A_804 = arith.constant 0 : i32
        %scan3A_805 = arith.constant 2 : i32
        %scan3A_806 = arith.addi %scan3A_790, %scan3A_805 : i32
        %swap3A_807 = arith.index_cast %scan3A_806 : i32 to index
        %swap3A_808 = arith.constant 0 : index
        %swap3A_809 = tpu.vector_load %arg9[%swap3A_807, %swap3A_808] {strides = array<i32>} : memref<128x128xf32, #tpu.memory_space<vmem>>, vector<1x16xf32>,
        %swap3A_810 = vector.shape_cast %swap3A_809 : vector<1x16xf32> to vector<16xf32>
        %swap3A_811 = vector.shape_cast %get3A_405 : vector<16xf32> to vector<1x16xf32>
        tpu.vector_store %arg9[%swap3A_807, %swap3A_808], %swap3A_811 {add = true, strides = array<i32>} : memref<128x128xf32, #tpu.memory_space<vmem>>, vector<1x16xf32>,
        %scan3A_812 = arith.constant 0 : i32
        %scan3A_813 = arith.constant 3 : i32
        %scan3A_814 = arith.addi %scan3A_790, %scan3A_813 : i32
        %swap3A_815 = arith.index_cast %scan3A_814 : i32 to index
        %swap3A_816 = arith.constant 0 : index
        %swap3A_817 = tpu.vector_load %arg9[%swap3A_815, %swap3A_816] {strides = array<i32>} : memref<128x128xf32, #tpu.memory_space<vmem>>, vector<1x16xf32>,
        %swap3A_818 = vector.shape_cast %swap3A_817 : vector<1x16xf32> to vector<16xf32>
        %swap3A_819 = vector.shape_cast %get3A_405 : vector<16xf32> to vector<1x16xf32>
        tpu.vector_store %arg9[%swap3A_815, %swap3A_816], %swap3A_819 {add = true, strides = array<i32>} : memref<128x128xf32, #tpu.memory_space<vmem>>, vector<1x16xf32>,
        %scan3A_820 = arith.constant 0 : i32
        %scan3A_821 = arith.constant 4 : i32
        %scan3A_822 = arith.addi %scan3A_790, %scan3A_821 : i32
        %swap3A_823 = arith.index_cast %scan3A_822 : i32 to index
        %swap3A_824 = arith.constant 0 : index
        %swap3A_825 = tpu.vector_load %arg9[%swap3A_823, %swap3A_824] {strides = array<i32>} : memref<128x128xf32, #tpu.memory_space<vmem>>, vector<1x16xf32>,
        %swap3A_826 = vector.shape_cast %swap3A_825 : vector<1x16xf32> to vector<16xf32>
        %swap3A_827 = vector.shape_cast %get3A_405 : vector<16xf32> to vector<1x16xf32>
        tpu.vector_store %arg9[%swap3A_823, %swap3A_824], %swap3A_827 {add = true, strides = array<i32>} : memref<128x128xf32, #tpu.memory_space<vmem>>, vector<1x16xf32>,
        %scan3A_828 = arith.constant 0 : i32
        %scan3A_829 = arith.constant 5 : i32
        %scan3A_830 = arith.addi %scan3A_790, %scan3A_829 : i32
        %swap3A_831 = arith.index_cast %scan3A_830 : i32 to index
        %swap3A_832 = arith.constant 0 : index
        %swap3A_833 = tpu.vector_load %arg9[%swap3A_831, %swap3A_832] {strides = array<i32>} : memref<128x128xf32, #tpu.memory_space<vmem>>, vector<1x16xf32>,
        %swap3A_834 = vector.shape_cast %swap3A_833 : vector<1x16xf32> to vector<16xf32>
        %swap3A_835 = vector.shape_cast %get3A_405 : vector<16xf32> to vector<1x16xf32>
        tpu.vector_store %arg9[%swap3A_831, %swap3A_832], %swap3A_835 {add = true, strides = array<i32>} : memref<128x128xf32, #tpu.memory_space<vmem>>, vector<1x16xf32>,
        %scan3A_836 = arith.constant 0 : i32
        %scan3A_837 = arith.constant 6 : i32
        %scan3A_838 = arith.addi %scan3A_790, %scan3A_837 : i32
        %swap3A_839 = arith.index_cast %scan3A_838 : i32 to index
        %swap3A_840 = arith.constant 0 : index
        %swap3A_841 = tpu.vector_load %arg9[%swap3A_839, %swap3A_840] {strides = array<i32>} : memref<128x128xf32, #tpu.memory_space<vmem>>, vector<1x16xf32>,
        %swap3A_842 = vector.shape_cast %swap3A_841 : vector<1x16xf32> to vector<16xf32>
        %swap3A_843 = vector.shape_cast %get3A_405 : vector<16xf32> to vector<1x16xf32>
        tpu.vector_store %arg9[%swap3A_839, %swap3A_840], %swap3A_843 {add = true, strides = array<i32>} : memref<128x128xf32, #tpu.memory_space<vmem>>, vector<1x16xf32>,
        %scan3A_844 = arith.constant 0 : i32
        %scan3A_845 = arith.constant 7 : i32
        %scan3A_846 = arith.addi %scan3A_790, %scan3A_845 : i32
        %swap3A_847 = arith.index_cast %scan3A_846 : i32 to index
        %swap3A_848 = arith.constant 0 : index
        %swap3A_849 = tpu.vector_load %arg9[%swap3A_847, %swap3A_848] {strides = array<i32>} : memref<128x128xf32, #tpu.memory_space<vmem>>, vector<1x16xf32>,
        %swap3A_850 = vector.shape_cast %swap3A_849 : vector<1x16xf32> to vector<16xf32>
        %swap3A_851 = vector.shape_cast %get3A_405 : vector<16xf32> to vector<1x16xf32>
        tpu.vector_store %arg9[%swap3A_847, %swap3A_848], %swap3A_851 {add = true, strides = array<i32>} : memref<128x128xf32, #tpu.memory_space<vmem>>, vector<1x16xf32>,
        %scan3A_852 = arith.constant 0 : i32
        scf.yield %scan3A_852 : i32
      }
      %scan3A_412 = arith.constant 128 : i32
      %get3A_413 = arith.index_cast %add3A_401 : i32 to index
      %get3A_414 = arith.constant 16 : index
      %get3A_415 = tpu.vector_load %arg7[%get3A_413, %get3A_414] {strides = array<i32>} : memref<50x128xf32, #tpu.memory_space<vmem>>, vector<1x16xf32>,
      %get3A_416 = vector.shape_cast %get3A_415 : vector<1x16xf32> to vector<16xf32>
      %scan3A_417 = arith.constant 0 : i32
      %scan3A_418 = arith.constant 0 : i32
      %scan3A_419 = arith.constant 128 : i32
      %scan3A_420 = arith.addi %scan3A_418, %scan3A_419 : i32
      %scan3A_421 = arith.constant 8 : i32
      %scan3A_422 = scf.for %scan3A_790 = %scan3A_418 to %scan3A_420 step %scan3A_421 iter_args(%scan3A_791 = %scan3A_417) -> (i32)  : i32 {
        %swap3A = arith.index_cast %scan3A_790 : i32 to index
        %swap3A_792 = arith.constant 16 : index
        %swap3A_793 = tpu.vector_load %arg9[%swap3A, %swap3A_792] {strides = array<i32>} : memref<128x128xf32, #tpu.memory_space<vmem>>, vector<1x16xf32>,
        %swap3A_794 = vector.shape_cast %swap3A_793 : vector<1x16xf32> to vector<16xf32>
        %swap3A_795 = vector.shape_cast %get3A_416 : vector<16xf32> to vector<1x16xf32>
        tpu.vector_store %arg9[%swap3A, %swap3A_792], %swap3A_795 {add = true, strides = array<i32>} : memref<128x128xf32, #tpu.memory_space<vmem>>, vector<1x16xf32>,
        %scan3A_796 = arith.constant 0 : i32
        %scan3A_797 = arith.constant 1 : i32
        %scan3A_798 = arith.addi %scan3A_790, %scan3A_797 : i32
        %swap3A_799 = arith.index_cast %scan3A_798 : i32 to index
        %swap3A_800 = arith.constant 16 : index
        %swap3A_801 = tpu.vector_load %arg9[%swap3A_799, %swap3A_800] {strides = array<i32>} : memref<128x128xf32, #tpu.memory_space<vmem>>, vector<1x16xf32>,
        %swap3A_802 = vector.shape_cast %swap3A_801 : vector<1x16xf32> to vector<16xf32>
        %swap3A_803 = vector.shape_cast %get3A_416 : vector<16xf32> to vector<1x16xf32>
        tpu.vector_store %arg9[%swap3A_799, %swap3A_800], %swap3A_803 {add = true, strides = array<i32>} : memref<128x128xf32, #tpu.memory_space<vmem>>, vector<1x16xf32>,
        %scan3A_804 = arith.constant 0 : i32
        %scan3A_805 = arith.constant 2 : i32
        %scan3A_806 = arith.addi %scan3A_790, %scan3A_805 : i32
        %swap3A_807 = arith.index_cast %scan3A_806 : i32 to index
        %swap3A_808 = arith.constant 16 : index
        %swap3A_809 = tpu.vector_load %arg9[%swap3A_807, %swap3A_808] {strides = array<i32>} : memref<128x128xf32, #tpu.memory_space<vmem>>, vector<1x16xf32>,
        %swap3A_810 = vector.shape_cast %swap3A_809 : vector<1x16xf32> to vector<16xf32>
        %swap3A_811 = vector.shape_cast %get3A_416 : vector<16xf32> to vector<1x16xf32>
        tpu.vector_store %arg9[%swap3A_807, %swap3A_808], %swap3A_811 {add = true, strides = array<i32>} : memref<128x128xf32, #tpu.memory_space<vmem>>, vector<1x16xf32>,
        %scan3A_812 = arith.constant 0 : i32
        %scan3A_813 = arith.constant 3 : i32
        %scan3A_814 = arith.addi %scan3A_790, %scan3A_813 : i32
        %swap3A_815 = arith.index_cast %scan3A_814 : i32 to index
        %swap3A_816 = arith.constant 16 : index
        %swap3A_817 = tpu.vector_load %arg9[%swap3A_815, %swap3A_816] {strides = array<i32>} : memref<128x128xf32, #tpu.memory_space<vmem>>, vector<1x16xf32>,
        %swap3A_818 = vector.shape_cast %swap3A_817 : vector<1x16xf32> to vector<16xf32>
        %swap3A_819 = vector.shape_cast %get3A_416 : vector<16xf32> to vector<1x16xf32>
        tpu.vector_store %arg9[%swap3A_815, %swap3A_816], %swap3A_819 {add = true, strides = array<i32>} : memref<128x128xf32, #tpu.memory_space<vmem>>, vector<1x16xf32>,
        %scan3A_820 = arith.constant 0 : i32
        %scan3A_821 = arith.constant 4 : i32
        %scan3A_822 = arith.addi %scan3A_790, %scan3A_821 : i32
        %swap3A_823 = arith.index_cast %scan3A_822 : i32 to index
        %swap3A_824 = arith.constant 16 : index
        %swap3A_825 = tpu.vector_load %arg9[%swap3A_823, %swap3A_824] {strides = array<i32>} : memref<128x128xf32, #tpu.memory_space<vmem>>, vector<1x16xf32>,
        %swap3A_826 = vector.shape_cast %swap3A_825 : vector<1x16xf32> to vector<16xf32>
        %swap3A_827 = vector.shape_cast %get3A_416 : vector<16xf32> to vector<1x16xf32>
        tpu.vector_store %arg9[%swap3A_823, %swap3A_824], %swap3A_827 {add = true, strides = array<i32>} : memref<128x128xf32, #tpu.memory_space<vmem>>, vector<1x16xf32>,
        %scan3A_828 = arith.constant 0 : i32
        %scan3A_829 = arith.constant 5 : i32
        %scan3A_830 = arith.addi %scan3A_790, %scan3A_829 : i32
        %swap3A_831 = arith.index_cast %scan3A_830 : i32 to index
        %swap3A_832 = arith.constant 16 : index
        %swap3A_833 = tpu.vector_load %arg9[%swap3A_831, %swap3A_832] {strides = array<i32>} : memref<128x128xf32, #tpu.memory_space<vmem>>, vector<1x16xf32>,
        %swap3A_834 = vector.shape_cast %swap3A_833 : vector<1x16xf32> to vector<16xf32>
        %swap3A_835 = vector.shape_cast %get3A_416 : vector<16xf32> to vector<1x16xf32>
        tpu.vector_store %arg9[%swap3A_831, %swap3A_832], %swap3A_835 {add = true, strides = array<i32>} : memref<128x128xf32, #tpu.memory_space<vmem>>, vector<1x16xf32>,
        %scan3A_836 = arith.constant 0 : i32
        %scan3A_837 = arith.constant 6 : i32
        %scan3A_838 = arith.addi %scan3A_790, %scan3A_837 : i32
        %swap3A_839 = arith.index_cast %scan3A_838 : i32 to index
        %swap3A_840 = arith.constant 16 : index
        %swap3A_841 = tpu.vector_load %arg9[%swap3A_839, %swap3A_840] {strides = array<i32>} : memref<128x128xf32, #tpu.memory_space<vmem>>, vector<1x16xf32>,
        %swap3A_842 = vector.shape_cast %swap3A_841 : vector<1x16xf32> to vector<16xf32>
        %swap3A_843 = vector.shape_cast %get3A_416 : vector<16xf32> to vector<1x16xf32>
        tpu.vector_store %arg9[%swap3A_839, %swap3A_840], %swap3A_843 {add = true, strides = array<i32>} : memref<128x128xf32, #tpu.memory_space<vmem>>, vector<1x16xf32>,
        %scan3A_844 = arith.constant 0 : i32
        %scan3A_845 = arith.constant 7 : i32
        %scan3A_846 = arith.addi %scan3A_790, %scan3A_845 : i32
        %swap3A_847 = arith.index_cast %scan3A_846 : i32 to index
        %swap3A_848 = arith.constant 16 : index
        %swap3A_849 = tpu.vector_load %arg9[%swap3A_847, %swap3A_848] {strides = array<i32>} : memref<128x128xf32, #tpu.memory_space<vmem>>, vector<1x16xf32>,
        %swap3A_850 = vector.shape_cast %swap3A_849 : vector<1x16xf32> to vector<16xf32>
        %swap3A_851 = vector.shape_cast %get3A_416 : vector<16xf32> to vector<1x16xf32>
        tpu.vector_store %arg9[%swap3A_847, %swap3A_848], %swap3A_851 {add = true, strides = array<i32>} : memref<128x128xf32, #tpu.memory_space<vmem>>, vector<1x16xf32>,
        %scan3A_852 = arith.constant 0 : i32
        scf.yield %scan3A_852 : i32
      }
      %scan3A_423 = arith.constant 128 : i32
      %get3A_424 = arith.index_cast %add3A_401 : i32 to index
      %get3A_425 = arith.constant 32 : index
      %get3A_426 = tpu.vector_load %arg7[%get3A_424, %get3A_425] {strides = array<i32>} : memref<50x128xf32, #tpu.memory_space<vmem>>, vector<1x16xf32>,
      %get3A_427 = vector.shape_cast %get3A_426 : vector<1x16xf32> to vector<16xf32>
      %scan3A_428 = arith.constant 0 : i32
      %scan3A_429 = arith.constant 0 : i32
      %scan3A_430 = arith.constant 128 : i32
      %scan3A_431 = arith.addi %scan3A_429, %scan3A_430 : i32
      %scan3A_432 = arith.constant 8 : i32
      %scan3A_433 = scf.for %scan3A_790 = %scan3A_429 to %scan3A_431 step %scan3A_432 iter_args(%scan3A_791 = %scan3A_428) -> (i32)  : i32 {
        %swap3A = arith.index_cast %scan3A_790 : i32 to index
        %swap3A_792 = arith.constant 32 : index
        %swap3A_793 = tpu.vector_load %arg9[%swap3A, %swap3A_792] {strides = array<i32>} : memref<128x128xf32, #tpu.memory_space<vmem>>, vector<1x16xf32>,
        %swap3A_794 = vector.shape_cast %swap3A_793 : vector<1x16xf32> to vector<16xf32>
        %swap3A_795 = vector.shape_cast %get3A_427 : vector<16xf32> to vector<1x16xf32>
        tpu.vector_store %arg9[%swap3A, %swap3A_792], %swap3A_795 {add = true, strides = array<i32>} : memref<128x128xf32, #tpu.memory_space<vmem>>, vector<1x16xf32>,
        %scan3A_796 = arith.constant 0 : i32
        %scan3A_797 = arith.constant 1 : i32
        %scan3A_798 = arith.addi %scan3A_790, %scan3A_797 : i32
        %swap3A_799 = arith.index_cast %scan3A_798 : i32 to index
        %swap3A_800 = arith.constant 32 : index
        %swap3A_801 = tpu.vector_load %arg9[%swap3A_799, %swap3A_800] {strides = array<i32>} : memref<128x128xf32, #tpu.memory_space<vmem>>, vector<1x16xf32>,
        %swap3A_802 = vector.shape_cast %swap3A_801 : vector<1x16xf32> to vector<16xf32>
        %swap3A_803 = vector.shape_cast %get3A_427 : vector<16xf32> to vector<1x16xf32>
        tpu.vector_store %arg9[%swap3A_799, %swap3A_800], %swap3A_803 {add = true, strides = array<i32>} : memref<128x128xf32, #tpu.memory_space<vmem>>, vector<1x16xf32>,
        %scan3A_804 = arith.constant 0 : i32
        %scan3A_805 = arith.constant 2 : i32
        %scan3A_806 = arith.addi %scan3A_790, %scan3A_805 : i32
        %swap3A_807 = arith.index_cast %scan3A_806 : i32 to index
        %swap3A_808 = arith.constant 32 : index
        %swap3A_809 = tpu.vector_load %arg9[%swap3A_807, %swap3A_808] {strides = array<i32>} : memref<128x128xf32, #tpu.memory_space<vmem>>, vector<1x16xf32>,
        %swap3A_810 = vector.shape_cast %swap3A_809 : vector<1x16xf32> to vector<16xf32>
        %swap3A_811 = vector.shape_cast %get3A_427 : vector<16xf32> to vector<1x16xf32>
        tpu.vector_store %arg9[%swap3A_807, %swap3A_808], %swap3A_811 {add = true, strides = array<i32>} : memref<128x128xf32, #tpu.memory_space<vmem>>, vector<1x16xf32>,
        %scan3A_812 = arith.constant 0 : i32
        %scan3A_813 = arith.constant 3 : i32
        %scan3A_814 = arith.addi %scan3A_790, %scan3A_813 : i32
        %swap3A_815 = arith.index_cast %scan3A_814 : i32 to index
        %swap3A_816 = arith.constant 32 : index
        %swap3A_817 = tpu.vector_load %arg9[%swap3A_815, %swap3A_816] {strides = array<i32>} : memref<128x128xf32, #tpu.memory_space<vmem>>, vector<1x16xf32>,
        %swap3A_818 = vector.shape_cast %swap3A_817 : vector<1x16xf32> to vector<16xf32>
        %swap3A_819 = vector.shape_cast %get3A_427 : vector<16xf32> to vector<1x16xf32>
        tpu.vector_store %arg9[%swap3A_815, %swap3A_816], %swap3A_819 {add = true, strides = array<i32>} : memref<128x128xf32, #tpu.memory_space<vmem>>, vector<1x16xf32>,
        %scan3A_820 = arith.constant 0 : i32
        %scan3A_821 = arith.constant 4 : i32
        %scan3A_822 = arith.addi %scan3A_790, %scan3A_821 : i32
        %swap3A_823 = arith.index_cast %scan3A_822 : i32 to index
        %swap3A_824 = arith.constant 32 : index
        %swap3A_825 = tpu.vector_load %arg9[%swap3A_823, %swap3A_824] {strides = array<i32>} : memref<128x128xf32, #tpu.memory_space<vmem>>, vector<1x16xf32>,
        %swap3A_826 = vector.shape_cast %swap3A_825 : vector<1x16xf32> to vector<16xf32>
        %swap3A_827 = vector.shape_cast %get3A_427 : vector<16xf32> to vector<1x16xf32>
        tpu.vector_store %arg9[%swap3A_823, %swap3A_824], %swap3A_827 {add = true, strides = array<i32>} : memref<128x128xf32, #tpu.memory_space<vmem>>, vector<1x16xf32>,
        %scan3A_828 = arith.constant 0 : i32
        %scan3A_829 = arith.constant 5 : i32
        %scan3A_830 = arith.addi %scan3A_790, %scan3A_829 : i32
        %swap3A_831 = arith.index_cast %scan3A_830 : i32 to index
        %swap3A_832 = arith.constant 32 : index
        %swap3A_833 = tpu.vector_load %arg9[%swap3A_831, %swap3A_832] {strides = array<i32>} : memref<128x128xf32, #tpu.memory_space<vmem>>, vector<1x16xf32>,
        %swap3A_834 = vector.shape_cast %swap3A_833 : vector<1x16xf32> to vector<16xf32>
        %swap3A_835 = vector.shape_cast %get3A_427 : vector<16xf32> to vector<1x16xf32>
        tpu.vector_store %arg9[%swap3A_831, %swap3A_832], %swap3A_835 {add = true, strides = array<i32>} : memref<128x128xf32, #tpu.memory_space<vmem>>, vector<1x16xf32>,
        %scan3A_836 = arith.constant 0 : i32
        %scan3A_837 = arith.constant 6 : i32
        %scan3A_838 = arith.addi %scan3A_790, %scan3A_837 : i32
        %swap3A_839 = arith.index_cast %scan3A_838 : i32 to index
        %swap3A_840 = arith.constant 32 : index
        %swap3A_841 = tpu.vector_load %arg9[%swap3A_839, %swap3A_840] {strides = array<i32>} : memref<128x128xf32, #tpu.memory_space<vmem>>, vector<1x16xf32>,
        %swap3A_842 = vector.shape_cast %swap3A_841 : vector<1x16xf32> to vector<16xf32>
        %swap3A_843 = vector.shape_cast %get3A_427 : vector<16xf32> to vector<1x16xf32>
        tpu.vector_store %arg9[%swap3A_839, %swap3A_840], %swap3A_843 {add = true, strides = array<i32>} : memref<128x128xf32, #tpu.memory_space<vmem>>, vector<1x16xf32>,
        %scan3A_844 = arith.constant 0 : i32
        %scan3A_845 = arith.constant 7 : i32
        %scan3A_846 = arith.addi %scan3A_790, %scan3A_845 : i32
        %swap3A_847 = arith.index_cast %scan3A_846 : i32 to index
        %swap3A_848 = arith.constant 32 : index
        %swap3A_849 = tpu.vector_load %arg9[%swap3A_847, %swap3A_848] {strides = array<i32>} : memref<128x128xf32, #tpu.memory_space<vmem>>, vector<1x16xf32>,
        %swap3A_850 = vector.shape_cast %swap3A_849 : vector<1x16xf32> to vector<16xf32>
        %swap3A_851 = vector.shape_cast %get3A_427 : vector<16xf32> to vector<1x16xf32>
        tpu.vector_store %arg9[%swap3A_847, %swap3A_848], %swap3A_851 {add = true, strides = array<i32>} : memref<128x128xf32, #tpu.memory_space<vmem>>, vector<1x16xf32>,
        %scan3A_852 = arith.constant 0 : i32
        scf.yield %scan3A_852 : i32
      }
      %scan3A_434 = arith.constant 128 : i32
      %get3A_435 = arith.index_cast %add3A_401 : i32 to index
      %get3A_436 = arith.constant 48 : index
      %get3A_437 = tpu.vector_load %arg7[%get3A_435, %get3A_436] {strides = array<i32>} : memref<50x128xf32, #tpu.memory_space<vmem>>, vector<1x16xf32>,
      %get3A_438 = vector.shape_cast %get3A_437 : vector<1x16xf32> to vector<16xf32>
      %scan3A_439 = arith.constant 0 : i32
      %scan3A_440 = arith.constant 0 : i32
      %scan3A_441 = arith.constant 128 : i32
      %scan3A_442 = arith.addi %scan3A_440, %scan3A_441 : i32
      %scan3A_443 = arith.constant 8 : i32
      %scan3A_444 = scf.for %scan3A_790 = %scan3A_440 to %scan3A_442 step %scan3A_443 iter_args(%scan3A_791 = %scan3A_439) -> (i32)  : i32 {
        %swap3A = arith.index_cast %scan3A_790 : i32 to index
        %swap3A_792 = arith.constant 48 : index
        %swap3A_793 = tpu.vector_load %arg9[%swap3A, %swap3A_792] {strides = array<i32>} : memref<128x128xf32, #tpu.memory_space<vmem>>, vector<1x16xf32>,
        %swap3A_794 = vector.shape_cast %swap3A_793 : vector<1x16xf32> to vector<16xf32>
        %swap3A_795 = vector.shape_cast %get3A_438 : vector<16xf32> to vector<1x16xf32>
        tpu.vector_store %arg9[%swap3A, %swap3A_792], %swap3A_795 {add = true, strides = array<i32>} : memref<128x128xf32, #tpu.memory_space<vmem>>, vector<1x16xf32>,
        %scan3A_796 = arith.constant 0 : i32
        %scan3A_797 = arith.constant 1 : i32
        %scan3A_798 = arith.addi %scan3A_790, %scan3A_797 : i32
        %swap3A_799 = arith.index_cast %scan3A_798 : i32 to index
        %swap3A_800 = arith.constant 48 : index
        %swap3A_801 = tpu.vector_load %arg9[%swap3A_799, %swap3A_800] {strides = array<i32>} : memref<128x128xf32, #tpu.memory_space<vmem>>, vector<1x16xf32>,
        %swap3A_802 = vector.shape_cast %swap3A_801 : vector<1x16xf32> to vector<16xf32>
        %swap3A_803 = vector.shape_cast %get3A_438 : vector<16xf32> to vector<1x16xf32>
        tpu.vector_store %arg9[%swap3A_799, %swap3A_800], %swap3A_803 {add = true, strides = array<i32>} : memref<128x128xf32, #tpu.memory_space<vmem>>, vector<1x16xf32>,
        %scan3A_804 = arith.constant 0 : i32
        %scan3A_805 = arith.constant 2 : i32
        %scan3A_806 = arith.addi %scan3A_790, %scan3A_805 : i32
        %swap3A_807 = arith.index_cast %scan3A_806 : i32 to index
        %swap3A_808 = arith.constant 48 : index
        %swap3A_809 = tpu.vector_load %arg9[%swap3A_807, %swap3A_808] {strides = array<i32>} : memref<128x128xf32, #tpu.memory_space<vmem>>, vector<1x16xf32>,
        %swap3A_810 = vector.shape_cast %swap3A_809 : vector<1x16xf32> to vector<16xf32>
        %swap3A_811 = vector.shape_cast %get3A_438 : vector<16xf32> to vector<1x16xf32>
        tpu.vector_store %arg9[%swap3A_807, %swap3A_808], %swap3A_811 {add = true, strides = array<i32>} : memref<128x128xf32, #tpu.memory_space<vmem>>, vector<1x16xf32>,
        %scan3A_812 = arith.constant 0 : i32
        %scan3A_813 = arith.constant 3 : i32
        %scan3A_814 = arith.addi %scan3A_790, %scan3A_813 : i32
        %swap3A_815 = arith.index_cast %scan3A_814 : i32 to index
        %swap3A_816 = arith.constant 48 : index
        %swap3A_817 = tpu.vector_load %arg9[%swap3A_815, %swap3A_816] {strides = array<i32>} : memref<128x128xf32, #tpu.memory_space<vmem>>, vector<1x16xf32>,
        %swap3A_818 = vector.shape_cast %swap3A_817 : vector<1x16xf32> to vector<16xf32>
        %swap3A_819 = vector.shape_cast %get3A_438 : vector<16xf32> to vector<1x16xf32>
        tpu.vector_store %arg9[%swap3A_815, %swap3A_816], %swap3A_819 {add = true, strides = array<i32>} : memref<128x128xf32, #tpu.memory_space<vmem>>, vector<1x16xf32>,
        %scan3A_820 = arith.constant 0 : i32
        %scan3A_821 = arith.constant 4 : i32
        %scan3A_822 = arith.addi %scan3A_790, %scan3A_821 : i32
        %swap3A_823 = arith.index_cast %scan3A_822 : i32 to index
        %swap3A_824 = arith.constant 48 : index
        %swap3A_825 = tpu.vector_load %arg9[%swap3A_823, %swap3A_824] {strides = array<i32>} : memref<128x128xf32, #tpu.memory_space<vmem>>, vector<1x16xf32>,
        %swap3A_826 = vector.shape_cast %swap3A_825 : vector<1x16xf32> to vector<16xf32>
        %swap3A_827 = vector.shape_cast %get3A_438 : vector<16xf32> to vector<1x16xf32>
        tpu.vector_store %arg9[%swap3A_823, %swap3A_824], %swap3A_827 {add = true, strides = array<i32>} : memref<128x128xf32, #tpu.memory_space<vmem>>, vector<1x16xf32>,
        %scan3A_828 = arith.constant 0 : i32
        %scan3A_829 = arith.constant 5 : i32
        %scan3A_830 = arith.addi %scan3A_790, %scan3A_829 : i32
        %swap3A_831 = arith.index_cast %scan3A_830 : i32 to index
        %swap3A_832 = arith.constant 48 : index
        %swap3A_833 = tpu.vector_load %arg9[%swap3A_831, %swap3A_832] {strides = array<i32>} : memref<128x128xf32, #tpu.memory_space<vmem>>, vector<1x16xf32>,
        %swap3A_834 = vector.shape_cast %swap3A_833 : vector<1x16xf32> to vector<16xf32>
        %swap3A_835 = vector.shape_cast %get3A_438 : vector<16xf32> to vector<1x16xf32>
        tpu.vector_store %arg9[%swap3A_831, %swap3A_832], %swap3A_835 {add = true, strides = array<i32>} : memref<128x128xf32, #tpu.memory_space<vmem>>, vector<1x16xf32>,
        %scan3A_836 = arith.constant 0 : i32
        %scan3A_837 = arith.constant 6 : i32
        %scan3A_838 = arith.addi %scan3A_790, %scan3A_837 : i32
        %swap3A_839 = arith.index_cast %scan3A_838 : i32 to index
        %swap3A_840 = arith.constant 48 : index
        %swap3A_841 = tpu.vector_load %arg9[%swap3A_839, %swap3A_840] {strides = array<i32>} : memref<128x128xf32, #tpu.memory_space<vmem>>, vector<1x16xf32>,
        %swap3A_842 = vector.shape_cast %swap3A_841 : vector<1x16xf32> to vector<16xf32>
        %swap3A_843 = vector.shape_cast %get3A_438 : vector<16xf32> to vector<1x16xf32>
        tpu.vector_store %arg9[%swap3A_839, %swap3A_840], %swap3A_843 {add = true, strides = array<i32>} : memref<128x128xf32, #tpu.memory_space<vmem>>, vector<1x16xf32>,
        %scan3A_844 = arith.constant 0 : i32
        %scan3A_845 = arith.constant 7 : i32
        %scan3A_846 = arith.addi %scan3A_790, %scan3A_845 : i32
        %swap3A_847 = arith.index_cast %scan3A_846 : i32 to index
        %swap3A_848 = arith.constant 48 : index
        %swap3A_849 = tpu.vector_load %arg9[%swap3A_847, %swap3A_848] {strides = array<i32>} : memref<128x128xf32, #tpu.memory_space<vmem>>, vector<1x16xf32>,
        %swap3A_850 = vector.shape_cast %swap3A_849 : vector<1x16xf32> to vector<16xf32>
        %swap3A_851 = vector.shape_cast %get3A_438 : vector<16xf32> to vector<1x16xf32>
        tpu.vector_store %arg9[%swap3A_847, %swap3A_848], %swap3A_851 {add = true, strides = array<i32>} : memref<128x128xf32, #tpu.memory_space<vmem>>, vector<1x16xf32>,
        %scan3A_852 = arith.constant 0 : i32
        scf.yield %scan3A_852 : i32
      }
      %scan3A_445 = arith.constant 128 : i32
      %get3A_446 = arith.index_cast %add3A_401 : i32 to index
      %get3A_447 = arith.constant 64 : index
      %get3A_448 = tpu.vector_load %arg7[%get3A_446, %get3A_447] {strides = array<i32>} : memref<50x128xf32, #tpu.memory_space<vmem>>, vector<1x16xf32>,
      %get3A_449 = vector.shape_cast %get3A_448 : vector<1x16xf32> to vector<16xf32>
      %scan3A_450 = arith.constant 0 : i32
      %scan3A_451 = arith.constant 0 : i32
      %scan3A_452 = arith.constant 128 : i32
      %scan3A_453 = arith.addi %scan3A_451, %scan3A_452 : i32
      %scan3A_454 = arith.constant 8 : i32
      %scan3A_455 = scf.for %scan3A_790 = %scan3A_451 to %scan3A_453 step %scan3A_454 iter_args(%scan3A_791 = %scan3A_450) -> (i32)  : i32 {
        %swap3A = arith.index_cast %scan3A_790 : i32 to index
        %swap3A_792 = arith.constant 64 : index
        %swap3A_793 = tpu.vector_load %arg9[%swap3A, %swap3A_792] {strides = array<i32>} : memref<128x128xf32, #tpu.memory_space<vmem>>, vector<1x16xf32>,
        %swap3A_794 = vector.shape_cast %swap3A_793 : vector<1x16xf32> to vector<16xf32>
        %swap3A_795 = vector.shape_cast %get3A_449 : vector<16xf32> to vector<1x16xf32>
        tpu.vector_store %arg9[%swap3A, %swap3A_792], %swap3A_795 {add = true, strides = array<i32>} : memref<128x128xf32, #tpu.memory_space<vmem>>, vector<1x16xf32>,
        %scan3A_796 = arith.constant 0 : i32
        %scan3A_797 = arith.constant 1 : i32
        %scan3A_798 = arith.addi %scan3A_790, %scan3A_797 : i32
        %swap3A_799 = arith.index_cast %scan3A_798 : i32 to index
        %swap3A_800 = arith.constant 64 : index
        %swap3A_801 = tpu.vector_load %arg9[%swap3A_799, %swap3A_800] {strides = array<i32>} : memref<128x128xf32, #tpu.memory_space<vmem>>, vector<1x16xf32>,
        %swap3A_802 = vector.shape_cast %swap3A_801 : vector<1x16xf32> to vector<16xf32>
        %swap3A_803 = vector.shape_cast %get3A_449 : vector<16xf32> to vector<1x16xf32>
        tpu.vector_store %arg9[%swap3A_799, %swap3A_800], %swap3A_803 {add = true, strides = array<i32>} : memref<128x128xf32, #tpu.memory_space<vmem>>, vector<1x16xf32>,
        %scan3A_804 = arith.constant 0 : i32
        %scan3A_805 = arith.constant 2 : i32
        %scan3A_806 = arith.addi %scan3A_790, %scan3A_805 : i32
        %swap3A_807 = arith.index_cast %scan3A_806 : i32 to index
        %swap3A_808 = arith.constant 64 : index
        %swap3A_809 = tpu.vector_load %arg9[%swap3A_807, %swap3A_808] {strides = array<i32>} : memref<128x128xf32, #tpu.memory_space<vmem>>, vector<1x16xf32>,
        %swap3A_810 = vector.shape_cast %swap3A_809 : vector<1x16xf32> to vector<16xf32>
        %swap3A_811 = vector.shape_cast %get3A_449 : vector<16xf32> to vector<1x16xf32>
        tpu.vector_store %arg9[%swap3A_807, %swap3A_808], %swap3A_811 {add = true, strides = array<i32>} : memref<128x128xf32, #tpu.memory_space<vmem>>, vector<1x16xf32>,
        %scan3A_812 = arith.constant 0 : i32
        %scan3A_813 = arith.constant 3 : i32
        %scan3A_814 = arith.addi %scan3A_790, %scan3A_813 : i32
        %swap3A_815 = arith.index_cast %scan3A_814 : i32 to index
        %swap3A_816 = arith.constant 64 : index
        %swap3A_817 = tpu.vector_load %arg9[%swap3A_815, %swap3A_816] {strides = array<i32>} : memref<128x128xf32, #tpu.memory_space<vmem>>, vector<1x16xf32>,
        %swap3A_818 = vector.shape_cast %swap3A_817 : vector<1x16xf32> to vector<16xf32>
        %swap3A_819 = vector.shape_cast %get3A_449 : vector<16xf32> to vector<1x16xf32>
        tpu.vector_store %arg9[%swap3A_815, %swap3A_816], %swap3A_819 {add = true, strides = array<i32>} : memref<128x128xf32, #tpu.memory_space<vmem>>, vector<1x16xf32>,
        %scan3A_820 = arith.constant 0 : i32
        %scan3A_821 = arith.constant 4 : i32
        %scan3A_822 = arith.addi %scan3A_790, %scan3A_821 : i32
        %swap3A_823 = arith.index_cast %scan3A_822 : i32 to index
        %swap3A_824 = arith.constant 64 : index
        %swap3A_825 = tpu.vector_load %arg9[%swap3A_823, %swap3A_824] {strides = array<i32>} : memref<128x128xf32, #tpu.memory_space<vmem>>, vector<1x16xf32>,
        %swap3A_826 = vector.shape_cast %swap3A_825 : vector<1x16xf32> to vector<16xf32>
        %swap3A_827 = vector.shape_cast %get3A_449 : vector<16xf32> to vector<1x16xf32>
        tpu.vector_store %arg9[%swap3A_823, %swap3A_824], %swap3A_827 {add = true, strides = array<i32>} : memref<128x128xf32, #tpu.memory_space<vmem>>, vector<1x16xf32>,
        %scan3A_828 = arith.constant 0 : i32
        %scan3A_829 = arith.constant 5 : i32
        %scan3A_830 = arith.addi %scan3A_790, %scan3A_829 : i32
        %swap3A_831 = arith.index_cast %scan3A_830 : i32 to index
        %swap3A_832 = arith.constant 64 : index
        %swap3A_833 = tpu.vector_load %arg9[%swap3A_831, %swap3A_832] {strides = array<i32>} : memref<128x128xf32, #tpu.memory_space<vmem>>, vector<1x16xf32>,
        %swap3A_834 = vector.shape_cast %swap3A_833 : vector<1x16xf32> to vector<16xf32>
        %swap3A_835 = vector.shape_cast %get3A_449 : vector<16xf32> to vector<1x16xf32>
        tpu.vector_store %arg9[%swap3A_831, %swap3A_832], %swap3A_835 {add = true, strides = array<i32>} : memref<128x128xf32, #tpu.memory_space<vmem>>, vector<1x16xf32>,
        %scan3A_836 = arith.constant 0 : i32
        %scan3A_837 = arith.constant 6 : i32
        %scan3A_838 = arith.addi %scan3A_790, %scan3A_837 : i32
        %swap3A_839 = arith.index_cast %scan3A_838 : i32 to index
        %swap3A_840 = arith.constant 64 : index
        %swap3A_841 = tpu.vector_load %arg9[%swap3A_839, %swap3A_840] {strides = array<i32>} : memref<128x128xf32, #tpu.memory_space<vmem>>, vector<1x16xf32>,
        %swap3A_842 = vector.shape_cast %swap3A_841 : vector<1x16xf32> to vector<16xf32>
        %swap3A_843 = vector.shape_cast %get3A_449 : vector<16xf32> to vector<1x16xf32>
        tpu.vector_store %arg9[%swap3A_839, %swap3A_840], %swap3A_843 {add = true, strides = array<i32>} : memref<128x128xf32, #tpu.memory_space<vmem>>, vector<1x16xf32>,
        %scan3A_844 = arith.constant 0 : i32
        %scan3A_845 = arith.constant 7 : i32
        %scan3A_846 = arith.addi %scan3A_790, %scan3A_845 : i32
        %swap3A_847 = arith.index_cast %scan3A_846 : i32 to index
        %swap3A_848 = arith.constant 64 : index
        %swap3A_849 = tpu.vector_load %arg9[%swap3A_847, %swap3A_848] {strides = array<i32>} : memref<128x128xf32, #tpu.memory_space<vmem>>, vector<1x16xf32>,
        %swap3A_850 = vector.shape_cast %swap3A_849 : vector<1x16xf32> to vector<16xf32>
        %swap3A_851 = vector.shape_cast %get3A_449 : vector<16xf32> to vector<1x16xf32>
        tpu.vector_store %arg9[%swap3A_847, %swap3A_848], %swap3A_851 {add = true, strides = array<i32>} : memref<128x128xf32, #tpu.memory_space<vmem>>, vector<1x16xf32>,
        %scan3A_852 = arith.constant 0 : i32
        scf.yield %scan3A_852 : i32
      }
      %scan3A_456 = arith.constant 128 : i32
      %get3A_457 = arith.index_cast %add3A_401 : i32 to index
      %get3A_458 = arith.constant 80 : index
      %get3A_459 = tpu.vector_load %arg7[%get3A_457, %get3A_458] {strides = array<i32>} : memref<50x128xf32, #tpu.memory_space<vmem>>, vector<1x16xf32>,
      %get3A_460 = vector.shape_cast %get3A_459 : vector<1x16xf32> to vector<16xf32>
      %scan3A_461 = arith.constant 0 : i32
      %scan3A_462 = arith.constant 0 : i32
      %scan3A_463 = arith.constant 128 : i32
      %scan3A_464 = arith.addi %scan3A_462, %scan3A_463 : i32
      %scan3A_465 = arith.constant 8 : i32
      %scan3A_466 = scf.for %scan3A_790 = %scan3A_462 to %scan3A_464 step %scan3A_465 iter_args(%scan3A_791 = %scan3A_461) -> (i32)  : i32 {
        %swap3A = arith.index_cast %scan3A_790 : i32 to index
        %swap3A_792 = arith.constant 80 : index
        %swap3A_793 = tpu.vector_load %arg9[%swap3A, %swap3A_792] {strides = array<i32>} : memref<128x128xf32, #tpu.memory_space<vmem>>, vector<1x16xf32>,
        %swap3A_794 = vector.shape_cast %swap3A_793 : vector<1x16xf32> to vector<16xf32>
        %swap3A_795 = vector.shape_cast %get3A_460 : vector<16xf32> to vector<1x16xf32>
        tpu.vector_store %arg9[%swap3A, %swap3A_792], %swap3A_795 {add = true, strides = array<i32>} : memref<128x128xf32, #tpu.memory_space<vmem>>, vector<1x16xf32>,
        %scan3A_796 = arith.constant 0 : i32
        %scan3A_797 = arith.constant 1 : i32
        %scan3A_798 = arith.addi %scan3A_790, %scan3A_797 : i32
        %swap3A_799 = arith.index_cast %scan3A_798 : i32 to index
        %swap3A_800 = arith.constant 80 : index
        %swap3A_801 = tpu.vector_load %arg9[%swap3A_799, %swap3A_800] {strides = array<i32>} : memref<128x128xf32, #tpu.memory_space<vmem>>, vector<1x16xf32>,
        %swap3A_802 = vector.shape_cast %swap3A_801 : vector<1x16xf32> to vector<16xf32>
        %swap3A_803 = vector.shape_cast %get3A_460 : vector<16xf32> to vector<1x16xf32>
        tpu.vector_store %arg9[%swap3A_799, %swap3A_800], %swap3A_803 {add = true, strides = array<i32>} : memref<128x128xf32, #tpu.memory_space<vmem>>, vector<1x16xf32>,
        %scan3A_804 = arith.constant 0 : i32
        %scan3A_805 = arith.constant 2 : i32
        %scan3A_806 = arith.addi %scan3A_790, %scan3A_805 : i32
        %swap3A_807 = arith.index_cast %scan3A_806 : i32 to index
        %swap3A_808 = arith.constant 80 : index
        %swap3A_809 = tpu.vector_load %arg9[%swap3A_807, %swap3A_808] {strides = array<i32>} : memref<128x128xf32, #tpu.memory_space<vmem>>, vector<1x16xf32>,
        %swap3A_810 = vector.shape_cast %swap3A_809 : vector<1x16xf32> to vector<16xf32>
        %swap3A_811 = vector.shape_cast %get3A_460 : vector<16xf32> to vector<1x16xf32>
        tpu.vector_store %arg9[%swap3A_807, %swap3A_808], %swap3A_811 {add = true, strides = array<i32>} : memref<128x128xf32, #tpu.memory_space<vmem>>, vector<1x16xf32>,
        %scan3A_812 = arith.constant 0 : i32
        %scan3A_813 = arith.constant 3 : i32
        %scan3A_814 = arith.addi %scan3A_790, %scan3A_813 : i32
        %swap3A_815 = arith.index_cast %scan3A_814 : i32 to index
        %swap3A_816 = arith.constant 80 : index
        %swap3A_817 = tpu.vector_load %arg9[%swap3A_815, %swap3A_816] {strides = array<i32>} : memref<128x128xf32, #tpu.memory_space<vmem>>, vector<1x16xf32>,
        %swap3A_818 = vector.shape_cast %swap3A_817 : vector<1x16xf32> to vector<16xf32>
        %swap3A_819 = vector.shape_cast %get3A_460 : vector<16xf32> to vector<1x16xf32>
        tpu.vector_store %arg9[%swap3A_815, %swap3A_816], %swap3A_819 {add = true, strides = array<i32>} : memref<128x128xf32, #tpu.memory_space<vmem>>, vector<1x16xf32>,
        %scan3A_820 = arith.constant 0 : i32
        %scan3A_821 = arith.constant 4 : i32
        %scan3A_822 = arith.addi %scan3A_790, %scan3A_821 : i32
        %swap3A_823 = arith.index_cast %scan3A_822 : i32 to index
        %swap3A_824 = arith.constant 80 : index
        %swap3A_825 = tpu.vector_load %arg9[%swap3A_823, %swap3A_824] {strides = array<i32>} : memref<128x128xf32, #tpu.memory_space<vmem>>, vector<1x16xf32>,
        %swap3A_826 = vector.shape_cast %swap3A_825 : vector<1x16xf32> to vector<16xf32>
        %swap3A_827 = vector.shape_cast %get3A_460 : vector<16xf32> to vector<1x16xf32>
        tpu.vector_store %arg9[%swap3A_823, %swap3A_824], %swap3A_827 {add = true, strides = array<i32>} : memref<128x128xf32, #tpu.memory_space<vmem>>, vector<1x16xf32>,
        %scan3A_828 = arith.constant 0 : i32
        %scan3A_829 = arith.constant 5 : i32
        %scan3A_830 = arith.addi %scan3A_790, %scan3A_829 : i32
        %swap3A_831 = arith.index_cast %scan3A_830 : i32 to index
        %swap3A_832 = arith.constant 80 : index
        %swap3A_833 = tpu.vector_load %arg9[%swap3A_831, %swap3A_832] {strides = array<i32>} : memref<128x128xf32, #tpu.memory_space<vmem>>, vector<1x16xf32>,
        %swap3A_834 = vector.shape_cast %swap3A_833 : vector<1x16xf32> to vector<16xf32>
        %swap3A_835 = vector.shape_cast %get3A_460 : vector<16xf32> to vector<1x16xf32>
        tpu.vector_store %arg9[%swap3A_831, %swap3A_832], %swap3A_835 {add = true, strides = array<i32>} : memref<128x128xf32, #tpu.memory_space<vmem>>, vector<1x16xf32>,
        %scan3A_836 = arith.constant 0 : i32
        %scan3A_837 = arith.constant 6 : i32
        %scan3A_838 = arith.addi %scan3A_790, %scan3A_837 : i32
        %swap3A_839 = arith.index_cast %scan3A_838 : i32 to index
        %swap3A_840 = arith.constant 80 : index
        %swap3A_841 = tpu.vector_load %arg9[%swap3A_839, %swap3A_840] {strides = array<i32>} : memref<128x128xf32, #tpu.memory_space<vmem>>, vector<1x16xf32>,
        %swap3A_842 = vector.shape_cast %swap3A_841 : vector<1x16xf32> to vector<16xf32>
        %swap3A_843 = vector.shape_cast %get3A_460 : vector<16xf32> to vector<1x16xf32>
        tpu.vector_store %arg9[%swap3A_839, %swap3A_840], %swap3A_843 {add = true, strides = array<i32>} : memref<128x128xf32, #tpu.memory_space<vmem>>, vector<1x16xf32>,
        %scan3A_844 = arith.constant 0 : i32
        %scan3A_845 = arith.constant 7 : i32
        %scan3A_846 = arith.addi %scan3A_790, %scan3A_845 : i32
        %swap3A_847 = arith.index_cast %scan3A_846 : i32 to index
        %swap3A_848 = arith.constant 80 : index
        %swap3A_849 = tpu.vector_load %arg9[%swap3A_847, %swap3A_848] {strides = array<i32>} : memref<128x128xf32, #tpu.memory_space<vmem>>, vector<1x16xf32>,
        %swap3A_850 = vector.shape_cast %swap3A_849 : vector<1x16xf32> to vector<16xf32>
        %swap3A_851 = vector.shape_cast %get3A_460 : vector<16xf32> to vector<1x16xf32>
        tpu.vector_store %arg9[%swap3A_847, %swap3A_848], %swap3A_851 {add = true, strides = array<i32>} : memref<128x128xf32, #tpu.memory_space<vmem>>, vector<1x16xf32>,
        %scan3A_852 = arith.constant 0 : i32
        scf.yield %scan3A_852 : i32
      }
      %scan3A_467 = arith.constant 128 : i32
      %get3A_468 = arith.index_cast %add3A_401 : i32 to index
      %get3A_469 = arith.constant 96 : index
      %get3A_470 = tpu.vector_load %arg7[%get3A_468, %get3A_469] {strides = array<i32>} : memref<50x128xf32, #tpu.memory_space<vmem>>, vector<1x16xf32>,
      %get3A_471 = vector.shape_cast %get3A_470 : vector<1x16xf32> to vector<16xf32>
      %scan3A_472 = arith.constant 0 : i32
      %scan3A_473 = arith.constant 0 : i32
      %scan3A_474 = arith.constant 128 : i32
      %scan3A_475 = arith.addi %scan3A_473, %scan3A_474 : i32
      %scan3A_476 = arith.constant 8 : i32
      %scan3A_477 = scf.for %scan3A_790 = %scan3A_473 to %scan3A_475 step %scan3A_476 iter_args(%scan3A_791 = %scan3A_472) -> (i32)  : i32 {
        %swap3A = arith.index_cast %scan3A_790 : i32 to index
        %swap3A_792 = arith.constant 96 : index
        %swap3A_793 = tpu.vector_load %arg9[%swap3A, %swap3A_792] {strides = array<i32>} : memref<128x128xf32, #tpu.memory_space<vmem>>, vector<1x16xf32>,
        %swap3A_794 = vector.shape_cast %swap3A_793 : vector<1x16xf32> to vector<16xf32>
        %swap3A_795 = vector.shape_cast %get3A_471 : vector<16xf32> to vector<1x16xf32>
        tpu.vector_store %arg9[%swap3A, %swap3A_792], %swap3A_795 {add = true, strides = array<i32>} : memref<128x128xf32, #tpu.memory_space<vmem>>, vector<1x16xf32>,
        %scan3A_796 = arith.constant 0 : i32
        %scan3A_797 = arith.constant 1 : i32
        %scan3A_798 = arith.addi %scan3A_790, %scan3A_797 : i32
        %swap3A_799 = arith.index_cast %scan3A_798 : i32 to index
        %swap3A_800 = arith.constant 96 : index
        %swap3A_801 = tpu.vector_load %arg9[%swap3A_799, %swap3A_800] {strides = array<i32>} : memref<128x128xf32, #tpu.memory_space<vmem>>, vector<1x16xf32>,
        %swap3A_802 = vector.shape_cast %swap3A_801 : vector<1x16xf32> to vector<16xf32>
        %swap3A_803 = vector.shape_cast %get3A_471 : vector<16xf32> to vector<1x16xf32>
        tpu.vector_store %arg9[%swap3A_799, %swap3A_800], %swap3A_803 {add = true, strides = array<i32>} : memref<128x128xf32, #tpu.memory_space<vmem>>, vector<1x16xf32>,
        %scan3A_804 = arith.constant 0 : i32
        %scan3A_805 = arith.constant 2 : i32
        %scan3A_806 = arith.addi %scan3A_790, %scan3A_805 : i32
        %swap3A_807 = arith.index_cast %scan3A_806 : i32 to index
        %swap3A_808 = arith.constant 96 : index
        %swap3A_809 = tpu.vector_load %arg9[%swap3A_807, %swap3A_808] {strides = array<i32>} : memref<128x128xf32, #tpu.memory_space<vmem>>, vector<1x16xf32>,
        %swap3A_810 = vector.shape_cast %swap3A_809 : vector<1x16xf32> to vector<16xf32>
        %swap3A_811 = vector.shape_cast %get3A_471 : vector<16xf32> to vector<1x16xf32>
        tpu.vector_store %arg9[%swap3A_807, %swap3A_808], %swap3A_811 {add = true, strides = array<i32>} : memref<128x128xf32, #tpu.memory_space<vmem>>, vector<1x16xf32>,
        %scan3A_812 = arith.constant 0 : i32
        %scan3A_813 = arith.constant 3 : i32
        %scan3A_814 = arith.addi %scan3A_790, %scan3A_813 : i32
        %swap3A_815 = arith.index_cast %scan3A_814 : i32 to index
        %swap3A_816 = arith.constant 96 : index
        %swap3A_817 = tpu.vector_load %arg9[%swap3A_815, %swap3A_816] {strides = array<i32>} : memref<128x128xf32, #tpu.memory_space<vmem>>, vector<1x16xf32>,
        %swap3A_818 = vector.shape_cast %swap3A_817 : vector<1x16xf32> to vector<16xf32>
        %swap3A_819 = vector.shape_cast %get3A_471 : vector<16xf32> to vector<1x16xf32>
        tpu.vector_store %arg9[%swap3A_815, %swap3A_816], %swap3A_819 {add = true, strides = array<i32>} : memref<128x128xf32, #tpu.memory_space<vmem>>, vector<1x16xf32>,
        %scan3A_820 = arith.constant 0 : i32
        %scan3A_821 = arith.constant 4 : i32
        %scan3A_822 = arith.addi %scan3A_790, %scan3A_821 : i32
        %swap3A_823 = arith.index_cast %scan3A_822 : i32 to index
        %swap3A_824 = arith.constant 96 : index
        %swap3A_825 = tpu.vector_load %arg9[%swap3A_823, %swap3A_824] {strides = array<i32>} : memref<128x128xf32, #tpu.memory_space<vmem>>, vector<1x16xf32>,
        %swap3A_826 = vector.shape_cast %swap3A_825 : vector<1x16xf32> to vector<16xf32>
        %swap3A_827 = vector.shape_cast %get3A_471 : vector<16xf32> to vector<1x16xf32>
        tpu.vector_store %arg9[%swap3A_823, %swap3A_824], %swap3A_827 {add = true, strides = array<i32>} : memref<128x128xf32, #tpu.memory_space<vmem>>, vector<1x16xf32>,
        %scan3A_828 = arith.constant 0 : i32
        %scan3A_829 = arith.constant 5 : i32
        %scan3A_830 = arith.addi %scan3A_790, %scan3A_829 : i32
        %swap3A_831 = arith.index_cast %scan3A_830 : i32 to index
        %swap3A_832 = arith.constant 96 : index
        %swap3A_833 = tpu.vector_load %arg9[%swap3A_831, %swap3A_832] {strides = array<i32>} : memref<128x128xf32, #tpu.memory_space<vmem>>, vector<1x16xf32>,
        %swap3A_834 = vector.shape_cast %swap3A_833 : vector<1x16xf32> to vector<16xf32>
        %swap3A_835 = vector.shape_cast %get3A_471 : vector<16xf32> to vector<1x16xf32>
        tpu.vector_store %arg9[%swap3A_831, %swap3A_832], %swap3A_835 {add = true, strides = array<i32>} : memref<128x128xf32, #tpu.memory_space<vmem>>, vector<1x16xf32>,
        %scan3A_836 = arith.constant 0 : i32
        %scan3A_837 = arith.constant 6 : i32
        %scan3A_838 = arith.addi %scan3A_790, %scan3A_837 : i32
        %swap3A_839 = arith.index_cast %scan3A_838 : i32 to index
        %swap3A_840 = arith.constant 96 : index
        %swap3A_841 = tpu.vector_load %arg9[%swap3A_839, %swap3A_840] {strides = array<i32>} : memref<128x128xf32, #tpu.memory_space<vmem>>, vector<1x16xf32>,
        %swap3A_842 = vector.shape_cast %swap3A_841 : vector<1x16xf32> to vector<16xf32>
        %swap3A_843 = vector.shape_cast %get3A_471 : vector<16xf32> to vector<1x16xf32>
        tpu.vector_store %arg9[%swap3A_839, %swap3A_840], %swap3A_843 {add = true, strides = array<i32>} : memref<128x128xf32, #tpu.memory_space<vmem>>, vector<1x16xf32>,
        %scan3A_844 = arith.constant 0 : i32
        %scan3A_845 = arith.constant 7 : i32
        %scan3A_846 = arith.addi %scan3A_790, %scan3A_845 : i32
        %swap3A_847 = arith.index_cast %scan3A_846 : i32 to index
        %swap3A_848 = arith.constant 96 : index
        %swap3A_849 = tpu.vector_load %arg9[%swap3A_847, %swap3A_848] {strides = array<i32>} : memref<128x128xf32, #tpu.memory_space<vmem>>, vector<1x16xf32>,
        %swap3A_850 = vector.shape_cast %swap3A_849 : vector<1x16xf32> to vector<16xf32>
        %swap3A_851 = vector.shape_cast %get3A_471 : vector<16xf32> to vector<1x16xf32>
        tpu.vector_store %arg9[%swap3A_847, %swap3A_848], %swap3A_851 {add = true, strides = array<i32>} : memref<128x128xf32, #tpu.memory_space<vmem>>, vector<1x16xf32>,
        %scan3A_852 = arith.constant 0 : i32
        scf.yield %scan3A_852 : i32
      }
      %scan3A_478 = arith.constant 128 : i32
      %get3A_479 = arith.index_cast %add3A_401 : i32 to index
      %get3A_480 = arith.constant 112 : index
      %get3A_481 = tpu.vector_load %arg7[%get3A_479, %get3A_480] {strides = array<i32>} : memref<50x128xf32, #tpu.memory_space<vmem>>, vector<1x16xf32>,
      %get3A_482 = vector.shape_cast %get3A_481 : vector<1x16xf32> to vector<16xf32>
      %scan3A_483 = arith.constant 0 : i32
      %scan3A_484 = arith.constant 0 : i32
      %scan3A_485 = arith.constant 128 : i32
      %scan3A_486 = arith.addi %scan3A_484, %scan3A_485 : i32
      %scan3A_487 = arith.constant 8 : i32
      %scan3A_488 = scf.for %scan3A_790 = %scan3A_484 to %scan3A_486 step %scan3A_487 iter_args(%scan3A_791 = %scan3A_483) -> (i32)  : i32 {
        %swap3A = arith.index_cast %scan3A_790 : i32 to index
        %swap3A_792 = arith.constant 112 : index
        %swap3A_793 = tpu.vector_load %arg9[%swap3A, %swap3A_792] {strides = array<i32>} : memref<128x128xf32, #tpu.memory_space<vmem>>, vector<1x16xf32>,
        %swap3A_794 = vector.shape_cast %swap3A_793 : vector<1x16xf32> to vector<16xf32>
        %swap3A_795 = vector.shape_cast %get3A_482 : vector<16xf32> to vector<1x16xf32>
        tpu.vector_store %arg9[%swap3A, %swap3A_792], %swap3A_795 {add = true, strides = array<i32>} : memref<128x128xf32, #tpu.memory_space<vmem>>, vector<1x16xf32>,
        %scan3A_796 = arith.constant 0 : i32
        %scan3A_797 = arith.constant 1 : i32
        %scan3A_798 = arith.addi %scan3A_790, %scan3A_797 : i32
        %swap3A_799 = arith.index_cast %scan3A_798 : i32 to index
        %swap3A_800 = arith.constant 112 : index
        %swap3A_801 = tpu.vector_load %arg9[%swap3A_799, %swap3A_800] {strides = array<i32>} : memref<128x128xf32, #tpu.memory_space<vmem>>, vector<1x16xf32>,
        %swap3A_802 = vector.shape_cast %swap3A_801 : vector<1x16xf32> to vector<16xf32>
        %swap3A_803 = vector.shape_cast %get3A_482 : vector<16xf32> to vector<1x16xf32>
        tpu.vector_store %arg9[%swap3A_799, %swap3A_800], %swap3A_803 {add = true, strides = array<i32>} : memref<128x128xf32, #tpu.memory_space<vmem>>, vector<1x16xf32>,
        %scan3A_804 = arith.constant 0 : i32
        %scan3A_805 = arith.constant 2 : i32
        %scan3A_806 = arith.addi %scan3A_790, %scan3A_805 : i32
        %swap3A_807 = arith.index_cast %scan3A_806 : i32 to index
        %swap3A_808 = arith.constant 112 : index
        %swap3A_809 = tpu.vector_load %arg9[%swap3A_807, %swap3A_808] {strides = array<i32>} : memref<128x128xf32, #tpu.memory_space<vmem>>, vector<1x16xf32>,
        %swap3A_810 = vector.shape_cast %swap3A_809 : vector<1x16xf32> to vector<16xf32>
        %swap3A_811 = vector.shape_cast %get3A_482 : vector<16xf32> to vector<1x16xf32>
        tpu.vector_store %arg9[%swap3A_807, %swap3A_808], %swap3A_811 {add = true, strides = array<i32>} : memref<128x128xf32, #tpu.memory_space<vmem>>, vector<1x16xf32>,
        %scan3A_812 = arith.constant 0 : i32
        %scan3A_813 = arith.constant 3 : i32
        %scan3A_814 = arith.addi %scan3A_790, %scan3A_813 : i32
        %swap3A_815 = arith.index_cast %scan3A_814 : i32 to index
        %swap3A_816 = arith.constant 112 : index
        %swap3A_817 = tpu.vector_load %arg9[%swap3A_815, %swap3A_816] {strides = array<i32>} : memref<128x128xf32, #tpu.memory_space<vmem>>, vector<1x16xf32>,
        %swap3A_818 = vector.shape_cast %swap3A_817 : vector<1x16xf32> to vector<16xf32>
        %swap3A_819 = vector.shape_cast %get3A_482 : vector<16xf32> to vector<1x16xf32>
        tpu.vector_store %arg9[%swap3A_815, %swap3A_816], %swap3A_819 {add = true, strides = array<i32>} : memref<128x128xf32, #tpu.memory_space<vmem>>, vector<1x16xf32>,
        %scan3A_820 = arith.constant 0 : i32
        %scan3A_821 = arith.constant 4 : i32
        %scan3A_822 = arith.addi %scan3A_790, %scan3A_821 : i32
        %swap3A_823 = arith.index_cast %scan3A_822 : i32 to index
        %swap3A_824 = arith.constant 112 : index
        %swap3A_825 = tpu.vector_load %arg9[%swap3A_823, %swap3A_824] {strides = array<i32>} : memref<128x128xf32, #tpu.memory_space<vmem>>, vector<1x16xf32>,
        %swap3A_826 = vector.shape_cast %swap3A_825 : vector<1x16xf32> to vector<16xf32>
        %swap3A_827 = vector.shape_cast %get3A_482 : vector<16xf32> to vector<1x16xf32>
        tpu.vector_store %arg9[%swap3A_823, %swap3A_824], %swap3A_827 {add = true, strides = array<i32>} : memref<128x128xf32, #tpu.memory_space<vmem>>, vector<1x16xf32>,
        %scan3A_828 = arith.constant 0 : i32
        %scan3A_829 = arith.constant 5 : i32
        %scan3A_830 = arith.addi %scan3A_790, %scan3A_829 : i32
        %swap3A_831 = arith.index_cast %scan3A_830 : i32 to index
        %swap3A_832 = arith.constant 112 : index
        %swap3A_833 = tpu.vector_load %arg9[%swap3A_831, %swap3A_832] {strides = array<i32>} : memref<128x128xf32, #tpu.memory_space<vmem>>, vector<1x16xf32>,
        %swap3A_834 = vector.shape_cast %swap3A_833 : vector<1x16xf32> to vector<16xf32>
        %swap3A_835 = vector.shape_cast %get3A_482 : vector<16xf32> to vector<1x16xf32>
        tpu.vector_store %arg9[%swap3A_831, %swap3A_832], %swap3A_835 {add = true, strides = array<i32>} : memref<128x128xf32, #tpu.memory_space<vmem>>, vector<1x16xf32>,
        %scan3A_836 = arith.constant 0 : i32
        %scan3A_837 = arith.constant 6 : i32
        %scan3A_838 = arith.addi %scan3A_790, %scan3A_837 : i32
        %swap3A_839 = arith.index_cast %scan3A_838 : i32 to index
        %swap3A_840 = arith.constant 112 : index
        %swap3A_841 = tpu.vector_load %arg9[%swap3A_839, %swap3A_840] {strides = array<i32>} : memref<128x128xf32, #tpu.memory_space<vmem>>, vector<1x16xf32>,
        %swap3A_842 = vector.shape_cast %swap3A_841 : vector<1x16xf32> to vector<16xf32>
        %swap3A_843 = vector.shape_cast %get3A_482 : vector<16xf32> to vector<1x16xf32>
        tpu.vector_store %arg9[%swap3A_839, %swap3A_840], %swap3A_843 {add = true, strides = array<i32>} : memref<128x128xf32, #tpu.memory_space<vmem>>, vector<1x16xf32>,
        %scan3A_844 = arith.constant 0 : i32
        %scan3A_845 = arith.constant 7 : i32
        %scan3A_846 = arith.addi %scan3A_790, %scan3A_845 : i32
        %swap3A_847 = arith.index_cast %scan3A_846 : i32 to index
        %swap3A_848 = arith.constant 112 : index
        %swap3A_849 = tpu.vector_load %arg9[%swap3A_847, %swap3A_848] {strides = array<i32>} : memref<128x128xf32, #tpu.memory_space<vmem>>, vector<1x16xf32>,
        %swap3A_850 = vector.shape_cast %swap3A_849 : vector<1x16xf32> to vector<16xf32>
        %swap3A_851 = vector.shape_cast %get3A_482 : vector<16xf32> to vector<1x16xf32>
        tpu.vector_store %arg9[%swap3A_847, %swap3A_848], %swap3A_851 {add = true, strides = array<i32>} : memref<128x128xf32, #tpu.memory_space<vmem>>, vector<1x16xf32>,
        %scan3A_852 = arith.constant 0 : i32
        scf.yield %scan3A_852 : i32
      }
      %scan3A_489 = arith.constant 128 : i32
      %add3A_490 = arith.constant 1 : i32
      %add3A_491 = arith.addi %mul3A_285, %add3A_490 : i32
      %add3A_492 = arith.constant 27 : i32
      %add3A_493 = arith.addi %add3A_492, %add3A_491 : i32
      %dma_start3A_494 = arith.constant 0 : i32
      %dma_start3A_495 = tpu.memref_slice %arg5[%add3A_493, %mul3A_2, %dma_start3A_494] : memref<77x4096x128xf32, #tpu.memory_space<hbm>> -> memref<1x128x128xf32, #tpu.memory_space<hbm>>
      %dma_start3A_496 = tpu.memref_squeeze %dma_start3A_495 : memref<1x128x128xf32, #tpu.memory_space<hbm>> -> memref<128x128xf32, #tpu.memory_space<hbm>>
      %dma_start3A_497 = arith.constant 0 : i32
      %dma_start3A_498 = tpu.memref_slice %arg5[%add3A_493, %mul3A_2, %dma_start3A_497] : memref<77x4096x128xf32, #tpu.memory_space<hbm>> -> memref<1x128x128xf32, #tpu.memory_space<hbm>>
      %dma_start3A_499 = tpu.memref_squeeze %dma_start3A_498 : memref<1x128x128xf32, #tpu.memory_space<hbm>> -> memref<128x128xf32, #tpu.memory_space<hbm>>
      tpu.enqueue_dma source(%arg9 : memref<128x128xf32, #tpu.memory_space<vmem>>) target(%dma_start3A_499 : memref<128x128xf32, #tpu.memory_space<hbm>>) target_semaphore(%arg17 : memref<!tpu.dma_semaphore, #tpu.memory_space<semaphore_mem>>)
      %dma_wait3A_500 = arith.constant 0 : i32
      %dma_wait3A_501 = arith.constant 0 : i32
      %dma_wait3A_502 = tpu.memref_slice %arg6[%dma_wait3A_500, %dma_wait3A_501] : memref<50x128xi32, #tpu.memory_space<vmem>> -> memref<1x128xi32, #tpu.memory_space<vmem>>
      %dma_wait3A_503 = tpu.memref_squeeze %dma_wait3A_502 : memref<1x128xi32, #tpu.memory_space<vmem>> -> memref<128xi32, #tpu.memory_space<vmem>>
      %dma_wait3A_504 = arith.constant 0 : i32
      %dma_wait3A_505 = arith.constant 0 : i32
      %dma_wait3A_506 = tpu.memref_slice %arg3[%dma_wait3A_504, %dma_wait3A_505] : memref<100000x128xf32, #tpu.memory_space<hbm>> -> memref<100000x128xf32, #tpu.memory_space<hbm>>
      tpu.wait_indirect_dma semaphore(%arg14 : memref<!tpu.dma_semaphore, #tpu.memory_space<semaphore_mem>>) src(%dma_wait3A_506 : memref<100000x128xf32, #tpu.memory_space<hbm>>) dst(%arg10 : memref<128x128xf32, #tpu.memory_space<vmem>>)
      %add3A_507 = arith.constant 2 : i32
      %add3A_508 = arith.addi %mul3A_285, %add3A_507 : i32
      %get3A_509 = arith.index_cast %add3A_508 : i32 to index
      %get3A_510 = arith.constant 0 : index
      %get3A_511 = tpu.vector_load %arg7[%get3A_509, %get3A_510] {strides = array<i32>} : memref<50x128xf32, #tpu.memory_space<vmem>>, vector<1x16xf32>,
      %get3A_512 = vector.shape_cast %get3A_511 : vector<1x16xf32> to vector<16xf32>
      %scan3A_513 = arith.constant 0 : i32
      %scan3A_514 = arith.constant 0 : i32
      %scan3A_515 = arith.constant 128 : i32
      %scan3A_516 = arith.addi %scan3A_514, %scan3A_515 : i32
      %scan3A_517 = arith.constant 8 : i32
      %scan3A_518 = scf.for %scan3A_790 = %scan3A_514 to %scan3A_516 step %scan3A_517 iter_args(%scan3A_791 = %scan3A_513) -> (i32)  : i32 {
        %swap3A = arith.index_cast %scan3A_790 : i32 to index
        %swap3A_792 = arith.constant 0 : index
        %swap3A_793 = tpu.vector_load %arg10[%swap3A, %swap3A_792] {strides = array<i32>} : memref<128x128xf32, #tpu.memory_space<vmem>>, vector<1x16xf32>,
        %swap3A_794 = vector.shape_cast %swap3A_793 : vector<1x16xf32> to vector<16xf32>
        %swap3A_795 = vector.shape_cast %get3A_512 : vector<16xf32> to vector<1x16xf32>
        tpu.vector_store %arg10[%swap3A, %swap3A_792], %swap3A_795 {add = true, strides = array<i32>} : memref<128x128xf32, #tpu.memory_space<vmem>>, vector<1x16xf32>,
        %scan3A_796 = arith.constant 0 : i32
        %scan3A_797 = arith.constant 1 : i32
        %scan3A_798 = arith.addi %scan3A_790, %scan3A_797 : i32
        %swap3A_799 = arith.index_cast %scan3A_798 : i32 to index
        %swap3A_800 = arith.constant 0 : index
        %swap3A_801 = tpu.vector_load %arg10[%swap3A_799, %swap3A_800] {strides = array<i32>} : memref<128x128xf32, #tpu.memory_space<vmem>>, vector<1x16xf32>,
        %swap3A_802 = vector.shape_cast %swap3A_801 : vector<1x16xf32> to vector<16xf32>
        %swap3A_803 = vector.shape_cast %get3A_512 : vector<16xf32> to vector<1x16xf32>
        tpu.vector_store %arg10[%swap3A_799, %swap3A_800], %swap3A_803 {add = true, strides = array<i32>} : memref<128x128xf32, #tpu.memory_space<vmem>>, vector<1x16xf32>,
        %scan3A_804 = arith.constant 0 : i32
        %scan3A_805 = arith.constant 2 : i32
        %scan3A_806 = arith.addi %scan3A_790, %scan3A_805 : i32
        %swap3A_807 = arith.index_cast %scan3A_806 : i32 to index
        %swap3A_808 = arith.constant 0 : index
        %swap3A_809 = tpu.vector_load %arg10[%swap3A_807, %swap3A_808] {strides = array<i32>} : memref<128x128xf32, #tpu.memory_space<vmem>>, vector<1x16xf32>,
        %swap3A_810 = vector.shape_cast %swap3A_809 : vector<1x16xf32> to vector<16xf32>
        %swap3A_811 = vector.shape_cast %get3A_512 : vector<16xf32> to vector<1x16xf32>
        tpu.vector_store %arg10[%swap3A_807, %swap3A_808], %swap3A_811 {add = true, strides = array<i32>} : memref<128x128xf32, #tpu.memory_space<vmem>>, vector<1x16xf32>,
        %scan3A_812 = arith.constant 0 : i32
        %scan3A_813 = arith.constant 3 : i32
        %scan3A_814 = arith.addi %scan3A_790, %scan3A_813 : i32
        %swap3A_815 = arith.index_cast %scan3A_814 : i32 to index
        %swap3A_816 = arith.constant 0 : index
        %swap3A_817 = tpu.vector_load %arg10[%swap3A_815, %swap3A_816] {strides = array<i32>} : memref<128x128xf32, #tpu.memory_space<vmem>>, vector<1x16xf32>,
        %swap3A_818 = vector.shape_cast %swap3A_817 : vector<1x16xf32> to vector<16xf32>
        %swap3A_819 = vector.shape_cast %get3A_512 : vector<16xf32> to vector<1x16xf32>
        tpu.vector_store %arg10[%swap3A_815, %swap3A_816], %swap3A_819 {add = true, strides = array<i32>} : memref<128x128xf32, #tpu.memory_space<vmem>>, vector<1x16xf32>,
        %scan3A_820 = arith.constant 0 : i32
        %scan3A_821 = arith.constant 4 : i32
        %scan3A_822 = arith.addi %scan3A_790, %scan3A_821 : i32
        %swap3A_823 = arith.index_cast %scan3A_822 : i32 to index
        %swap3A_824 = arith.constant 0 : index
        %swap3A_825 = tpu.vector_load %arg10[%swap3A_823, %swap3A_824] {strides = array<i32>} : memref<128x128xf32, #tpu.memory_space<vmem>>, vector<1x16xf32>,
        %swap3A_826 = vector.shape_cast %swap3A_825 : vector<1x16xf32> to vector<16xf32>
        %swap3A_827 = vector.shape_cast %get3A_512 : vector<16xf32> to vector<1x16xf32>
        tpu.vector_store %arg10[%swap3A_823, %swap3A_824], %swap3A_827 {add = true, strides = array<i32>} : memref<128x128xf32, #tpu.memory_space<vmem>>, vector<1x16xf32>,
        %scan3A_828 = arith.constant 0 : i32
        %scan3A_829 = arith.constant 5 : i32
        %scan3A_830 = arith.addi %scan3A_790, %scan3A_829 : i32
        %swap3A_831 = arith.index_cast %scan3A_830 : i32 to index
        %swap3A_832 = arith.constant 0 : index
        %swap3A_833 = tpu.vector_load %arg10[%swap3A_831, %swap3A_832] {strides = array<i32>} : memref<128x128xf32, #tpu.memory_space<vmem>>, vector<1x16xf32>,
        %swap3A_834 = vector.shape_cast %swap3A_833 : vector<1x16xf32> to vector<16xf32>
        %swap3A_835 = vector.shape_cast %get3A_512 : vector<16xf32> to vector<1x16xf32>
        tpu.vector_store %arg10[%swap3A_831, %swap3A_832], %swap3A_835 {add = true, strides = array<i32>} : memref<128x128xf32, #tpu.memory_space<vmem>>, vector<1x16xf32>,
        %scan3A_836 = arith.constant 0 : i32
        %scan3A_837 = arith.constant 6 : i32
        %scan3A_838 = arith.addi %scan3A_790, %scan3A_837 : i32
        %swap3A_839 = arith.index_cast %scan3A_838 : i32 to index
        %swap3A_840 = arith.constant 0 : index
        %swap3A_841 = tpu.vector_load %arg10[%swap3A_839, %swap3A_840] {strides = array<i32>} : memref<128x128xf32, #tpu.memory_space<vmem>>, vector<1x16xf32>,
        %swap3A_842 = vector.shape_cast %swap3A_841 : vector<1x16xf32> to vector<16xf32>
        %swap3A_843 = vector.shape_cast %get3A_512 : vector<16xf32> to vector<1x16xf32>
        tpu.vector_store %arg10[%swap3A_839, %swap3A_840], %swap3A_843 {add = true, strides = array<i32>} : memref<128x128xf32, #tpu.memory_space<vmem>>, vector<1x16xf32>,
        %scan3A_844 = arith.constant 0 : i32
        %scan3A_845 = arith.constant 7 : i32
        %scan3A_846 = arith.addi %scan3A_790, %scan3A_845 : i32
        %swap3A_847 = arith.index_cast %scan3A_846 : i32 to index
        %swap3A_848 = arith.constant 0 : index
        %swap3A_849 = tpu.vector_load %arg10[%swap3A_847, %swap3A_848] {strides = array<i32>} : memref<128x128xf32, #tpu.memory_space<vmem>>, vector<1x16xf32>,
        %swap3A_850 = vector.shape_cast %swap3A_849 : vector<1x16xf32> to vector<16xf32>
        %swap3A_851 = vector.shape_cast %get3A_512 : vector<16xf32> to vector<1x16xf32>
        tpu.vector_store %arg10[%swap3A_847, %swap3A_848], %swap3A_851 {add = true, strides = array<i32>} : memref<128x128xf32, #tpu.memory_space<vmem>>, vector<1x16xf32>,
        %scan3A_852 = arith.constant 0 : i32
        scf.yield %scan3A_852 : i32
      }
      %scan3A_519 = arith.constant 128 : i32
      %get3A_520 = arith.index_cast %add3A_508 : i32 to index
      %get3A_521 = arith.constant 16 : index
      %get3A_522 = tpu.vector_load %arg7[%get3A_520, %get3A_521] {strides = array<i32>} : memref<50x128xf32, #tpu.memory_space<vmem>>, vector<1x16xf32>,
      %get3A_523 = vector.shape_cast %get3A_522 : vector<1x16xf32> to vector<16xf32>
      %scan3A_524 = arith.constant 0 : i32
      %scan3A_525 = arith.constant 0 : i32
      %scan3A_526 = arith.constant 128 : i32
      %scan3A_527 = arith.addi %scan3A_525, %scan3A_526 : i32
      %scan3A_528 = arith.constant 8 : i32
      %scan3A_529 = scf.for %scan3A_790 = %scan3A_525 to %scan3A_527 step %scan3A_528 iter_args(%scan3A_791 = %scan3A_524) -> (i32)  : i32 {
        %swap3A = arith.index_cast %scan3A_790 : i32 to index
        %swap3A_792 = arith.constant 16 : index
        %swap3A_793 = tpu.vector_load %arg10[%swap3A, %swap3A_792] {strides = array<i32>} : memref<128x128xf32, #tpu.memory_space<vmem>>, vector<1x16xf32>,
        %swap3A_794 = vector.shape_cast %swap3A_793 : vector<1x16xf32> to vector<16xf32>
        %swap3A_795 = vector.shape_cast %get3A_523 : vector<16xf32> to vector<1x16xf32>
        tpu.vector_store %arg10[%swap3A, %swap3A_792], %swap3A_795 {add = true, strides = array<i32>} : memref<128x128xf32, #tpu.memory_space<vmem>>, vector<1x16xf32>,
        %scan3A_796 = arith.constant 0 : i32
        %scan3A_797 = arith.constant 1 : i32
        %scan3A_798 = arith.addi %scan3A_790, %scan3A_797 : i32
        %swap3A_799 = arith.index_cast %scan3A_798 : i32 to index
        %swap3A_800 = arith.constant 16 : index
        %swap3A_801 = tpu.vector_load %arg10[%swap3A_799, %swap3A_800] {strides = array<i32>} : memref<128x128xf32, #tpu.memory_space<vmem>>, vector<1x16xf32>,
        %swap3A_802 = vector.shape_cast %swap3A_801 : vector<1x16xf32> to vector<16xf32>
        %swap3A_803 = vector.shape_cast %get3A_523 : vector<16xf32> to vector<1x16xf32>
        tpu.vector_store %arg10[%swap3A_799, %swap3A_800], %swap3A_803 {add = true, strides = array<i32>} : memref<128x128xf32, #tpu.memory_space<vmem>>, vector<1x16xf32>,
        %scan3A_804 = arith.constant 0 : i32
        %scan3A_805 = arith.constant 2 : i32
        %scan3A_806 = arith.addi %scan3A_790, %scan3A_805 : i32
        %swap3A_807 = arith.index_cast %scan3A_806 : i32 to index
        %swap3A_808 = arith.constant 16 : index
        %swap3A_809 = tpu.vector_load %arg10[%swap3A_807, %swap3A_808] {strides = array<i32>} : memref<128x128xf32, #tpu.memory_space<vmem>>, vector<1x16xf32>,
        %swap3A_810 = vector.shape_cast %swap3A_809 : vector<1x16xf32> to vector<16xf32>
        %swap3A_811 = vector.shape_cast %get3A_523 : vector<16xf32> to vector<1x16xf32>
        tpu.vector_store %arg10[%swap3A_807, %swap3A_808], %swap3A_811 {add = true, strides = array<i32>} : memref<128x128xf32, #tpu.memory_space<vmem>>, vector<1x16xf32>,
        %scan3A_812 = arith.constant 0 : i32
        %scan3A_813 = arith.constant 3 : i32
        %scan3A_814 = arith.addi %scan3A_790, %scan3A_813 : i32
        %swap3A_815 = arith.index_cast %scan3A_814 : i32 to index
        %swap3A_816 = arith.constant 16 : index
        %swap3A_817 = tpu.vector_load %arg10[%swap3A_815, %swap3A_816] {strides = array<i32>} : memref<128x128xf32, #tpu.memory_space<vmem>>, vector<1x16xf32>,
        %swap3A_818 = vector.shape_cast %swap3A_817 : vector<1x16xf32> to vector<16xf32>
        %swap3A_819 = vector.shape_cast %get3A_523 : vector<16xf32> to vector<1x16xf32>
        tpu.vector_store %arg10[%swap3A_815, %swap3A_816], %swap3A_819 {add = true, strides = array<i32>} : memref<128x128xf32, #tpu.memory_space<vmem>>, vector<1x16xf32>,
        %scan3A_820 = arith.constant 0 : i32
        %scan3A_821 = arith.constant 4 : i32
        %scan3A_822 = arith.addi %scan3A_790, %scan3A_821 : i32
        %swap3A_823 = arith.index_cast %scan3A_822 : i32 to index
        %swap3A_824 = arith.constant 16 : index
        %swap3A_825 = tpu.vector_load %arg10[%swap3A_823, %swap3A_824] {strides = array<i32>} : memref<128x128xf32, #tpu.memory_space<vmem>>, vector<1x16xf32>,
        %swap3A_826 = vector.shape_cast %swap3A_825 : vector<1x16xf32> to vector<16xf32>
        %swap3A_827 = vector.shape_cast %get3A_523 : vector<16xf32> to vector<1x16xf32>
        tpu.vector_store %arg10[%swap3A_823, %swap3A_824], %swap3A_827 {add = true, strides = array<i32>} : memref<128x128xf32, #tpu.memory_space<vmem>>, vector<1x16xf32>,
        %scan3A_828 = arith.constant 0 : i32
        %scan3A_829 = arith.constant 5 : i32
        %scan3A_830 = arith.addi %scan3A_790, %scan3A_829 : i32
        %swap3A_831 = arith.index_cast %scan3A_830 : i32 to index
        %swap3A_832 = arith.constant 16 : index
        %swap3A_833 = tpu.vector_load %arg10[%swap3A_831, %swap3A_832] {strides = array<i32>} : memref<128x128xf32, #tpu.memory_space<vmem>>, vector<1x16xf32>,
        %swap3A_834 = vector.shape_cast %swap3A_833 : vector<1x16xf32> to vector<16xf32>
        %swap3A_835 = vector.shape_cast %get3A_523 : vector<16xf32> to vector<1x16xf32>
        tpu.vector_store %arg10[%swap3A_831, %swap3A_832], %swap3A_835 {add = true, strides = array<i32>} : memref<128x128xf32, #tpu.memory_space<vmem>>, vector<1x16xf32>,
        %scan3A_836 = arith.constant 0 : i32
        %scan3A_837 = arith.constant 6 : i32
        %scan3A_838 = arith.addi %scan3A_790, %scan3A_837 : i32
        %swap3A_839 = arith.index_cast %scan3A_838 : i32 to index
        %swap3A_840 = arith.constant 16 : index
        %swap3A_841 = tpu.vector_load %arg10[%swap3A_839, %swap3A_840] {strides = array<i32>} : memref<128x128xf32, #tpu.memory_space<vmem>>, vector<1x16xf32>,
        %swap3A_842 = vector.shape_cast %swap3A_841 : vector<1x16xf32> to vector<16xf32>
        %swap3A_843 = vector.shape_cast %get3A_523 : vector<16xf32> to vector<1x16xf32>
        tpu.vector_store %arg10[%swap3A_839, %swap3A_840], %swap3A_843 {add = true, strides = array<i32>} : memref<128x128xf32, #tpu.memory_space<vmem>>, vector<1x16xf32>,
        %scan3A_844 = arith.constant 0 : i32
        %scan3A_845 = arith.constant 7 : i32
        %scan3A_846 = arith.addi %scan3A_790, %scan3A_845 : i32
        %swap3A_847 = arith.index_cast %scan3A_846 : i32 to index
        %swap3A_848 = arith.constant 16 : index
        %swap3A_849 = tpu.vector_load %arg10[%swap3A_847, %swap3A_848] {strides = array<i32>} : memref<128x128xf32, #tpu.memory_space<vmem>>, vector<1x16xf32>,
        %swap3A_850 = vector.shape_cast %swap3A_849 : vector<1x16xf32> to vector<16xf32>
        %swap3A_851 = vector.shape_cast %get3A_523 : vector<16xf32> to vector<1x16xf32>
        tpu.vector_store %arg10[%swap3A_847, %swap3A_848], %swap3A_851 {add = true, strides = array<i32>} : memref<128x128xf32, #tpu.memory_space<vmem>>, vector<1x16xf32>,
        %scan3A_852 = arith.constant 0 : i32
        scf.yield %scan3A_852 : i32
      }
      %scan3A_530 = arith.constant 128 : i32
      %get3A_531 = arith.index_cast %add3A_508 : i32 to index
      %get3A_532 = arith.constant 32 : index
      %get3A_533 = tpu.vector_load %arg7[%get3A_531, %get3A_532] {strides = array<i32>} : memref<50x128xf32, #tpu.memory_space<vmem>>, vector<1x16xf32>,
      %get3A_534 = vector.shape_cast %get3A_533 : vector<1x16xf32> to vector<16xf32>
      %scan3A_535 = arith.constant 0 : i32
      %scan3A_536 = arith.constant 0 : i32
      %scan3A_537 = arith.constant 128 : i32
      %scan3A_538 = arith.addi %scan3A_536, %scan3A_537 : i32
      %scan3A_539 = arith.constant 8 : i32
      %scan3A_540 = scf.for %scan3A_790 = %scan3A_536 to %scan3A_538 step %scan3A_539 iter_args(%scan3A_791 = %scan3A_535) -> (i32)  : i32 {
        %swap3A = arith.index_cast %scan3A_790 : i32 to index
        %swap3A_792 = arith.constant 32 : index
        %swap3A_793 = tpu.vector_load %arg10[%swap3A, %swap3A_792] {strides = array<i32>} : memref<128x128xf32, #tpu.memory_space<vmem>>, vector<1x16xf32>,
        %swap3A_794 = vector.shape_cast %swap3A_793 : vector<1x16xf32> to vector<16xf32>
        %swap3A_795 = vector.shape_cast %get3A_534 : vector<16xf32> to vector<1x16xf32>
        tpu.vector_store %arg10[%swap3A, %swap3A_792], %swap3A_795 {add = true, strides = array<i32>} : memref<128x128xf32, #tpu.memory_space<vmem>>, vector<1x16xf32>,
        %scan3A_796 = arith.constant 0 : i32
        %scan3A_797 = arith.constant 1 : i32
        %scan3A_798 = arith.addi %scan3A_790, %scan3A_797 : i32
        %swap3A_799 = arith.index_cast %scan3A_798 : i32 to index
        %swap3A_800 = arith.constant 32 : index
        %swap3A_801 = tpu.vector_load %arg10[%swap3A_799, %swap3A_800] {strides = array<i32>} : memref<128x128xf32, #tpu.memory_space<vmem>>, vector<1x16xf32>,
        %swap3A_802 = vector.shape_cast %swap3A_801 : vector<1x16xf32> to vector<16xf32>
        %swap3A_803 = vector.shape_cast %get3A_534 : vector<16xf32> to vector<1x16xf32>
        tpu.vector_store %arg10[%swap3A_799, %swap3A_800], %swap3A_803 {add = true, strides = array<i32>} : memref<128x128xf32, #tpu.memory_space<vmem>>, vector<1x16xf32>,
        %scan3A_804 = arith.constant 0 : i32
        %scan3A_805 = arith.constant 2 : i32
        %scan3A_806 = arith.addi %scan3A_790, %scan3A_805 : i32
        %swap3A_807 = arith.index_cast %scan3A_806 : i32 to index
        %swap3A_808 = arith.constant 32 : index
        %swap3A_809 = tpu.vector_load %arg10[%swap3A_807, %swap3A_808] {strides = array<i32>} : memref<128x128xf32, #tpu.memory_space<vmem>>, vector<1x16xf32>,
        %swap3A_810 = vector.shape_cast %swap3A_809 : vector<1x16xf32> to vector<16xf32>
        %swap3A_811 = vector.shape_cast %get3A_534 : vector<16xf32> to vector<1x16xf32>
        tpu.vector_store %arg10[%swap3A_807, %swap3A_808], %swap3A_811 {add = true, strides = array<i32>} : memref<128x128xf32, #tpu.memory_space<vmem>>, vector<1x16xf32>,
        %scan3A_812 = arith.constant 0 : i32
        %scan3A_813 = arith.constant 3 : i32
        %scan3A_814 = arith.addi %scan3A_790, %scan3A_813 : i32
        %swap3A_815 = arith.index_cast %scan3A_814 : i32 to index
        %swap3A_816 = arith.constant 32 : index
        %swap3A_817 = tpu.vector_load %arg10[%swap3A_815, %swap3A_816] {strides = array<i32>} : memref<128x128xf32, #tpu.memory_space<vmem>>, vector<1x16xf32>,
        %swap3A_818 = vector.shape_cast %swap3A_817 : vector<1x16xf32> to vector<16xf32>
        %swap3A_819 = vector.shape_cast %get3A_534 : vector<16xf32> to vector<1x16xf32>
        tpu.vector_store %arg10[%swap3A_815, %swap3A_816], %swap3A_819 {add = true, strides = array<i32>} : memref<128x128xf32, #tpu.memory_space<vmem>>, vector<1x16xf32>,
        %scan3A_820 = arith.constant 0 : i32
        %scan3A_821 = arith.constant 4 : i32
        %scan3A_822 = arith.addi %scan3A_790, %scan3A_821 : i32
        %swap3A_823 = arith.index_cast %scan3A_822 : i32 to index
        %swap3A_824 = arith.constant 32 : index
        %swap3A_825 = tpu.vector_load %arg10[%swap3A_823, %swap3A_824] {strides = array<i32>} : memref<128x128xf32, #tpu.memory_space<vmem>>, vector<1x16xf32>,
        %swap3A_826 = vector.shape_cast %swap3A_825 : vector<1x16xf32> to vector<16xf32>
        %swap3A_827 = vector.shape_cast %get3A_534 : vector<16xf32> to vector<1x16xf32>
        tpu.vector_store %arg10[%swap3A_823, %swap3A_824], %swap3A_827 {add = true, strides = array<i32>} : memref<128x128xf32, #tpu.memory_space<vmem>>, vector<1x16xf32>,
        %scan3A_828 = arith.constant 0 : i32
        %scan3A_829 = arith.constant 5 : i32
        %scan3A_830 = arith.addi %scan3A_790, %scan3A_829 : i32
        %swap3A_831 = arith.index_cast %scan3A_830 : i32 to index
        %swap3A_832 = arith.constant 32 : index
        %swap3A_833 = tpu.vector_load %arg10[%swap3A_831, %swap3A_832] {strides = array<i32>} : memref<128x128xf32, #tpu.memory_space<vmem>>, vector<1x16xf32>,
        %swap3A_834 = vector.shape_cast %swap3A_833 : vector<1x16xf32> to vector<16xf32>
        %swap3A_835 = vector.shape_cast %get3A_534 : vector<16xf32> to vector<1x16xf32>
        tpu.vector_store %arg10[%swap3A_831, %swap3A_832], %swap3A_835 {add = true, strides = array<i32>} : memref<128x128xf32, #tpu.memory_space<vmem>>, vector<1x16xf32>,
        %scan3A_836 = arith.constant 0 : i32
        %scan3A_837 = arith.constant 6 : i32
        %scan3A_838 = arith.addi %scan3A_790, %scan3A_837 : i32
        %swap3A_839 = arith.index_cast %scan3A_838 : i32 to index
        %swap3A_840 = arith.constant 32 : index
        %swap3A_841 = tpu.vector_load %arg10[%swap3A_839, %swap3A_840] {strides = array<i32>} : memref<128x128xf32, #tpu.memory_space<vmem>>, vector<1x16xf32>,
        %swap3A_842 = vector.shape_cast %swap3A_841 : vector<1x16xf32> to vector<16xf32>
        %swap3A_843 = vector.shape_cast %get3A_534 : vector<16xf32> to vector<1x16xf32>
        tpu.vector_store %arg10[%swap3A_839, %swap3A_840], %swap3A_843 {add = true, strides = array<i32>} : memref<128x128xf32, #tpu.memory_space<vmem>>, vector<1x16xf32>,
        %scan3A_844 = arith.constant 0 : i32
        %scan3A_845 = arith.constant 7 : i32
        %scan3A_846 = arith.addi %scan3A_790, %scan3A_845 : i32
        %swap3A_847 = arith.index_cast %scan3A_846 : i32 to index
        %swap3A_848 = arith.constant 32 : index
        %swap3A_849 = tpu.vector_load %arg10[%swap3A_847, %swap3A_848] {strides = array<i32>} : memref<128x128xf32, #tpu.memory_space<vmem>>, vector<1x16xf32>,
        %swap3A_850 = vector.shape_cast %swap3A_849 : vector<1x16xf32> to vector<16xf32>
        %swap3A_851 = vector.shape_cast %get3A_534 : vector<16xf32> to vector<1x16xf32>
        tpu.vector_store %arg10[%swap3A_847, %swap3A_848], %swap3A_851 {add = true, strides = array<i32>} : memref<128x128xf32, #tpu.memory_space<vmem>>, vector<1x16xf32>,
        %scan3A_852 = arith.constant 0 : i32
        scf.yield %scan3A_852 : i32
      }
      %scan3A_541 = arith.constant 128 : i32
      %get3A_542 = arith.index_cast %add3A_508 : i32 to index
      %get3A_543 = arith.constant 48 : index
      %get3A_544 = tpu.vector_load %arg7[%get3A_542, %get3A_543] {strides = array<i32>} : memref<50x128xf32, #tpu.memory_space<vmem>>, vector<1x16xf32>,
      %get3A_545 = vector.shape_cast %get3A_544 : vector<1x16xf32> to vector<16xf32>
      %scan3A_546 = arith.constant 0 : i32
      %scan3A_547 = arith.constant 0 : i32
      %scan3A_548 = arith.constant 128 : i32
      %scan3A_549 = arith.addi %scan3A_547, %scan3A_548 : i32
      %scan3A_550 = arith.constant 8 : i32
      %scan3A_551 = scf.for %scan3A_790 = %scan3A_547 to %scan3A_549 step %scan3A_550 iter_args(%scan3A_791 = %scan3A_546) -> (i32)  : i32 {
        %swap3A = arith.index_cast %scan3A_790 : i32 to index
        %swap3A_792 = arith.constant 48 : index
        %swap3A_793 = tpu.vector_load %arg10[%swap3A, %swap3A_792] {strides = array<i32>} : memref<128x128xf32, #tpu.memory_space<vmem>>, vector<1x16xf32>,
        %swap3A_794 = vector.shape_cast %swap3A_793 : vector<1x16xf32> to vector<16xf32>
        %swap3A_795 = vector.shape_cast %get3A_545 : vector<16xf32> to vector<1x16xf32>
        tpu.vector_store %arg10[%swap3A, %swap3A_792], %swap3A_795 {add = true, strides = array<i32>} : memref<128x128xf32, #tpu.memory_space<vmem>>, vector<1x16xf32>,
        %scan3A_796 = arith.constant 0 : i32
        %scan3A_797 = arith.constant 1 : i32
        %scan3A_798 = arith.addi %scan3A_790, %scan3A_797 : i32
        %swap3A_799 = arith.index_cast %scan3A_798 : i32 to index
        %swap3A_800 = arith.constant 48 : index
        %swap3A_801 = tpu.vector_load %arg10[%swap3A_799, %swap3A_800] {strides = array<i32>} : memref<128x128xf32, #tpu.memory_space<vmem>>, vector<1x16xf32>,
        %swap3A_802 = vector.shape_cast %swap3A_801 : vector<1x16xf32> to vector<16xf32>
        %swap3A_803 = vector.shape_cast %get3A_545 : vector<16xf32> to vector<1x16xf32>
        tpu.vector_store %arg10[%swap3A_799, %swap3A_800], %swap3A_803 {add = true, strides = array<i32>} : memref<128x128xf32, #tpu.memory_space<vmem>>, vector<1x16xf32>,
        %scan3A_804 = arith.constant 0 : i32
        %scan3A_805 = arith.constant 2 : i32
        %scan3A_806 = arith.addi %scan3A_790, %scan3A_805 : i32
        %swap3A_807 = arith.index_cast %scan3A_806 : i32 to index
        %swap3A_808 = arith.constant 48 : index
        %swap3A_809 = tpu.vector_load %arg10[%swap3A_807, %swap3A_808] {strides = array<i32>} : memref<128x128xf32, #tpu.memory_space<vmem>>, vector<1x16xf32>,
        %swap3A_810 = vector.shape_cast %swap3A_809 : vector<1x16xf32> to vector<16xf32>
        %swap3A_811 = vector.shape_cast %get3A_545 : vector<16xf32> to vector<1x16xf32>
        tpu.vector_store %arg10[%swap3A_807, %swap3A_808], %swap3A_811 {add = true, strides = array<i32>} : memref<128x128xf32, #tpu.memory_space<vmem>>, vector<1x16xf32>,
        %scan3A_812 = arith.constant 0 : i32
        %scan3A_813 = arith.constant 3 : i32
        %scan3A_814 = arith.addi %scan3A_790, %scan3A_813 : i32
        %swap3A_815 = arith.index_cast %scan3A_814 : i32 to index
        %swap3A_816 = arith.constant 48 : index
        %swap3A_817 = tpu.vector_load %arg10[%swap3A_815, %swap3A_816] {strides = array<i32>} : memref<128x128xf32, #tpu.memory_space<vmem>>, vector<1x16xf32>,
        %swap3A_818 = vector.shape_cast %swap3A_817 : vector<1x16xf32> to vector<16xf32>
        %swap3A_819 = vector.shape_cast %get3A_545 : vector<16xf32> to vector<1x16xf32>
        tpu.vector_store %arg10[%swap3A_815, %swap3A_816], %swap3A_819 {add = true, strides = array<i32>} : memref<128x128xf32, #tpu.memory_space<vmem>>, vector<1x16xf32>,
        %scan3A_820 = arith.constant 0 : i32
        %scan3A_821 = arith.constant 4 : i32
        %scan3A_822 = arith.addi %scan3A_790, %scan3A_821 : i32
        %swap3A_823 = arith.index_cast %scan3A_822 : i32 to index
        %swap3A_824 = arith.constant 48 : index
        %swap3A_825 = tpu.vector_load %arg10[%swap3A_823, %swap3A_824] {strides = array<i32>} : memref<128x128xf32, #tpu.memory_space<vmem>>, vector<1x16xf32>,
        %swap3A_826 = vector.shape_cast %swap3A_825 : vector<1x16xf32> to vector<16xf32>
        %swap3A_827 = vector.shape_cast %get3A_545 : vector<16xf32> to vector<1x16xf32>
        tpu.vector_store %arg10[%swap3A_823, %swap3A_824], %swap3A_827 {add = true, strides = array<i32>} : memref<128x128xf32, #tpu.memory_space<vmem>>, vector<1x16xf32>,
        %scan3A_828 = arith.constant 0 : i32
        %scan3A_829 = arith.constant 5 : i32
        %scan3A_830 = arith.addi %scan3A_790, %scan3A_829 : i32
        %swap3A_831 = arith.index_cast %scan3A_830 : i32 to index
        %swap3A_832 = arith.constant 48 : index
        %swap3A_833 = tpu.vector_load %arg10[%swap3A_831, %swap3A_832] {strides = array<i32>} : memref<128x128xf32, #tpu.memory_space<vmem>>, vector<1x16xf32>,
        %swap3A_834 = vector.shape_cast %swap3A_833 : vector<1x16xf32> to vector<16xf32>
        %swap3A_835 = vector.shape_cast %get3A_545 : vector<16xf32> to vector<1x16xf32>
        tpu.vector_store %arg10[%swap3A_831, %swap3A_832], %swap3A_835 {add = true, strides = array<i32>} : memref<128x128xf32, #tpu.memory_space<vmem>>, vector<1x16xf32>,
        %scan3A_836 = arith.constant 0 : i32
        %scan3A_837 = arith.constant 6 : i32
        %scan3A_838 = arith.addi %scan3A_790, %scan3A_837 : i32
        %swap3A_839 = arith.index_cast %scan3A_838 : i32 to index
        %swap3A_840 = arith.constant 48 : index
        %swap3A_841 = tpu.vector_load %arg10[%swap3A_839, %swap3A_840] {strides = array<i32>} : memref<128x128xf32, #tpu.memory_space<vmem>>, vector<1x16xf32>,
        %swap3A_842 = vector.shape_cast %swap3A_841 : vector<1x16xf32> to vector<16xf32>
        %swap3A_843 = vector.shape_cast %get3A_545 : vector<16xf32> to vector<1x16xf32>
        tpu.vector_store %arg10[%swap3A_839, %swap3A_840], %swap3A_843 {add = true, strides = array<i32>} : memref<128x128xf32, #tpu.memory_space<vmem>>, vector<1x16xf32>,
        %scan3A_844 = arith.constant 0 : i32
        %scan3A_845 = arith.constant 7 : i32
        %scan3A_846 = arith.addi %scan3A_790, %scan3A_845 : i32
        %swap3A_847 = arith.index_cast %scan3A_846 : i32 to index
        %swap3A_848 = arith.constant 48 : index
        %swap3A_849 = tpu.vector_load %arg10[%swap3A_847, %swap3A_848] {strides = array<i32>} : memref<128x128xf32, #tpu.memory_space<vmem>>, vector<1x16xf32>,
        %swap3A_850 = vector.shape_cast %swap3A_849 : vector<1x16xf32> to vector<16xf32>
        %swap3A_851 = vector.shape_cast %get3A_545 : vector<16xf32> to vector<1x16xf32>
        tpu.vector_store %arg10[%swap3A_847, %swap3A_848], %swap3A_851 {add = true, strides = array<i32>} : memref<128x128xf32, #tpu.memory_space<vmem>>, vector<1x16xf32>,
        %scan3A_852 = arith.constant 0 : i32
        scf.yield %scan3A_852 : i32
      }
      %scan3A_552 = arith.constant 128 : i32
      %get3A_553 = arith.index_cast %add3A_508 : i32 to index
      %get3A_554 = arith.constant 64 : index
      %get3A_555 = tpu.vector_load %arg7[%get3A_553, %get3A_554] {strides = array<i32>} : memref<50x128xf32, #tpu.memory_space<vmem>>, vector<1x16xf32>,
      %get3A_556 = vector.shape_cast %get3A_555 : vector<1x16xf32> to vector<16xf32>
      %scan3A_557 = arith.constant 0 : i32
      %scan3A_558 = arith.constant 0 : i32
      %scan3A_559 = arith.constant 128 : i32
      %scan3A_560 = arith.addi %scan3A_558, %scan3A_559 : i32
      %scan3A_561 = arith.constant 8 : i32
      %scan3A_562 = scf.for %scan3A_790 = %scan3A_558 to %scan3A_560 step %scan3A_561 iter_args(%scan3A_791 = %scan3A_557) -> (i32)  : i32 {
        %swap3A = arith.index_cast %scan3A_790 : i32 to index
        %swap3A_792 = arith.constant 64 : index
        %swap3A_793 = tpu.vector_load %arg10[%swap3A, %swap3A_792] {strides = array<i32>} : memref<128x128xf32, #tpu.memory_space<vmem>>, vector<1x16xf32>,
        %swap3A_794 = vector.shape_cast %swap3A_793 : vector<1x16xf32> to vector<16xf32>
        %swap3A_795 = vector.shape_cast %get3A_556 : vector<16xf32> to vector<1x16xf32>
        tpu.vector_store %arg10[%swap3A, %swap3A_792], %swap3A_795 {add = true, strides = array<i32>} : memref<128x128xf32, #tpu.memory_space<vmem>>, vector<1x16xf32>,
        %scan3A_796 = arith.constant 0 : i32
        %scan3A_797 = arith.constant 1 : i32
        %scan3A_798 = arith.addi %scan3A_790, %scan3A_797 : i32
        %swap3A_799 = arith.index_cast %scan3A_798 : i32 to index
        %swap3A_800 = arith.constant 64 : index
        %swap3A_801 = tpu.vector_load %arg10[%swap3A_799, %swap3A_800] {strides = array<i32>} : memref<128x128xf32, #tpu.memory_space<vmem>>, vector<1x16xf32>,
        %swap3A_802 = vector.shape_cast %swap3A_801 : vector<1x16xf32> to vector<16xf32>
        %swap3A_803 = vector.shape_cast %get3A_556 : vector<16xf32> to vector<1x16xf32>
        tpu.vector_store %arg10[%swap3A_799, %swap3A_800], %swap3A_803 {add = true, strides = array<i32>} : memref<128x128xf32, #tpu.memory_space<vmem>>, vector<1x16xf32>,
        %scan3A_804 = arith.constant 0 : i32
        %scan3A_805 = arith.constant 2 : i32
        %scan3A_806 = arith.addi %scan3A_790, %scan3A_805 : i32
        %swap3A_807 = arith.index_cast %scan3A_806 : i32 to index
        %swap3A_808 = arith.constant 64 : index
        %swap3A_809 = tpu.vector_load %arg10[%swap3A_807, %swap3A_808] {strides = array<i32>} : memref<128x128xf32, #tpu.memory_space<vmem>>, vector<1x16xf32>,
        %swap3A_810 = vector.shape_cast %swap3A_809 : vector<1x16xf32> to vector<16xf32>
        %swap3A_811 = vector.shape_cast %get3A_556 : vector<16xf32> to vector<1x16xf32>
        tpu.vector_store %arg10[%swap3A_807, %swap3A_808], %swap3A_811 {add = true, strides = array<i32>} : memref<128x128xf32, #tpu.memory_space<vmem>>, vector<1x16xf32>,
        %scan3A_812 = arith.constant 0 : i32
        %scan3A_813 = arith.constant 3 : i32
        %scan3A_814 = arith.addi %scan3A_790, %scan3A_813 : i32
        %swap3A_815 = arith.index_cast %scan3A_814 : i32 to index
        %swap3A_816 = arith.constant 64 : index
        %swap3A_817 = tpu.vector_load %arg10[%swap3A_815, %swap3A_816] {strides = array<i32>} : memref<128x128xf32, #tpu.memory_space<vmem>>, vector<1x16xf32>,
        %swap3A_818 = vector.shape_cast %swap3A_817 : vector<1x16xf32> to vector<16xf32>
        %swap3A_819 = vector.shape_cast %get3A_556 : vector<16xf32> to vector<1x16xf32>
        tpu.vector_store %arg10[%swap3A_815, %swap3A_816], %swap3A_819 {add = true, strides = array<i32>} : memref<128x128xf32, #tpu.memory_space<vmem>>, vector<1x16xf32>,
        %scan3A_820 = arith.constant 0 : i32
        %scan3A_821 = arith.constant 4 : i32
        %scan3A_822 = arith.addi %scan3A_790, %scan3A_821 : i32
        %swap3A_823 = arith.index_cast %scan3A_822 : i32 to index
        %swap3A_824 = arith.constant 64 : index
        %swap3A_825 = tpu.vector_load %arg10[%swap3A_823, %swap3A_824] {strides = array<i32>} : memref<128x128xf32, #tpu.memory_space<vmem>>, vector<1x16xf32>,
        %swap3A_826 = vector.shape_cast %swap3A_825 : vector<1x16xf32> to vector<16xf32>
        %swap3A_827 = vector.shape_cast %get3A_556 : vector<16xf32> to vector<1x16xf32>
        tpu.vector_store %arg10[%swap3A_823, %swap3A_824], %swap3A_827 {add = true, strides = array<i32>} : memref<128x128xf32, #tpu.memory_space<vmem>>, vector<1x16xf32>,
        %scan3A_828 = arith.constant 0 : i32
        %scan3A_829 = arith.constant 5 : i32
        %scan3A_830 = arith.addi %scan3A_790, %scan3A_829 : i32
        %swap3A_831 = arith.index_cast %scan3A_830 : i32 to index
        %swap3A_832 = arith.constant 64 : index
        %swap3A_833 = tpu.vector_load %arg10[%swap3A_831, %swap3A_832] {strides = array<i32>} : memref<128x128xf32, #tpu.memory_space<vmem>>, vector<1x16xf32>,
        %swap3A_834 = vector.shape_cast %swap3A_833 : vector<1x16xf32> to vector<16xf32>
        %swap3A_835 = vector.shape_cast %get3A_556 : vector<16xf32> to vector<1x16xf32>
        tpu.vector_store %arg10[%swap3A_831, %swap3A_832], %swap3A_835 {add = true, strides = array<i32>} : memref<128x128xf32, #tpu.memory_space<vmem>>, vector<1x16xf32>,
        %scan3A_836 = arith.constant 0 : i32
        %scan3A_837 = arith.constant 6 : i32
        %scan3A_838 = arith.addi %scan3A_790, %scan3A_837 : i32
        %swap3A_839 = arith.index_cast %scan3A_838 : i32 to index
        %swap3A_840 = arith.constant 64 : index
        %swap3A_841 = tpu.vector_load %arg10[%swap3A_839, %swap3A_840] {strides = array<i32>} : memref<128x128xf32, #tpu.memory_space<vmem>>, vector<1x16xf32>,
        %swap3A_842 = vector.shape_cast %swap3A_841 : vector<1x16xf32> to vector<16xf32>
        %swap3A_843 = vector.shape_cast %get3A_556 : vector<16xf32> to vector<1x16xf32>
        tpu.vector_store %arg10[%swap3A_839, %swap3A_840], %swap3A_843 {add = true, strides = array<i32>} : memref<128x128xf32, #tpu.memory_space<vmem>>, vector<1x16xf32>,
        %scan3A_844 = arith.constant 0 : i32
        %scan3A_845 = arith.constant 7 : i32
        %scan3A_846 = arith.addi %scan3A_790, %scan3A_845 : i32
        %swap3A_847 = arith.index_cast %scan3A_846 : i32 to index
        %swap3A_848 = arith.constant 64 : index
        %swap3A_849 = tpu.vector_load %arg10[%swap3A_847, %swap3A_848] {strides = array<i32>} : memref<128x128xf32, #tpu.memory_space<vmem>>, vector<1x16xf32>,
        %swap3A_850 = vector.shape_cast %swap3A_849 : vector<1x16xf32> to vector<16xf32>
        %swap3A_851 = vector.shape_cast %get3A_556 : vector<16xf32> to vector<1x16xf32>
        tpu.vector_store %arg10[%swap3A_847, %swap3A_848], %swap3A_851 {add = true, strides = array<i32>} : memref<128x128xf32, #tpu.memory_space<vmem>>, vector<1x16xf32>,
        %scan3A_852 = arith.constant 0 : i32
        scf.yield %scan3A_852 : i32
      }
      %scan3A_563 = arith.constant 128 : i32
      %get3A_564 = arith.index_cast %add3A_508 : i32 to index
      %get3A_565 = arith.constant 80 : index
      %get3A_566 = tpu.vector_load %arg7[%get3A_564, %get3A_565] {strides = array<i32>} : memref<50x128xf32, #tpu.memory_space<vmem>>, vector<1x16xf32>,
      %get3A_567 = vector.shape_cast %get3A_566 : vector<1x16xf32> to vector<16xf32>
      %scan3A_568 = arith.constant 0 : i32
      %scan3A_569 = arith.constant 0 : i32
      %scan3A_570 = arith.constant 128 : i32
      %scan3A_571 = arith.addi %scan3A_569, %scan3A_570 : i32
      %scan3A_572 = arith.constant 8 : i32
      %scan3A_573 = scf.for %scan3A_790 = %scan3A_569 to %scan3A_571 step %scan3A_572 iter_args(%scan3A_791 = %scan3A_568) -> (i32)  : i32 {
        %swap3A = arith.index_cast %scan3A_790 : i32 to index
        %swap3A_792 = arith.constant 80 : index
        %swap3A_793 = tpu.vector_load %arg10[%swap3A, %swap3A_792] {strides = array<i32>} : memref<128x128xf32, #tpu.memory_space<vmem>>, vector<1x16xf32>,
        %swap3A_794 = vector.shape_cast %swap3A_793 : vector<1x16xf32> to vector<16xf32>
        %swap3A_795 = vector.shape_cast %get3A_567 : vector<16xf32> to vector<1x16xf32>
        tpu.vector_store %arg10[%swap3A, %swap3A_792], %swap3A_795 {add = true, strides = array<i32>} : memref<128x128xf32, #tpu.memory_space<vmem>>, vector<1x16xf32>,
        %scan3A_796 = arith.constant 0 : i32
        %scan3A_797 = arith.constant 1 : i32
        %scan3A_798 = arith.addi %scan3A_790, %scan3A_797 : i32
        %swap3A_799 = arith.index_cast %scan3A_798 : i32 to index
        %swap3A_800 = arith.constant 80 : index
        %swap3A_801 = tpu.vector_load %arg10[%swap3A_799, %swap3A_800] {strides = array<i32>} : memref<128x128xf32, #tpu.memory_space<vmem>>, vector<1x16xf32>,
        %swap3A_802 = vector.shape_cast %swap3A_801 : vector<1x16xf32> to vector<16xf32>
        %swap3A_803 = vector.shape_cast %get3A_567 : vector<16xf32> to vector<1x16xf32>
        tpu.vector_store %arg10[%swap3A_799, %swap3A_800], %swap3A_803 {add = true, strides = array<i32>} : memref<128x128xf32, #tpu.memory_space<vmem>>, vector<1x16xf32>,
        %scan3A_804 = arith.constant 0 : i32
        %scan3A_805 = arith.constant 2 : i32
        %scan3A_806 = arith.addi %scan3A_790, %scan3A_805 : i32
        %swap3A_807 = arith.index_cast %scan3A_806 : i32 to index
        %swap3A_808 = arith.constant 80 : index
        %swap3A_809 = tpu.vector_load %arg10[%swap3A_807, %swap3A_808] {strides = array<i32>} : memref<128x128xf32, #tpu.memory_space<vmem>>, vector<1x16xf32>,
        %swap3A_810 = vector.shape_cast %swap3A_809 : vector<1x16xf32> to vector<16xf32>
        %swap3A_811 = vector.shape_cast %get3A_567 : vector<16xf32> to vector<1x16xf32>
        tpu.vector_store %arg10[%swap3A_807, %swap3A_808], %swap3A_811 {add = true, strides = array<i32>} : memref<128x128xf32, #tpu.memory_space<vmem>>, vector<1x16xf32>,
        %scan3A_812 = arith.constant 0 : i32
        %scan3A_813 = arith.constant 3 : i32
        %scan3A_814 = arith.addi %scan3A_790, %scan3A_813 : i32
        %swap3A_815 = arith.index_cast %scan3A_814 : i32 to index
        %swap3A_816 = arith.constant 80 : index
        %swap3A_817 = tpu.vector_load %arg10[%swap3A_815, %swap3A_816] {strides = array<i32>} : memref<128x128xf32, #tpu.memory_space<vmem>>, vector<1x16xf32>,
        %swap3A_818 = vector.shape_cast %swap3A_817 : vector<1x16xf32> to vector<16xf32>
        %swap3A_819 = vector.shape_cast %get3A_567 : vector<16xf32> to vector<1x16xf32>
        tpu.vector_store %arg10[%swap3A_815, %swap3A_816], %swap3A_819 {add = true, strides = array<i32>} : memref<128x128xf32, #tpu.memory_space<vmem>>, vector<1x16xf32>,
        %scan3A_820 = arith.constant 0 : i32
        %scan3A_821 = arith.constant 4 : i32
        %scan3A_822 = arith.addi %scan3A_790, %scan3A_821 : i32
        %swap3A_823 = arith.index_cast %scan3A_822 : i32 to index
        %swap3A_824 = arith.constant 80 : index
        %swap3A_825 = tpu.vector_load %arg10[%swap3A_823, %swap3A_824] {strides = array<i32>} : memref<128x128xf32, #tpu.memory_space<vmem>>, vector<1x16xf32>,
        %swap3A_826 = vector.shape_cast %swap3A_825 : vector<1x16xf32> to vector<16xf32>
        %swap3A_827 = vector.shape_cast %get3A_567 : vector<16xf32> to vector<1x16xf32>
        tpu.vector_store %arg10[%swap3A_823, %swap3A_824], %swap3A_827 {add = true, strides = array<i32>} : memref<128x128xf32, #tpu.memory_space<vmem>>, vector<1x16xf32>,
        %scan3A_828 = arith.constant 0 : i32
        %scan3A_829 = arith.constant 5 : i32
        %scan3A_830 = arith.addi %scan3A_790, %scan3A_829 : i32
        %swap3A_831 = arith.index_cast %scan3A_830 : i32 to index
        %swap3A_832 = arith.constant 80 : index
        %swap3A_833 = tpu.vector_load %arg10[%swap3A_831, %swap3A_832] {strides = array<i32>} : memref<128x128xf32, #tpu.memory_space<vmem>>, vector<1x16xf32>,
        %swap3A_834 = vector.shape_cast %swap3A_833 : vector<1x16xf32> to vector<16xf32>
        %swap3A_835 = vector.shape_cast %get3A_567 : vector<16xf32> to vector<1x16xf32>
        tpu.vector_store %arg10[%swap3A_831, %swap3A_832], %swap3A_835 {add = true, strides = array<i32>} : memref<128x128xf32, #tpu.memory_space<vmem>>, vector<1x16xf32>,
        %scan3A_836 = arith.constant 0 : i32
        %scan3A_837 = arith.constant 6 : i32
        %scan3A_838 = arith.addi %scan3A_790, %scan3A_837 : i32
        %swap3A_839 = arith.index_cast %scan3A_838 : i32 to index
        %swap3A_840 = arith.constant 80 : index
        %swap3A_841 = tpu.vector_load %arg10[%swap3A_839, %swap3A_840] {strides = array<i32>} : memref<128x128xf32, #tpu.memory_space<vmem>>, vector<1x16xf32>,
        %swap3A_842 = vector.shape_cast %swap3A_841 : vector<1x16xf32> to vector<16xf32>
        %swap3A_843 = vector.shape_cast %get3A_567 : vector<16xf32> to vector<1x16xf32>
        tpu.vector_store %arg10[%swap3A_839, %swap3A_840], %swap3A_843 {add = true, strides = array<i32>} : memref<128x128xf32, #tpu.memory_space<vmem>>, vector<1x16xf32>,
        %scan3A_844 = arith.constant 0 : i32
        %scan3A_845 = arith.constant 7 : i32
        %scan3A_846 = arith.addi %scan3A_790, %scan3A_845 : i32
        %swap3A_847 = arith.index_cast %scan3A_846 : i32 to index
        %swap3A_848 = arith.constant 80 : index
        %swap3A_849 = tpu.vector_load %arg10[%swap3A_847, %swap3A_848] {strides = array<i32>} : memref<128x128xf32, #tpu.memory_space<vmem>>, vector<1x16xf32>,
        %swap3A_850 = vector.shape_cast %swap3A_849 : vector<1x16xf32> to vector<16xf32>
        %swap3A_851 = vector.shape_cast %get3A_567 : vector<16xf32> to vector<1x16xf32>
        tpu.vector_store %arg10[%swap3A_847, %swap3A_848], %swap3A_851 {add = true, strides = array<i32>} : memref<128x128xf32, #tpu.memory_space<vmem>>, vector<1x16xf32>,
        %scan3A_852 = arith.constant 0 : i32
        scf.yield %scan3A_852 : i32
      }
      %scan3A_574 = arith.constant 128 : i32
      %get3A_575 = arith.index_cast %add3A_508 : i32 to index
      %get3A_576 = arith.constant 96 : index
      %get3A_577 = tpu.vector_load %arg7[%get3A_575, %get3A_576] {strides = array<i32>} : memref<50x128xf32, #tpu.memory_space<vmem>>, vector<1x16xf32>,
      %get3A_578 = vector.shape_cast %get3A_577 : vector<1x16xf32> to vector<16xf32>
      %scan3A_579 = arith.constant 0 : i32
      %scan3A_580 = arith.constant 0 : i32
      %scan3A_581 = arith.constant 128 : i32
      %scan3A_582 = arith.addi %scan3A_580, %scan3A_581 : i32
      %scan3A_583 = arith.constant 8 : i32
      %scan3A_584 = scf.for %scan3A_790 = %scan3A_580 to %scan3A_582 step %scan3A_583 iter_args(%scan3A_791 = %scan3A_579) -> (i32)  : i32 {
        %swap3A = arith.index_cast %scan3A_790 : i32 to index
        %swap3A_792 = arith.constant 96 : index
        %swap3A_793 = tpu.vector_load %arg10[%swap3A, %swap3A_792] {strides = array<i32>} : memref<128x128xf32, #tpu.memory_space<vmem>>, vector<1x16xf32>,
        %swap3A_794 = vector.shape_cast %swap3A_793 : vector<1x16xf32> to vector<16xf32>
        %swap3A_795 = vector.shape_cast %get3A_578 : vector<16xf32> to vector<1x16xf32>
        tpu.vector_store %arg10[%swap3A, %swap3A_792], %swap3A_795 {add = true, strides = array<i32>} : memref<128x128xf32, #tpu.memory_space<vmem>>, vector<1x16xf32>,
        %scan3A_796 = arith.constant 0 : i32
        %scan3A_797 = arith.constant 1 : i32
        %scan3A_798 = arith.addi %scan3A_790, %scan3A_797 : i32
        %swap3A_799 = arith.index_cast %scan3A_798 : i32 to index
        %swap3A_800 = arith.constant 96 : index
        %swap3A_801 = tpu.vector_load %arg10[%swap3A_799, %swap3A_800] {strides = array<i32>} : memref<128x128xf32, #tpu.memory_space<vmem>>, vector<1x16xf32>,
        %swap3A_802 = vector.shape_cast %swap3A_801 : vector<1x16xf32> to vector<16xf32>
        %swap3A_803 = vector.shape_cast %get3A_578 : vector<16xf32> to vector<1x16xf32>
        tpu.vector_store %arg10[%swap3A_799, %swap3A_800], %swap3A_803 {add = true, strides = array<i32>} : memref<128x128xf32, #tpu.memory_space<vmem>>, vector<1x16xf32>,
        %scan3A_804 = arith.constant 0 : i32
        %scan3A_805 = arith.constant 2 : i32
        %scan3A_806 = arith.addi %scan3A_790, %scan3A_805 : i32
        %swap3A_807 = arith.index_cast %scan3A_806 : i32 to index
        %swap3A_808 = arith.constant 96 : index
        %swap3A_809 = tpu.vector_load %arg10[%swap3A_807, %swap3A_808] {strides = array<i32>} : memref<128x128xf32, #tpu.memory_space<vmem>>, vector<1x16xf32>,
        %swap3A_810 = vector.shape_cast %swap3A_809 : vector<1x16xf32> to vector<16xf32>
        %swap3A_811 = vector.shape_cast %get3A_578 : vector<16xf32> to vector<1x16xf32>
        tpu.vector_store %arg10[%swap3A_807, %swap3A_808], %swap3A_811 {add = true, strides = array<i32>} : memref<128x128xf32, #tpu.memory_space<vmem>>, vector<1x16xf32>,
        %scan3A_812 = arith.constant 0 : i32
        %scan3A_813 = arith.constant 3 : i32
        %scan3A_814 = arith.addi %scan3A_790, %scan3A_813 : i32
        %swap3A_815 = arith.index_cast %scan3A_814 : i32 to index
        %swap3A_816 = arith.constant 96 : index
        %swap3A_817 = tpu.vector_load %arg10[%swap3A_815, %swap3A_816] {strides = array<i32>} : memref<128x128xf32, #tpu.memory_space<vmem>>, vector<1x16xf32>,
        %swap3A_818 = vector.shape_cast %swap3A_817 : vector<1x16xf32> to vector<16xf32>
        %swap3A_819 = vector.shape_cast %get3A_578 : vector<16xf32> to vector<1x16xf32>
        tpu.vector_store %arg10[%swap3A_815, %swap3A_816], %swap3A_819 {add = true, strides = array<i32>} : memref<128x128xf32, #tpu.memory_space<vmem>>, vector<1x16xf32>,
        %scan3A_820 = arith.constant 0 : i32
        %scan3A_821 = arith.constant 4 : i32
        %scan3A_822 = arith.addi %scan3A_790, %scan3A_821 : i32
        %swap3A_823 = arith.index_cast %scan3A_822 : i32 to index
        %swap3A_824 = arith.constant 96 : index
        %swap3A_825 = tpu.vector_load %arg10[%swap3A_823, %swap3A_824] {strides = array<i32>} : memref<128x128xf32, #tpu.memory_space<vmem>>, vector<1x16xf32>,
        %swap3A_826 = vector.shape_cast %swap3A_825 : vector<1x16xf32> to vector<16xf32>
        %swap3A_827 = vector.shape_cast %get3A_578 : vector<16xf32> to vector<1x16xf32>
        tpu.vector_store %arg10[%swap3A_823, %swap3A_824], %swap3A_827 {add = true, strides = array<i32>} : memref<128x128xf32, #tpu.memory_space<vmem>>, vector<1x16xf32>,
        %scan3A_828 = arith.constant 0 : i32
        %scan3A_829 = arith.constant 5 : i32
        %scan3A_830 = arith.addi %scan3A_790, %scan3A_829 : i32
        %swap3A_831 = arith.index_cast %scan3A_830 : i32 to index
        %swap3A_832 = arith.constant 96 : index
        %swap3A_833 = tpu.vector_load %arg10[%swap3A_831, %swap3A_832] {strides = array<i32>} : memref<128x128xf32, #tpu.memory_space<vmem>>, vector<1x16xf32>,
        %swap3A_834 = vector.shape_cast %swap3A_833 : vector<1x16xf32> to vector<16xf32>
        %swap3A_835 = vector.shape_cast %get3A_578 : vector<16xf32> to vector<1x16xf32>
        tpu.vector_store %arg10[%swap3A_831, %swap3A_832], %swap3A_835 {add = true, strides = array<i32>} : memref<128x128xf32, #tpu.memory_space<vmem>>, vector<1x16xf32>,
        %scan3A_836 = arith.constant 0 : i32
        %scan3A_837 = arith.constant 6 : i32
        %scan3A_838 = arith.addi %scan3A_790, %scan3A_837 : i32
        %swap3A_839 = arith.index_cast %scan3A_838 : i32 to index
        %swap3A_840 = arith.constant 96 : index
        %swap3A_841 = tpu.vector_load %arg10[%swap3A_839, %swap3A_840] {strides = array<i32>} : memref<128x128xf32, #tpu.memory_space<vmem>>, vector<1x16xf32>,
        %swap3A_842 = vector.shape_cast %swap3A_841 : vector<1x16xf32> to vector<16xf32>
        %swap3A_843 = vector.shape_cast %get3A_578 : vector<16xf32> to vector<1x16xf32>
        tpu.vector_store %arg10[%swap3A_839, %swap3A_840], %swap3A_843 {add = true, strides = array<i32>} : memref<128x128xf32, #tpu.memory_space<vmem>>, vector<1x16xf32>,
        %scan3A_844 = arith.constant 0 : i32
        %scan3A_845 = arith.constant 7 : i32
        %scan3A_846 = arith.addi %scan3A_790, %scan3A_845 : i32
        %swap3A_847 = arith.index_cast %scan3A_846 : i32 to index
        %swap3A_848 = arith.constant 96 : index
        %swap3A_849 = tpu.vector_load %arg10[%swap3A_847, %swap3A_848] {strides = array<i32>} : memref<128x128xf32, #tpu.memory_space<vmem>>, vector<1x16xf32>,
        %swap3A_850 = vector.shape_cast %swap3A_849 : vector<1x16xf32> to vector<16xf32>
        %swap3A_851 = vector.shape_cast %get3A_578 : vector<16xf32> to vector<1x16xf32>
        tpu.vector_store %arg10[%swap3A_847, %swap3A_848], %swap3A_851 {add = true, strides = array<i32>} : memref<128x128xf32, #tpu.memory_space<vmem>>, vector<1x16xf32>,
        %scan3A_852 = arith.constant 0 : i32
        scf.yield %scan3A_852 : i32
      }
      %scan3A_585 = arith.constant 128 : i32
      %get3A_586 = arith.index_cast %add3A_508 : i32 to index
      %get3A_587 = arith.constant 112 : index
      %get3A_588 = tpu.vector_load %arg7[%get3A_586, %get3A_587] {strides = array<i32>} : memref<50x128xf32, #tpu.memory_space<vmem>>, vector<1x16xf32>,
      %get3A_589 = vector.shape_cast %get3A_588 : vector<1x16xf32> to vector<16xf32>
      %scan3A_590 = arith.constant 0 : i32
      %scan3A_591 = arith.constant 0 : i32
      %scan3A_592 = arith.constant 128 : i32
      %scan3A_593 = arith.addi %scan3A_591, %scan3A_592 : i32
      %scan3A_594 = arith.constant 8 : i32
      %scan3A_595 = scf.for %scan3A_790 = %scan3A_591 to %scan3A_593 step %scan3A_594 iter_args(%scan3A_791 = %scan3A_590) -> (i32)  : i32 {
        %swap3A = arith.index_cast %scan3A_790 : i32 to index
        %swap3A_792 = arith.constant 112 : index
        %swap3A_793 = tpu.vector_load %arg10[%swap3A, %swap3A_792] {strides = array<i32>} : memref<128x128xf32, #tpu.memory_space<vmem>>, vector<1x16xf32>,
        %swap3A_794 = vector.shape_cast %swap3A_793 : vector<1x16xf32> to vector<16xf32>
        %swap3A_795 = vector.shape_cast %get3A_589 : vector<16xf32> to vector<1x16xf32>
        tpu.vector_store %arg10[%swap3A, %swap3A_792], %swap3A_795 {add = true, strides = array<i32>} : memref<128x128xf32, #tpu.memory_space<vmem>>, vector<1x16xf32>,
        %scan3A_796 = arith.constant 0 : i32
        %scan3A_797 = arith.constant 1 : i32
        %scan3A_798 = arith.addi %scan3A_790, %scan3A_797 : i32
        %swap3A_799 = arith.index_cast %scan3A_798 : i32 to index
        %swap3A_800 = arith.constant 112 : index
        %swap3A_801 = tpu.vector_load %arg10[%swap3A_799, %swap3A_800] {strides = array<i32>} : memref<128x128xf32, #tpu.memory_space<vmem>>, vector<1x16xf32>,
        %swap3A_802 = vector.shape_cast %swap3A_801 : vector<1x16xf32> to vector<16xf32>
        %swap3A_803 = vector.shape_cast %get3A_589 : vector<16xf32> to vector<1x16xf32>
        tpu.vector_store %arg10[%swap3A_799, %swap3A_800], %swap3A_803 {add = true, strides = array<i32>} : memref<128x128xf32, #tpu.memory_space<vmem>>, vector<1x16xf32>,
        %scan3A_804 = arith.constant 0 : i32
        %scan3A_805 = arith.constant 2 : i32
        %scan3A_806 = arith.addi %scan3A_790, %scan3A_805 : i32
        %swap3A_807 = arith.index_cast %scan3A_806 : i32 to index
        %swap3A_808 = arith.constant 112 : index
        %swap3A_809 = tpu.vector_load %arg10[%swap3A_807, %swap3A_808] {strides = array<i32>} : memref<128x128xf32, #tpu.memory_space<vmem>>, vector<1x16xf32>,
        %swap3A_810 = vector.shape_cast %swap3A_809 : vector<1x16xf32> to vector<16xf32>
        %swap3A_811 = vector.shape_cast %get3A_589 : vector<16xf32> to vector<1x16xf32>
        tpu.vector_store %arg10[%swap3A_807, %swap3A_808], %swap3A_811 {add = true, strides = array<i32>} : memref<128x128xf32, #tpu.memory_space<vmem>>, vector<1x16xf32>,
        %scan3A_812 = arith.constant 0 : i32
        %scan3A_813 = arith.constant 3 : i32
        %scan3A_814 = arith.addi %scan3A_790, %scan3A_813 : i32
        %swap3A_815 = arith.index_cast %scan3A_814 : i32 to index
        %swap3A_816 = arith.constant 112 : index
        %swap3A_817 = tpu.vector_load %arg10[%swap3A_815, %swap3A_816] {strides = array<i32>} : memref<128x128xf32, #tpu.memory_space<vmem>>, vector<1x16xf32>,
        %swap3A_818 = vector.shape_cast %swap3A_817 : vector<1x16xf32> to vector<16xf32>
        %swap3A_819 = vector.shape_cast %get3A_589 : vector<16xf32> to vector<1x16xf32>
        tpu.vector_store %arg10[%swap3A_815, %swap3A_816], %swap3A_819 {add = true, strides = array<i32>} : memref<128x128xf32, #tpu.memory_space<vmem>>, vector<1x16xf32>,
        %scan3A_820 = arith.constant 0 : i32
        %scan3A_821 = arith.constant 4 : i32
        %scan3A_822 = arith.addi %scan3A_790, %scan3A_821 : i32
        %swap3A_823 = arith.index_cast %scan3A_822 : i32 to index
        %swap3A_824 = arith.constant 112 : index
        %swap3A_825 = tpu.vector_load %arg10[%swap3A_823, %swap3A_824] {strides = array<i32>} : memref<128x128xf32, #tpu.memory_space<vmem>>, vector<1x16xf32>,
        %swap3A_826 = vector.shape_cast %swap3A_825 : vector<1x16xf32> to vector<16xf32>
        %swap3A_827 = vector.shape_cast %get3A_589 : vector<16xf32> to vector<1x16xf32>
        tpu.vector_store %arg10[%swap3A_823, %swap3A_824], %swap3A_827 {add = true, strides = array<i32>} : memref<128x128xf32, #tpu.memory_space<vmem>>, vector<1x16xf32>,
        %scan3A_828 = arith.constant 0 : i32
        %scan3A_829 = arith.constant 5 : i32
        %scan3A_830 = arith.addi %scan3A_790, %scan3A_829 : i32
        %swap3A_831 = arith.index_cast %scan3A_830 : i32 to index
        %swap3A_832 = arith.constant 112 : index
        %swap3A_833 = tpu.vector_load %arg10[%swap3A_831, %swap3A_832] {strides = array<i32>} : memref<128x128xf32, #tpu.memory_space<vmem>>, vector<1x16xf32>,
        %swap3A_834 = vector.shape_cast %swap3A_833 : vector<1x16xf32> to vector<16xf32>
        %swap3A_835 = vector.shape_cast %get3A_589 : vector<16xf32> to vector<1x16xf32>
        tpu.vector_store %arg10[%swap3A_831, %swap3A_832], %swap3A_835 {add = true, strides = array<i32>} : memref<128x128xf32, #tpu.memory_space<vmem>>, vector<1x16xf32>,
        %scan3A_836 = arith.constant 0 : i32
        %scan3A_837 = arith.constant 6 : i32
        %scan3A_838 = arith.addi %scan3A_790, %scan3A_837 : i32
        %swap3A_839 = arith.index_cast %scan3A_838 : i32 to index
        %swap3A_840 = arith.constant 112 : index
        %swap3A_841 = tpu.vector_load %arg10[%swap3A_839, %swap3A_840] {strides = array<i32>} : memref<128x128xf32, #tpu.memory_space<vmem>>, vector<1x16xf32>,
        %swap3A_842 = vector.shape_cast %swap3A_841 : vector<1x16xf32> to vector<16xf32>
        %swap3A_843 = vector.shape_cast %get3A_589 : vector<16xf32> to vector<1x16xf32>
        tpu.vector_store %arg10[%swap3A_839, %swap3A_840], %swap3A_843 {add = true, strides = array<i32>} : memref<128x128xf32, #tpu.memory_space<vmem>>, vector<1x16xf32>,
        %scan3A_844 = arith.constant 0 : i32
        %scan3A_845 = arith.constant 7 : i32
        %scan3A_846 = arith.addi %scan3A_790, %scan3A_845 : i32
        %swap3A_847 = arith.index_cast %scan3A_846 : i32 to index
        %swap3A_848 = arith.constant 112 : index
        %swap3A_849 = tpu.vector_load %arg10[%swap3A_847, %swap3A_848] {strides = array<i32>} : memref<128x128xf32, #tpu.memory_space<vmem>>, vector<1x16xf32>,
        %swap3A_850 = vector.shape_cast %swap3A_849 : vector<1x16xf32> to vector<16xf32>
        %swap3A_851 = vector.shape_cast %get3A_589 : vector<16xf32> to vector<1x16xf32>
        tpu.vector_store %arg10[%swap3A_847, %swap3A_848], %swap3A_851 {add = true, strides = array<i32>} : memref<128x128xf32, #tpu.memory_space<vmem>>, vector<1x16xf32>,
        %scan3A_852 = arith.constant 0 : i32
        scf.yield %scan3A_852 : i32
      }
      %scan3A_596 = arith.constant 128 : i32
      %add3A_597 = arith.constant 2 : i32
      %add3A_598 = arith.addi %mul3A_285, %add3A_597 : i32
      %add3A_599 = arith.constant 27 : i32
      %add3A_600 = arith.addi %add3A_599, %add3A_598 : i32
      %dma_start3A_601 = arith.constant 0 : i32
      %dma_start3A_602 = tpu.memref_slice %arg5[%add3A_600, %mul3A_2, %dma_start3A_601] : memref<77x4096x128xf32, #tpu.memory_space<hbm>> -> memref<1x128x128xf32, #tpu.memory_space<hbm>>
      %dma_start3A_603 = tpu.memref_squeeze %dma_start3A_602 : memref<1x128x128xf32, #tpu.memory_space<hbm>> -> memref<128x128xf32, #tpu.memory_space<hbm>>
      %dma_start3A_604 = arith.constant 0 : i32
      %dma_start3A_605 = tpu.memref_slice %arg5[%add3A_600, %mul3A_2, %dma_start3A_604] : memref<77x4096x128xf32, #tpu.memory_space<hbm>> -> memref<1x128x128xf32, #tpu.memory_space<hbm>>
      %dma_start3A_606 = tpu.memref_squeeze %dma_start3A_605 : memref<1x128x128xf32, #tpu.memory_space<hbm>> -> memref<128x128xf32, #tpu.memory_space<hbm>>
      tpu.enqueue_dma source(%arg10 : memref<128x128xf32, #tpu.memory_space<vmem>>) target(%dma_start3A_606 : memref<128x128xf32, #tpu.memory_space<hbm>>) target_semaphore(%arg18 : memref<!tpu.dma_semaphore, #tpu.memory_space<semaphore_mem>>)
      %dma_wait3A_607 = arith.constant 0 : i32
      %dma_wait3A_608 = arith.constant 0 : i32
      %dma_wait3A_609 = tpu.memref_slice %arg6[%dma_wait3A_607, %dma_wait3A_608] : memref<50x128xi32, #tpu.memory_space<vmem>> -> memref<1x128xi32, #tpu.memory_space<vmem>>
      %dma_wait3A_610 = tpu.memref_squeeze %dma_wait3A_609 : memref<1x128xi32, #tpu.memory_space<vmem>> -> memref<128xi32, #tpu.memory_space<vmem>>
      %dma_wait3A_611 = arith.constant 0 : i32
      %dma_wait3A_612 = arith.constant 0 : i32
      %dma_wait3A_613 = tpu.memref_slice %arg3[%dma_wait3A_611, %dma_wait3A_612] : memref<100000x128xf32, #tpu.memory_space<hbm>> -> memref<100000x128xf32, #tpu.memory_space<hbm>>
      tpu.wait_indirect_dma semaphore(%arg15 : memref<!tpu.dma_semaphore, #tpu.memory_space<semaphore_mem>>) src(%dma_wait3A_613 : memref<100000x128xf32, #tpu.memory_space<hbm>>) dst(%arg11 : memref<128x128xf32, #tpu.memory_space<vmem>>)
      %add3A_614 = arith.constant 3 : i32
      %add3A_615 = arith.addi %mul3A_285, %add3A_614 : i32
      %get3A_616 = arith.index_cast %add3A_615 : i32 to index
      %get3A_617 = arith.constant 0 : index
      %get3A_618 = tpu.vector_load %arg7[%get3A_616, %get3A_617] {strides = array<i32>} : memref<50x128xf32, #tpu.memory_space<vmem>>, vector<1x16xf32>,
      %get3A_619 = vector.shape_cast %get3A_618 : vector<1x16xf32> to vector<16xf32>
      %scan3A_620 = arith.constant 0 : i32
      %scan3A_621 = arith.constant 0 : i32
      %scan3A_622 = arith.constant 128 : i32
      %scan3A_623 = arith.addi %scan3A_621, %scan3A_622 : i32
      %scan3A_624 = arith.constant 8 : i32
      %scan3A_625 = scf.for %scan3A_790 = %scan3A_621 to %scan3A_623 step %scan3A_624 iter_args(%scan3A_791 = %scan3A_620) -> (i32)  : i32 {
        %swap3A = arith.index_cast %scan3A_790 : i32 to index
        %swap3A_792 = arith.constant 0 : index
        %swap3A_793 = tpu.vector_load %arg11[%swap3A, %swap3A_792] {strides = array<i32>} : memref<128x128xf32, #tpu.memory_space<vmem>>, vector<1x16xf32>,
        %swap3A_794 = vector.shape_cast %swap3A_793 : vector<1x16xf32> to vector<16xf32>
        %swap3A_795 = vector.shape_cast %get3A_619 : vector<16xf32> to vector<1x16xf32>
        tpu.vector_store %arg11[%swap3A, %swap3A_792], %swap3A_795 {add = true, strides = array<i32>} : memref<128x128xf32, #tpu.memory_space<vmem>>, vector<1x16xf32>,
        %scan3A_796 = arith.constant 0 : i32
        %scan3A_797 = arith.constant 1 : i32
        %scan3A_798 = arith.addi %scan3A_790, %scan3A_797 : i32
        %swap3A_799 = arith.index_cast %scan3A_798 : i32 to index
        %swap3A_800 = arith.constant 0 : index
        %swap3A_801 = tpu.vector_load %arg11[%swap3A_799, %swap3A_800] {strides = array<i32>} : memref<128x128xf32, #tpu.memory_space<vmem>>, vector<1x16xf32>,
        %swap3A_802 = vector.shape_cast %swap3A_801 : vector<1x16xf32> to vector<16xf32>
        %swap3A_803 = vector.shape_cast %get3A_619 : vector<16xf32> to vector<1x16xf32>
        tpu.vector_store %arg11[%swap3A_799, %swap3A_800], %swap3A_803 {add = true, strides = array<i32>} : memref<128x128xf32, #tpu.memory_space<vmem>>, vector<1x16xf32>,
        %scan3A_804 = arith.constant 0 : i32
        %scan3A_805 = arith.constant 2 : i32
        %scan3A_806 = arith.addi %scan3A_790, %scan3A_805 : i32
        %swap3A_807 = arith.index_cast %scan3A_806 : i32 to index
        %swap3A_808 = arith.constant 0 : index
        %swap3A_809 = tpu.vector_load %arg11[%swap3A_807, %swap3A_808] {strides = array<i32>} : memref<128x128xf32, #tpu.memory_space<vmem>>, vector<1x16xf32>,
        %swap3A_810 = vector.shape_cast %swap3A_809 : vector<1x16xf32> to vector<16xf32>
        %swap3A_811 = vector.shape_cast %get3A_619 : vector<16xf32> to vector<1x16xf32>
        tpu.vector_store %arg11[%swap3A_807, %swap3A_808], %swap3A_811 {add = true, strides = array<i32>} : memref<128x128xf32, #tpu.memory_space<vmem>>, vector<1x16xf32>,
        %scan3A_812 = arith.constant 0 : i32
        %scan3A_813 = arith.constant 3 : i32
        %scan3A_814 = arith.addi %scan3A_790, %scan3A_813 : i32
        %swap3A_815 = arith.index_cast %scan3A_814 : i32 to index
        %swap3A_816 = arith.constant 0 : index
        %swap3A_817 = tpu.vector_load %arg11[%swap3A_815, %swap3A_816] {strides = array<i32>} : memref<128x128xf32, #tpu.memory_space<vmem>>, vector<1x16xf32>,
        %swap3A_818 = vector.shape_cast %swap3A_817 : vector<1x16xf32> to vector<16xf32>
        %swap3A_819 = vector.shape_cast %get3A_619 : vector<16xf32> to vector<1x16xf32>
        tpu.vector_store %arg11[%swap3A_815, %swap3A_816], %swap3A_819 {add = true, strides = array<i32>} : memref<128x128xf32, #tpu.memory_space<vmem>>, vector<1x16xf32>,
        %scan3A_820 = arith.constant 0 : i32
        %scan3A_821 = arith.constant 4 : i32
        %scan3A_822 = arith.addi %scan3A_790, %scan3A_821 : i32
        %swap3A_823 = arith.index_cast %scan3A_822 : i32 to index
        %swap3A_824 = arith.constant 0 : index
        %swap3A_825 = tpu.vector_load %arg11[%swap3A_823, %swap3A_824] {strides = array<i32>} : memref<128x128xf32, #tpu.memory_space<vmem>>, vector<1x16xf32>,
        %swap3A_826 = vector.shape_cast %swap3A_825 : vector<1x16xf32> to vector<16xf32>
        %swap3A_827 = vector.shape_cast %get3A_619 : vector<16xf32> to vector<1x16xf32>
        tpu.vector_store %arg11[%swap3A_823, %swap3A_824], %swap3A_827 {add = true, strides = array<i32>} : memref<128x128xf32, #tpu.memory_space<vmem>>, vector<1x16xf32>,
        %scan3A_828 = arith.constant 0 : i32
        %scan3A_829 = arith.constant 5 : i32
        %scan3A_830 = arith.addi %scan3A_790, %scan3A_829 : i32
        %swap3A_831 = arith.index_cast %scan3A_830 : i32 to index
        %swap3A_832 = arith.constant 0 : index
        %swap3A_833 = tpu.vector_load %arg11[%swap3A_831, %swap3A_832] {strides = array<i32>} : memref<128x128xf32, #tpu.memory_space<vmem>>, vector<1x16xf32>,
        %swap3A_834 = vector.shape_cast %swap3A_833 : vector<1x16xf32> to vector<16xf32>
        %swap3A_835 = vector.shape_cast %get3A_619 : vector<16xf32> to vector<1x16xf32>
        tpu.vector_store %arg11[%swap3A_831, %swap3A_832], %swap3A_835 {add = true, strides = array<i32>} : memref<128x128xf32, #tpu.memory_space<vmem>>, vector<1x16xf32>,
        %scan3A_836 = arith.constant 0 : i32
        %scan3A_837 = arith.constant 6 : i32
        %scan3A_838 = arith.addi %scan3A_790, %scan3A_837 : i32
        %swap3A_839 = arith.index_cast %scan3A_838 : i32 to index
        %swap3A_840 = arith.constant 0 : index
        %swap3A_841 = tpu.vector_load %arg11[%swap3A_839, %swap3A_840] {strides = array<i32>} : memref<128x128xf32, #tpu.memory_space<vmem>>, vector<1x16xf32>,
        %swap3A_842 = vector.shape_cast %swap3A_841 : vector<1x16xf32> to vector<16xf32>
        %swap3A_843 = vector.shape_cast %get3A_619 : vector<16xf32> to vector<1x16xf32>
        tpu.vector_store %arg11[%swap3A_839, %swap3A_840], %swap3A_843 {add = true, strides = array<i32>} : memref<128x128xf32, #tpu.memory_space<vmem>>, vector<1x16xf32>,
        %scan3A_844 = arith.constant 0 : i32
        %scan3A_845 = arith.constant 7 : i32
        %scan3A_846 = arith.addi %scan3A_790, %scan3A_845 : i32
        %swap3A_847 = arith.index_cast %scan3A_846 : i32 to index
        %swap3A_848 = arith.constant 0 : index
        %swap3A_849 = tpu.vector_load %arg11[%swap3A_847, %swap3A_848] {strides = array<i32>} : memref<128x128xf32, #tpu.memory_space<vmem>>, vector<1x16xf32>,
        %swap3A_850 = vector.shape_cast %swap3A_849 : vector<1x16xf32> to vector<16xf32>
        %swap3A_851 = vector.shape_cast %get3A_619 : vector<16xf32> to vector<1x16xf32>
        tpu.vector_store %arg11[%swap3A_847, %swap3A_848], %swap3A_851 {add = true, strides = array<i32>} : memref<128x128xf32, #tpu.memory_space<vmem>>, vector<1x16xf32>,
        %scan3A_852 = arith.constant 0 : i32
        scf.yield %scan3A_852 : i32
      }
      %scan3A_626 = arith.constant 128 : i32
      %get3A_627 = arith.index_cast %add3A_615 : i32 to index
      %get3A_628 = arith.constant 16 : index
      %get3A_629 = tpu.vector_load %arg7[%get3A_627, %get3A_628] {strides = array<i32>} : memref<50x128xf32, #tpu.memory_space<vmem>>, vector<1x16xf32>,
      %get3A_630 = vector.shape_cast %get3A_629 : vector<1x16xf32> to vector<16xf32>
      %scan3A_631 = arith.constant 0 : i32
      %scan3A_632 = arith.constant 0 : i32
      %scan3A_633 = arith.constant 128 : i32
      %scan3A_634 = arith.addi %scan3A_632, %scan3A_633 : i32
      %scan3A_635 = arith.constant 8 : i32
      %scan3A_636 = scf.for %scan3A_790 = %scan3A_632 to %scan3A_634 step %scan3A_635 iter_args(%scan3A_791 = %scan3A_631) -> (i32)  : i32 {
        %swap3A = arith.index_cast %scan3A_790 : i32 to index
        %swap3A_792 = arith.constant 16 : index
        %swap3A_793 = tpu.vector_load %arg11[%swap3A, %swap3A_792] {strides = array<i32>} : memref<128x128xf32, #tpu.memory_space<vmem>>, vector<1x16xf32>,
        %swap3A_794 = vector.shape_cast %swap3A_793 : vector<1x16xf32> to vector<16xf32>
        %swap3A_795 = vector.shape_cast %get3A_630 : vector<16xf32> to vector<1x16xf32>
        tpu.vector_store %arg11[%swap3A, %swap3A_792], %swap3A_795 {add = true, strides = array<i32>} : memref<128x128xf32, #tpu.memory_space<vmem>>, vector<1x16xf32>,
        %scan3A_796 = arith.constant 0 : i32
        %scan3A_797 = arith.constant 1 : i32
        %scan3A_798 = arith.addi %scan3A_790, %scan3A_797 : i32
        %swap3A_799 = arith.index_cast %scan3A_798 : i32 to index
        %swap3A_800 = arith.constant 16 : index
        %swap3A_801 = tpu.vector_load %arg11[%swap3A_799, %swap3A_800] {strides = array<i32>} : memref<128x128xf32, #tpu.memory_space<vmem>>, vector<1x16xf32>,
        %swap3A_802 = vector.shape_cast %swap3A_801 : vector<1x16xf32> to vector<16xf32>
        %swap3A_803 = vector.shape_cast %get3A_630 : vector<16xf32> to vector<1x16xf32>
        tpu.vector_store %arg11[%swap3A_799, %swap3A_800], %swap3A_803 {add = true, strides = array<i32>} : memref<128x128xf32, #tpu.memory_space<vmem>>, vector<1x16xf32>,
        %scan3A_804 = arith.constant 0 : i32
        %scan3A_805 = arith.constant 2 : i32
        %scan3A_806 = arith.addi %scan3A_790, %scan3A_805 : i32
        %swap3A_807 = arith.index_cast %scan3A_806 : i32 to index
        %swap3A_808 = arith.constant 16 : index
        %swap3A_809 = tpu.vector_load %arg11[%swap3A_807, %swap3A_808] {strides = array<i32>} : memref<128x128xf32, #tpu.memory_space<vmem>>, vector<1x16xf32>,
        %swap3A_810 = vector.shape_cast %swap3A_809 : vector<1x16xf32> to vector<16xf32>
        %swap3A_811 = vector.shape_cast %get3A_630 : vector<16xf32> to vector<1x16xf32>
        tpu.vector_store %arg11[%swap3A_807, %swap3A_808], %swap3A_811 {add = true, strides = array<i32>} : memref<128x128xf32, #tpu.memory_space<vmem>>, vector<1x16xf32>,
        %scan3A_812 = arith.constant 0 : i32
        %scan3A_813 = arith.constant 3 : i32
        %scan3A_814 = arith.addi %scan3A_790, %scan3A_813 : i32
        %swap3A_815 = arith.index_cast %scan3A_814 : i32 to index
        %swap3A_816 = arith.constant 16 : index
        %swap3A_817 = tpu.vector_load %arg11[%swap3A_815, %swap3A_816] {strides = array<i32>} : memref<128x128xf32, #tpu.memory_space<vmem>>, vector<1x16xf32>,
        %swap3A_818 = vector.shape_cast %swap3A_817 : vector<1x16xf32> to vector<16xf32>
        %swap3A_819 = vector.shape_cast %get3A_630 : vector<16xf32> to vector<1x16xf32>
        tpu.vector_store %arg11[%swap3A_815, %swap3A_816], %swap3A_819 {add = true, strides = array<i32>} : memref<128x128xf32, #tpu.memory_space<vmem>>, vector<1x16xf32>,
        %scan3A_820 = arith.constant 0 : i32
        %scan3A_821 = arith.constant 4 : i32
        %scan3A_822 = arith.addi %scan3A_790, %scan3A_821 : i32
        %swap3A_823 = arith.index_cast %scan3A_822 : i32 to index
        %swap3A_824 = arith.constant 16 : index
        %swap3A_825 = tpu.vector_load %arg11[%swap3A_823, %swap3A_824] {strides = array<i32>} : memref<128x128xf32, #tpu.memory_space<vmem>>, vector<1x16xf32>,
        %swap3A_826 = vector.shape_cast %swap3A_825 : vector<1x16xf32> to vector<16xf32>
        %swap3A_827 = vector.shape_cast %get3A_630 : vector<16xf32> to vector<1x16xf32>
        tpu.vector_store %arg11[%swap3A_823, %swap3A_824], %swap3A_827 {add = true, strides = array<i32>} : memref<128x128xf32, #tpu.memory_space<vmem>>, vector<1x16xf32>,
        %scan3A_828 = arith.constant 0 : i32
        %scan3A_829 = arith.constant 5 : i32
        %scan3A_830 = arith.addi %scan3A_790, %scan3A_829 : i32
        %swap3A_831 = arith.index_cast %scan3A_830 : i32 to index
        %swap3A_832 = arith.constant 16 : index
        %swap3A_833 = tpu.vector_load %arg11[%swap3A_831, %swap3A_832] {strides = array<i32>} : memref<128x128xf32, #tpu.memory_space<vmem>>, vector<1x16xf32>,
        %swap3A_834 = vector.shape_cast %swap3A_833 : vector<1x16xf32> to vector<16xf32>
        %swap3A_835 = vector.shape_cast %get3A_630 : vector<16xf32> to vector<1x16xf32>
        tpu.vector_store %arg11[%swap3A_831, %swap3A_832], %swap3A_835 {add = true, strides = array<i32>} : memref<128x128xf32, #tpu.memory_space<vmem>>, vector<1x16xf32>,
        %scan3A_836 = arith.constant 0 : i32
        %scan3A_837 = arith.constant 6 : i32
        %scan3A_838 = arith.addi %scan3A_790, %scan3A_837 : i32
        %swap3A_839 = arith.index_cast %scan3A_838 : i32 to index
        %swap3A_840 = arith.constant 16 : index
        %swap3A_841 = tpu.vector_load %arg11[%swap3A_839, %swap3A_840] {strides = array<i32>} : memref<128x128xf32, #tpu.memory_space<vmem>>, vector<1x16xf32>,
        %swap3A_842 = vector.shape_cast %swap3A_841 : vector<1x16xf32> to vector<16xf32>
        %swap3A_843 = vector.shape_cast %get3A_630 : vector<16xf32> to vector<1x16xf32>
        tpu.vector_store %arg11[%swap3A_839, %swap3A_840], %swap3A_843 {add = true, strides = array<i32>} : memref<128x128xf32, #tpu.memory_space<vmem>>, vector<1x16xf32>,
        %scan3A_844 = arith.constant 0 : i32
        %scan3A_845 = arith.constant 7 : i32
        %scan3A_846 = arith.addi %scan3A_790, %scan3A_845 : i32
        %swap3A_847 = arith.index_cast %scan3A_846 : i32 to index
        %swap3A_848 = arith.constant 16 : index
        %swap3A_849 = tpu.vector_load %arg11[%swap3A_847, %swap3A_848] {strides = array<i32>} : memref<128x128xf32, #tpu.memory_space<vmem>>, vector<1x16xf32>,
        %swap3A_850 = vector.shape_cast %swap3A_849 : vector<1x16xf32> to vector<16xf32>
        %swap3A_851 = vector.shape_cast %get3A_630 : vector<16xf32> to vector<1x16xf32>
        tpu.vector_store %arg11[%swap3A_847, %swap3A_848], %swap3A_851 {add = true, strides = array<i32>} : memref<128x128xf32, #tpu.memory_space<vmem>>, vector<1x16xf32>,
        %scan3A_852 = arith.constant 0 : i32
        scf.yield %scan3A_852 : i32
      }
      %scan3A_637 = arith.constant 128 : i32
      %get3A_638 = arith.index_cast %add3A_615 : i32 to index
      %get3A_639 = arith.constant 32 : index
      %get3A_640 = tpu.vector_load %arg7[%get3A_638, %get3A_639] {strides = array<i32>} : memref<50x128xf32, #tpu.memory_space<vmem>>, vector<1x16xf32>,
      %get3A_641 = vector.shape_cast %get3A_640 : vector<1x16xf32> to vector<16xf32>
      %scan3A_642 = arith.constant 0 : i32
      %scan3A_643 = arith.constant 0 : i32
      %scan3A_644 = arith.constant 128 : i32
      %scan3A_645 = arith.addi %scan3A_643, %scan3A_644 : i32
      %scan3A_646 = arith.constant 8 : i32
      %scan3A_647 = scf.for %scan3A_790 = %scan3A_643 to %scan3A_645 step %scan3A_646 iter_args(%scan3A_791 = %scan3A_642) -> (i32)  : i32 {
        %swap3A = arith.index_cast %scan3A_790 : i32 to index
        %swap3A_792 = arith.constant 32 : index
        %swap3A_793 = tpu.vector_load %arg11[%swap3A, %swap3A_792] {strides = array<i32>} : memref<128x128xf32, #tpu.memory_space<vmem>>, vector<1x16xf32>,
        %swap3A_794 = vector.shape_cast %swap3A_793 : vector<1x16xf32> to vector<16xf32>
        %swap3A_795 = vector.shape_cast %get3A_641 : vector<16xf32> to vector<1x16xf32>
        tpu.vector_store %arg11[%swap3A, %swap3A_792], %swap3A_795 {add = true, strides = array<i32>} : memref<128x128xf32, #tpu.memory_space<vmem>>, vector<1x16xf32>,
        %scan3A_796 = arith.constant 0 : i32
        %scan3A_797 = arith.constant 1 : i32
        %scan3A_798 = arith.addi %scan3A_790, %scan3A_797 : i32
        %swap3A_799 = arith.index_cast %scan3A_798 : i32 to index
        %swap3A_800 = arith.constant 32 : index
        %swap3A_801 = tpu.vector_load %arg11[%swap3A_799, %swap3A_800] {strides = array<i32>} : memref<128x128xf32, #tpu.memory_space<vmem>>, vector<1x16xf32>,
        %swap3A_802 = vector.shape_cast %swap3A_801 : vector<1x16xf32> to vector<16xf32>
        %swap3A_803 = vector.shape_cast %get3A_641 : vector<16xf32> to vector<1x16xf32>
        tpu.vector_store %arg11[%swap3A_799, %swap3A_800], %swap3A_803 {add = true, strides = array<i32>} : memref<128x128xf32, #tpu.memory_space<vmem>>, vector<1x16xf32>,
        %scan3A_804 = arith.constant 0 : i32
        %scan3A_805 = arith.constant 2 : i32
        %scan3A_806 = arith.addi %scan3A_790, %scan3A_805 : i32
        %swap3A_807 = arith.index_cast %scan3A_806 : i32 to index
        %swap3A_808 = arith.constant 32 : index
        %swap3A_809 = tpu.vector_load %arg11[%swap3A_807, %swap3A_808] {strides = array<i32>} : memref<128x128xf32, #tpu.memory_space<vmem>>, vector<1x16xf32>,
        %swap3A_810 = vector.shape_cast %swap3A_809 : vector<1x16xf32> to vector<16xf32>
        %swap3A_811 = vector.shape_cast %get3A_641 : vector<16xf32> to vector<1x16xf32>
        tpu.vector_store %arg11[%swap3A_807, %swap3A_808], %swap3A_811 {add = true, strides = array<i32>} : memref<128x128xf32, #tpu.memory_space<vmem>>, vector<1x16xf32>,
        %scan3A_812 = arith.constant 0 : i32
        %scan3A_813 = arith.constant 3 : i32
        %scan3A_814 = arith.addi %scan3A_790, %scan3A_813 : i32
        %swap3A_815 = arith.index_cast %scan3A_814 : i32 to index
        %swap3A_816 = arith.constant 32 : index
        %swap3A_817 = tpu.vector_load %arg11[%swap3A_815, %swap3A_816] {strides = array<i32>} : memref<128x128xf32, #tpu.memory_space<vmem>>, vector<1x16xf32>,
        %swap3A_818 = vector.shape_cast %swap3A_817 : vector<1x16xf32> to vector<16xf32>
        %swap3A_819 = vector.shape_cast %get3A_641 : vector<16xf32> to vector<1x16xf32>
        tpu.vector_store %arg11[%swap3A_815, %swap3A_816], %swap3A_819 {add = true, strides = array<i32>} : memref<128x128xf32, #tpu.memory_space<vmem>>, vector<1x16xf32>,
        %scan3A_820 = arith.constant 0 : i32
        %scan3A_821 = arith.constant 4 : i32
        %scan3A_822 = arith.addi %scan3A_790, %scan3A_821 : i32
        %swap3A_823 = arith.index_cast %scan3A_822 : i32 to index
        %swap3A_824 = arith.constant 32 : index
        %swap3A_825 = tpu.vector_load %arg11[%swap3A_823, %swap3A_824] {strides = array<i32>} : memref<128x128xf32, #tpu.memory_space<vmem>>, vector<1x16xf32>,
        %swap3A_826 = vector.shape_cast %swap3A_825 : vector<1x16xf32> to vector<16xf32>
        %swap3A_827 = vector.shape_cast %get3A_641 : vector<16xf32> to vector<1x16xf32>
        tpu.vector_store %arg11[%swap3A_823, %swap3A_824], %swap3A_827 {add = true, strides = array<i32>} : memref<128x128xf32, #tpu.memory_space<vmem>>, vector<1x16xf32>,
        %scan3A_828 = arith.constant 0 : i32
        %scan3A_829 = arith.constant 5 : i32
        %scan3A_830 = arith.addi %scan3A_790, %scan3A_829 : i32
        %swap3A_831 = arith.index_cast %scan3A_830 : i32 to index
        %swap3A_832 = arith.constant 32 : index
        %swap3A_833 = tpu.vector_load %arg11[%swap3A_831, %swap3A_832] {strides = array<i32>} : memref<128x128xf32, #tpu.memory_space<vmem>>, vector<1x16xf32>,
        %swap3A_834 = vector.shape_cast %swap3A_833 : vector<1x16xf32> to vector<16xf32>
        %swap3A_835 = vector.shape_cast %get3A_641 : vector<16xf32> to vector<1x16xf32>
        tpu.vector_store %arg11[%swap3A_831, %swap3A_832], %swap3A_835 {add = true, strides = array<i32>} : memref<128x128xf32, #tpu.memory_space<vmem>>, vector<1x16xf32>,
        %scan3A_836 = arith.constant 0 : i32
        %scan3A_837 = arith.constant 6 : i32
        %scan3A_838 = arith.addi %scan3A_790, %scan3A_837 : i32
        %swap3A_839 = arith.index_cast %scan3A_838 : i32 to index
        %swap3A_840 = arith.constant 32 : index
        %swap3A_841 = tpu.vector_load %arg11[%swap3A_839, %swap3A_840] {strides = array<i32>} : memref<128x128xf32, #tpu.memory_space<vmem>>, vector<1x16xf32>,
        %swap3A_842 = vector.shape_cast %swap3A_841 : vector<1x16xf32> to vector<16xf32>
        %swap3A_843 = vector.shape_cast %get3A_641 : vector<16xf32> to vector<1x16xf32>
        tpu.vector_store %arg11[%swap3A_839, %swap3A_840], %swap3A_843 {add = true, strides = array<i32>} : memref<128x128xf32, #tpu.memory_space<vmem>>, vector<1x16xf32>,
        %scan3A_844 = arith.constant 0 : i32
        %scan3A_845 = arith.constant 7 : i32
        %scan3A_846 = arith.addi %scan3A_790, %scan3A_845 : i32
        %swap3A_847 = arith.index_cast %scan3A_846 : i32 to index
        %swap3A_848 = arith.constant 32 : index
        %swap3A_849 = tpu.vector_load %arg11[%swap3A_847, %swap3A_848] {strides = array<i32>} : memref<128x128xf32, #tpu.memory_space<vmem>>, vector<1x16xf32>,
        %swap3A_850 = vector.shape_cast %swap3A_849 : vector<1x16xf32> to vector<16xf32>
        %swap3A_851 = vector.shape_cast %get3A_641 : vector<16xf32> to vector<1x16xf32>
        tpu.vector_store %arg11[%swap3A_847, %swap3A_848], %swap3A_851 {add = true, strides = array<i32>} : memref<128x128xf32, #tpu.memory_space<vmem>>, vector<1x16xf32>,
        %scan3A_852 = arith.constant 0 : i32
        scf.yield %scan3A_852 : i32
      }
      %scan3A_648 = arith.constant 128 : i32
      %get3A_649 = arith.index_cast %add3A_615 : i32 to index
      %get3A_650 = arith.constant 48 : index
      %get3A_651 = tpu.vector_load %arg7[%get3A_649, %get3A_650] {strides = array<i32>} : memref<50x128xf32, #tpu.memory_space<vmem>>, vector<1x16xf32>,
      %get3A_652 = vector.shape_cast %get3A_651 : vector<1x16xf32> to vector<16xf32>
      %scan3A_653 = arith.constant 0 : i32
      %scan3A_654 = arith.constant 0 : i32
      %scan3A_655 = arith.constant 128 : i32
      %scan3A_656 = arith.addi %scan3A_654, %scan3A_655 : i32
      %scan3A_657 = arith.constant 8 : i32
      %scan3A_658 = scf.for %scan3A_790 = %scan3A_654 to %scan3A_656 step %scan3A_657 iter_args(%scan3A_791 = %scan3A_653) -> (i32)  : i32 {
        %swap3A = arith.index_cast %scan3A_790 : i32 to index
        %swap3A_792 = arith.constant 48 : index
        %swap3A_793 = tpu.vector_load %arg11[%swap3A, %swap3A_792] {strides = array<i32>} : memref<128x128xf32, #tpu.memory_space<vmem>>, vector<1x16xf32>,
        %swap3A_794 = vector.shape_cast %swap3A_793 : vector<1x16xf32> to vector<16xf32>
        %swap3A_795 = vector.shape_cast %get3A_652 : vector<16xf32> to vector<1x16xf32>
        tpu.vector_store %arg11[%swap3A, %swap3A_792], %swap3A_795 {add = true, strides = array<i32>} : memref<128x128xf32, #tpu.memory_space<vmem>>, vector<1x16xf32>,
        %scan3A_796 = arith.constant 0 : i32
        %scan3A_797 = arith.constant 1 : i32
        %scan3A_798 = arith.addi %scan3A_790, %scan3A_797 : i32
        %swap3A_799 = arith.index_cast %scan3A_798 : i32 to index
        %swap3A_800 = arith.constant 48 : index
        %swap3A_801 = tpu.vector_load %arg11[%swap3A_799, %swap3A_800] {strides = array<i32>} : memref<128x128xf32, #tpu.memory_space<vmem>>, vector<1x16xf32>,
        %swap3A_802 = vector.shape_cast %swap3A_801 : vector<1x16xf32> to vector<16xf32>
        %swap3A_803 = vector.shape_cast %get3A_652 : vector<16xf32> to vector<1x16xf32>
        tpu.vector_store %arg11[%swap3A_799, %swap3A_800], %swap3A_803 {add = true, strides = array<i32>} : memref<128x128xf32, #tpu.memory_space<vmem>>, vector<1x16xf32>,
        %scan3A_804 = arith.constant 0 : i32
        %scan3A_805 = arith.constant 2 : i32
        %scan3A_806 = arith.addi %scan3A_790, %scan3A_805 : i32
        %swap3A_807 = arith.index_cast %scan3A_806 : i32 to index
        %swap3A_808 = arith.constant 48 : index
        %swap3A_809 = tpu.vector_load %arg11[%swap3A_807, %swap3A_808] {strides = array<i32>} : memref<128x128xf32, #tpu.memory_space<vmem>>, vector<1x16xf32>,
        %swap3A_810 = vector.shape_cast %swap3A_809 : vector<1x16xf32> to vector<16xf32>
        %swap3A_811 = vector.shape_cast %get3A_652 : vector<16xf32> to vector<1x16xf32>
        tpu.vector_store %arg11[%swap3A_807, %swap3A_808], %swap3A_811 {add = true, strides = array<i32>} : memref<128x128xf32, #tpu.memory_space<vmem>>, vector<1x16xf32>,
        %scan3A_812 = arith.constant 0 : i32
        %scan3A_813 = arith.constant 3 : i32
        %scan3A_814 = arith.addi %scan3A_790, %scan3A_813 : i32
        %swap3A_815 = arith.index_cast %scan3A_814 : i32 to index
        %swap3A_816 = arith.constant 48 : index
        %swap3A_817 = tpu.vector_load %arg11[%swap3A_815, %swap3A_816] {strides = array<i32>} : memref<128x128xf32, #tpu.memory_space<vmem>>, vector<1x16xf32>,
        %swap3A_818 = vector.shape_cast %swap3A_817 : vector<1x16xf32> to vector<16xf32>
        %swap3A_819 = vector.shape_cast %get3A_652 : vector<16xf32> to vector<1x16xf32>
        tpu.vector_store %arg11[%swap3A_815, %swap3A_816], %swap3A_819 {add = true, strides = array<i32>} : memref<128x128xf32, #tpu.memory_space<vmem>>, vector<1x16xf32>,
        %scan3A_820 = arith.constant 0 : i32
        %scan3A_821 = arith.constant 4 : i32
        %scan3A_822 = arith.addi %scan3A_790, %scan3A_821 : i32
        %swap3A_823 = arith.index_cast %scan3A_822 : i32 to index
        %swap3A_824 = arith.constant 48 : index
        %swap3A_825 = tpu.vector_load %arg11[%swap3A_823, %swap3A_824] {strides = array<i32>} : memref<128x128xf32, #tpu.memory_space<vmem>>, vector<1x16xf32>,
        %swap3A_826 = vector.shape_cast %swap3A_825 : vector<1x16xf32> to vector<16xf32>
        %swap3A_827 = vector.shape_cast %get3A_652 : vector<16xf32> to vector<1x16xf32>
        tpu.vector_store %arg11[%swap3A_823, %swap3A_824], %swap3A_827 {add = true, strides = array<i32>} : memref<128x128xf32, #tpu.memory_space<vmem>>, vector<1x16xf32>,
        %scan3A_828 = arith.constant 0 : i32
        %scan3A_829 = arith.constant 5 : i32
        %scan3A_830 = arith.addi %scan3A_790, %scan3A_829 : i32
        %swap3A_831 = arith.index_cast %scan3A_830 : i32 to index
        %swap3A_832 = arith.constant 48 : index
        %swap3A_833 = tpu.vector_load %arg11[%swap3A_831, %swap3A_832] {strides = array<i32>} : memref<128x128xf32, #tpu.memory_space<vmem>>, vector<1x16xf32>,
        %swap3A_834 = vector.shape_cast %swap3A_833 : vector<1x16xf32> to vector<16xf32>
        %swap3A_835 = vector.shape_cast %get3A_652 : vector<16xf32> to vector<1x16xf32>
        tpu.vector_store %arg11[%swap3A_831, %swap3A_832], %swap3A_835 {add = true, strides = array<i32>} : memref<128x128xf32, #tpu.memory_space<vmem>>, vector<1x16xf32>,
        %scan3A_836 = arith.constant 0 : i32
        %scan3A_837 = arith.constant 6 : i32
        %scan3A_838 = arith.addi %scan3A_790, %scan3A_837 : i32
        %swap3A_839 = arith.index_cast %scan3A_838 : i32 to index
        %swap3A_840 = arith.constant 48 : index
        %swap3A_841 = tpu.vector_load %arg11[%swap3A_839, %swap3A_840] {strides = array<i32>} : memref<128x128xf32, #tpu.memory_space<vmem>>, vector<1x16xf32>,
        %swap3A_842 = vector.shape_cast %swap3A_841 : vector<1x16xf32> to vector<16xf32>
        %swap3A_843 = vector.shape_cast %get3A_652 : vector<16xf32> to vector<1x16xf32>
        tpu.vector_store %arg11[%swap3A_839, %swap3A_840], %swap3A_843 {add = true, strides = array<i32>} : memref<128x128xf32, #tpu.memory_space<vmem>>, vector<1x16xf32>,
        %scan3A_844 = arith.constant 0 : i32
        %scan3A_845 = arith.constant 7 : i32
        %scan3A_846 = arith.addi %scan3A_790, %scan3A_845 : i32
        %swap3A_847 = arith.index_cast %scan3A_846 : i32 to index
        %swap3A_848 = arith.constant 48 : index
        %swap3A_849 = tpu.vector_load %arg11[%swap3A_847, %swap3A_848] {strides = array<i32>} : memref<128x128xf32, #tpu.memory_space<vmem>>, vector<1x16xf32>,
        %swap3A_850 = vector.shape_cast %swap3A_849 : vector<1x16xf32> to vector<16xf32>
        %swap3A_851 = vector.shape_cast %get3A_652 : vector<16xf32> to vector<1x16xf32>
        tpu.vector_store %arg11[%swap3A_847, %swap3A_848], %swap3A_851 {add = true, strides = array<i32>} : memref<128x128xf32, #tpu.memory_space<vmem>>, vector<1x16xf32>,
        %scan3A_852 = arith.constant 0 : i32
        scf.yield %scan3A_852 : i32
      }
      %scan3A_659 = arith.constant 128 : i32
      %get3A_660 = arith.index_cast %add3A_615 : i32 to index
      %get3A_661 = arith.constant 64 : index
      %get3A_662 = tpu.vector_load %arg7[%get3A_660, %get3A_661] {strides = array<i32>} : memref<50x128xf32, #tpu.memory_space<vmem>>, vector<1x16xf32>,
      %get3A_663 = vector.shape_cast %get3A_662 : vector<1x16xf32> to vector<16xf32>
      %scan3A_664 = arith.constant 0 : i32
      %scan3A_665 = arith.constant 0 : i32
      %scan3A_666 = arith.constant 128 : i32
      %scan3A_667 = arith.addi %scan3A_665, %scan3A_666 : i32
      %scan3A_668 = arith.constant 8 : i32
      %scan3A_669 = scf.for %scan3A_790 = %scan3A_665 to %scan3A_667 step %scan3A_668 iter_args(%scan3A_791 = %scan3A_664) -> (i32)  : i32 {
        %swap3A = arith.index_cast %scan3A_790 : i32 to index
        %swap3A_792 = arith.constant 64 : index
        %swap3A_793 = tpu.vector_load %arg11[%swap3A, %swap3A_792] {strides = array<i32>} : memref<128x128xf32, #tpu.memory_space<vmem>>, vector<1x16xf32>,
        %swap3A_794 = vector.shape_cast %swap3A_793 : vector<1x16xf32> to vector<16xf32>
        %swap3A_795 = vector.shape_cast %get3A_663 : vector<16xf32> to vector<1x16xf32>
        tpu.vector_store %arg11[%swap3A, %swap3A_792], %swap3A_795 {add = true, strides = array<i32>} : memref<128x128xf32, #tpu.memory_space<vmem>>, vector<1x16xf32>,
        %scan3A_796 = arith.constant 0 : i32
        %scan3A_797 = arith.constant 1 : i32
        %scan3A_798 = arith.addi %scan3A_790, %scan3A_797 : i32
        %swap3A_799 = arith.index_cast %scan3A_798 : i32 to index
        %swap3A_800 = arith.constant 64 : index
        %swap3A_801 = tpu.vector_load %arg11[%swap3A_799, %swap3A_800] {strides = array<i32>} : memref<128x128xf32, #tpu.memory_space<vmem>>, vector<1x16xf32>,
        %swap3A_802 = vector.shape_cast %swap3A_801 : vector<1x16xf32> to vector<16xf32>
        %swap3A_803 = vector.shape_cast %get3A_663 : vector<16xf32> to vector<1x16xf32>
        tpu.vector_store %arg11[%swap3A_799, %swap3A_800], %swap3A_803 {add = true, strides = array<i32>} : memref<128x128xf32, #tpu.memory_space<vmem>>, vector<1x16xf32>,
        %scan3A_804 = arith.constant 0 : i32
        %scan3A_805 = arith.constant 2 : i32
        %scan3A_806 = arith.addi %scan3A_790, %scan3A_805 : i32
        %swap3A_807 = arith.index_cast %scan3A_806 : i32 to index
        %swap3A_808 = arith.constant 64 : index
        %swap3A_809 = tpu.vector_load %arg11[%swap3A_807, %swap3A_808] {strides = array<i32>} : memref<128x128xf32, #tpu.memory_space<vmem>>, vector<1x16xf32>,
        %swap3A_810 = vector.shape_cast %swap3A_809 : vector<1x16xf32> to vector<16xf32>
        %swap3A_811 = vector.shape_cast %get3A_663 : vector<16xf32> to vector<1x16xf32>
        tpu.vector_store %arg11[%swap3A_807, %swap3A_808], %swap3A_811 {add = true, strides = array<i32>} : memref<128x128xf32, #tpu.memory_space<vmem>>, vector<1x16xf32>,
        %scan3A_812 = arith.constant 0 : i32
        %scan3A_813 = arith.constant 3 : i32
        %scan3A_814 = arith.addi %scan3A_790, %scan3A_813 : i32
        %swap3A_815 = arith.index_cast %scan3A_814 : i32 to index
        %swap3A_816 = arith.constant 64 : index
        %swap3A_817 = tpu.vector_load %arg11[%swap3A_815, %swap3A_816] {strides = array<i32>} : memref<128x128xf32, #tpu.memory_space<vmem>>, vector<1x16xf32>,
        %swap3A_818 = vector.shape_cast %swap3A_817 : vector<1x16xf32> to vector<16xf32>
        %swap3A_819 = vector.shape_cast %get3A_663 : vector<16xf32> to vector<1x16xf32>
        tpu.vector_store %arg11[%swap3A_815, %swap3A_816], %swap3A_819 {add = true, strides = array<i32>} : memref<128x128xf32, #tpu.memory_space<vmem>>, vector<1x16xf32>,
        %scan3A_820 = arith.constant 0 : i32
        %scan3A_821 = arith.constant 4 : i32
        %scan3A_822 = arith.addi %scan3A_790, %scan3A_821 : i32
        %swap3A_823 = arith.index_cast %scan3A_822 : i32 to index
        %swap3A_824 = arith.constant 64 : index
        %swap3A_825 = tpu.vector_load %arg11[%swap3A_823, %swap3A_824] {strides = array<i32>} : memref<128x128xf32, #tpu.memory_space<vmem>>, vector<1x16xf32>,
        %swap3A_826 = vector.shape_cast %swap3A_825 : vector<1x16xf32> to vector<16xf32>
        %swap3A_827 = vector.shape_cast %get3A_663 : vector<16xf32> to vector<1x16xf32>
        tpu.vector_store %arg11[%swap3A_823, %swap3A_824], %swap3A_827 {add = true, strides = array<i32>} : memref<128x128xf32, #tpu.memory_space<vmem>>, vector<1x16xf32>,
        %scan3A_828 = arith.constant 0 : i32
        %scan3A_829 = arith.constant 5 : i32
        %scan3A_830 = arith.addi %scan3A_790, %scan3A_829 : i32
        %swap3A_831 = arith.index_cast %scan3A_830 : i32 to index
        %swap3A_832 = arith.constant 64 : index
        %swap3A_833 = tpu.vector_load %arg11[%swap3A_831, %swap3A_832] {strides = array<i32>} : memref<128x128xf32, #tpu.memory_space<vmem>>, vector<1x16xf32>,
        %swap3A_834 = vector.shape_cast %swap3A_833 : vector<1x16xf32> to vector<16xf32>
        %swap3A_835 = vector.shape_cast %get3A_663 : vector<16xf32> to vector<1x16xf32>
        tpu.vector_store %arg11[%swap3A_831, %swap3A_832], %swap3A_835 {add = true, strides = array<i32>} : memref<128x128xf32, #tpu.memory_space<vmem>>, vector<1x16xf32>,
        %scan3A_836 = arith.constant 0 : i32
        %scan3A_837 = arith.constant 6 : i32
        %scan3A_838 = arith.addi %scan3A_790, %scan3A_837 : i32
        %swap3A_839 = arith.index_cast %scan3A_838 : i32 to index
        %swap3A_840 = arith.constant 64 : index
        %swap3A_841 = tpu.vector_load %arg11[%swap3A_839, %swap3A_840] {strides = array<i32>} : memref<128x128xf32, #tpu.memory_space<vmem>>, vector<1x16xf32>,
        %swap3A_842 = vector.shape_cast %swap3A_841 : vector<1x16xf32> to vector<16xf32>
        %swap3A_843 = vector.shape_cast %get3A_663 : vector<16xf32> to vector<1x16xf32>
        tpu.vector_store %arg11[%swap3A_839, %swap3A_840], %swap3A_843 {add = true, strides = array<i32>} : memref<128x128xf32, #tpu.memory_space<vmem>>, vector<1x16xf32>,
        %scan3A_844 = arith.constant 0 : i32
        %scan3A_845 = arith.constant 7 : i32
        %scan3A_846 = arith.addi %scan3A_790, %scan3A_845 : i32
        %swap3A_847 = arith.index_cast %scan3A_846 : i32 to index
        %swap3A_848 = arith.constant 64 : index
        %swap3A_849 = tpu.vector_load %arg11[%swap3A_847, %swap3A_848] {strides = array<i32>} : memref<128x128xf32, #tpu.memory_space<vmem>>, vector<1x16xf32>,
        %swap3A_850 = vector.shape_cast %swap3A_849 : vector<1x16xf32> to vector<16xf32>
        %swap3A_851 = vector.shape_cast %get3A_663 : vector<16xf32> to vector<1x16xf32>
        tpu.vector_store %arg11[%swap3A_847, %swap3A_848], %swap3A_851 {add = true, strides = array<i32>} : memref<128x128xf32, #tpu.memory_space<vmem>>, vector<1x16xf32>,
        %scan3A_852 = arith.constant 0 : i32
        scf.yield %scan3A_852 : i32
      }
      %scan3A_670 = arith.constant 128 : i32
      %get3A_671 = arith.index_cast %add3A_615 : i32 to index
      %get3A_672 = arith.constant 80 : index
      %get3A_673 = tpu.vector_load %arg7[%get3A_671, %get3A_672] {strides = array<i32>} : memref<50x128xf32, #tpu.memory_space<vmem>>, vector<1x16xf32>,
      %get3A_674 = vector.shape_cast %get3A_673 : vector<1x16xf32> to vector<16xf32>
      %scan3A_675 = arith.constant 0 : i32
      %scan3A_676 = arith.constant 0 : i32
      %scan3A_677 = arith.constant 128 : i32
      %scan3A_678 = arith.addi %scan3A_676, %scan3A_677 : i32
      %scan3A_679 = arith.constant 8 : i32
      %scan3A_680 = scf.for %scan3A_790 = %scan3A_676 to %scan3A_678 step %scan3A_679 iter_args(%scan3A_791 = %scan3A_675) -> (i32)  : i32 {
        %swap3A = arith.index_cast %scan3A_790 : i32 to index
        %swap3A_792 = arith.constant 80 : index
        %swap3A_793 = tpu.vector_load %arg11[%swap3A, %swap3A_792] {strides = array<i32>} : memref<128x128xf32, #tpu.memory_space<vmem>>, vector<1x16xf32>,
        %swap3A_794 = vector.shape_cast %swap3A_793 : vector<1x16xf32> to vector<16xf32>
        %swap3A_795 = vector.shape_cast %get3A_674 : vector<16xf32> to vector<1x16xf32>
        tpu.vector_store %arg11[%swap3A, %swap3A_792], %swap3A_795 {add = true, strides = array<i32>} : memref<128x128xf32, #tpu.memory_space<vmem>>, vector<1x16xf32>,
        %scan3A_796 = arith.constant 0 : i32
        %scan3A_797 = arith.constant 1 : i32
        %scan3A_798 = arith.addi %scan3A_790, %scan3A_797 : i32
        %swap3A_799 = arith.index_cast %scan3A_798 : i32 to index
        %swap3A_800 = arith.constant 80 : index
        %swap3A_801 = tpu.vector_load %arg11[%swap3A_799, %swap3A_800] {strides = array<i32>} : memref<128x128xf32, #tpu.memory_space<vmem>>, vector<1x16xf32>,
        %swap3A_802 = vector.shape_cast %swap3A_801 : vector<1x16xf32> to vector<16xf32>
        %swap3A_803 = vector.shape_cast %get3A_674 : vector<16xf32> to vector<1x16xf32>
        tpu.vector_store %arg11[%swap3A_799, %swap3A_800], %swap3A_803 {add = true, strides = array<i32>} : memref<128x128xf32, #tpu.memory_space<vmem>>, vector<1x16xf32>,
        %scan3A_804 = arith.constant 0 : i32
        %scan3A_805 = arith.constant 2 : i32
        %scan3A_806 = arith.addi %scan3A_790, %scan3A_805 : i32
        %swap3A_807 = arith.index_cast %scan3A_806 : i32 to index
        %swap3A_808 = arith.constant 80 : index
        %swap3A_809 = tpu.vector_load %arg11[%swap3A_807, %swap3A_808] {strides = array<i32>} : memref<128x128xf32, #tpu.memory_space<vmem>>, vector<1x16xf32>,
        %swap3A_810 = vector.shape_cast %swap3A_809 : vector<1x16xf32> to vector<16xf32>
        %swap3A_811 = vector.shape_cast %get3A_674 : vector<16xf32> to vector<1x16xf32>
        tpu.vector_store %arg11[%swap3A_807, %swap3A_808], %swap3A_811 {add = true, strides = array<i32>} : memref<128x128xf32, #tpu.memory_space<vmem>>, vector<1x16xf32>,
        %scan3A_812 = arith.constant 0 : i32
        %scan3A_813 = arith.constant 3 : i32
        %scan3A_814 = arith.addi %scan3A_790, %scan3A_813 : i32
        %swap3A_815 = arith.index_cast %scan3A_814 : i32 to index
        %swap3A_816 = arith.constant 80 : index
        %swap3A_817 = tpu.vector_load %arg11[%swap3A_815, %swap3A_816] {strides = array<i32>} : memref<128x128xf32, #tpu.memory_space<vmem>>, vector<1x16xf32>,
        %swap3A_818 = vector.shape_cast %swap3A_817 : vector<1x16xf32> to vector<16xf32>
        %swap3A_819 = vector.shape_cast %get3A_674 : vector<16xf32> to vector<1x16xf32>
        tpu.vector_store %arg11[%swap3A_815, %swap3A_816], %swap3A_819 {add = true, strides = array<i32>} : memref<128x128xf32, #tpu.memory_space<vmem>>, vector<1x16xf32>,
        %scan3A_820 = arith.constant 0 : i32
        %scan3A_821 = arith.constant 4 : i32
        %scan3A_822 = arith.addi %scan3A_790, %scan3A_821 : i32
        %swap3A_823 = arith.index_cast %scan3A_822 : i32 to index
        %swap3A_824 = arith.constant 80 : index
        %swap3A_825 = tpu.vector_load %arg11[%swap3A_823, %swap3A_824] {strides = array<i32>} : memref<128x128xf32, #tpu.memory_space<vmem>>, vector<1x16xf32>,
        %swap3A_826 = vector.shape_cast %swap3A_825 : vector<1x16xf32> to vector<16xf32>
        %swap3A_827 = vector.shape_cast %get3A_674 : vector<16xf32> to vector<1x16xf32>
        tpu.vector_store %arg11[%swap3A_823, %swap3A_824], %swap3A_827 {add = true, strides = array<i32>} : memref<128x128xf32, #tpu.memory_space<vmem>>, vector<1x16xf32>,
        %scan3A_828 = arith.constant 0 : i32
        %scan3A_829 = arith.constant 5 : i32
        %scan3A_830 = arith.addi %scan3A_790, %scan3A_829 : i32
        %swap3A_831 = arith.index_cast %scan3A_830 : i32 to index
        %swap3A_832 = arith.constant 80 : index
        %swap3A_833 = tpu.vector_load %arg11[%swap3A_831, %swap3A_832] {strides = array<i32>} : memref<128x128xf32, #tpu.memory_space<vmem>>, vector<1x16xf32>,
        %swap3A_834 = vector.shape_cast %swap3A_833 : vector<1x16xf32> to vector<16xf32>
        %swap3A_835 = vector.shape_cast %get3A_674 : vector<16xf32> to vector<1x16xf32>
        tpu.vector_store %arg11[%swap3A_831, %swap3A_832], %swap3A_835 {add = true, strides = array<i32>} : memref<128x128xf32, #tpu.memory_space<vmem>>, vector<1x16xf32>,
        %scan3A_836 = arith.constant 0 : i32
        %scan3A_837 = arith.constant 6 : i32
        %scan3A_838 = arith.addi %scan3A_790, %scan3A_837 : i32
        %swap3A_839 = arith.index_cast %scan3A_838 : i32 to index
        %swap3A_840 = arith.constant 80 : index
        %swap3A_841 = tpu.vector_load %arg11[%swap3A_839, %swap3A_840] {strides = array<i32>} : memref<128x128xf32, #tpu.memory_space<vmem>>, vector<1x16xf32>,
        %swap3A_842 = vector.shape_cast %swap3A_841 : vector<1x16xf32> to vector<16xf32>
        %swap3A_843 = vector.shape_cast %get3A_674 : vector<16xf32> to vector<1x16xf32>
        tpu.vector_store %arg11[%swap3A_839, %swap3A_840], %swap3A_843 {add = true, strides = array<i32>} : memref<128x128xf32, #tpu.memory_space<vmem>>, vector<1x16xf32>,
        %scan3A_844 = arith.constant 0 : i32
        %scan3A_845 = arith.constant 7 : i32
        %scan3A_846 = arith.addi %scan3A_790, %scan3A_845 : i32
        %swap3A_847 = arith.index_cast %scan3A_846 : i32 to index
        %swap3A_848 = arith.constant 80 : index
        %swap3A_849 = tpu.vector_load %arg11[%swap3A_847, %swap3A_848] {strides = array<i32>} : memref<128x128xf32, #tpu.memory_space<vmem>>, vector<1x16xf32>,
        %swap3A_850 = vector.shape_cast %swap3A_849 : vector<1x16xf32> to vector<16xf32>
        %swap3A_851 = vector.shape_cast %get3A_674 : vector<16xf32> to vector<1x16xf32>
        tpu.vector_store %arg11[%swap3A_847, %swap3A_848], %swap3A_851 {add = true, strides = array<i32>} : memref<128x128xf32, #tpu.memory_space<vmem>>, vector<1x16xf32>,
        %scan3A_852 = arith.constant 0 : i32
        scf.yield %scan3A_852 : i32
      }
      %scan3A_681 = arith.constant 128 : i32
      %get3A_682 = arith.index_cast %add3A_615 : i32 to index
      %get3A_683 = arith.constant 96 : index
      %get3A_684 = tpu.vector_load %arg7[%get3A_682, %get3A_683] {strides = array<i32>} : memref<50x128xf32, #tpu.memory_space<vmem>>, vector<1x16xf32>,
      %get3A_685 = vector.shape_cast %get3A_684 : vector<1x16xf32> to vector<16xf32>
      %scan3A_686 = arith.constant 0 : i32
      %scan3A_687 = arith.constant 0 : i32
      %scan3A_688 = arith.constant 128 : i32
      %scan3A_689 = arith.addi %scan3A_687, %scan3A_688 : i32
      %scan3A_690 = arith.constant 8 : i32
      %scan3A_691 = scf.for %scan3A_790 = %scan3A_687 to %scan3A_689 step %scan3A_690 iter_args(%scan3A_791 = %scan3A_686) -> (i32)  : i32 {
        %swap3A = arith.index_cast %scan3A_790 : i32 to index
        %swap3A_792 = arith.constant 96 : index
        %swap3A_793 = tpu.vector_load %arg11[%swap3A, %swap3A_792] {strides = array<i32>} : memref<128x128xf32, #tpu.memory_space<vmem>>, vector<1x16xf32>,
        %swap3A_794 = vector.shape_cast %swap3A_793 : vector<1x16xf32> to vector<16xf32>
        %swap3A_795 = vector.shape_cast %get3A_685 : vector<16xf32> to vector<1x16xf32>
        tpu.vector_store %arg11[%swap3A, %swap3A_792], %swap3A_795 {add = true, strides = array<i32>} : memref<128x128xf32, #tpu.memory_space<vmem>>, vector<1x16xf32>,
        %scan3A_796 = arith.constant 0 : i32
        %scan3A_797 = arith.constant 1 : i32
        %scan3A_798 = arith.addi %scan3A_790, %scan3A_797 : i32
        %swap3A_799 = arith.index_cast %scan3A_798 : i32 to index
        %swap3A_800 = arith.constant 96 : index
        %swap3A_801 = tpu.vector_load %arg11[%swap3A_799, %swap3A_800] {strides = array<i32>} : memref<128x128xf32, #tpu.memory_space<vmem>>, vector<1x16xf32>,
        %swap3A_802 = vector.shape_cast %swap3A_801 : vector<1x16xf32> to vector<16xf32>
        %swap3A_803 = vector.shape_cast %get3A_685 : vector<16xf32> to vector<1x16xf32>
        tpu.vector_store %arg11[%swap3A_799, %swap3A_800], %swap3A_803 {add = true, strides = array<i32>} : memref<128x128xf32, #tpu.memory_space<vmem>>, vector<1x16xf32>,
        %scan3A_804 = arith.constant 0 : i32
        %scan3A_805 = arith.constant 2 : i32
        %scan3A_806 = arith.addi %scan3A_790, %scan3A_805 : i32
        %swap3A_807 = arith.index_cast %scan3A_806 : i32 to index
        %swap3A_808 = arith.constant 96 : index
        %swap3A_809 = tpu.vector_load %arg11[%swap3A_807, %swap3A_808] {strides = array<i32>} : memref<128x128xf32, #tpu.memory_space<vmem>>, vector<1x16xf32>,
        %swap3A_810 = vector.shape_cast %swap3A_809 : vector<1x16xf32> to vector<16xf32>
        %swap3A_811 = vector.shape_cast %get3A_685 : vector<16xf32> to vector<1x16xf32>
        tpu.vector_store %arg11[%swap3A_807, %swap3A_808], %swap3A_811 {add = true, strides = array<i32>} : memref<128x128xf32, #tpu.memory_space<vmem>>, vector<1x16xf32>,
        %scan3A_812 = arith.constant 0 : i32
        %scan3A_813 = arith.constant 3 : i32
        %scan3A_814 = arith.addi %scan3A_790, %scan3A_813 : i32
        %swap3A_815 = arith.index_cast %scan3A_814 : i32 to index
        %swap3A_816 = arith.constant 96 : index
        %swap3A_817 = tpu.vector_load %arg11[%swap3A_815, %swap3A_816] {strides = array<i32>} : memref<128x128xf32, #tpu.memory_space<vmem>>, vector<1x16xf32>,
        %swap3A_818 = vector.shape_cast %swap3A_817 : vector<1x16xf32> to vector<16xf32>
        %swap3A_819 = vector.shape_cast %get3A_685 : vector<16xf32> to vector<1x16xf32>
        tpu.vector_store %arg11[%swap3A_815, %swap3A_816], %swap3A_819 {add = true, strides = array<i32>} : memref<128x128xf32, #tpu.memory_space<vmem>>, vector<1x16xf32>,
        %scan3A_820 = arith.constant 0 : i32
        %scan3A_821 = arith.constant 4 : i32
        %scan3A_822 = arith.addi %scan3A_790, %scan3A_821 : i32
        %swap3A_823 = arith.index_cast %scan3A_822 : i32 to index
        %swap3A_824 = arith.constant 96 : index
        %swap3A_825 = tpu.vector_load %arg11[%swap3A_823, %swap3A_824] {strides = array<i32>} : memref<128x128xf32, #tpu.memory_space<vmem>>, vector<1x16xf32>,
        %swap3A_826 = vector.shape_cast %swap3A_825 : vector<1x16xf32> to vector<16xf32>
        %swap3A_827 = vector.shape_cast %get3A_685 : vector<16xf32> to vector<1x16xf32>
        tpu.vector_store %arg11[%swap3A_823, %swap3A_824], %swap3A_827 {add = true, strides = array<i32>} : memref<128x128xf32, #tpu.memory_space<vmem>>, vector<1x16xf32>,
        %scan3A_828 = arith.constant 0 : i32
        %scan3A_829 = arith.constant 5 : i32
        %scan3A_830 = arith.addi %scan3A_790, %scan3A_829 : i32
        %swap3A_831 = arith.index_cast %scan3A_830 : i32 to index
        %swap3A_832 = arith.constant 96 : index
        %swap3A_833 = tpu.vector_load %arg11[%swap3A_831, %swap3A_832] {strides = array<i32>} : memref<128x128xf32, #tpu.memory_space<vmem>>, vector<1x16xf32>,
        %swap3A_834 = vector.shape_cast %swap3A_833 : vector<1x16xf32> to vector<16xf32>
        %swap3A_835 = vector.shape_cast %get3A_685 : vector<16xf32> to vector<1x16xf32>
        tpu.vector_store %arg11[%swap3A_831, %swap3A_832], %swap3A_835 {add = true, strides = array<i32>} : memref<128x128xf32, #tpu.memory_space<vmem>>, vector<1x16xf32>,
        %scan3A_836 = arith.constant 0 : i32
        %scan3A_837 = arith.constant 6 : i32
        %scan3A_838 = arith.addi %scan3A_790, %scan3A_837 : i32
        %swap3A_839 = arith.index_cast %scan3A_838 : i32 to index
        %swap3A_840 = arith.constant 96 : index
        %swap3A_841 = tpu.vector_load %arg11[%swap3A_839, %swap3A_840] {strides = array<i32>} : memref<128x128xf32, #tpu.memory_space<vmem>>, vector<1x16xf32>,
        %swap3A_842 = vector.shape_cast %swap3A_841 : vector<1x16xf32> to vector<16xf32>
        %swap3A_843 = vector.shape_cast %get3A_685 : vector<16xf32> to vector<1x16xf32>
        tpu.vector_store %arg11[%swap3A_839, %swap3A_840], %swap3A_843 {add = true, strides = array<i32>} : memref<128x128xf32, #tpu.memory_space<vmem>>, vector<1x16xf32>,
        %scan3A_844 = arith.constant 0 : i32
        %scan3A_845 = arith.constant 7 : i32
        %scan3A_846 = arith.addi %scan3A_790, %scan3A_845 : i32
        %swap3A_847 = arith.index_cast %scan3A_846 : i32 to index
        %swap3A_848 = arith.constant 96 : index
        %swap3A_849 = tpu.vector_load %arg11[%swap3A_847, %swap3A_848] {strides = array<i32>} : memref<128x128xf32, #tpu.memory_space<vmem>>, vector<1x16xf32>,
        %swap3A_850 = vector.shape_cast %swap3A_849 : vector<1x16xf32> to vector<16xf32>
        %swap3A_851 = vector.shape_cast %get3A_685 : vector<16xf32> to vector<1x16xf32>
        tpu.vector_store %arg11[%swap3A_847, %swap3A_848], %swap3A_851 {add = true, strides = array<i32>} : memref<128x128xf32, #tpu.memory_space<vmem>>, vector<1x16xf32>,
        %scan3A_852 = arith.constant 0 : i32
        scf.yield %scan3A_852 : i32
      }
      %scan3A_692 = arith.constant 128 : i32
      %get3A_693 = arith.index_cast %add3A_615 : i32 to index
      %get3A_694 = arith.constant 112 : index
      %get3A_695 = tpu.vector_load %arg7[%get3A_693, %get3A_694] {strides = array<i32>} : memref<50x128xf32, #tpu.memory_space<vmem>>, vector<1x16xf32>,
      %get3A_696 = vector.shape_cast %get3A_695 : vector<1x16xf32> to vector<16xf32>
      %scan3A_697 = arith.constant 0 : i32
      %scan3A_698 = arith.constant 0 : i32
      %scan3A_699 = arith.constant 128 : i32
      %scan3A_700 = arith.addi %scan3A_698, %scan3A_699 : i32
      %scan3A_701 = arith.constant 8 : i32
      %scan3A_702 = scf.for %scan3A_790 = %scan3A_698 to %scan3A_700 step %scan3A_701 iter_args(%scan3A_791 = %scan3A_697) -> (i32)  : i32 {
        %swap3A = arith.index_cast %scan3A_790 : i32 to index
        %swap3A_792 = arith.constant 112 : index
        %swap3A_793 = tpu.vector_load %arg11[%swap3A, %swap3A_792] {strides = array<i32>} : memref<128x128xf32, #tpu.memory_space<vmem>>, vector<1x16xf32>,
        %swap3A_794 = vector.shape_cast %swap3A_793 : vector<1x16xf32> to vector<16xf32>
        %swap3A_795 = vector.shape_cast %get3A_696 : vector<16xf32> to vector<1x16xf32>
        tpu.vector_store %arg11[%swap3A, %swap3A_792], %swap3A_795 {add = true, strides = array<i32>} : memref<128x128xf32, #tpu.memory_space<vmem>>, vector<1x16xf32>,
        %scan3A_796 = arith.constant 0 : i32
        %scan3A_797 = arith.constant 1 : i32
        %scan3A_798 = arith.addi %scan3A_790, %scan3A_797 : i32
        %swap3A_799 = arith.index_cast %scan3A_798 : i32 to index
        %swap3A_800 = arith.constant 112 : index
        %swap3A_801 = tpu.vector_load %arg11[%swap3A_799, %swap3A_800] {strides = array<i32>} : memref<128x128xf32, #tpu.memory_space<vmem>>, vector<1x16xf32>,
        %swap3A_802 = vector.shape_cast %swap3A_801 : vector<1x16xf32> to vector<16xf32>
        %swap3A_803 = vector.shape_cast %get3A_696 : vector<16xf32> to vector<1x16xf32>
        tpu.vector_store %arg11[%swap3A_799, %swap3A_800], %swap3A_803 {add = true, strides = array<i32>} : memref<128x128xf32, #tpu.memory_space<vmem>>, vector<1x16xf32>,
        %scan3A_804 = arith.constant 0 : i32
        %scan3A_805 = arith.constant 2 : i32
        %scan3A_806 = arith.addi %scan3A_790, %scan3A_805 : i32
        %swap3A_807 = arith.index_cast %scan3A_806 : i32 to index
        %swap3A_808 = arith.constant 112 : index
        %swap3A_809 = tpu.vector_load %arg11[%swap3A_807, %swap3A_808] {strides = array<i32>} : memref<128x128xf32, #tpu.memory_space<vmem>>, vector<1x16xf32>,
        %swap3A_810 = vector.shape_cast %swap3A_809 : vector<1x16xf32> to vector<16xf32>
        %swap3A_811 = vector.shape_cast %get3A_696 : vector<16xf32> to vector<1x16xf32>
        tpu.vector_store %arg11[%swap3A_807, %swap3A_808], %swap3A_811 {add = true, strides = array<i32>} : memref<128x128xf32, #tpu.memory_space<vmem>>, vector<1x16xf32>,
        %scan3A_812 = arith.constant 0 : i32
        %scan3A_813 = arith.constant 3 : i32
        %scan3A_814 = arith.addi %scan3A_790, %scan3A_813 : i32
        %swap3A_815 = arith.index_cast %scan3A_814 : i32 to index
        %swap3A_816 = arith.constant 112 : index
        %swap3A_817 = tpu.vector_load %arg11[%swap3A_815, %swap3A_816] {strides = array<i32>} : memref<128x128xf32, #tpu.memory_space<vmem>>, vector<1x16xf32>,
        %swap3A_818 = vector.shape_cast %swap3A_817 : vector<1x16xf32> to vector<16xf32>
        %swap3A_819 = vector.shape_cast %get3A_696 : vector<16xf32> to vector<1x16xf32>
        tpu.vector_store %arg11[%swap3A_815, %swap3A_816], %swap3A_819 {add = true, strides = array<i32>} : memref<128x128xf32, #tpu.memory_space<vmem>>, vector<1x16xf32>,
        %scan3A_820 = arith.constant 0 : i32
        %scan3A_821 = arith.constant 4 : i32
        %scan3A_822 = arith.addi %scan3A_790, %scan3A_821 : i32
        %swap3A_823 = arith.index_cast %scan3A_822 : i32 to index
        %swap3A_824 = arith.constant 112 : index
        %swap3A_825 = tpu.vector_load %arg11[%swap3A_823, %swap3A_824] {strides = array<i32>} : memref<128x128xf32, #tpu.memory_space<vmem>>, vector<1x16xf32>,
        %swap3A_826 = vector.shape_cast %swap3A_825 : vector<1x16xf32> to vector<16xf32>
        %swap3A_827 = vector.shape_cast %get3A_696 : vector<16xf32> to vector<1x16xf32>
        tpu.vector_store %arg11[%swap3A_823, %swap3A_824], %swap3A_827 {add = true, strides = array<i32>} : memref<128x128xf32, #tpu.memory_space<vmem>>, vector<1x16xf32>,
        %scan3A_828 = arith.constant 0 : i32
        %scan3A_829 = arith.constant 5 : i32
        %scan3A_830 = arith.addi %scan3A_790, %scan3A_829 : i32
        %swap3A_831 = arith.index_cast %scan3A_830 : i32 to index
        %swap3A_832 = arith.constant 112 : index
        %swap3A_833 = tpu.vector_load %arg11[%swap3A_831, %swap3A_832] {strides = array<i32>} : memref<128x128xf32, #tpu.memory_space<vmem>>, vector<1x16xf32>,
        %swap3A_834 = vector.shape_cast %swap3A_833 : vector<1x16xf32> to vector<16xf32>
        %swap3A_835 = vector.shape_cast %get3A_696 : vector<16xf32> to vector<1x16xf32>
        tpu.vector_store %arg11[%swap3A_831, %swap3A_832], %swap3A_835 {add = true, strides = array<i32>} : memref<128x128xf32, #tpu.memory_space<vmem>>, vector<1x16xf32>,
        %scan3A_836 = arith.constant 0 : i32
        %scan3A_837 = arith.constant 6 : i32
        %scan3A_838 = arith.addi %scan3A_790, %scan3A_837 : i32
        %swap3A_839 = arith.index_cast %scan3A_838 : i32 to index
        %swap3A_840 = arith.constant 112 : index
        %swap3A_841 = tpu.vector_load %arg11[%swap3A_839, %swap3A_840] {strides = array<i32>} : memref<128x128xf32, #tpu.memory_space<vmem>>, vector<1x16xf32>,
        %swap3A_842 = vector.shape_cast %swap3A_841 : vector<1x16xf32> to vector<16xf32>
        %swap3A_843 = vector.shape_cast %get3A_696 : vector<16xf32> to vector<1x16xf32>
        tpu.vector_store %arg11[%swap3A_839, %swap3A_840], %swap3A_843 {add = true, strides = array<i32>} : memref<128x128xf32, #tpu.memory_space<vmem>>, vector<1x16xf32>,
        %scan3A_844 = arith.constant 0 : i32
        %scan3A_845 = arith.constant 7 : i32
        %scan3A_846 = arith.addi %scan3A_790, %scan3A_845 : i32
        %swap3A_847 = arith.index_cast %scan3A_846 : i32 to index
        %swap3A_848 = arith.constant 112 : index
        %swap3A_849 = tpu.vector_load %arg11[%swap3A_847, %swap3A_848] {strides = array<i32>} : memref<128x128xf32, #tpu.memory_space<vmem>>, vector<1x16xf32>,
        %swap3A_850 = vector.shape_cast %swap3A_849 : vector<1x16xf32> to vector<16xf32>
        %swap3A_851 = vector.shape_cast %get3A_696 : vector<16xf32> to vector<1x16xf32>
        tpu.vector_store %arg11[%swap3A_847, %swap3A_848], %swap3A_851 {add = true, strides = array<i32>} : memref<128x128xf32, #tpu.memory_space<vmem>>, vector<1x16xf32>,
        %scan3A_852 = arith.constant 0 : i32
        scf.yield %scan3A_852 : i32
      }
      %scan3A_703 = arith.constant 128 : i32
      %add3A_704 = arith.constant 3 : i32
      %add3A_705 = arith.addi %mul3A_285, %add3A_704 : i32
      %add3A_706 = arith.constant 27 : i32
      %add3A_707 = arith.addi %add3A_706, %add3A_705 : i32
      %dma_start3A_708 = arith.constant 0 : i32
      %dma_start3A_709 = tpu.memref_slice %arg5[%add3A_707, %mul3A_2, %dma_start3A_708] : memref<77x4096x128xf32, #tpu.memory_space<hbm>> -> memref<1x128x128xf32, #tpu.memory_space<hbm>>
      %dma_start3A_710 = tpu.memref_squeeze %dma_start3A_709 : memref<1x128x128xf32, #tpu.memory_space<hbm>> -> memref<128x128xf32, #tpu.memory_space<hbm>>
      %dma_start3A_711 = arith.constant 0 : i32
      %dma_start3A_712 = tpu.memref_slice %arg5[%add3A_707, %mul3A_2, %dma_start3A_711] : memref<77x4096x128xf32, #tpu.memory_space<hbm>> -> memref<1x128x128xf32, #tpu.memory_space<hbm>>
      %dma_start3A_713 = tpu.memref_squeeze %dma_start3A_712 : memref<1x128x128xf32, #tpu.memory_space<hbm>> -> memref<128x128xf32, #tpu.memory_space<hbm>>
      tpu.enqueue_dma source(%arg11 : memref<128x128xf32, #tpu.memory_space<vmem>>) target(%dma_start3A_713 : memref<128x128xf32, #tpu.memory_space<hbm>>) target_semaphore(%arg19 : memref<!tpu.dma_semaphore, #tpu.memory_space<semaphore_mem>>)
      %add3A_714 = arith.constant 4 : i32
      %add3A_715 = arith.addi %mul3A_285, %add3A_714 : i32
      %add3A_716 = arith.constant 0 : i32
      %add3A_717 = arith.addi %add3A_715, %add3A_716 : i32
      %min3A = arith.constant 49 : i32
      %min3A_718 = arith.minsi %add3A_717, %min3A : i32
      %dma_wait3A_719 = arith.constant 0 : i32
      %dma_wait3A_720 = arith.constant 0 : i32
      %dma_wait3A_721 = tpu.memref_slice %arg5[%dma_wait3A_719, %mul3A_2, %dma_wait3A_720] : memref<77x4096x128xf32, #tpu.memory_space<hbm>> -> memref<1x128x128xf32, #tpu.memory_space<hbm>>
      %dma_wait3A_722 = tpu.memref_squeeze %dma_wait3A_721 : memref<1x128x128xf32, #tpu.memory_space<hbm>> -> memref<128x128xf32, #tpu.memory_space<hbm>>
      %dma_wait3A_723 = arith.constant 0 : i32
      %dma_wait3A_724 = tpu.memref_slice %arg5[%dma_wait3A_719, %mul3A_2, %dma_wait3A_723] : memref<77x4096x128xf32, #tpu.memory_space<hbm>> -> memref<1x128x128xf32, #tpu.memory_space<hbm>>
      %dma_wait3A_725 = tpu.memref_squeeze %dma_wait3A_724 : memref<1x128x128xf32, #tpu.memory_space<hbm>> -> memref<128x128xf32, #tpu.memory_space<hbm>>
      tpu.wait_dma2 semaphore(%arg16 : memref<!tpu.dma_semaphore, #tpu.memory_space<semaphore_mem>>) src(%arg8 : memref<128x128xf32, #tpu.memory_space<vmem>>) dst(%dma_wait3A_725 : memref<128x128xf32, #tpu.memory_space<hbm>>)
      %dma_start3A_726 = arith.constant 0 : i32
      %dma_start3A_727 = tpu.memref_slice %arg6[%min3A_718, %dma_start3A_726] : memref<50x128xi32, #tpu.memory_space<vmem>> -> memref<1x128xi32, #tpu.memory_space<vmem>>
      %dma_start3A_728 = tpu.memref_squeeze %dma_start3A_727 : memref<1x128xi32, #tpu.memory_space<vmem>> -> memref<128xi32, #tpu.memory_space<vmem>>
      %dma_start3A_729 = arith.constant 0 : i32
      %dma_start3A_730 = arith.constant 0 : i32
      %dma_start3A_731 = tpu.memref_slice %arg3[%dma_start3A_729, %dma_start3A_730] : memref<100000x128xf32, #tpu.memory_space<hbm>> -> memref<100000x128xf32, #tpu.memory_space<hbm>>
      tpu.enqueue_indirect_dma source(%dma_start3A_731 : memref<100000x128xf32, #tpu.memory_space<hbm>>) target(%arg8 : memref<128x128xf32, #tpu.memory_space<vmem>>) offsets(%dma_start3A_728 : memref<128xi32, #tpu.memory_space<vmem>>) semaphore(%arg12 : memref<!tpu.dma_semaphore, #tpu.memory_space<semaphore_mem>>)
      %add3A_732 = arith.constant 4 : i32
      %add3A_733 = arith.addi %mul3A_285, %add3A_732 : i32
      %add3A_734 = arith.constant 1 : i32
      %add3A_735 = arith.addi %add3A_733, %add3A_734 : i32
      %min3A_736 = arith.constant 49 : i32
      %min3A_737 = arith.minsi %add3A_735, %min3A_736 : i32
      %dma_wait3A_738 = arith.constant 0 : i32
      %dma_wait3A_739 = arith.constant 0 : i32
      %dma_wait3A_740 = tpu.memref_slice %arg5[%dma_wait3A_738, %mul3A_2, %dma_wait3A_739] : memref<77x4096x128xf32, #tpu.memory_space<hbm>> -> memref<1x128x128xf32, #tpu.memory_space<hbm>>
      %dma_wait3A_741 = tpu.memref_squeeze %dma_wait3A_740 : memref<1x128x128xf32, #tpu.memory_space<hbm>> -> memref<128x128xf32, #tpu.memory_space<hbm>>
      %dma_wait3A_742 = arith.constant 0 : i32
      %dma_wait3A_743 = tpu.memref_slice %arg5[%dma_wait3A_738, %mul3A_2, %dma_wait3A_742] : memref<77x4096x128xf32, #tpu.memory_space<hbm>> -> memref<1x128x128xf32, #tpu.memory_space<hbm>>
      %dma_wait3A_744 = tpu.memref_squeeze %dma_wait3A_743 : memref<1x128x128xf32, #tpu.memory_space<hbm>> -> memref<128x128xf32, #tpu.memory_space<hbm>>
      tpu.wait_dma2 semaphore(%arg17 : memref<!tpu.dma_semaphore, #tpu.memory_space<semaphore_mem>>) src(%arg9 : memref<128x128xf32, #tpu.memory_space<vmem>>) dst(%dma_wait3A_744 : memref<128x128xf32, #tpu.memory_space<hbm>>)
      %dma_start3A_745 = arith.constant 0 : i32
      %dma_start3A_746 = tpu.memref_slice %arg6[%min3A_737, %dma_start3A_745] : memref<50x128xi32, #tpu.memory_space<vmem>> -> memref<1x128xi32, #tpu.memory_space<vmem>>
      %dma_start3A_747 = tpu.memref_squeeze %dma_start3A_746 : memref<1x128xi32, #tpu.memory_space<vmem>> -> memref<128xi32, #tpu.memory_space<vmem>>
      %dma_start3A_748 = arith.constant 0 : i32
      %dma_start3A_749 = arith.constant 0 : i32
      %dma_start3A_750 = tpu.memref_slice %arg3[%dma_start3A_748, %dma_start3A_749] : memref<100000x128xf32, #tpu.memory_space<hbm>> -> memref<100000x128xf32, #tpu.memory_space<hbm>>
      tpu.enqueue_indirect_dma source(%dma_start3A_750 : memref<100000x128xf32, #tpu.memory_space<hbm>>) target(%arg9 : memref<128x128xf32, #tpu.memory_space<vmem>>) offsets(%dma_start3A_747 : memref<128xi32, #tpu.memory_space<vmem>>) semaphore(%arg13 : memref<!tpu.dma_semaphore, #tpu.memory_space<semaphore_mem>>)
      %add3A_751 = arith.constant 4 : i32
      %add3A_752 = arith.addi %mul3A_285, %add3A_751 : i32
      %add3A_753 = arith.constant 2 : i32
      %add3A_754 = arith.addi %add3A_752, %add3A_753 : i32
      %min3A_755 = arith.constant 49 : i32
      %min3A_756 = arith.minsi %add3A_754, %min3A_755 : i32
      %dma_wait3A_757 = arith.constant 0 : i32
      %dma_wait3A_758 = arith.constant 0 : i32
      %dma_wait3A_759 = tpu.memref_slice %arg5[%dma_wait3A_757, %mul3A_2, %dma_wait3A_758] : memref<77x4096x128xf32, #tpu.memory_space<hbm>> -> memref<1x128x128xf32, #tpu.memory_space<hbm>>
      %dma_wait3A_760 = tpu.memref_squeeze %dma_wait3A_759 : memref<1x128x128xf32, #tpu.memory_space<hbm>> -> memref<128x128xf32, #tpu.memory_space<hbm>>
      %dma_wait3A_761 = arith.constant 0 : i32
      %dma_wait3A_762 = tpu.memref_slice %arg5[%dma_wait3A_757, %mul3A_2, %dma_wait3A_761] : memref<77x4096x128xf32, #tpu.memory_space<hbm>> -> memref<1x128x128xf32, #tpu.memory_space<hbm>>
      %dma_wait3A_763 = tpu.memref_squeeze %dma_wait3A_762 : memref<1x128x128xf32, #tpu.memory_space<hbm>> -> memref<128x128xf32, #tpu.memory_space<hbm>>
      tpu.wait_dma2 semaphore(%arg18 : memref<!tpu.dma_semaphore, #tpu.memory_space<semaphore_mem>>) src(%arg10 : memref<128x128xf32, #tpu.memory_space<vmem>>) dst(%dma_wait3A_763 : memref<128x128xf32, #tpu.memory_space<hbm>>)
      %dma_start3A_764 = arith.constant 0 : i32
      %dma_start3A_765 = tpu.memref_slice %arg6[%min3A_756, %dma_start3A_764] : memref<50x128xi32, #tpu.memory_space<vmem>> -> memref<1x128xi32, #tpu.memory_space<vmem>>
      %dma_start3A_766 = tpu.memref_squeeze %dma_start3A_765 : memref<1x128xi32, #tpu.memory_space<vmem>> -> memref<128xi32, #tpu.memory_space<vmem>>
      %dma_start3A_767 = arith.constant 0 : i32
      %dma_start3A_768 = arith.constant 0 : i32
      %dma_start3A_769 = tpu.memref_slice %arg3[%dma_start3A_767, %dma_start3A_768] : memref<100000x128xf32, #tpu.memory_space<hbm>> -> memref<100000x128xf32, #tpu.memory_space<hbm>>
      tpu.enqueue_indirect_dma source(%dma_start3A_769 : memref<100000x128xf32, #tpu.memory_space<hbm>>) target(%arg10 : memref<128x128xf32, #tpu.memory_space<vmem>>) offsets(%dma_start3A_766 : memref<128xi32, #tpu.memory_space<vmem>>) semaphore(%arg14 : memref<!tpu.dma_semaphore, #tpu.memory_space<semaphore_mem>>)
      %add3A_770 = arith.constant 4 : i32
      %add3A_771 = arith.addi %mul3A_285, %add3A_770 : i32
      %add3A_772 = arith.constant 3 : i32
      %add3A_773 = arith.addi %add3A_771, %add3A_772 : i32
      %min3A_774 = arith.constant 49 : i32
      %min3A_775 = arith.minsi %add3A_773, %min3A_774 : i32
      %dma_wait3A_776 = arith.constant 0 : i32
      %dma_wait3A_777 = arith.constant 0 : i32
      %dma_wait3A_778 = tpu.memref_slice %arg5[%dma_wait3A_776, %mul3A_2, %dma_wait3A_777] : memref<77x4096x128xf32, #tpu.memory_space<hbm>> -> memref<1x128x128xf32, #tpu.memory_space<hbm>>
      %dma_wait3A_779 = tpu.memref_squeeze %dma_wait3A_778 : memref<1x128x128xf32, #tpu.memory_space<hbm>> -> memref<128x128xf32, #tpu.memory_space<hbm>>
      %dma_wait3A_780 = arith.constant 0 : i32
      %dma_wait3A_781 = tpu.memref_slice %arg5[%dma_wait3A_776, %mul3A_2, %dma_wait3A_780] : memref<77x4096x128xf32, #tpu.memory_space<hbm>> -> memref<1x128x128xf32, #tpu.memory_space<hbm>>
      %dma_wait3A_782 = tpu.memref_squeeze %dma_wait3A_781 : memref<1x128x128xf32, #tpu.memory_space<hbm>> -> memref<128x128xf32, #tpu.memory_space<hbm>>
      tpu.wait_dma2 semaphore(%arg19 : memref<!tpu.dma_semaphore, #tpu.memory_space<semaphore_mem>>) src(%arg11 : memref<128x128xf32, #tpu.memory_space<vmem>>) dst(%dma_wait3A_782 : memref<128x128xf32, #tpu.memory_space<hbm>>)
      %dma_start3A_783 = arith.constant 0 : i32
      %dma_start3A_784 = tpu.memref_slice %arg6[%min3A_775, %dma_start3A_783] : memref<50x128xi32, #tpu.memory_space<vmem>> -> memref<1x128xi32, #tpu.memory_space<vmem>>
      %dma_start3A_785 = tpu.memref_squeeze %dma_start3A_784 : memref<1x128xi32, #tpu.memory_space<vmem>> -> memref<128xi32, #tpu.memory_space<vmem>>
      %dma_start3A_786 = arith.constant 0 : i32
      %dma_start3A_787 = arith.constant 0 : i32
      %dma_start3A_788 = tpu.memref_slice %arg3[%dma_start3A_786, %dma_start3A_787] : memref<100000x128xf32, #tpu.memory_space<hbm>> -> memref<100000x128xf32, #tpu.memory_space<hbm>>
      tpu.enqueue_indirect_dma source(%dma_start3A_788 : memref<100000x128xf32, #tpu.memory_space<hbm>>) target(%arg11 : memref<128x128xf32, #tpu.memory_space<vmem>>) offsets(%dma_start3A_785 : memref<128xi32, #tpu.memory_space<vmem>>) semaphore(%arg15 : memref<!tpu.dma_semaphore, #tpu.memory_space<semaphore_mem>>)
      %scan3A_789 = arith.constant 0 : i32
      scf.yield %scan3A_789 : i32
    }
    %scan3A_35 = arith.constant 12 : i32
    %dma_wait3A = arith.constant 0 : i32
    %dma_wait3A_36 = arith.constant 0 : i32
    %dma_wait3A_37 = tpu.memref_slice %arg6[%dma_wait3A, %dma_wait3A_36] : memref<50x128xi32, #tpu.memory_space<vmem>> -> memref<1x128xi32, #tpu.memory_space<vmem>>
    %dma_wait3A_38 = tpu.memref_squeeze %dma_wait3A_37 : memref<1x128xi32, #tpu.memory_space<vmem>> -> memref<128xi32, #tpu.memory_space<vmem>>
    %dma_wait3A_39 = arith.constant 0 : i32
    %dma_wait3A_40 = arith.constant 0 : i32
    %dma_wait3A_41 = tpu.memref_slice %arg3[%dma_wait3A_39, %dma_wait3A_40] : memref<100000x128xf32, #tpu.memory_space<hbm>> -> memref<100000x128xf32, #tpu.memory_space<hbm>>
    tpu.wait_indirect_dma semaphore(%arg12 : memref<!tpu.dma_semaphore, #tpu.memory_space<semaphore_mem>>) src(%dma_wait3A_41 : memref<100000x128xf32, #tpu.memory_space<hbm>>) dst(%arg8 : memref<128x128xf32, #tpu.memory_space<vmem>>)
    %dma_wait3A_42 = arith.constant 0 : i32
    %dma_wait3A_43 = arith.constant 0 : i32
    %dma_wait3A_44 = tpu.memref_slice %arg6[%dma_wait3A_42, %dma_wait3A_43] : memref<50x128xi32, #tpu.memory_space<vmem>> -> memref<1x128xi32, #tpu.memory_space<vmem>>
    %dma_wait3A_45 = tpu.memref_squeeze %dma_wait3A_44 : memref<1x128xi32, #tpu.memory_space<vmem>> -> memref<128xi32, #tpu.memory_space<vmem>>
    %dma_wait3A_46 = arith.constant 0 : i32
    %dma_wait3A_47 = arith.constant 0 : i32
    %dma_wait3A_48 = tpu.memref_slice %arg3[%dma_wait3A_46, %dma_wait3A_47] : memref<100000x128xf32, #tpu.memory_space<hbm>> -> memref<100000x128xf32, #tpu.memory_space<hbm>>
    tpu.wait_indirect_dma semaphore(%arg13 : memref<!tpu.dma_semaphore, #tpu.memory_space<semaphore_mem>>) src(%dma_wait3A_48 : memref<100000x128xf32, #tpu.memory_space<hbm>>) dst(%arg9 : memref<128x128xf32, #tpu.memory_space<vmem>>)
    %dma_wait3A_49 = arith.constant 0 : i32
    %dma_wait3A_50 = arith.constant 0 : i32
    %dma_wait3A_51 = tpu.memref_slice %arg6[%dma_wait3A_49, %dma_wait3A_50] : memref<50x128xi32, #tpu.memory_space<vmem>> -> memref<1x128xi32, #tpu.memory_space<vmem>>
    %dma_wait3A_52 = tpu.memref_squeeze %dma_wait3A_51 : memref<1x128xi32, #tpu.memory_space<vmem>> -> memref<128xi32, #tpu.memory_space<vmem>>
    %dma_wait3A_53 = arith.constant 0 : i32
    %dma_wait3A_54 = arith.constant 0 : i32
    %dma_wait3A_55 = tpu.memref_slice %arg3[%dma_wait3A_53, %dma_wait3A_54] : memref<100000x128xf32, #tpu.memory_space<hbm>> -> memref<100000x128xf32, #tpu.memory_space<hbm>>
    tpu.wait_indirect_dma semaphore(%arg14 : memref<!tpu.dma_semaphore, #tpu.memory_space<semaphore_mem>>) src(%dma_wait3A_55 : memref<100000x128xf32, #tpu.memory_space<hbm>>) dst(%arg10 : memref<128x128xf32, #tpu.memory_space<vmem>>)
    %dma_wait3A_56 = arith.constant 0 : i32
    %dma_wait3A_57 = arith.constant 0 : i32
    %dma_wait3A_58 = tpu.memref_slice %arg6[%dma_wait3A_56, %dma_wait3A_57] : memref<50x128xi32, #tpu.memory_space<vmem>> -> memref<1x128xi32, #tpu.memory_space<vmem>>
    %dma_wait3A_59 = tpu.memref_squeeze %dma_wait3A_58 : memref<1x128xi32, #tpu.memory_space<vmem>> -> memref<128xi32, #tpu.memory_space<vmem>>
    %dma_wait3A_60 = arith.constant 0 : i32
    %dma_wait3A_61 = arith.constant 0 : i32
    %dma_wait3A_62 = tpu.memref_slice %arg3[%dma_wait3A_60, %dma_wait3A_61] : memref<100000x128xf32, #tpu.memory_space<hbm>> -> memref<100000x128xf32, #tpu.memory_space<hbm>>
    tpu.wait_indirect_dma semaphore(%arg15 : memref<!tpu.dma_semaphore, #tpu.memory_space<semaphore_mem>>) src(%dma_wait3A_62 : memref<100000x128xf32, #tpu.memory_space<hbm>>) dst(%arg11 : memref<128x128xf32, #tpu.memory_space<vmem>>)
    %get3A = arith.constant 48 : i32
    %get3A_63 = arith.index_cast %get3A : i32 to index
    %get3A_64 = arith.constant 0 : index
    %get3A_65 = tpu.vector_load %arg7[%get3A_63, %get3A_64] {strides = array<i32>} : memref<50x128xf32, #tpu.memory_space<vmem>>, vector<1x16xf32>,
    %get3A_66 = vector.shape_cast %get3A_65 : vector<1x16xf32> to vector<16xf32>
    %scan3A_67 = arith.constant 0 : i32
    %scan3A_68 = arith.constant 0 : i32
    %scan3A_69 = arith.constant 128 : i32
    %scan3A_70 = arith.addi %scan3A_68, %scan3A_69 : i32
    %scan3A_71 = arith.constant 8 : i32
    %scan3A_72 = scf.for %scan3A_282 = %scan3A_68 to %scan3A_70 step %scan3A_71 iter_args(%scan3A_283 = %scan3A_67) -> (i32)  : i32 {
      %swap3A = arith.index_cast %scan3A_282 : i32 to index
      %swap3A_284 = arith.constant 0 : index
      %swap3A_285 = tpu.vector_load %arg8[%swap3A, %swap3A_284] {strides = array<i32>} : memref<128x128xf32, #tpu.memory_space<vmem>>, vector<1x16xf32>,
      %swap3A_286 = vector.shape_cast %swap3A_285 : vector<1x16xf32> to vector<16xf32>
      %swap3A_287 = vector.shape_cast %get3A_66 : vector<16xf32> to vector<1x16xf32>
      tpu.vector_store %arg8[%swap3A, %swap3A_284], %swap3A_287 {add = true, strides = array<i32>} : memref<128x128xf32, #tpu.memory_space<vmem>>, vector<1x16xf32>,
      %scan3A_288 = arith.constant 0 : i32
      %scan3A_289 = arith.constant 1 : i32
      %scan3A_290 = arith.addi %scan3A_282, %scan3A_289 : i32
      %swap3A_291 = arith.index_cast %scan3A_290 : i32 to index
      %swap3A_292 = arith.constant 0 : index
      %swap3A_293 = tpu.vector_load %arg8[%swap3A_291, %swap3A_292] {strides = array<i32>} : memref<128x128xf32, #tpu.memory_space<vmem>>, vector<1x16xf32>,
      %swap3A_294 = vector.shape_cast %swap3A_293 : vector<1x16xf32> to vector<16xf32>
      %swap3A_295 = vector.shape_cast %get3A_66 : vector<16xf32> to vector<1x16xf32>
      tpu.vector_store %arg8[%swap3A_291, %swap3A_292], %swap3A_295 {add = true, strides = array<i32>} : memref<128x128xf32, #tpu.memory_space<vmem>>, vector<1x16xf32>,
      %scan3A_296 = arith.constant 0 : i32
      %scan3A_297 = arith.constant 2 : i32
      %scan3A_298 = arith.addi %scan3A_282, %scan3A_297 : i32
      %swap3A_299 = arith.index_cast %scan3A_298 : i32 to index
      %swap3A_300 = arith.constant 0 : index
      %swap3A_301 = tpu.vector_load %arg8[%swap3A_299, %swap3A_300] {strides = array<i32>} : memref<128x128xf32, #tpu.memory_space<vmem>>, vector<1x16xf32>,
      %swap3A_302 = vector.shape_cast %swap3A_301 : vector<1x16xf32> to vector<16xf32>
      %swap3A_303 = vector.shape_cast %get3A_66 : vector<16xf32> to vector<1x16xf32>
      tpu.vector_store %arg8[%swap3A_299, %swap3A_300], %swap3A_303 {add = true, strides = array<i32>} : memref<128x128xf32, #tpu.memory_space<vmem>>, vector<1x16xf32>,
      %scan3A_304 = arith.constant 0 : i32
      %scan3A_305 = arith.constant 3 : i32
      %scan3A_306 = arith.addi %scan3A_282, %scan3A_305 : i32
      %swap3A_307 = arith.index_cast %scan3A_306 : i32 to index
      %swap3A_308 = arith.constant 0 : index
      %swap3A_309 = tpu.vector_load %arg8[%swap3A_307, %swap3A_308] {strides = array<i32>} : memref<128x128xf32, #tpu.memory_space<vmem>>, vector<1x16xf32>,
      %swap3A_310 = vector.shape_cast %swap3A_309 : vector<1x16xf32> to vector<16xf32>
      %swap3A_311 = vector.shape_cast %get3A_66 : vector<16xf32> to vector<1x16xf32>
      tpu.vector_store %arg8[%swap3A_307, %swap3A_308], %swap3A_311 {add = true, strides = array<i32>} : memref<128x128xf32, #tpu.memory_space<vmem>>, vector<1x16xf32>,
      %scan3A_312 = arith.constant 0 : i32
      %scan3A_313 = arith.constant 4 : i32
      %scan3A_314 = arith.addi %scan3A_282, %scan3A_313 : i32
      %swap3A_315 = arith.index_cast %scan3A_314 : i32 to index
      %swap3A_316 = arith.constant 0 : index
      %swap3A_317 = tpu.vector_load %arg8[%swap3A_315, %swap3A_316] {strides = array<i32>} : memref<128x128xf32, #tpu.memory_space<vmem>>, vector<1x16xf32>,
      %swap3A_318 = vector.shape_cast %swap3A_317 : vector<1x16xf32> to vector<16xf32>
      %swap3A_319 = vector.shape_cast %get3A_66 : vector<16xf32> to vector<1x16xf32>
      tpu.vector_store %arg8[%swap3A_315, %swap3A_316], %swap3A_319 {add = true, strides = array<i32>} : memref<128x128xf32, #tpu.memory_space<vmem>>, vector<1x16xf32>,
      %scan3A_320 = arith.constant 0 : i32
      %scan3A_321 = arith.constant 5 : i32
      %scan3A_322 = arith.addi %scan3A_282, %scan3A_321 : i32
      %swap3A_323 = arith.index_cast %scan3A_322 : i32 to index
      %swap3A_324 = arith.constant 0 : index
      %swap3A_325 = tpu.vector_load %arg8[%swap3A_323, %swap3A_324] {strides = array<i32>} : memref<128x128xf32, #tpu.memory_space<vmem>>, vector<1x16xf32>,
      %swap3A_326 = vector.shape_cast %swap3A_325 : vector<1x16xf32> to vector<16xf32>
      %swap3A_327 = vector.shape_cast %get3A_66 : vector<16xf32> to vector<1x16xf32>
      tpu.vector_store %arg8[%swap3A_323, %swap3A_324], %swap3A_327 {add = true, strides = array<i32>} : memref<128x128xf32, #tpu.memory_space<vmem>>, vector<1x16xf32>,
      %scan3A_328 = arith.constant 0 : i32
      %scan3A_329 = arith.constant 6 : i32
      %scan3A_330 = arith.addi %scan3A_282, %scan3A_329 : i32
      %swap3A_331 = arith.index_cast %scan3A_330 : i32 to index
      %swap3A_332 = arith.constant 0 : index
      %swap3A_333 = tpu.vector_load %arg8[%swap3A_331, %swap3A_332] {strides = array<i32>} : memref<128x128xf32, #tpu.memory_space<vmem>>, vector<1x16xf32>,
      %swap3A_334 = vector.shape_cast %swap3A_333 : vector<1x16xf32> to vector<16xf32>
      %swap3A_335 = vector.shape_cast %get3A_66 : vector<16xf32> to vector<1x16xf32>
      tpu.vector_store %arg8[%swap3A_331, %swap3A_332], %swap3A_335 {add = true, strides = array<i32>} : memref<128x128xf32, #tpu.memory_space<vmem>>, vector<1x16xf32>,
      %scan3A_336 = arith.constant 0 : i32
      %scan3A_337 = arith.constant 7 : i32
      %scan3A_338 = arith.addi %scan3A_282, %scan3A_337 : i32
      %swap3A_339 = arith.index_cast %scan3A_338 : i32 to index
      %swap3A_340 = arith.constant 0 : index
      %swap3A_341 = tpu.vector_load %arg8[%swap3A_339, %swap3A_340] {strides = array<i32>} : memref<128x128xf32, #tpu.memory_space<vmem>>, vector<1x16xf32>,
      %swap3A_342 = vector.shape_cast %swap3A_341 : vector<1x16xf32> to vector<16xf32>
      %swap3A_343 = vector.shape_cast %get3A_66 : vector<16xf32> to vector<1x16xf32>
      tpu.vector_store %arg8[%swap3A_339, %swap3A_340], %swap3A_343 {add = true, strides = array<i32>} : memref<128x128xf32, #tpu.memory_space<vmem>>, vector<1x16xf32>,
      %scan3A_344 = arith.constant 0 : i32
      scf.yield %scan3A_344 : i32
    }
    %scan3A_73 = arith.constant 128 : i32
    %get3A_74 = arith.constant 48 : i32
    %get3A_75 = arith.index_cast %get3A_74 : i32 to index
    %get3A_76 = arith.constant 16 : index
    %get3A_77 = tpu.vector_load %arg7[%get3A_75, %get3A_76] {strides = array<i32>} : memref<50x128xf32, #tpu.memory_space<vmem>>, vector<1x16xf32>,
    %get3A_78 = vector.shape_cast %get3A_77 : vector<1x16xf32> to vector<16xf32>
    %scan3A_79 = arith.constant 0 : i32
    %scan3A_80 = arith.constant 0 : i32
    %scan3A_81 = arith.constant 128 : i32
    %scan3A_82 = arith.addi %scan3A_80, %scan3A_81 : i32
    %scan3A_83 = arith.constant 8 : i32
    %scan3A_84 = scf.for %scan3A_282 = %scan3A_80 to %scan3A_82 step %scan3A_83 iter_args(%scan3A_283 = %scan3A_79) -> (i32)  : i32 {
      %swap3A = arith.index_cast %scan3A_282 : i32 to index
      %swap3A_284 = arith.constant 16 : index
      %swap3A_285 = tpu.vector_load %arg8[%swap3A, %swap3A_284] {strides = array<i32>} : memref<128x128xf32, #tpu.memory_space<vmem>>, vector<1x16xf32>,
      %swap3A_286 = vector.shape_cast %swap3A_285 : vector<1x16xf32> to vector<16xf32>
      %swap3A_287 = vector.shape_cast %get3A_78 : vector<16xf32> to vector<1x16xf32>
      tpu.vector_store %arg8[%swap3A, %swap3A_284], %swap3A_287 {add = true, strides = array<i32>} : memref<128x128xf32, #tpu.memory_space<vmem>>, vector<1x16xf32>,
      %scan3A_288 = arith.constant 0 : i32
      %scan3A_289 = arith.constant 1 : i32
      %scan3A_290 = arith.addi %scan3A_282, %scan3A_289 : i32
      %swap3A_291 = arith.index_cast %scan3A_290 : i32 to index
      %swap3A_292 = arith.constant 16 : index
      %swap3A_293 = tpu.vector_load %arg8[%swap3A_291, %swap3A_292] {strides = array<i32>} : memref<128x128xf32, #tpu.memory_space<vmem>>, vector<1x16xf32>,
      %swap3A_294 = vector.shape_cast %swap3A_293 : vector<1x16xf32> to vector<16xf32>
      %swap3A_295 = vector.shape_cast %get3A_78 : vector<16xf32> to vector<1x16xf32>
      tpu.vector_store %arg8[%swap3A_291, %swap3A_292], %swap3A_295 {add = true, strides = array<i32>} : memref<128x128xf32, #tpu.memory_space<vmem>>, vector<1x16xf32>,
      %scan3A_296 = arith.constant 0 : i32
      %scan3A_297 = arith.constant 2 : i32
      %scan3A_298 = arith.addi %scan3A_282, %scan3A_297 : i32
      %swap3A_299 = arith.index_cast %scan3A_298 : i32 to index
      %swap3A_300 = arith.constant 16 : index
      %swap3A_301 = tpu.vector_load %arg8[%swap3A_299, %swap3A_300] {strides = array<i32>} : memref<128x128xf32, #tpu.memory_space<vmem>>, vector<1x16xf32>,
      %swap3A_302 = vector.shape_cast %swap3A_301 : vector<1x16xf32> to vector<16xf32>
      %swap3A_303 = vector.shape_cast %get3A_78 : vector<16xf32> to vector<1x16xf32>
      tpu.vector_store %arg8[%swap3A_299, %swap3A_300], %swap3A_303 {add = true, strides = array<i32>} : memref<128x128xf32, #tpu.memory_space<vmem>>, vector<1x16xf32>,
      %scan3A_304 = arith.constant 0 : i32
      %scan3A_305 = arith.constant 3 : i32
      %scan3A_306 = arith.addi %scan3A_282, %scan3A_305 : i32
      %swap3A_307 = arith.index_cast %scan3A_306 : i32 to index
      %swap3A_308 = arith.constant 16 : index
      %swap3A_309 = tpu.vector_load %arg8[%swap3A_307, %swap3A_308] {strides = array<i32>} : memref<128x128xf32, #tpu.memory_space<vmem>>, vector<1x16xf32>,
      %swap3A_310 = vector.shape_cast %swap3A_309 : vector<1x16xf32> to vector<16xf32>
      %swap3A_311 = vector.shape_cast %get3A_78 : vector<16xf32> to vector<1x16xf32>
      tpu.vector_store %arg8[%swap3A_307, %swap3A_308], %swap3A_311 {add = true, strides = array<i32>} : memref<128x128xf32, #tpu.memory_space<vmem>>, vector<1x16xf32>,
      %scan3A_312 = arith.constant 0 : i32
      %scan3A_313 = arith.constant 4 : i32
      %scan3A_314 = arith.addi %scan3A_282, %scan3A_313 : i32
      %swap3A_315 = arith.index_cast %scan3A_314 : i32 to index
      %swap3A_316 = arith.constant 16 : index
      %swap3A_317 = tpu.vector_load %arg8[%swap3A_315, %swap3A_316] {strides = array<i32>} : memref<128x128xf32, #tpu.memory_space<vmem>>, vector<1x16xf32>,
      %swap3A_318 = vector.shape_cast %swap3A_317 : vector<1x16xf32> to vector<16xf32>
      %swap3A_319 = vector.shape_cast %get3A_78 : vector<16xf32> to vector<1x16xf32>
      tpu.vector_store %arg8[%swap3A_315, %swap3A_316], %swap3A_319 {add = true, strides = array<i32>} : memref<128x128xf32, #tpu.memory_space<vmem>>, vector<1x16xf32>,
      %scan3A_320 = arith.constant 0 : i32
      %scan3A_321 = arith.constant 5 : i32
      %scan3A_322 = arith.addi %scan3A_282, %scan3A_321 : i32
      %swap3A_323 = arith.index_cast %scan3A_322 : i32 to index
      %swap3A_324 = arith.constant 16 : index
      %swap3A_325 = tpu.vector_load %arg8[%swap3A_323, %swap3A_324] {strides = array<i32>} : memref<128x128xf32, #tpu.memory_space<vmem>>, vector<1x16xf32>,
      %swap3A_326 = vector.shape_cast %swap3A_325 : vector<1x16xf32> to vector<16xf32>
      %swap3A_327 = vector.shape_cast %get3A_78 : vector<16xf32> to vector<1x16xf32>
      tpu.vector_store %arg8[%swap3A_323, %swap3A_324], %swap3A_327 {add = true, strides = array<i32>} : memref<128x128xf32, #tpu.memory_space<vmem>>, vector<1x16xf32>,
      %scan3A_328 = arith.constant 0 : i32
      %scan3A_329 = arith.constant 6 : i32
      %scan3A_330 = arith.addi %scan3A_282, %scan3A_329 : i32
      %swap3A_331 = arith.index_cast %scan3A_330 : i32 to index
      %swap3A_332 = arith.constant 16 : index
      %swap3A_333 = tpu.vector_load %arg8[%swap3A_331, %swap3A_332] {strides = array<i32>} : memref<128x128xf32, #tpu.memory_space<vmem>>, vector<1x16xf32>,
      %swap3A_334 = vector.shape_cast %swap3A_333 : vector<1x16xf32> to vector<16xf32>
      %swap3A_335 = vector.shape_cast %get3A_78 : vector<16xf32> to vector<1x16xf32>
      tpu.vector_store %arg8[%swap3A_331, %swap3A_332], %swap3A_335 {add = true, strides = array<i32>} : memref<128x128xf32, #tpu.memory_space<vmem>>, vector<1x16xf32>,
      %scan3A_336 = arith.constant 0 : i32
      %scan3A_337 = arith.constant 7 : i32
      %scan3A_338 = arith.addi %scan3A_282, %scan3A_337 : i32
      %swap3A_339 = arith.index_cast %scan3A_338 : i32 to index
      %swap3A_340 = arith.constant 16 : index
      %swap3A_341 = tpu.vector_load %arg8[%swap3A_339, %swap3A_340] {strides = array<i32>} : memref<128x128xf32, #tpu.memory_space<vmem>>, vector<1x16xf32>,
      %swap3A_342 = vector.shape_cast %swap3A_341 : vector<1x16xf32> to vector<16xf32>
      %swap3A_343 = vector.shape_cast %get3A_78 : vector<16xf32> to vector<1x16xf32>
      tpu.vector_store %arg8[%swap3A_339, %swap3A_340], %swap3A_343 {add = true, strides = array<i32>} : memref<128x128xf32, #tpu.memory_space<vmem>>, vector<1x16xf32>,
      %scan3A_344 = arith.constant 0 : i32
      scf.yield %scan3A_344 : i32
    }
    %scan3A_85 = arith.constant 128 : i32
    %get3A_86 = arith.constant 48 : i32
    %get3A_87 = arith.index_cast %get3A_86 : i32 to index
    %get3A_88 = arith.constant 32 : index
    %get3A_89 = tpu.vector_load %arg7[%get3A_87, %get3A_88] {strides = array<i32>} : memref<50x128xf32, #tpu.memory_space<vmem>>, vector<1x16xf32>,
    %get3A_90 = vector.shape_cast %get3A_89 : vector<1x16xf32> to vector<16xf32>
    %scan3A_91 = arith.constant 0 : i32
    %scan3A_92 = arith.constant 0 : i32
    %scan3A_93 = arith.constant 128 : i32
    %scan3A_94 = arith.addi %scan3A_92, %scan3A_93 : i32
    %scan3A_95 = arith.constant 8 : i32
    %scan3A_96 = scf.for %scan3A_282 = %scan3A_92 to %scan3A_94 step %scan3A_95 iter_args(%scan3A_283 = %scan3A_91) -> (i32)  : i32 {
      %swap3A = arith.index_cast %scan3A_282 : i32 to index
      %swap3A_284 = arith.constant 32 : index
      %swap3A_285 = tpu.vector_load %arg8[%swap3A, %swap3A_284] {strides = array<i32>} : memref<128x128xf32, #tpu.memory_space<vmem>>, vector<1x16xf32>,
      %swap3A_286 = vector.shape_cast %swap3A_285 : vector<1x16xf32> to vector<16xf32>
      %swap3A_287 = vector.shape_cast %get3A_90 : vector<16xf32> to vector<1x16xf32>
      tpu.vector_store %arg8[%swap3A, %swap3A_284], %swap3A_287 {add = true, strides = array<i32>} : memref<128x128xf32, #tpu.memory_space<vmem>>, vector<1x16xf32>,
      %scan3A_288 = arith.constant 0 : i32
      %scan3A_289 = arith.constant 1 : i32
      %scan3A_290 = arith.addi %scan3A_282, %scan3A_289 : i32
      %swap3A_291 = arith.index_cast %scan3A_290 : i32 to index
      %swap3A_292 = arith.constant 32 : index
      %swap3A_293 = tpu.vector_load %arg8[%swap3A_291, %swap3A_292] {strides = array<i32>} : memref<128x128xf32, #tpu.memory_space<vmem>>, vector<1x16xf32>,
      %swap3A_294 = vector.shape_cast %swap3A_293 : vector<1x16xf32> to vector<16xf32>
      %swap3A_295 = vector.shape_cast %get3A_90 : vector<16xf32> to vector<1x16xf32>
      tpu.vector_store %arg8[%swap3A_291, %swap3A_292], %swap3A_295 {add = true, strides = array<i32>} : memref<128x128xf32, #tpu.memory_space<vmem>>, vector<1x16xf32>,
      %scan3A_296 = arith.constant 0 : i32
      %scan3A_297 = arith.constant 2 : i32
      %scan3A_298 = arith.addi %scan3A_282, %scan3A_297 : i32
      %swap3A_299 = arith.index_cast %scan3A_298 : i32 to index
      %swap3A_300 = arith.constant 32 : index
      %swap3A_301 = tpu.vector_load %arg8[%swap3A_299, %swap3A_300] {strides = array<i32>} : memref<128x128xf32, #tpu.memory_space<vmem>>, vector<1x16xf32>,
      %swap3A_302 = vector.shape_cast %swap3A_301 : vector<1x16xf32> to vector<16xf32>
      %swap3A_303 = vector.shape_cast %get3A_90 : vector<16xf32> to vector<1x16xf32>
      tpu.vector_store %arg8[%swap3A_299, %swap3A_300], %swap3A_303 {add = true, strides = array<i32>} : memref<128x128xf32, #tpu.memory_space<vmem>>, vector<1x16xf32>,
      %scan3A_304 = arith.constant 0 : i32
      %scan3A_305 = arith.constant 3 : i32
      %scan3A_306 = arith.addi %scan3A_282, %scan3A_305 : i32
      %swap3A_307 = arith.index_cast %scan3A_306 : i32 to index
      %swap3A_308 = arith.constant 32 : index
      %swap3A_309 = tpu.vector_load %arg8[%swap3A_307, %swap3A_308] {strides = array<i32>} : memref<128x128xf32, #tpu.memory_space<vmem>>, vector<1x16xf32>,
      %swap3A_310 = vector.shape_cast %swap3A_309 : vector<1x16xf32> to vector<16xf32>
      %swap3A_311 = vector.shape_cast %get3A_90 : vector<16xf32> to vector<1x16xf32>
      tpu.vector_store %arg8[%swap3A_307, %swap3A_308], %swap3A_311 {add = true, strides = array<i32>} : memref<128x128xf32, #tpu.memory_space<vmem>>, vector<1x16xf32>,
      %scan3A_312 = arith.constant 0 : i32
      %scan3A_313 = arith.constant 4 : i32
      %scan3A_314 = arith.addi %scan3A_282, %scan3A_313 : i32
      %swap3A_315 = arith.index_cast %scan3A_314 : i32 to index
      %swap3A_316 = arith.constant 32 : index
      %swap3A_317 = tpu.vector_load %arg8[%swap3A_315, %swap3A_316] {strides = array<i32>} : memref<128x128xf32, #tpu.memory_space<vmem>>, vector<1x16xf32>,
      %swap3A_318 = vector.shape_cast %swap3A_317 : vector<1x16xf32> to vector<16xf32>
      %swap3A_319 = vector.shape_cast %get3A_90 : vector<16xf32> to vector<1x16xf32>
      tpu.vector_store %arg8[%swap3A_315, %swap3A_316], %swap3A_319 {add = true, strides = array<i32>} : memref<128x128xf32, #tpu.memory_space<vmem>>, vector<1x16xf32>,
      %scan3A_320 = arith.constant 0 : i32
      %scan3A_321 = arith.constant 5 : i32
      %scan3A_322 = arith.addi %scan3A_282, %scan3A_321 : i32
      %swap3A_323 = arith.index_cast %scan3A_322 : i32 to index
      %swap3A_324 = arith.constant 32 : index
      %swap3A_325 = tpu.vector_load %arg8[%swap3A_323, %swap3A_324] {strides = array<i32>} : memref<128x128xf32, #tpu.memory_space<vmem>>, vector<1x16xf32>,
      %swap3A_326 = vector.shape_cast %swap3A_325 : vector<1x16xf32> to vector<16xf32>
      %swap3A_327 = vector.shape_cast %get3A_90 : vector<16xf32> to vector<1x16xf32>
      tpu.vector_store %arg8[%swap3A_323, %swap3A_324], %swap3A_327 {add = true, strides = array<i32>} : memref<128x128xf32, #tpu.memory_space<vmem>>, vector<1x16xf32>,
      %scan3A_328 = arith.constant 0 : i32
      %scan3A_329 = arith.constant 6 : i32
      %scan3A_330 = arith.addi %scan3A_282, %scan3A_329 : i32
      %swap3A_331 = arith.index_cast %scan3A_330 : i32 to index
      %swap3A_332 = arith.constant 32 : index
      %swap3A_333 = tpu.vector_load %arg8[%swap3A_331, %swap3A_332] {strides = array<i32>} : memref<128x128xf32, #tpu.memory_space<vmem>>, vector<1x16xf32>,
      %swap3A_334 = vector.shape_cast %swap3A_333 : vector<1x16xf32> to vector<16xf32>
      %swap3A_335 = vector.shape_cast %get3A_90 : vector<16xf32> to vector<1x16xf32>
      tpu.vector_store %arg8[%swap3A_331, %swap3A_332], %swap3A_335 {add = true, strides = array<i32>} : memref<128x128xf32, #tpu.memory_space<vmem>>, vector<1x16xf32>,
      %scan3A_336 = arith.constant 0 : i32
      %scan3A_337 = arith.constant 7 : i32
      %scan3A_338 = arith.addi %scan3A_282, %scan3A_337 : i32
      %swap3A_339 = arith.index_cast %scan3A_338 : i32 to index
      %swap3A_340 = arith.constant 32 : index
      %swap3A_341 = tpu.vector_load %arg8[%swap3A_339, %swap3A_340] {strides = array<i32>} : memref<128x128xf32, #tpu.memory_space<vmem>>, vector<1x16xf32>,
      %swap3A_342 = vector.shape_cast %swap3A_341 : vector<1x16xf32> to vector<16xf32>
      %swap3A_343 = vector.shape_cast %get3A_90 : vector<16xf32> to vector<1x16xf32>
      tpu.vector_store %arg8[%swap3A_339, %swap3A_340], %swap3A_343 {add = true, strides = array<i32>} : memref<128x128xf32, #tpu.memory_space<vmem>>, vector<1x16xf32>,
      %scan3A_344 = arith.constant 0 : i32
      scf.yield %scan3A_344 : i32
    }
    %scan3A_97 = arith.constant 128 : i32
    %get3A_98 = arith.constant 48 : i32
    %get3A_99 = arith.index_cast %get3A_98 : i32 to index
    %get3A_100 = arith.constant 48 : index
    %get3A_101 = tpu.vector_load %arg7[%get3A_99, %get3A_100] {strides = array<i32>} : memref<50x128xf32, #tpu.memory_space<vmem>>, vector<1x16xf32>,
    %get3A_102 = vector.shape_cast %get3A_101 : vector<1x16xf32> to vector<16xf32>
    %scan3A_103 = arith.constant 0 : i32
    %scan3A_104 = arith.constant 0 : i32
    %scan3A_105 = arith.constant 128 : i32
    %scan3A_106 = arith.addi %scan3A_104, %scan3A_105 : i32
    %scan3A_107 = arith.constant 8 : i32
    %scan3A_108 = scf.for %scan3A_282 = %scan3A_104 to %scan3A_106 step %scan3A_107 iter_args(%scan3A_283 = %scan3A_103) -> (i32)  : i32 {
      %swap3A = arith.index_cast %scan3A_282 : i32 to index
      %swap3A_284 = arith.constant 48 : index
      %swap3A_285 = tpu.vector_load %arg8[%swap3A, %swap3A_284] {strides = array<i32>} : memref<128x128xf32, #tpu.memory_space<vmem>>, vector<1x16xf32>,
      %swap3A_286 = vector.shape_cast %swap3A_285 : vector<1x16xf32> to vector<16xf32>
      %swap3A_287 = vector.shape_cast %get3A_102 : vector<16xf32> to vector<1x16xf32>
      tpu.vector_store %arg8[%swap3A, %swap3A_284], %swap3A_287 {add = true, strides = array<i32>} : memref<128x128xf32, #tpu.memory_space<vmem>>, vector<1x16xf32>,
      %scan3A_288 = arith.constant 0 : i32
      %scan3A_289 = arith.constant 1 : i32
      %scan3A_290 = arith.addi %scan3A_282, %scan3A_289 : i32
      %swap3A_291 = arith.index_cast %scan3A_290 : i32 to index
      %swap3A_292 = arith.constant 48 : index
      %swap3A_293 = tpu.vector_load %arg8[%swap3A_291, %swap3A_292] {strides = array<i32>} : memref<128x128xf32, #tpu.memory_space<vmem>>, vector<1x16xf32>,
      %swap3A_294 = vector.shape_cast %swap3A_293 : vector<1x16xf32> to vector<16xf32>
      %swap3A_295 = vector.shape_cast %get3A_102 : vector<16xf32> to vector<1x16xf32>
      tpu.vector_store %arg8[%swap3A_291, %swap3A_292], %swap3A_295 {add = true, strides = array<i32>} : memref<128x128xf32, #tpu.memory_space<vmem>>, vector<1x16xf32>,
      %scan3A_296 = arith.constant 0 : i32
      %scan3A_297 = arith.constant 2 : i32
      %scan3A_298 = arith.addi %scan3A_282, %scan3A_297 : i32
      %swap3A_299 = arith.index_cast %scan3A_298 : i32 to index
      %swap3A_300 = arith.constant 48 : index
      %swap3A_301 = tpu.vector_load %arg8[%swap3A_299, %swap3A_300] {strides = array<i32>} : memref<128x128xf32, #tpu.memory_space<vmem>>, vector<1x16xf32>,
      %swap3A_302 = vector.shape_cast %swap3A_301 : vector<1x16xf32> to vector<16xf32>
      %swap3A_303 = vector.shape_cast %get3A_102 : vector<16xf32> to vector<1x16xf32>
      tpu.vector_store %arg8[%swap3A_299, %swap3A_300], %swap3A_303 {add = true, strides = array<i32>} : memref<128x128xf32, #tpu.memory_space<vmem>>, vector<1x16xf32>,
      %scan3A_304 = arith.constant 0 : i32
      %scan3A_305 = arith.constant 3 : i32
      %scan3A_306 = arith.addi %scan3A_282, %scan3A_305 : i32
      %swap3A_307 = arith.index_cast %scan3A_306 : i32 to index
      %swap3A_308 = arith.constant 48 : index
      %swap3A_309 = tpu.vector_load %arg8[%swap3A_307, %swap3A_308] {strides = array<i32>} : memref<128x128xf32, #tpu.memory_space<vmem>>, vector<1x16xf32>,
      %swap3A_310 = vector.shape_cast %swap3A_309 : vector<1x16xf32> to vector<16xf32>
      %swap3A_311 = vector.shape_cast %get3A_102 : vector<16xf32> to vector<1x16xf32>
      tpu.vector_store %arg8[%swap3A_307, %swap3A_308], %swap3A_311 {add = true, strides = array<i32>} : memref<128x128xf32, #tpu.memory_space<vmem>>, vector<1x16xf32>,
      %scan3A_312 = arith.constant 0 : i32
      %scan3A_313 = arith.constant 4 : i32
      %scan3A_314 = arith.addi %scan3A_282, %scan3A_313 : i32
      %swap3A_315 = arith.index_cast %scan3A_314 : i32 to index
      %swap3A_316 = arith.constant 48 : index
      %swap3A_317 = tpu.vector_load %arg8[%swap3A_315, %swap3A_316] {strides = array<i32>} : memref<128x128xf32, #tpu.memory_space<vmem>>, vector<1x16xf32>,
      %swap3A_318 = vector.shape_cast %swap3A_317 : vector<1x16xf32> to vector<16xf32>
      %swap3A_319 = vector.shape_cast %get3A_102 : vector<16xf32> to vector<1x16xf32>
      tpu.vector_store %arg8[%swap3A_315, %swap3A_316], %swap3A_319 {add = true, strides = array<i32>} : memref<128x128xf32, #tpu.memory_space<vmem>>, vector<1x16xf32>,
      %scan3A_320 = arith.constant 0 : i32
      %scan3A_321 = arith.constant 5 : i32
      %scan3A_322 = arith.addi %scan3A_282, %scan3A_321 : i32
      %swap3A_323 = arith.index_cast %scan3A_322 : i32 to index
      %swap3A_324 = arith.constant 48 : index
      %swap3A_325 = tpu.vector_load %arg8[%swap3A_323, %swap3A_324] {strides = array<i32>} : memref<128x128xf32, #tpu.memory_space<vmem>>, vector<1x16xf32>,
      %swap3A_326 = vector.shape_cast %swap3A_325 : vector<1x16xf32> to vector<16xf32>
      %swap3A_327 = vector.shape_cast %get3A_102 : vector<16xf32> to vector<1x16xf32>
      tpu.vector_store %arg8[%swap3A_323, %swap3A_324], %swap3A_327 {add = true, strides = array<i32>} : memref<128x128xf32, #tpu.memory_space<vmem>>, vector<1x16xf32>,
      %scan3A_328 = arith.constant 0 : i32
      %scan3A_329 = arith.constant 6 : i32
      %scan3A_330 = arith.addi %scan3A_282, %scan3A_329 : i32
      %swap3A_331 = arith.index_cast %scan3A_330 : i32 to index
      %swap3A_332 = arith.constant 48 : index
      %swap3A_333 = tpu.vector_load %arg8[%swap3A_331, %swap3A_332] {strides = array<i32>} : memref<128x128xf32, #tpu.memory_space<vmem>>, vector<1x16xf32>,
      %swap3A_334 = vector.shape_cast %swap3A_333 : vector<1x16xf32> to vector<16xf32>
      %swap3A_335 = vector.shape_cast %get3A_102 : vector<16xf32> to vector<1x16xf32>
      tpu.vector_store %arg8[%swap3A_331, %swap3A_332], %swap3A_335 {add = true, strides = array<i32>} : memref<128x128xf32, #tpu.memory_space<vmem>>, vector<1x16xf32>,
      %scan3A_336 = arith.constant 0 : i32
      %scan3A_337 = arith.constant 7 : i32
      %scan3A_338 = arith.addi %scan3A_282, %scan3A_337 : i32
      %swap3A_339 = arith.index_cast %scan3A_338 : i32 to index
      %swap3A_340 = arith.constant 48 : index
      %swap3A_341 = tpu.vector_load %arg8[%swap3A_339, %swap3A_340] {strides = array<i32>} : memref<128x128xf32, #tpu.memory_space<vmem>>, vector<1x16xf32>,
      %swap3A_342 = vector.shape_cast %swap3A_341 : vector<1x16xf32> to vector<16xf32>
      %swap3A_343 = vector.shape_cast %get3A_102 : vector<16xf32> to vector<1x16xf32>
      tpu.vector_store %arg8[%swap3A_339, %swap3A_340], %swap3A_343 {add = true, strides = array<i32>} : memref<128x128xf32, #tpu.memory_space<vmem>>, vector<1x16xf32>,
      %scan3A_344 = arith.constant 0 : i32
      scf.yield %scan3A_344 : i32
    }
    %scan3A_109 = arith.constant 128 : i32
    %get3A_110 = arith.constant 48 : i32
    %get3A_111 = arith.index_cast %get3A_110 : i32 to index
    %get3A_112 = arith.constant 64 : index
    %get3A_113 = tpu.vector_load %arg7[%get3A_111, %get3A_112] {strides = array<i32>} : memref<50x128xf32, #tpu.memory_space<vmem>>, vector<1x16xf32>,
    %get3A_114 = vector.shape_cast %get3A_113 : vector<1x16xf32> to vector<16xf32>
    %scan3A_115 = arith.constant 0 : i32
    %scan3A_116 = arith.constant 0 : i32
    %scan3A_117 = arith.constant 128 : i32
    %scan3A_118 = arith.addi %scan3A_116, %scan3A_117 : i32
    %scan3A_119 = arith.constant 8 : i32
    %scan3A_120 = scf.for %scan3A_282 = %scan3A_116 to %scan3A_118 step %scan3A_119 iter_args(%scan3A_283 = %scan3A_115) -> (i32)  : i32 {
      %swap3A = arith.index_cast %scan3A_282 : i32 to index
      %swap3A_284 = arith.constant 64 : index
      %swap3A_285 = tpu.vector_load %arg8[%swap3A, %swap3A_284] {strides = array<i32>} : memref<128x128xf32, #tpu.memory_space<vmem>>, vector<1x16xf32>,
      %swap3A_286 = vector.shape_cast %swap3A_285 : vector<1x16xf32> to vector<16xf32>
      %swap3A_287 = vector.shape_cast %get3A_114 : vector<16xf32> to vector<1x16xf32>
      tpu.vector_store %arg8[%swap3A, %swap3A_284], %swap3A_287 {add = true, strides = array<i32>} : memref<128x128xf32, #tpu.memory_space<vmem>>, vector<1x16xf32>,
      %scan3A_288 = arith.constant 0 : i32
      %scan3A_289 = arith.constant 1 : i32
      %scan3A_290 = arith.addi %scan3A_282, %scan3A_289 : i32
      %swap3A_291 = arith.index_cast %scan3A_290 : i32 to index
      %swap3A_292 = arith.constant 64 : index
      %swap3A_293 = tpu.vector_load %arg8[%swap3A_291, %swap3A_292] {strides = array<i32>} : memref<128x128xf32, #tpu.memory_space<vmem>>, vector<1x16xf32>,
      %swap3A_294 = vector.shape_cast %swap3A_293 : vector<1x16xf32> to vector<16xf32>
      %swap3A_295 = vector.shape_cast %get3A_114 : vector<16xf32> to vector<1x16xf32>
      tpu.vector_store %arg8[%swap3A_291, %swap3A_292], %swap3A_295 {add = true, strides = array<i32>} : memref<128x128xf32, #tpu.memory_space<vmem>>, vector<1x16xf32>,
      %scan3A_296 = arith.constant 0 : i32
      %scan3A_297 = arith.constant 2 : i32
      %scan3A_298 = arith.addi %scan3A_282, %scan3A_297 : i32
      %swap3A_299 = arith.index_cast %scan3A_298 : i32 to index
      %swap3A_300 = arith.constant 64 : index
      %swap3A_301 = tpu.vector_load %arg8[%swap3A_299, %swap3A_300] {strides = array<i32>} : memref<128x128xf32, #tpu.memory_space<vmem>>, vector<1x16xf32>,
      %swap3A_302 = vector.shape_cast %swap3A_301 : vector<1x16xf32> to vector<16xf32>
      %swap3A_303 = vector.shape_cast %get3A_114 : vector<16xf32> to vector<1x16xf32>
      tpu.vector_store %arg8[%swap3A_299, %swap3A_300], %swap3A_303 {add = true, strides = array<i32>} : memref<128x128xf32, #tpu.memory_space<vmem>>, vector<1x16xf32>,
      %scan3A_304 = arith.constant 0 : i32
      %scan3A_305 = arith.constant 3 : i32
      %scan3A_306 = arith.addi %scan3A_282, %scan3A_305 : i32
      %swap3A_307 = arith.index_cast %scan3A_306 : i32 to index
      %swap3A_308 = arith.constant 64 : index
      %swap3A_309 = tpu.vector_load %arg8[%swap3A_307, %swap3A_308] {strides = array<i32>} : memref<128x128xf32, #tpu.memory_space<vmem>>, vector<1x16xf32>,
      %swap3A_310 = vector.shape_cast %swap3A_309 : vector<1x16xf32> to vector<16xf32>
      %swap3A_311 = vector.shape_cast %get3A_114 : vector<16xf32> to vector<1x16xf32>
      tpu.vector_store %arg8[%swap3A_307, %swap3A_308], %swap3A_311 {add = true, strides = array<i32>} : memref<128x128xf32, #tpu.memory_space<vmem>>, vector<1x16xf32>,
      %scan3A_312 = arith.constant 0 : i32
      %scan3A_313 = arith.constant 4 : i32
      %scan3A_314 = arith.addi %scan3A_282, %scan3A_313 : i32
      %swap3A_315 = arith.index_cast %scan3A_314 : i32 to index
      %swap3A_316 = arith.constant 64 : index
      %swap3A_317 = tpu.vector_load %arg8[%swap3A_315, %swap3A_316] {strides = array<i32>} : memref<128x128xf32, #tpu.memory_space<vmem>>, vector<1x16xf32>,
      %swap3A_318 = vector.shape_cast %swap3A_317 : vector<1x16xf32> to vector<16xf32>
      %swap3A_319 = vector.shape_cast %get3A_114 : vector<16xf32> to vector<1x16xf32>
      tpu.vector_store %arg8[%swap3A_315, %swap3A_316], %swap3A_319 {add = true, strides = array<i32>} : memref<128x128xf32, #tpu.memory_space<vmem>>, vector<1x16xf32>,
      %scan3A_320 = arith.constant 0 : i32
      %scan3A_321 = arith.constant 5 : i32
      %scan3A_322 = arith.addi %scan3A_282, %scan3A_321 : i32
      %swap3A_323 = arith.index_cast %scan3A_322 : i32 to index
      %swap3A_324 = arith.constant 64 : index
      %swap3A_325 = tpu.vector_load %arg8[%swap3A_323, %swap3A_324] {strides = array<i32>} : memref<128x128xf32, #tpu.memory_space<vmem>>, vector<1x16xf32>,
      %swap3A_326 = vector.shape_cast %swap3A_325 : vector<1x16xf32> to vector<16xf32>
      %swap3A_327 = vector.shape_cast %get3A_114 : vector<16xf32> to vector<1x16xf32>
      tpu.vector_store %arg8[%swap3A_323, %swap3A_324], %swap3A_327 {add = true, strides = array<i32>} : memref<128x128xf32, #tpu.memory_space<vmem>>, vector<1x16xf32>,
      %scan3A_328 = arith.constant 0 : i32
      %scan3A_329 = arith.constant 6 : i32
      %scan3A_330 = arith.addi %scan3A_282, %scan3A_329 : i32
      %swap3A_331 = arith.index_cast %scan3A_330 : i32 to index
      %swap3A_332 = arith.constant 64 : index
      %swap3A_333 = tpu.vector_load %arg8[%swap3A_331, %swap3A_332] {strides = array<i32>} : memref<128x128xf32, #tpu.memory_space<vmem>>, vector<1x16xf32>,
      %swap3A_334 = vector.shape_cast %swap3A_333 : vector<1x16xf32> to vector<16xf32>
      %swap3A_335 = vector.shape_cast %get3A_114 : vector<16xf32> to vector<1x16xf32>
      tpu.vector_store %arg8[%swap3A_331, %swap3A_332], %swap3A_335 {add = true, strides = array<i32>} : memref<128x128xf32, #tpu.memory_space<vmem>>, vector<1x16xf32>,
      %scan3A_336 = arith.constant 0 : i32
      %scan3A_337 = arith.constant 7 : i32
      %scan3A_338 = arith.addi %scan3A_282, %scan3A_337 : i32
      %swap3A_339 = arith.index_cast %scan3A_338 : i32 to index
      %swap3A_340 = arith.constant 64 : index
      %swap3A_341 = tpu.vector_load %arg8[%swap3A_339, %swap3A_340] {strides = array<i32>} : memref<128x128xf32, #tpu.memory_space<vmem>>, vector<1x16xf32>,
      %swap3A_342 = vector.shape_cast %swap3A_341 : vector<1x16xf32> to vector<16xf32>
      %swap3A_343 = vector.shape_cast %get3A_114 : vector<16xf32> to vector<1x16xf32>
      tpu.vector_store %arg8[%swap3A_339, %swap3A_340], %swap3A_343 {add = true, strides = array<i32>} : memref<128x128xf32, #tpu.memory_space<vmem>>, vector<1x16xf32>,
      %scan3A_344 = arith.constant 0 : i32
      scf.yield %scan3A_344 : i32
    }
    %scan3A_121 = arith.constant 128 : i32
    %get3A_122 = arith.constant 48 : i32
    %get3A_123 = arith.index_cast %get3A_122 : i32 to index
    %get3A_124 = arith.constant 80 : index
    %get3A_125 = tpu.vector_load %arg7[%get3A_123, %get3A_124] {strides = array<i32>} : memref<50x128xf32, #tpu.memory_space<vmem>>, vector<1x16xf32>,
    %get3A_126 = vector.shape_cast %get3A_125 : vector<1x16xf32> to vector<16xf32>
    %scan3A_127 = arith.constant 0 : i32
    %scan3A_128 = arith.constant 0 : i32
    %scan3A_129 = arith.constant 128 : i32
    %scan3A_130 = arith.addi %scan3A_128, %scan3A_129 : i32
    %scan3A_131 = arith.constant 8 : i32
    %scan3A_132 = scf.for %scan3A_282 = %scan3A_128 to %scan3A_130 step %scan3A_131 iter_args(%scan3A_283 = %scan3A_127) -> (i32)  : i32 {
      %swap3A = arith.index_cast %scan3A_282 : i32 to index
      %swap3A_284 = arith.constant 80 : index
      %swap3A_285 = tpu.vector_load %arg8[%swap3A, %swap3A_284] {strides = array<i32>} : memref<128x128xf32, #tpu.memory_space<vmem>>, vector<1x16xf32>,
      %swap3A_286 = vector.shape_cast %swap3A_285 : vector<1x16xf32> to vector<16xf32>
      %swap3A_287 = vector.shape_cast %get3A_126 : vector<16xf32> to vector<1x16xf32>
      tpu.vector_store %arg8[%swap3A, %swap3A_284], %swap3A_287 {add = true, strides = array<i32>} : memref<128x128xf32, #tpu.memory_space<vmem>>, vector<1x16xf32>,
      %scan3A_288 = arith.constant 0 : i32
      %scan3A_289 = arith.constant 1 : i32
      %scan3A_290 = arith.addi %scan3A_282, %scan3A_289 : i32
      %swap3A_291 = arith.index_cast %scan3A_290 : i32 to index
      %swap3A_292 = arith.constant 80 : index
      %swap3A_293 = tpu.vector_load %arg8[%swap3A_291, %swap3A_292] {strides = array<i32>} : memref<128x128xf32, #tpu.memory_space<vmem>>, vector<1x16xf32>,
      %swap3A_294 = vector.shape_cast %swap3A_293 : vector<1x16xf32> to vector<16xf32>
      %swap3A_295 = vector.shape_cast %get3A_126 : vector<16xf32> to vector<1x16xf32>
      tpu.vector_store %arg8[%swap3A_291, %swap3A_292], %swap3A_295 {add = true, strides = array<i32>} : memref<128x128xf32, #tpu.memory_space<vmem>>, vector<1x16xf32>,
      %scan3A_296 = arith.constant 0 : i32
      %scan3A_297 = arith.constant 2 : i32
      %scan3A_298 = arith.addi %scan3A_282, %scan3A_297 : i32
      %swap3A_299 = arith.index_cast %scan3A_298 : i32 to index
      %swap3A_300 = arith.constant 80 : index
      %swap3A_301 = tpu.vector_load %arg8[%swap3A_299, %swap3A_300] {strides = array<i32>} : memref<128x128xf32, #tpu.memory_space<vmem>>, vector<1x16xf32>,
      %swap3A_302 = vector.shape_cast %swap3A_301 : vector<1x16xf32> to vector<16xf32>
      %swap3A_303 = vector.shape_cast %get3A_126 : vector<16xf32> to vector<1x16xf32>
      tpu.vector_store %arg8[%swap3A_299, %swap3A_300], %swap3A_303 {add = true, strides = array<i32>} : memref<128x128xf32, #tpu.memory_space<vmem>>, vector<1x16xf32>,
      %scan3A_304 = arith.constant 0 : i32
      %scan3A_305 = arith.constant 3 : i32
      %scan3A_306 = arith.addi %scan3A_282, %scan3A_305 : i32
      %swap3A_307 = arith.index_cast %scan3A_306 : i32 to index
      %swap3A_308 = arith.constant 80 : index
      %swap3A_309 = tpu.vector_load %arg8[%swap3A_307, %swap3A_308] {strides = array<i32>} : memref<128x128xf32, #tpu.memory_space<vmem>>, vector<1x16xf32>,
      %swap3A_310 = vector.shape_cast %swap3A_309 : vector<1x16xf32> to vector<16xf32>
      %swap3A_311 = vector.shape_cast %get3A_126 : vector<16xf32> to vector<1x16xf32>
      tpu.vector_store %arg8[%swap3A_307, %swap3A_308], %swap3A_311 {add = true, strides = array<i32>} : memref<128x128xf32, #tpu.memory_space<vmem>>, vector<1x16xf32>,
      %scan3A_312 = arith.constant 0 : i32
      %scan3A_313 = arith.constant 4 : i32
      %scan3A_314 = arith.addi %scan3A_282, %scan3A_313 : i32
      %swap3A_315 = arith.index_cast %scan3A_314 : i32 to index
      %swap3A_316 = arith.constant 80 : index
      %swap3A_317 = tpu.vector_load %arg8[%swap3A_315, %swap3A_316] {strides = array<i32>} : memref<128x128xf32, #tpu.memory_space<vmem>>, vector<1x16xf32>,
      %swap3A_318 = vector.shape_cast %swap3A_317 : vector<1x16xf32> to vector<16xf32>
      %swap3A_319 = vector.shape_cast %get3A_126 : vector<16xf32> to vector<1x16xf32>
      tpu.vector_store %arg8[%swap3A_315, %swap3A_316], %swap3A_319 {add = true, strides = array<i32>} : memref<128x128xf32, #tpu.memory_space<vmem>>, vector<1x16xf32>,
      %scan3A_320 = arith.constant 0 : i32
      %scan3A_321 = arith.constant 5 : i32
      %scan3A_322 = arith.addi %scan3A_282, %scan3A_321 : i32
      %swap3A_323 = arith.index_cast %scan3A_322 : i32 to index
      %swap3A_324 = arith.constant 80 : index
      %swap3A_325 = tpu.vector_load %arg8[%swap3A_323, %swap3A_324] {strides = array<i32>} : memref<128x128xf32, #tpu.memory_space<vmem>>, vector<1x16xf32>,
      %swap3A_326 = vector.shape_cast %swap3A_325 : vector<1x16xf32> to vector<16xf32>
      %swap3A_327 = vector.shape_cast %get3A_126 : vector<16xf32> to vector<1x16xf32>
      tpu.vector_store %arg8[%swap3A_323, %swap3A_324], %swap3A_327 {add = true, strides = array<i32>} : memref<128x128xf32, #tpu.memory_space<vmem>>, vector<1x16xf32>,
      %scan3A_328 = arith.constant 0 : i32
      %scan3A_329 = arith.constant 6 : i32
      %scan3A_330 = arith.addi %scan3A_282, %scan3A_329 : i32
      %swap3A_331 = arith.index_cast %scan3A_330 : i32 to index
      %swap3A_332 = arith.constant 80 : index
      %swap3A_333 = tpu.vector_load %arg8[%swap3A_331, %swap3A_332] {strides = array<i32>} : memref<128x128xf32, #tpu.memory_space<vmem>>, vector<1x16xf32>,
      %swap3A_334 = vector.shape_cast %swap3A_333 : vector<1x16xf32> to vector<16xf32>
      %swap3A_335 = vector.shape_cast %get3A_126 : vector<16xf32> to vector<1x16xf32>
      tpu.vector_store %arg8[%swap3A_331, %swap3A_332], %swap3A_335 {add = true, strides = array<i32>} : memref<128x128xf32, #tpu.memory_space<vmem>>, vector<1x16xf32>,
      %scan3A_336 = arith.constant 0 : i32
      %scan3A_337 = arith.constant 7 : i32
      %scan3A_338 = arith.addi %scan3A_282, %scan3A_337 : i32
      %swap3A_339 = arith.index_cast %scan3A_338 : i32 to index
      %swap3A_340 = arith.constant 80 : index
      %swap3A_341 = tpu.vector_load %arg8[%swap3A_339, %swap3A_340] {strides = array<i32>} : memref<128x128xf32, #tpu.memory_space<vmem>>, vector<1x16xf32>,
      %swap3A_342 = vector.shape_cast %swap3A_341 : vector<1x16xf32> to vector<16xf32>
      %swap3A_343 = vector.shape_cast %get3A_126 : vector<16xf32> to vector<1x16xf32>
      tpu.vector_store %arg8[%swap3A_339, %swap3A_340], %swap3A_343 {add = true, strides = array<i32>} : memref<128x128xf32, #tpu.memory_space<vmem>>, vector<1x16xf32>,
      %scan3A_344 = arith.constant 0 : i32
      scf.yield %scan3A_344 : i32
    }
    %scan3A_133 = arith.constant 128 : i32
    %get3A_134 = arith.constant 48 : i32
    %get3A_135 = arith.index_cast %get3A_134 : i32 to index
    %get3A_136 = arith.constant 96 : index
    %get3A_137 = tpu.vector_load %arg7[%get3A_135, %get3A_136] {strides = array<i32>} : memref<50x128xf32, #tpu.memory_space<vmem>>, vector<1x16xf32>,
    %get3A_138 = vector.shape_cast %get3A_137 : vector<1x16xf32> to vector<16xf32>
    %scan3A_139 = arith.constant 0 : i32
    %scan3A_140 = arith.constant 0 : i32
    %scan3A_141 = arith.constant 128 : i32
    %scan3A_142 = arith.addi %scan3A_140, %scan3A_141 : i32
    %scan3A_143 = arith.constant 8 : i32
    %scan3A_144 = scf.for %scan3A_282 = %scan3A_140 to %scan3A_142 step %scan3A_143 iter_args(%scan3A_283 = %scan3A_139) -> (i32)  : i32 {
      %swap3A = arith.index_cast %scan3A_282 : i32 to index
      %swap3A_284 = arith.constant 96 : index
      %swap3A_285 = tpu.vector_load %arg8[%swap3A, %swap3A_284] {strides = array<i32>} : memref<128x128xf32, #tpu.memory_space<vmem>>, vector<1x16xf32>,
      %swap3A_286 = vector.shape_cast %swap3A_285 : vector<1x16xf32> to vector<16xf32>
      %swap3A_287 = vector.shape_cast %get3A_138 : vector<16xf32> to vector<1x16xf32>
      tpu.vector_store %arg8[%swap3A, %swap3A_284], %swap3A_287 {add = true, strides = array<i32>} : memref<128x128xf32, #tpu.memory_space<vmem>>, vector<1x16xf32>,
      %scan3A_288 = arith.constant 0 : i32
      %scan3A_289 = arith.constant 1 : i32
      %scan3A_290 = arith.addi %scan3A_282, %scan3A_289 : i32
      %swap3A_291 = arith.index_cast %scan3A_290 : i32 to index
      %swap3A_292 = arith.constant 96 : index
      %swap3A_293 = tpu.vector_load %arg8[%swap3A_291, %swap3A_292] {strides = array<i32>} : memref<128x128xf32, #tpu.memory_space<vmem>>, vector<1x16xf32>,
      %swap3A_294 = vector.shape_cast %swap3A_293 : vector<1x16xf32> to vector<16xf32>
      %swap3A_295 = vector.shape_cast %get3A_138 : vector<16xf32> to vector<1x16xf32>
      tpu.vector_store %arg8[%swap3A_291, %swap3A_292], %swap3A_295 {add = true, strides = array<i32>} : memref<128x128xf32, #tpu.memory_space<vmem>>, vector<1x16xf32>,
      %scan3A_296 = arith.constant 0 : i32
      %scan3A_297 = arith.constant 2 : i32
      %scan3A_298 = arith.addi %scan3A_282, %scan3A_297 : i32
      %swap3A_299 = arith.index_cast %scan3A_298 : i32 to index
      %swap3A_300 = arith.constant 96 : index
      %swap3A_301 = tpu.vector_load %arg8[%swap3A_299, %swap3A_300] {strides = array<i32>} : memref<128x128xf32, #tpu.memory_space<vmem>>, vector<1x16xf32>,
      %swap3A_302 = vector.shape_cast %swap3A_301 : vector<1x16xf32> to vector<16xf32>
      %swap3A_303 = vector.shape_cast %get3A_138 : vector<16xf32> to vector<1x16xf32>
      tpu.vector_store %arg8[%swap3A_299, %swap3A_300], %swap3A_303 {add = true, strides = array<i32>} : memref<128x128xf32, #tpu.memory_space<vmem>>, vector<1x16xf32>,
      %scan3A_304 = arith.constant 0 : i32
      %scan3A_305 = arith.constant 3 : i32
      %scan3A_306 = arith.addi %scan3A_282, %scan3A_305 : i32
      %swap3A_307 = arith.index_cast %scan3A_306 : i32 to index
      %swap3A_308 = arith.constant 96 : index
      %swap3A_309 = tpu.vector_load %arg8[%swap3A_307, %swap3A_308] {strides = array<i32>} : memref<128x128xf32, #tpu.memory_space<vmem>>, vector<1x16xf32>,
      %swap3A_310 = vector.shape_cast %swap3A_309 : vector<1x16xf32> to vector<16xf32>
      %swap3A_311 = vector.shape_cast %get3A_138 : vector<16xf32> to vector<1x16xf32>
      tpu.vector_store %arg8[%swap3A_307, %swap3A_308], %swap3A_311 {add = true, strides = array<i32>} : memref<128x128xf32, #tpu.memory_space<vmem>>, vector<1x16xf32>,
      %scan3A_312 = arith.constant 0 : i32
      %scan3A_313 = arith.constant 4 : i32
      %scan3A_314 = arith.addi %scan3A_282, %scan3A_313 : i32
      %swap3A_315 = arith.index_cast %scan3A_314 : i32 to index
      %swap3A_316 = arith.constant 96 : index
      %swap3A_317 = tpu.vector_load %arg8[%swap3A_315, %swap3A_316] {strides = array<i32>} : memref<128x128xf32, #tpu.memory_space<vmem>>, vector<1x16xf32>,
      %swap3A_318 = vector.shape_cast %swap3A_317 : vector<1x16xf32> to vector<16xf32>
      %swap3A_319 = vector.shape_cast %get3A_138 : vector<16xf32> to vector<1x16xf32>
      tpu.vector_store %arg8[%swap3A_315, %swap3A_316], %swap3A_319 {add = true, strides = array<i32>} : memref<128x128xf32, #tpu.memory_space<vmem>>, vector<1x16xf32>,
      %scan3A_320 = arith.constant 0 : i32
      %scan3A_321 = arith.constant 5 : i32
      %scan3A_322 = arith.addi %scan3A_282, %scan3A_321 : i32
      %swap3A_323 = arith.index_cast %scan3A_322 : i32 to index
      %swap3A_324 = arith.constant 96 : index
      %swap3A_325 = tpu.vector_load %arg8[%swap3A_323, %swap3A_324] {strides = array<i32>} : memref<128x128xf32, #tpu.memory_space<vmem>>, vector<1x16xf32>,
      %swap3A_326 = vector.shape_cast %swap3A_325 : vector<1x16xf32> to vector<16xf32>
      %swap3A_327 = vector.shape_cast %get3A_138 : vector<16xf32> to vector<1x16xf32>
      tpu.vector_store %arg8[%swap3A_323, %swap3A_324], %swap3A_327 {add = true, strides = array<i32>} : memref<128x128xf32, #tpu.memory_space<vmem>>, vector<1x16xf32>,
      %scan3A_328 = arith.constant 0 : i32
      %scan3A_329 = arith.constant 6 : i32
      %scan3A_330 = arith.addi %scan3A_282, %scan3A_329 : i32
      %swap3A_331 = arith.index_cast %scan3A_330 : i32 to index
      %swap3A_332 = arith.constant 96 : index
      %swap3A_333 = tpu.vector_load %arg8[%swap3A_331, %swap3A_332] {strides = array<i32>} : memref<128x128xf32, #tpu.memory_space<vmem>>, vector<1x16xf32>,
      %swap3A_334 = vector.shape_cast %swap3A_333 : vector<1x16xf32> to vector<16xf32>
      %swap3A_335 = vector.shape_cast %get3A_138 : vector<16xf32> to vector<1x16xf32>
      tpu.vector_store %arg8[%swap3A_331, %swap3A_332], %swap3A_335 {add = true, strides = array<i32>} : memref<128x128xf32, #tpu.memory_space<vmem>>, vector<1x16xf32>,
      %scan3A_336 = arith.constant 0 : i32
      %scan3A_337 = arith.constant 7 : i32
      %scan3A_338 = arith.addi %scan3A_282, %scan3A_337 : i32
      %swap3A_339 = arith.index_cast %scan3A_338 : i32 to index
      %swap3A_340 = arith.constant 96 : index
      %swap3A_341 = tpu.vector_load %arg8[%swap3A_339, %swap3A_340] {strides = array<i32>} : memref<128x128xf32, #tpu.memory_space<vmem>>, vector<1x16xf32>,
      %swap3A_342 = vector.shape_cast %swap3A_341 : vector<1x16xf32> to vector<16xf32>
      %swap3A_343 = vector.shape_cast %get3A_138 : vector<16xf32> to vector<1x16xf32>
      tpu.vector_store %arg8[%swap3A_339, %swap3A_340], %swap3A_343 {add = true, strides = array<i32>} : memref<128x128xf32, #tpu.memory_space<vmem>>, vector<1x16xf32>,
      %scan3A_344 = arith.constant 0 : i32
      scf.yield %scan3A_344 : i32
    }
    %scan3A_145 = arith.constant 128 : i32
    %get3A_146 = arith.constant 48 : i32
    %get3A_147 = arith.index_cast %get3A_146 : i32 to index
    %get3A_148 = arith.constant 112 : index
    %get3A_149 = tpu.vector_load %arg7[%get3A_147, %get3A_148] {strides = array<i32>} : memref<50x128xf32, #tpu.memory_space<vmem>>, vector<1x16xf32>,
    %get3A_150 = vector.shape_cast %get3A_149 : vector<1x16xf32> to vector<16xf32>
    %scan3A_151 = arith.constant 0 : i32
    %scan3A_152 = arith.constant 0 : i32
    %scan3A_153 = arith.constant 128 : i32
    %scan3A_154 = arith.addi %scan3A_152, %scan3A_153 : i32
    %scan3A_155 = arith.constant 8 : i32
    %scan3A_156 = scf.for %scan3A_282 = %scan3A_152 to %scan3A_154 step %scan3A_155 iter_args(%scan3A_283 = %scan3A_151) -> (i32)  : i32 {
      %swap3A = arith.index_cast %scan3A_282 : i32 to index
      %swap3A_284 = arith.constant 112 : index
      %swap3A_285 = tpu.vector_load %arg8[%swap3A, %swap3A_284] {strides = array<i32>} : memref<128x128xf32, #tpu.memory_space<vmem>>, vector<1x16xf32>,
      %swap3A_286 = vector.shape_cast %swap3A_285 : vector<1x16xf32> to vector<16xf32>
      %swap3A_287 = vector.shape_cast %get3A_150 : vector<16xf32> to vector<1x16xf32>
      tpu.vector_store %arg8[%swap3A, %swap3A_284], %swap3A_287 {add = true, strides = array<i32>} : memref<128x128xf32, #tpu.memory_space<vmem>>, vector<1x16xf32>,
      %scan3A_288 = arith.constant 0 : i32
      %scan3A_289 = arith.constant 1 : i32
      %scan3A_290 = arith.addi %scan3A_282, %scan3A_289 : i32
      %swap3A_291 = arith.index_cast %scan3A_290 : i32 to index
      %swap3A_292 = arith.constant 112 : index
      %swap3A_293 = tpu.vector_load %arg8[%swap3A_291, %swap3A_292] {strides = array<i32>} : memref<128x128xf32, #tpu.memory_space<vmem>>, vector<1x16xf32>,
      %swap3A_294 = vector.shape_cast %swap3A_293 : vector<1x16xf32> to vector<16xf32>
      %swap3A_295 = vector.shape_cast %get3A_150 : vector<16xf32> to vector<1x16xf32>
      tpu.vector_store %arg8[%swap3A_291, %swap3A_292], %swap3A_295 {add = true, strides = array<i32>} : memref<128x128xf32, #tpu.memory_space<vmem>>, vector<1x16xf32>,
      %scan3A_296 = arith.constant 0 : i32
      %scan3A_297 = arith.constant 2 : i32
      %scan3A_298 = arith.addi %scan3A_282, %scan3A_297 : i32
      %swap3A_299 = arith.index_cast %scan3A_298 : i32 to index
      %swap3A_300 = arith.constant 112 : index
      %swap3A_301 = tpu.vector_load %arg8[%swap3A_299, %swap3A_300] {strides = array<i32>} : memref<128x128xf32, #tpu.memory_space<vmem>>, vector<1x16xf32>,
      %swap3A_302 = vector.shape_cast %swap3A_301 : vector<1x16xf32> to vector<16xf32>
      %swap3A_303 = vector.shape_cast %get3A_150 : vector<16xf32> to vector<1x16xf32>
      tpu.vector_store %arg8[%swap3A_299, %swap3A_300], %swap3A_303 {add = true, strides = array<i32>} : memref<128x128xf32, #tpu.memory_space<vmem>>, vector<1x16xf32>,
      %scan3A_304 = arith.constant 0 : i32
      %scan3A_305 = arith.constant 3 : i32
      %scan3A_306 = arith.addi %scan3A_282, %scan3A_305 : i32
      %swap3A_307 = arith.index_cast %scan3A_306 : i32 to index
      %swap3A_308 = arith.constant 112 : index
      %swap3A_309 = tpu.vector_load %arg8[%swap3A_307, %swap3A_308] {strides = array<i32>} : memref<128x128xf32, #tpu.memory_space<vmem>>, vector<1x16xf32>,
      %swap3A_310 = vector.shape_cast %swap3A_309 : vector<1x16xf32> to vector<16xf32>
      %swap3A_311 = vector.shape_cast %get3A_150 : vector<16xf32> to vector<1x16xf32>
      tpu.vector_store %arg8[%swap3A_307, %swap3A_308], %swap3A_311 {add = true, strides = array<i32>} : memref<128x128xf32, #tpu.memory_space<vmem>>, vector<1x16xf32>,
      %scan3A_312 = arith.constant 0 : i32
      %scan3A_313 = arith.constant 4 : i32
      %scan3A_314 = arith.addi %scan3A_282, %scan3A_313 : i32
      %swap3A_315 = arith.index_cast %scan3A_314 : i32 to index
      %swap3A_316 = arith.constant 112 : index
      %swap3A_317 = tpu.vector_load %arg8[%swap3A_315, %swap3A_316] {strides = array<i32>} : memref<128x128xf32, #tpu.memory_space<vmem>>, vector<1x16xf32>,
      %swap3A_318 = vector.shape_cast %swap3A_317 : vector<1x16xf32> to vector<16xf32>
      %swap3A_319 = vector.shape_cast %get3A_150 : vector<16xf32> to vector<1x16xf32>
      tpu.vector_store %arg8[%swap3A_315, %swap3A_316], %swap3A_319 {add = true, strides = array<i32>} : memref<128x128xf32, #tpu.memory_space<vmem>>, vector<1x16xf32>,
      %scan3A_320 = arith.constant 0 : i32
      %scan3A_321 = arith.constant 5 : i32
      %scan3A_322 = arith.addi %scan3A_282, %scan3A_321 : i32
      %swap3A_323 = arith.index_cast %scan3A_322 : i32 to index
      %swap3A_324 = arith.constant 112 : index
      %swap3A_325 = tpu.vector_load %arg8[%swap3A_323, %swap3A_324] {strides = array<i32>} : memref<128x128xf32, #tpu.memory_space<vmem>>, vector<1x16xf32>,
      %swap3A_326 = vector.shape_cast %swap3A_325 : vector<1x16xf32> to vector<16xf32>
      %swap3A_327 = vector.shape_cast %get3A_150 : vector<16xf32> to vector<1x16xf32>
      tpu.vector_store %arg8[%swap3A_323, %swap3A_324], %swap3A_327 {add = true, strides = array<i32>} : memref<128x128xf32, #tpu.memory_space<vmem>>, vector<1x16xf32>,
      %scan3A_328 = arith.constant 0 : i32
      %scan3A_329 = arith.constant 6 : i32
      %scan3A_330 = arith.addi %scan3A_282, %scan3A_329 : i32
      %swap3A_331 = arith.index_cast %scan3A_330 : i32 to index
      %swap3A_332 = arith.constant 112 : index
      %swap3A_333 = tpu.vector_load %arg8[%swap3A_331, %swap3A_332] {strides = array<i32>} : memref<128x128xf32, #tpu.memory_space<vmem>>, vector<1x16xf32>,
      %swap3A_334 = vector.shape_cast %swap3A_333 : vector<1x16xf32> to vector<16xf32>
      %swap3A_335 = vector.shape_cast %get3A_150 : vector<16xf32> to vector<1x16xf32>
      tpu.vector_store %arg8[%swap3A_331, %swap3A_332], %swap3A_335 {add = true, strides = array<i32>} : memref<128x128xf32, #tpu.memory_space<vmem>>, vector<1x16xf32>,
      %scan3A_336 = arith.constant 0 : i32
      %scan3A_337 = arith.constant 7 : i32
      %scan3A_338 = arith.addi %scan3A_282, %scan3A_337 : i32
      %swap3A_339 = arith.index_cast %scan3A_338 : i32 to index
      %swap3A_340 = arith.constant 112 : index
      %swap3A_341 = tpu.vector_load %arg8[%swap3A_339, %swap3A_340] {strides = array<i32>} : memref<128x128xf32, #tpu.memory_space<vmem>>, vector<1x16xf32>,
      %swap3A_342 = vector.shape_cast %swap3A_341 : vector<1x16xf32> to vector<16xf32>
      %swap3A_343 = vector.shape_cast %get3A_150 : vector<16xf32> to vector<1x16xf32>
      tpu.vector_store %arg8[%swap3A_339, %swap3A_340], %swap3A_343 {add = true, strides = array<i32>} : memref<128x128xf32, #tpu.memory_space<vmem>>, vector<1x16xf32>,
      %scan3A_344 = arith.constant 0 : i32
      scf.yield %scan3A_344 : i32
    }
    %scan3A_157 = arith.constant 128 : i32
    %dma_start3A_158 = arith.constant 75 : i32
    %dma_start3A_159 = arith.constant 0 : i32
    %dma_start3A_160 = tpu.memref_slice %arg5[%dma_start3A_158, %mul3A_2, %dma_start3A_159] : memref<77x4096x128xf32, #tpu.memory_space<hbm>> -> memref<1x128x128xf32, #tpu.memory_space<hbm>>
    %dma_start3A_161 = tpu.memref_squeeze %dma_start3A_160 : memref<1x128x128xf32, #tpu.memory_space<hbm>> -> memref<128x128xf32, #tpu.memory_space<hbm>>
    %dma_start3A_162 = arith.constant 0 : i32
    %dma_start3A_163 = tpu.memref_slice %arg5[%dma_start3A_158, %mul3A_2, %dma_start3A_162] : memref<77x4096x128xf32, #tpu.memory_space<hbm>> -> memref<1x128x128xf32, #tpu.memory_space<hbm>>
    %dma_start3A_164 = tpu.memref_squeeze %dma_start3A_163 : memref<1x128x128xf32, #tpu.memory_space<hbm>> -> memref<128x128xf32, #tpu.memory_space<hbm>>
    tpu.enqueue_dma source(%arg8 : memref<128x128xf32, #tpu.memory_space<vmem>>) target(%dma_start3A_164 : memref<128x128xf32, #tpu.memory_space<hbm>>) target_semaphore(%arg16 : memref<!tpu.dma_semaphore, #tpu.memory_space<semaphore_mem>>)
    %get3A_165 = arith.constant 49 : i32
    %get3A_166 = arith.index_cast %get3A_165 : i32 to index
    %get3A_167 = arith.constant 0 : index
    %get3A_168 = tpu.vector_load %arg7[%get3A_166, %get3A_167] {strides = array<i32>} : memref<50x128xf32, #tpu.memory_space<vmem>>, vector<1x16xf32>,
    %get3A_169 = vector.shape_cast %get3A_168 : vector<1x16xf32> to vector<16xf32>
    %scan3A_170 = arith.constant 0 : i32
    %scan3A_171 = arith.constant 0 : i32
    %scan3A_172 = arith.constant 128 : i32
    %scan3A_173 = arith.addi %scan3A_171, %scan3A_172 : i32
    %scan3A_174 = arith.constant 8 : i32
    %scan3A_175 = scf.for %scan3A_282 = %scan3A_171 to %scan3A_173 step %scan3A_174 iter_args(%scan3A_283 = %scan3A_170) -> (i32)  : i32 {
      %swap3A = arith.index_cast %scan3A_282 : i32 to index
      %swap3A_284 = arith.constant 0 : index
      %swap3A_285 = tpu.vector_load %arg9[%swap3A, %swap3A_284] {strides = array<i32>} : memref<128x128xf32, #tpu.memory_space<vmem>>, vector<1x16xf32>,
      %swap3A_286 = vector.shape_cast %swap3A_285 : vector<1x16xf32> to vector<16xf32>
      %swap3A_287 = vector.shape_cast %get3A_169 : vector<16xf32> to vector<1x16xf32>
      tpu.vector_store %arg9[%swap3A, %swap3A_284], %swap3A_287 {add = true, strides = array<i32>} : memref<128x128xf32, #tpu.memory_space<vmem>>, vector<1x16xf32>,
      %scan3A_288 = arith.constant 0 : i32
      %scan3A_289 = arith.constant 1 : i32
      %scan3A_290 = arith.addi %scan3A_282, %scan3A_289 : i32
      %swap3A_291 = arith.index_cast %scan3A_290 : i32 to index
      %swap3A_292 = arith.constant 0 : index
      %swap3A_293 = tpu.vector_load %arg9[%swap3A_291, %swap3A_292] {strides = array<i32>} : memref<128x128xf32, #tpu.memory_space<vmem>>, vector<1x16xf32>,
      %swap3A_294 = vector.shape_cast %swap3A_293 : vector<1x16xf32> to vector<16xf32>
      %swap3A_295 = vector.shape_cast %get3A_169 : vector<16xf32> to vector<1x16xf32>
      tpu.vector_store %arg9[%swap3A_291, %swap3A_292], %swap3A_295 {add = true, strides = array<i32>} : memref<128x128xf32, #tpu.memory_space<vmem>>, vector<1x16xf32>,
      %scan3A_296 = arith.constant 0 : i32
      %scan3A_297 = arith.constant 2 : i32
      %scan3A_298 = arith.addi %scan3A_282, %scan3A_297 : i32
      %swap3A_299 = arith.index_cast %scan3A_298 : i32 to index
      %swap3A_300 = arith.constant 0 : index
      %swap3A_301 = tpu.vector_load %arg9[%swap3A_299, %swap3A_300] {strides = array<i32>} : memref<128x128xf32, #tpu.memory_space<vmem>>, vector<1x16xf32>,
      %swap3A_302 = vector.shape_cast %swap3A_301 : vector<1x16xf32> to vector<16xf32>
      %swap3A_303 = vector.shape_cast %get3A_169 : vector<16xf32> to vector<1x16xf32>
      tpu.vector_store %arg9[%swap3A_299, %swap3A_300], %swap3A_303 {add = true, strides = array<i32>} : memref<128x128xf32, #tpu.memory_space<vmem>>, vector<1x16xf32>,
      %scan3A_304 = arith.constant 0 : i32
      %scan3A_305 = arith.constant 3 : i32
      %scan3A_306 = arith.addi %scan3A_282, %scan3A_305 : i32
      %swap3A_307 = arith.index_cast %scan3A_306 : i32 to index
      %swap3A_308 = arith.constant 0 : index
      %swap3A_309 = tpu.vector_load %arg9[%swap3A_307, %swap3A_308] {strides = array<i32>} : memref<128x128xf32, #tpu.memory_space<vmem>>, vector<1x16xf32>,
      %swap3A_310 = vector.shape_cast %swap3A_309 : vector<1x16xf32> to vector<16xf32>
      %swap3A_311 = vector.shape_cast %get3A_169 : vector<16xf32> to vector<1x16xf32>
      tpu.vector_store %arg9[%swap3A_307, %swap3A_308], %swap3A_311 {add = true, strides = array<i32>} : memref<128x128xf32, #tpu.memory_space<vmem>>, vector<1x16xf32>,
      %scan3A_312 = arith.constant 0 : i32
      %scan3A_313 = arith.constant 4 : i32
      %scan3A_314 = arith.addi %scan3A_282, %scan3A_313 : i32
      %swap3A_315 = arith.index_cast %scan3A_314 : i32 to index
      %swap3A_316 = arith.constant 0 : index
      %swap3A_317 = tpu.vector_load %arg9[%swap3A_315, %swap3A_316] {strides = array<i32>} : memref<128x128xf32, #tpu.memory_space<vmem>>, vector<1x16xf32>,
      %swap3A_318 = vector.shape_cast %swap3A_317 : vector<1x16xf32> to vector<16xf32>
      %swap3A_319 = vector.shape_cast %get3A_169 : vector<16xf32> to vector<1x16xf32>
      tpu.vector_store %arg9[%swap3A_315, %swap3A_316], %swap3A_319 {add = true, strides = array<i32>} : memref<128x128xf32, #tpu.memory_space<vmem>>, vector<1x16xf32>,
      %scan3A_320 = arith.constant 0 : i32
      %scan3A_321 = arith.constant 5 : i32
      %scan3A_322 = arith.addi %scan3A_282, %scan3A_321 : i32
      %swap3A_323 = arith.index_cast %scan3A_322 : i32 to index
      %swap3A_324 = arith.constant 0 : index
      %swap3A_325 = tpu.vector_load %arg9[%swap3A_323, %swap3A_324] {strides = array<i32>} : memref<128x128xf32, #tpu.memory_space<vmem>>, vector<1x16xf32>,
      %swap3A_326 = vector.shape_cast %swap3A_325 : vector<1x16xf32> to vector<16xf32>
      %swap3A_327 = vector.shape_cast %get3A_169 : vector<16xf32> to vector<1x16xf32>
      tpu.vector_store %arg9[%swap3A_323, %swap3A_324], %swap3A_327 {add = true, strides = array<i32>} : memref<128x128xf32, #tpu.memory_space<vmem>>, vector<1x16xf32>,
      %scan3A_328 = arith.constant 0 : i32
      %scan3A_329 = arith.constant 6 : i32
      %scan3A_330 = arith.addi %scan3A_282, %scan3A_329 : i32
      %swap3A_331 = arith.index_cast %scan3A_330 : i32 to index
      %swap3A_332 = arith.constant 0 : index
      %swap3A_333 = tpu.vector_load %arg9[%swap3A_331, %swap3A_332] {strides = array<i32>} : memref<128x128xf32, #tpu.memory_space<vmem>>, vector<1x16xf32>,
      %swap3A_334 = vector.shape_cast %swap3A_333 : vector<1x16xf32> to vector<16xf32>
      %swap3A_335 = vector.shape_cast %get3A_169 : vector<16xf32> to vector<1x16xf32>
      tpu.vector_store %arg9[%swap3A_331, %swap3A_332], %swap3A_335 {add = true, strides = array<i32>} : memref<128x128xf32, #tpu.memory_space<vmem>>, vector<1x16xf32>,
      %scan3A_336 = arith.constant 0 : i32
      %scan3A_337 = arith.constant 7 : i32
      %scan3A_338 = arith.addi %scan3A_282, %scan3A_337 : i32
      %swap3A_339 = arith.index_cast %scan3A_338 : i32 to index
      %swap3A_340 = arith.constant 0 : index
      %swap3A_341 = tpu.vector_load %arg9[%swap3A_339, %swap3A_340] {strides = array<i32>} : memref<128x128xf32, #tpu.memory_space<vmem>>, vector<1x16xf32>,
      %swap3A_342 = vector.shape_cast %swap3A_341 : vector<1x16xf32> to vector<16xf32>
      %swap3A_343 = vector.shape_cast %get3A_169 : vector<16xf32> to vector<1x16xf32>
      tpu.vector_store %arg9[%swap3A_339, %swap3A_340], %swap3A_343 {add = true, strides = array<i32>} : memref<128x128xf32, #tpu.memory_space<vmem>>, vector<1x16xf32>,
      %scan3A_344 = arith.constant 0 : i32
      scf.yield %scan3A_344 : i32
    }
    %scan3A_176 = arith.constant 128 : i32
    %get3A_177 = arith.constant 49 : i32
    %get3A_178 = arith.index_cast %get3A_177 : i32 to index
    %get3A_179 = arith.constant 16 : index
    %get3A_180 = tpu.vector_load %arg7[%get3A_178, %get3A_179] {strides = array<i32>} : memref<50x128xf32, #tpu.memory_space<vmem>>, vector<1x16xf32>,
    %get3A_181 = vector.shape_cast %get3A_180 : vector<1x16xf32> to vector<16xf32>
    %scan3A_182 = arith.constant 0 : i32
    %scan3A_183 = arith.constant 0 : i32
    %scan3A_184 = arith.constant 128 : i32
    %scan3A_185 = arith.addi %scan3A_183, %scan3A_184 : i32
    %scan3A_186 = arith.constant 8 : i32
    %scan3A_187 = scf.for %scan3A_282 = %scan3A_183 to %scan3A_185 step %scan3A_186 iter_args(%scan3A_283 = %scan3A_182) -> (i32)  : i32 {
      %swap3A = arith.index_cast %scan3A_282 : i32 to index
      %swap3A_284 = arith.constant 16 : index
      %swap3A_285 = tpu.vector_load %arg9[%swap3A, %swap3A_284] {strides = array<i32>} : memref<128x128xf32, #tpu.memory_space<vmem>>, vector<1x16xf32>,
      %swap3A_286 = vector.shape_cast %swap3A_285 : vector<1x16xf32> to vector<16xf32>
      %swap3A_287 = vector.shape_cast %get3A_181 : vector<16xf32> to vector<1x16xf32>
      tpu.vector_store %arg9[%swap3A, %swap3A_284], %swap3A_287 {add = true, strides = array<i32>} : memref<128x128xf32, #tpu.memory_space<vmem>>, vector<1x16xf32>,
      %scan3A_288 = arith.constant 0 : i32
      %scan3A_289 = arith.constant 1 : i32
      %scan3A_290 = arith.addi %scan3A_282, %scan3A_289 : i32
      %swap3A_291 = arith.index_cast %scan3A_290 : i32 to index
      %swap3A_292 = arith.constant 16 : index
      %swap3A_293 = tpu.vector_load %arg9[%swap3A_291, %swap3A_292] {strides = array<i32>} : memref<128x128xf32, #tpu.memory_space<vmem>>, vector<1x16xf32>,
      %swap3A_294 = vector.shape_cast %swap3A_293 : vector<1x16xf32> to vector<16xf32>
      %swap3A_295 = vector.shape_cast %get3A_181 : vector<16xf32> to vector<1x16xf32>
      tpu.vector_store %arg9[%swap3A_291, %swap3A_292], %swap3A_295 {add = true, strides = array<i32>} : memref<128x128xf32, #tpu.memory_space<vmem>>, vector<1x16xf32>,
      %scan3A_296 = arith.constant 0 : i32
      %scan3A_297 = arith.constant 2 : i32
      %scan3A_298 = arith.addi %scan3A_282, %scan3A_297 : i32
      %swap3A_299 = arith.index_cast %scan3A_298 : i32 to index
      %swap3A_300 = arith.constant 16 : index
      %swap3A_301 = tpu.vector_load %arg9[%swap3A_299, %swap3A_300] {strides = array<i32>} : memref<128x128xf32, #tpu.memory_space<vmem>>, vector<1x16xf32>,
      %swap3A_302 = vector.shape_cast %swap3A_301 : vector<1x16xf32> to vector<16xf32>
      %swap3A_303 = vector.shape_cast %get3A_181 : vector<16xf32> to vector<1x16xf32>
      tpu.vector_store %arg9[%swap3A_299, %swap3A_300], %swap3A_303 {add = true, strides = array<i32>} : memref<128x128xf32, #tpu.memory_space<vmem>>, vector<1x16xf32>,
      %scan3A_304 = arith.constant 0 : i32
      %scan3A_305 = arith.constant 3 : i32
      %scan3A_306 = arith.addi %scan3A_282, %scan3A_305 : i32
      %swap3A_307 = arith.index_cast %scan3A_306 : i32 to index
      %swap3A_308 = arith.constant 16 : index
      %swap3A_309 = tpu.vector_load %arg9[%swap3A_307, %swap3A_308] {strides = array<i32>} : memref<128x128xf32, #tpu.memory_space<vmem>>, vector<1x16xf32>,
      %swap3A_310 = vector.shape_cast %swap3A_309 : vector<1x16xf32> to vector<16xf32>
      %swap3A_311 = vector.shape_cast %get3A_181 : vector<16xf32> to vector<1x16xf32>
      tpu.vector_store %arg9[%swap3A_307, %swap3A_308], %swap3A_311 {add = true, strides = array<i32>} : memref<128x128xf32, #tpu.memory_space<vmem>>, vector<1x16xf32>,
      %scan3A_312 = arith.constant 0 : i32
      %scan3A_313 = arith.constant 4 : i32
      %scan3A_314 = arith.addi %scan3A_282, %scan3A_313 : i32
      %swap3A_315 = arith.index_cast %scan3A_314 : i32 to index
      %swap3A_316 = arith.constant 16 : index
      %swap3A_317 = tpu.vector_load %arg9[%swap3A_315, %swap3A_316] {strides = array<i32>} : memref<128x128xf32, #tpu.memory_space<vmem>>, vector<1x16xf32>,
      %swap3A_318 = vector.shape_cast %swap3A_317 : vector<1x16xf32> to vector<16xf32>
      %swap3A_319 = vector.shape_cast %get3A_181 : vector<16xf32> to vector<1x16xf32>
      tpu.vector_store %arg9[%swap3A_315, %swap3A_316], %swap3A_319 {add = true, strides = array<i32>} : memref<128x128xf32, #tpu.memory_space<vmem>>, vector<1x16xf32>,
      %scan3A_320 = arith.constant 0 : i32
      %scan3A_321 = arith.constant 5 : i32
      %scan3A_322 = arith.addi %scan3A_282, %scan3A_321 : i32
      %swap3A_323 = arith.index_cast %scan3A_322 : i32 to index
      %swap3A_324 = arith.constant 16 : index
      %swap3A_325 = tpu.vector_load %arg9[%swap3A_323, %swap3A_324] {strides = array<i32>} : memref<128x128xf32, #tpu.memory_space<vmem>>, vector<1x16xf32>,
      %swap3A_326 = vector.shape_cast %swap3A_325 : vector<1x16xf32> to vector<16xf32>
      %swap3A_327 = vector.shape_cast %get3A_181 : vector<16xf32> to vector<1x16xf32>
      tpu.vector_store %arg9[%swap3A_323, %swap3A_324], %swap3A_327 {add = true, strides = array<i32>} : memref<128x128xf32, #tpu.memory_space<vmem>>, vector<1x16xf32>,
      %scan3A_328 = arith.constant 0 : i32
      %scan3A_329 = arith.constant 6 : i32
      %scan3A_330 = arith.addi %scan3A_282, %scan3A_329 : i32
      %swap3A_331 = arith.index_cast %scan3A_330 : i32 to index
      %swap3A_332 = arith.constant 16 : index
      %swap3A_333 = tpu.vector_load %arg9[%swap3A_331, %swap3A_332] {strides = array<i32>} : memref<128x128xf32, #tpu.memory_space<vmem>>, vector<1x16xf32>,
      %swap3A_334 = vector.shape_cast %swap3A_333 : vector<1x16xf32> to vector<16xf32>
      %swap3A_335 = vector.shape_cast %get3A_181 : vector<16xf32> to vector<1x16xf32>
      tpu.vector_store %arg9[%swap3A_331, %swap3A_332], %swap3A_335 {add = true, strides = array<i32>} : memref<128x128xf32, #tpu.memory_space<vmem>>, vector<1x16xf32>,
      %scan3A_336 = arith.constant 0 : i32
      %scan3A_337 = arith.constant 7 : i32
      %scan3A_338 = arith.addi %scan3A_282, %scan3A_337 : i32
      %swap3A_339 = arith.index_cast %scan3A_338 : i32 to index
      %swap3A_340 = arith.constant 16 : index
      %swap3A_341 = tpu.vector_load %arg9[%swap3A_339, %swap3A_340] {strides = array<i32>} : memref<128x128xf32, #tpu.memory_space<vmem>>, vector<1x16xf32>,
      %swap3A_342 = vector.shape_cast %swap3A_341 : vector<1x16xf32> to vector<16xf32>
      %swap3A_343 = vector.shape_cast %get3A_181 : vector<16xf32> to vector<1x16xf32>
      tpu.vector_store %arg9[%swap3A_339, %swap3A_340], %swap3A_343 {add = true, strides = array<i32>} : memref<128x128xf32, #tpu.memory_space<vmem>>, vector<1x16xf32>,
      %scan3A_344 = arith.constant 0 : i32
      scf.yield %scan3A_344 : i32
    }
    %scan3A_188 = arith.constant 128 : i32
    %get3A_189 = arith.constant 49 : i32
    %get3A_190 = arith.index_cast %get3A_189 : i32 to index
    %get3A_191 = arith.constant 32 : index
    %get3A_192 = tpu.vector_load %arg7[%get3A_190, %get3A_191] {strides = array<i32>} : memref<50x128xf32, #tpu.memory_space<vmem>>, vector<1x16xf32>,
    %get3A_193 = vector.shape_cast %get3A_192 : vector<1x16xf32> to vector<16xf32>
    %scan3A_194 = arith.constant 0 : i32
    %scan3A_195 = arith.constant 0 : i32
    %scan3A_196 = arith.constant 128 : i32
    %scan3A_197 = arith.addi %scan3A_195, %scan3A_196 : i32
    %scan3A_198 = arith.constant 8 : i32
    %scan3A_199 = scf.for %scan3A_282 = %scan3A_195 to %scan3A_197 step %scan3A_198 iter_args(%scan3A_283 = %scan3A_194) -> (i32)  : i32 {
      %swap3A = arith.index_cast %scan3A_282 : i32 to index
      %swap3A_284 = arith.constant 32 : index
      %swap3A_285 = tpu.vector_load %arg9[%swap3A, %swap3A_284] {strides = array<i32>} : memref<128x128xf32, #tpu.memory_space<vmem>>, vector<1x16xf32>,
      %swap3A_286 = vector.shape_cast %swap3A_285 : vector<1x16xf32> to vector<16xf32>
      %swap3A_287 = vector.shape_cast %get3A_193 : vector<16xf32> to vector<1x16xf32>
      tpu.vector_store %arg9[%swap3A, %swap3A_284], %swap3A_287 {add = true, strides = array<i32>} : memref<128x128xf32, #tpu.memory_space<vmem>>, vector<1x16xf32>,
      %scan3A_288 = arith.constant 0 : i32
      %scan3A_289 = arith.constant 1 : i32
      %scan3A_290 = arith.addi %scan3A_282, %scan3A_289 : i32
      %swap3A_291 = arith.index_cast %scan3A_290 : i32 to index
      %swap3A_292 = arith.constant 32 : index
      %swap3A_293 = tpu.vector_load %arg9[%swap3A_291, %swap3A_292] {strides = array<i32>} : memref<128x128xf32, #tpu.memory_space<vmem>>, vector<1x16xf32>,
      %swap3A_294 = vector.shape_cast %swap3A_293 : vector<1x16xf32> to vector<16xf32>
      %swap3A_295 = vector.shape_cast %get3A_193 : vector<16xf32> to vector<1x16xf32>
      tpu.vector_store %arg9[%swap3A_291, %swap3A_292], %swap3A_295 {add = true, strides = array<i32>} : memref<128x128xf32, #tpu.memory_space<vmem>>, vector<1x16xf32>,
      %scan3A_296 = arith.constant 0 : i32
      %scan3A_297 = arith.constant 2 : i32
      %scan3A_298 = arith.addi %scan3A_282, %scan3A_297 : i32
      %swap3A_299 = arith.index_cast %scan3A_298 : i32 to index
      %swap3A_300 = arith.constant 32 : index
      %swap3A_301 = tpu.vector_load %arg9[%swap3A_299, %swap3A_300] {strides = array<i32>} : memref<128x128xf32, #tpu.memory_space<vmem>>, vector<1x16xf32>,
      %swap3A_302 = vector.shape_cast %swap3A_301 : vector<1x16xf32> to vector<16xf32>
      %swap3A_303 = vector.shape_cast %get3A_193 : vector<16xf32> to vector<1x16xf32>
      tpu.vector_store %arg9[%swap3A_299, %swap3A_300], %swap3A_303 {add = true, strides = array<i32>} : memref<128x128xf32, #tpu.memory_space<vmem>>, vector<1x16xf32>,
      %scan3A_304 = arith.constant 0 : i32
      %scan3A_305 = arith.constant 3 : i32
      %scan3A_306 = arith.addi %scan3A_282, %scan3A_305 : i32
      %swap3A_307 = arith.index_cast %scan3A_306 : i32 to index
      %swap3A_308 = arith.constant 32 : index
      %swap3A_309 = tpu.vector_load %arg9[%swap3A_307, %swap3A_308] {strides = array<i32>} : memref<128x128xf32, #tpu.memory_space<vmem>>, vector<1x16xf32>,
      %swap3A_310 = vector.shape_cast %swap3A_309 : vector<1x16xf32> to vector<16xf32>
      %swap3A_311 = vector.shape_cast %get3A_193 : vector<16xf32> to vector<1x16xf32>
      tpu.vector_store %arg9[%swap3A_307, %swap3A_308], %swap3A_311 {add = true, strides = array<i32>} : memref<128x128xf32, #tpu.memory_space<vmem>>, vector<1x16xf32>,
      %scan3A_312 = arith.constant 0 : i32
      %scan3A_313 = arith.constant 4 : i32
      %scan3A_314 = arith.addi %scan3A_282, %scan3A_313 : i32
      %swap3A_315 = arith.index_cast %scan3A_314 : i32 to index
      %swap3A_316 = arith.constant 32 : index
      %swap3A_317 = tpu.vector_load %arg9[%swap3A_315, %swap3A_316] {strides = array<i32>} : memref<128x128xf32, #tpu.memory_space<vmem>>, vector<1x16xf32>,
      %swap3A_318 = vector.shape_cast %swap3A_317 : vector<1x16xf32> to vector<16xf32>
      %swap3A_319 = vector.shape_cast %get3A_193 : vector<16xf32> to vector<1x16xf32>
      tpu.vector_store %arg9[%swap3A_315, %swap3A_316], %swap3A_319 {add = true, strides = array<i32>} : memref<128x128xf32, #tpu.memory_space<vmem>>, vector<1x16xf32>,
      %scan3A_320 = arith.constant 0 : i32
      %scan3A_321 = arith.constant 5 : i32
      %scan3A_322 = arith.addi %scan3A_282, %scan3A_321 : i32
      %swap3A_323 = arith.index_cast %scan3A_322 : i32 to index
      %swap3A_324 = arith.constant 32 : index
      %swap3A_325 = tpu.vector_load %arg9[%swap3A_323, %swap3A_324] {strides = array<i32>} : memref<128x128xf32, #tpu.memory_space<vmem>>, vector<1x16xf32>,
      %swap3A_326 = vector.shape_cast %swap3A_325 : vector<1x16xf32> to vector<16xf32>
      %swap3A_327 = vector.shape_cast %get3A_193 : vector<16xf32> to vector<1x16xf32>
      tpu.vector_store %arg9[%swap3A_323, %swap3A_324], %swap3A_327 {add = true, strides = array<i32>} : memref<128x128xf32, #tpu.memory_space<vmem>>, vector<1x16xf32>,
      %scan3A_328 = arith.constant 0 : i32
      %scan3A_329 = arith.constant 6 : i32
      %scan3A_330 = arith.addi %scan3A_282, %scan3A_329 : i32
      %swap3A_331 = arith.index_cast %scan3A_330 : i32 to index
      %swap3A_332 = arith.constant 32 : index
      %swap3A_333 = tpu.vector_load %arg9[%swap3A_331, %swap3A_332] {strides = array<i32>} : memref<128x128xf32, #tpu.memory_space<vmem>>, vector<1x16xf32>,
      %swap3A_334 = vector.shape_cast %swap3A_333 : vector<1x16xf32> to vector<16xf32>
      %swap3A_335 = vector.shape_cast %get3A_193 : vector<16xf32> to vector<1x16xf32>
      tpu.vector_store %arg9[%swap3A_331, %swap3A_332], %swap3A_335 {add = true, strides = array<i32>} : memref<128x128xf32, #tpu.memory_space<vmem>>, vector<1x16xf32>,
      %scan3A_336 = arith.constant 0 : i32
      %scan3A_337 = arith.constant 7 : i32
      %scan3A_338 = arith.addi %scan3A_282, %scan3A_337 : i32
      %swap3A_339 = arith.index_cast %scan3A_338 : i32 to index
      %swap3A_340 = arith.constant 32 : index
      %swap3A_341 = tpu.vector_load %arg9[%swap3A_339, %swap3A_340] {strides = array<i32>} : memref<128x128xf32, #tpu.memory_space<vmem>>, vector<1x16xf32>,
      %swap3A_342 = vector.shape_cast %swap3A_341 : vector<1x16xf32> to vector<16xf32>
      %swap3A_343 = vector.shape_cast %get3A_193 : vector<16xf32> to vector<1x16xf32>
      tpu.vector_store %arg9[%swap3A_339, %swap3A_340], %swap3A_343 {add = true, strides = array<i32>} : memref<128x128xf32, #tpu.memory_space<vmem>>, vector<1x16xf32>,
      %scan3A_344 = arith.constant 0 : i32
      scf.yield %scan3A_344 : i32
    }
    %scan3A_200 = arith.constant 128 : i32
    %get3A_201 = arith.constant 49 : i32
    %get3A_202 = arith.index_cast %get3A_201 : i32 to index
    %get3A_203 = arith.constant 48 : index
    %get3A_204 = tpu.vector_load %arg7[%get3A_202, %get3A_203] {strides = array<i32>} : memref<50x128xf32, #tpu.memory_space<vmem>>, vector<1x16xf32>,
    %get3A_205 = vector.shape_cast %get3A_204 : vector<1x16xf32> to vector<16xf32>
    %scan3A_206 = arith.constant 0 : i32
    %scan3A_207 = arith.constant 0 : i32
    %scan3A_208 = arith.constant 128 : i32
    %scan3A_209 = arith.addi %scan3A_207, %scan3A_208 : i32
    %scan3A_210 = arith.constant 8 : i32
    %scan3A_211 = scf.for %scan3A_282 = %scan3A_207 to %scan3A_209 step %scan3A_210 iter_args(%scan3A_283 = %scan3A_206) -> (i32)  : i32 {
      %swap3A = arith.index_cast %scan3A_282 : i32 to index
      %swap3A_284 = arith.constant 48 : index
      %swap3A_285 = tpu.vector_load %arg9[%swap3A, %swap3A_284] {strides = array<i32>} : memref<128x128xf32, #tpu.memory_space<vmem>>, vector<1x16xf32>,
      %swap3A_286 = vector.shape_cast %swap3A_285 : vector<1x16xf32> to vector<16xf32>
      %swap3A_287 = vector.shape_cast %get3A_205 : vector<16xf32> to vector<1x16xf32>
      tpu.vector_store %arg9[%swap3A, %swap3A_284], %swap3A_287 {add = true, strides = array<i32>} : memref<128x128xf32, #tpu.memory_space<vmem>>, vector<1x16xf32>,
      %scan3A_288 = arith.constant 0 : i32
      %scan3A_289 = arith.constant 1 : i32
      %scan3A_290 = arith.addi %scan3A_282, %scan3A_289 : i32
      %swap3A_291 = arith.index_cast %scan3A_290 : i32 to index
      %swap3A_292 = arith.constant 48 : index
      %swap3A_293 = tpu.vector_load %arg9[%swap3A_291, %swap3A_292] {strides = array<i32>} : memref<128x128xf32, #tpu.memory_space<vmem>>, vector<1x16xf32>,
      %swap3A_294 = vector.shape_cast %swap3A_293 : vector<1x16xf32> to vector<16xf32>
      %swap3A_295 = vector.shape_cast %get3A_205 : vector<16xf32> to vector<1x16xf32>
      tpu.vector_store %arg9[%swap3A_291, %swap3A_292], %swap3A_295 {add = true, strides = array<i32>} : memref<128x128xf32, #tpu.memory_space<vmem>>, vector<1x16xf32>,
      %scan3A_296 = arith.constant 0 : i32
      %scan3A_297 = arith.constant 2 : i32
      %scan3A_298 = arith.addi %scan3A_282, %scan3A_297 : i32
      %swap3A_299 = arith.index_cast %scan3A_298 : i32 to index
      %swap3A_300 = arith.constant 48 : index
      %swap3A_301 = tpu.vector_load %arg9[%swap3A_299, %swap3A_300] {strides = array<i32>} : memref<128x128xf32, #tpu.memory_space<vmem>>, vector<1x16xf32>,
      %swap3A_302 = vector.shape_cast %swap3A_301 : vector<1x16xf32> to vector<16xf32>
      %swap3A_303 = vector.shape_cast %get3A_205 : vector<16xf32> to vector<1x16xf32>
      tpu.vector_store %arg9[%swap3A_299, %swap3A_300], %swap3A_303 {add = true, strides = array<i32>} : memref<128x128xf32, #tpu.memory_space<vmem>>, vector<1x16xf32>,
      %scan3A_304 = arith.constant 0 : i32
      %scan3A_305 = arith.constant 3 : i32
      %scan3A_306 = arith.addi %scan3A_282, %scan3A_305 : i32
      %swap3A_307 = arith.index_cast %scan3A_306 : i32 to index
      %swap3A_308 = arith.constant 48 : index
      %swap3A_309 = tpu.vector_load %arg9[%swap3A_307, %swap3A_308] {strides = array<i32>} : memref<128x128xf32, #tpu.memory_space<vmem>>, vector<1x16xf32>,
      %swap3A_310 = vector.shape_cast %swap3A_309 : vector<1x16xf32> to vector<16xf32>
      %swap3A_311 = vector.shape_cast %get3A_205 : vector<16xf32> to vector<1x16xf32>
      tpu.vector_store %arg9[%swap3A_307, %swap3A_308], %swap3A_311 {add = true, strides = array<i32>} : memref<128x128xf32, #tpu.memory_space<vmem>>, vector<1x16xf32>,
      %scan3A_312 = arith.constant 0 : i32
      %scan3A_313 = arith.constant 4 : i32
      %scan3A_314 = arith.addi %scan3A_282, %scan3A_313 : i32
      %swap3A_315 = arith.index_cast %scan3A_314 : i32 to index
      %swap3A_316 = arith.constant 48 : index
      %swap3A_317 = tpu.vector_load %arg9[%swap3A_315, %swap3A_316] {strides = array<i32>} : memref<128x128xf32, #tpu.memory_space<vmem>>, vector<1x16xf32>,
      %swap3A_318 = vector.shape_cast %swap3A_317 : vector<1x16xf32> to vector<16xf32>
      %swap3A_319 = vector.shape_cast %get3A_205 : vector<16xf32> to vector<1x16xf32>
      tpu.vector_store %arg9[%swap3A_315, %swap3A_316], %swap3A_319 {add = true, strides = array<i32>} : memref<128x128xf32, #tpu.memory_space<vmem>>, vector<1x16xf32>,
      %scan3A_320 = arith.constant 0 : i32
      %scan3A_321 = arith.constant 5 : i32
      %scan3A_322 = arith.addi %scan3A_282, %scan3A_321 : i32
      %swap3A_323 = arith.index_cast %scan3A_322 : i32 to index
      %swap3A_324 = arith.constant 48 : index
      %swap3A_325 = tpu.vector_load %arg9[%swap3A_323, %swap3A_324] {strides = array<i32>} : memref<128x128xf32, #tpu.memory_space<vmem>>, vector<1x16xf32>,
      %swap3A_326 = vector.shape_cast %swap3A_325 : vector<1x16xf32> to vector<16xf32>
      %swap3A_327 = vector.shape_cast %get3A_205 : vector<16xf32> to vector<1x16xf32>
      tpu.vector_store %arg9[%swap3A_323, %swap3A_324], %swap3A_327 {add = true, strides = array<i32>} : memref<128x128xf32, #tpu.memory_space<vmem>>, vector<1x16xf32>,
      %scan3A_328 = arith.constant 0 : i32
      %scan3A_329 = arith.constant 6 : i32
      %scan3A_330 = arith.addi %scan3A_282, %scan3A_329 : i32
      %swap3A_331 = arith.index_cast %scan3A_330 : i32 to index
      %swap3A_332 = arith.constant 48 : index
      %swap3A_333 = tpu.vector_load %arg9[%swap3A_331, %swap3A_332] {strides = array<i32>} : memref<128x128xf32, #tpu.memory_space<vmem>>, vector<1x16xf32>,
      %swap3A_334 = vector.shape_cast %swap3A_333 : vector<1x16xf32> to vector<16xf32>
      %swap3A_335 = vector.shape_cast %get3A_205 : vector<16xf32> to vector<1x16xf32>
      tpu.vector_store %arg9[%swap3A_331, %swap3A_332], %swap3A_335 {add = true, strides = array<i32>} : memref<128x128xf32, #tpu.memory_space<vmem>>, vector<1x16xf32>,
      %scan3A_336 = arith.constant 0 : i32
      %scan3A_337 = arith.constant 7 : i32
      %scan3A_338 = arith.addi %scan3A_282, %scan3A_337 : i32
      %swap3A_339 = arith.index_cast %scan3A_338 : i32 to index
      %swap3A_340 = arith.constant 48 : index
      %swap3A_341 = tpu.vector_load %arg9[%swap3A_339, %swap3A_340] {strides = array<i32>} : memref<128x128xf32, #tpu.memory_space<vmem>>, vector<1x16xf32>,
      %swap3A_342 = vector.shape_cast %swap3A_341 : vector<1x16xf32> to vector<16xf32>
      %swap3A_343 = vector.shape_cast %get3A_205 : vector<16xf32> to vector<1x16xf32>
      tpu.vector_store %arg9[%swap3A_339, %swap3A_340], %swap3A_343 {add = true, strides = array<i32>} : memref<128x128xf32, #tpu.memory_space<vmem>>, vector<1x16xf32>,
      %scan3A_344 = arith.constant 0 : i32
      scf.yield %scan3A_344 : i32
    }
    %scan3A_212 = arith.constant 128 : i32
    %get3A_213 = arith.constant 49 : i32
    %get3A_214 = arith.index_cast %get3A_213 : i32 to index
    %get3A_215 = arith.constant 64 : index
    %get3A_216 = tpu.vector_load %arg7[%get3A_214, %get3A_215] {strides = array<i32>} : memref<50x128xf32, #tpu.memory_space<vmem>>, vector<1x16xf32>,
    %get3A_217 = vector.shape_cast %get3A_216 : vector<1x16xf32> to vector<16xf32>
    %scan3A_218 = arith.constant 0 : i32
    %scan3A_219 = arith.constant 0 : i32
    %scan3A_220 = arith.constant 128 : i32
    %scan3A_221 = arith.addi %scan3A_219, %scan3A_220 : i32
    %scan3A_222 = arith.constant 8 : i32
    %scan3A_223 = scf.for %scan3A_282 = %scan3A_219 to %scan3A_221 step %scan3A_222 iter_args(%scan3A_283 = %scan3A_218) -> (i32)  : i32 {
      %swap3A = arith.index_cast %scan3A_282 : i32 to index
      %swap3A_284 = arith.constant 64 : index
      %swap3A_285 = tpu.vector_load %arg9[%swap3A, %swap3A_284] {strides = array<i32>} : memref<128x128xf32, #tpu.memory_space<vmem>>, vector<1x16xf32>,
      %swap3A_286 = vector.shape_cast %swap3A_285 : vector<1x16xf32> to vector<16xf32>
      %swap3A_287 = vector.shape_cast %get3A_217 : vector<16xf32> to vector<1x16xf32>
      tpu.vector_store %arg9[%swap3A, %swap3A_284], %swap3A_287 {add = true, strides = array<i32>} : memref<128x128xf32, #tpu.memory_space<vmem>>, vector<1x16xf32>,
      %scan3A_288 = arith.constant 0 : i32
      %scan3A_289 = arith.constant 1 : i32
      %scan3A_290 = arith.addi %scan3A_282, %scan3A_289 : i32
      %swap3A_291 = arith.index_cast %scan3A_290 : i32 to index
      %swap3A_292 = arith.constant 64 : index
      %swap3A_293 = tpu.vector_load %arg9[%swap3A_291, %swap3A_292] {strides = array<i32>} : memref<128x128xf32, #tpu.memory_space<vmem>>, vector<1x16xf32>,
      %swap3A_294 = vector.shape_cast %swap3A_293 : vector<1x16xf32> to vector<16xf32>
      %swap3A_295 = vector.shape_cast %get3A_217 : vector<16xf32> to vector<1x16xf32>
      tpu.vector_store %arg9[%swap3A_291, %swap3A_292], %swap3A_295 {add = true, strides = array<i32>} : memref<128x128xf32, #tpu.memory_space<vmem>>, vector<1x16xf32>,
      %scan3A_296 = arith.constant 0 : i32
      %scan3A_297 = arith.constant 2 : i32
      %scan3A_298 = arith.addi %scan3A_282, %scan3A_297 : i32
      %swap3A_299 = arith.index_cast %scan3A_298 : i32 to index
      %swap3A_300 = arith.constant 64 : index
      %swap3A_301 = tpu.vector_load %arg9[%swap3A_299, %swap3A_300] {strides = array<i32>} : memref<128x128xf32, #tpu.memory_space<vmem>>, vector<1x16xf32>,
      %swap3A_302 = vector.shape_cast %swap3A_301 : vector<1x16xf32> to vector<16xf32>
      %swap3A_303 = vector.shape_cast %get3A_217 : vector<16xf32> to vector<1x16xf32>
      tpu.vector_store %arg9[%swap3A_299, %swap3A_300], %swap3A_303 {add = true, strides = array<i32>} : memref<128x128xf32, #tpu.memory_space<vmem>>, vector<1x16xf32>,
      %scan3A_304 = arith.constant 0 : i32
      %scan3A_305 = arith.constant 3 : i32
      %scan3A_306 = arith.addi %scan3A_282, %scan3A_305 : i32
      %swap3A_307 = arith.index_cast %scan3A_306 : i32 to index
      %swap3A_308 = arith.constant 64 : index
      %swap3A_309 = tpu.vector_load %arg9[%swap3A_307, %swap3A_308] {strides = array<i32>} : memref<128x128xf32, #tpu.memory_space<vmem>>, vector<1x16xf32>,
      %swap3A_310 = vector.shape_cast %swap3A_309 : vector<1x16xf32> to vector<16xf32>
      %swap3A_311 = vector.shape_cast %get3A_217 : vector<16xf32> to vector<1x16xf32>
      tpu.vector_store %arg9[%swap3A_307, %swap3A_308], %swap3A_311 {add = true, strides = array<i32>} : memref<128x128xf32, #tpu.memory_space<vmem>>, vector<1x16xf32>,
      %scan3A_312 = arith.constant 0 : i32
      %scan3A_313 = arith.constant 4 : i32
      %scan3A_314 = arith.addi %scan3A_282, %scan3A_313 : i32
      %swap3A_315 = arith.index_cast %scan3A_314 : i32 to index
      %swap3A_316 = arith.constant 64 : index
      %swap3A_317 = tpu.vector_load %arg9[%swap3A_315, %swap3A_316] {strides = array<i32>} : memref<128x128xf32, #tpu.memory_space<vmem>>, vector<1x16xf32>,
      %swap3A_318 = vector.shape_cast %swap3A_317 : vector<1x16xf32> to vector<16xf32>
      %swap3A_319 = vector.shape_cast %get3A_217 : vector<16xf32> to vector<1x16xf32>
      tpu.vector_store %arg9[%swap3A_315, %swap3A_316], %swap3A_319 {add = true, strides = array<i32>} : memref<128x128xf32, #tpu.memory_space<vmem>>, vector<1x16xf32>,
      %scan3A_320 = arith.constant 0 : i32
      %scan3A_321 = arith.constant 5 : i32
      %scan3A_322 = arith.addi %scan3A_282, %scan3A_321 : i32
      %swap3A_323 = arith.index_cast %scan3A_322 : i32 to index
      %swap3A_324 = arith.constant 64 : index
      %swap3A_325 = tpu.vector_load %arg9[%swap3A_323, %swap3A_324] {strides = array<i32>} : memref<128x128xf32, #tpu.memory_space<vmem>>, vector<1x16xf32>,
      %swap3A_326 = vector.shape_cast %swap3A_325 : vector<1x16xf32> to vector<16xf32>
      %swap3A_327 = vector.shape_cast %get3A_217 : vector<16xf32> to vector<1x16xf32>
      tpu.vector_store %arg9[%swap3A_323, %swap3A_324], %swap3A_327 {add = true, strides = array<i32>} : memref<128x128xf32, #tpu.memory_space<vmem>>, vector<1x16xf32>,
      %scan3A_328 = arith.constant 0 : i32
      %scan3A_329 = arith.constant 6 : i32
      %scan3A_330 = arith.addi %scan3A_282, %scan3A_329 : i32
      %swap3A_331 = arith.index_cast %scan3A_330 : i32 to index
      %swap3A_332 = arith.constant 64 : index
      %swap3A_333 = tpu.vector_load %arg9[%swap3A_331, %swap3A_332] {strides = array<i32>} : memref<128x128xf32, #tpu.memory_space<vmem>>, vector<1x16xf32>,
      %swap3A_334 = vector.shape_cast %swap3A_333 : vector<1x16xf32> to vector<16xf32>
      %swap3A_335 = vector.shape_cast %get3A_217 : vector<16xf32> to vector<1x16xf32>
      tpu.vector_store %arg9[%swap3A_331, %swap3A_332], %swap3A_335 {add = true, strides = array<i32>} : memref<128x128xf32, #tpu.memory_space<vmem>>, vector<1x16xf32>,
      %scan3A_336 = arith.constant 0 : i32
      %scan3A_337 = arith.constant 7 : i32
      %scan3A_338 = arith.addi %scan3A_282, %scan3A_337 : i32
      %swap3A_339 = arith.index_cast %scan3A_338 : i32 to index
      %swap3A_340 = arith.constant 64 : index
      %swap3A_341 = tpu.vector_load %arg9[%swap3A_339, %swap3A_340] {strides = array<i32>} : memref<128x128xf32, #tpu.memory_space<vmem>>, vector<1x16xf32>,
      %swap3A_342 = vector.shape_cast %swap3A_341 : vector<1x16xf32> to vector<16xf32>
      %swap3A_343 = vector.shape_cast %get3A_217 : vector<16xf32> to vector<1x16xf32>
      tpu.vector_store %arg9[%swap3A_339, %swap3A_340], %swap3A_343 {add = true, strides = array<i32>} : memref<128x128xf32, #tpu.memory_space<vmem>>, vector<1x16xf32>,
      %scan3A_344 = arith.constant 0 : i32
      scf.yield %scan3A_344 : i32
    }
    %scan3A_224 = arith.constant 128 : i32
    %get3A_225 = arith.constant 49 : i32
    %get3A_226 = arith.index_cast %get3A_225 : i32 to index
    %get3A_227 = arith.constant 80 : index
    %get3A_228 = tpu.vector_load %arg7[%get3A_226, %get3A_227] {strides = array<i32>} : memref<50x128xf32, #tpu.memory_space<vmem>>, vector<1x16xf32>,
    %get3A_229 = vector.shape_cast %get3A_228 : vector<1x16xf32> to vector<16xf32>
    %scan3A_230 = arith.constant 0 : i32
    %scan3A_231 = arith.constant 0 : i32
    %scan3A_232 = arith.constant 128 : i32
    %scan3A_233 = arith.addi %scan3A_231, %scan3A_232 : i32
    %scan3A_234 = arith.constant 8 : i32
    %scan3A_235 = scf.for %scan3A_282 = %scan3A_231 to %scan3A_233 step %scan3A_234 iter_args(%scan3A_283 = %scan3A_230) -> (i32)  : i32 {
      %swap3A = arith.index_cast %scan3A_282 : i32 to index
      %swap3A_284 = arith.constant 80 : index
      %swap3A_285 = tpu.vector_load %arg9[%swap3A, %swap3A_284] {strides = array<i32>} : memref<128x128xf32, #tpu.memory_space<vmem>>, vector<1x16xf32>,
      %swap3A_286 = vector.shape_cast %swap3A_285 : vector<1x16xf32> to vector<16xf32>
      %swap3A_287 = vector.shape_cast %get3A_229 : vector<16xf32> to vector<1x16xf32>
      tpu.vector_store %arg9[%swap3A, %swap3A_284], %swap3A_287 {add = true, strides = array<i32>} : memref<128x128xf32, #tpu.memory_space<vmem>>, vector<1x16xf32>,
      %scan3A_288 = arith.constant 0 : i32
      %scan3A_289 = arith.constant 1 : i32
      %scan3A_290 = arith.addi %scan3A_282, %scan3A_289 : i32
      %swap3A_291 = arith.index_cast %scan3A_290 : i32 to index
      %swap3A_292 = arith.constant 80 : index
      %swap3A_293 = tpu.vector_load %arg9[%swap3A_291, %swap3A_292] {strides = array<i32>} : memref<128x128xf32, #tpu.memory_space<vmem>>, vector<1x16xf32>,
      %swap3A_294 = vector.shape_cast %swap3A_293 : vector<1x16xf32> to vector<16xf32>
      %swap3A_295 = vector.shape_cast %get3A_229 : vector<16xf32> to vector<1x16xf32>
      tpu.vector_store %arg9[%swap3A_291, %swap3A_292], %swap3A_295 {add = true, strides = array<i32>} : memref<128x128xf32, #tpu.memory_space<vmem>>, vector<1x16xf32>,
      %scan3A_296 = arith.constant 0 : i32
      %scan3A_297 = arith.constant 2 : i32
      %scan3A_298 = arith.addi %scan3A_282, %scan3A_297 : i32
      %swap3A_299 = arith.index_cast %scan3A_298 : i32 to index
      %swap3A_300 = arith.constant 80 : index
      %swap3A_301 = tpu.vector_load %arg9[%swap3A_299, %swap3A_300] {strides = array<i32>} : memref<128x128xf32, #tpu.memory_space<vmem>>, vector<1x16xf32>,
      %swap3A_302 = vector.shape_cast %swap3A_301 : vector<1x16xf32> to vector<16xf32>
      %swap3A_303 = vector.shape_cast %get3A_229 : vector<16xf32> to vector<1x16xf32>
      tpu.vector_store %arg9[%swap3A_299, %swap3A_300], %swap3A_303 {add = true, strides = array<i32>} : memref<128x128xf32, #tpu.memory_space<vmem>>, vector<1x16xf32>,
      %scan3A_304 = arith.constant 0 : i32
      %scan3A_305 = arith.constant 3 : i32
      %scan3A_306 = arith.addi %scan3A_282, %scan3A_305 : i32
      %swap3A_307 = arith.index_cast %scan3A_306 : i32 to index
      %swap3A_308 = arith.constant 80 : index
      %swap3A_309 = tpu.vector_load %arg9[%swap3A_307, %swap3A_308] {strides = array<i32>} : memref<128x128xf32, #tpu.memory_space<vmem>>, vector<1x16xf32>,
      %swap3A_310 = vector.shape_cast %swap3A_309 : vector<1x16xf32> to vector<16xf32>
      %swap3A_311 = vector.shape_cast %get3A_229 : vector<16xf32> to vector<1x16xf32>
      tpu.vector_store %arg9[%swap3A_307, %swap3A_308], %swap3A_311 {add = true, strides = array<i32>} : memref<128x128xf32, #tpu.memory_space<vmem>>, vector<1x16xf32>,
      %scan3A_312 = arith.constant 0 : i32
      %scan3A_313 = arith.constant 4 : i32
      %scan3A_314 = arith.addi %scan3A_282, %scan3A_313 : i32
      %swap3A_315 = arith.index_cast %scan3A_314 : i32 to index
      %swap3A_316 = arith.constant 80 : index
      %swap3A_317 = tpu.vector_load %arg9[%swap3A_315, %swap3A_316] {strides = array<i32>} : memref<128x128xf32, #tpu.memory_space<vmem>>, vector<1x16xf32>,
      %swap3A_318 = vector.shape_cast %swap3A_317 : vector<1x16xf32> to vector<16xf32>
      %swap3A_319 = vector.shape_cast %get3A_229 : vector<16xf32> to vector<1x16xf32>
      tpu.vector_store %arg9[%swap3A_315, %swap3A_316], %swap3A_319 {add = true, strides = array<i32>} : memref<128x128xf32, #tpu.memory_space<vmem>>, vector<1x16xf32>,
      %scan3A_320 = arith.constant 0 : i32
      %scan3A_321 = arith.constant 5 : i32
      %scan3A_322 = arith.addi %scan3A_282, %scan3A_321 : i32
      %swap3A_323 = arith.index_cast %scan3A_322 : i32 to index
      %swap3A_324 = arith.constant 80 : index
      %swap3A_325 = tpu.vector_load %arg9[%swap3A_323, %swap3A_324] {strides = array<i32>} : memref<128x128xf32, #tpu.memory_space<vmem>>, vector<1x16xf32>,
      %swap3A_326 = vector.shape_cast %swap3A_325 : vector<1x16xf32> to vector<16xf32>
      %swap3A_327 = vector.shape_cast %get3A_229 : vector<16xf32> to vector<1x16xf32>
      tpu.vector_store %arg9[%swap3A_323, %swap3A_324], %swap3A_327 {add = true, strides = array<i32>} : memref<128x128xf32, #tpu.memory_space<vmem>>, vector<1x16xf32>,
      %scan3A_328 = arith.constant 0 : i32
      %scan3A_329 = arith.constant 6 : i32
      %scan3A_330 = arith.addi %scan3A_282, %scan3A_329 : i32
      %swap3A_331 = arith.index_cast %scan3A_330 : i32 to index
      %swap3A_332 = arith.constant 80 : index
      %swap3A_333 = tpu.vector_load %arg9[%swap3A_331, %swap3A_332] {strides = array<i32>} : memref<128x128xf32, #tpu.memory_space<vmem>>, vector<1x16xf32>,
      %swap3A_334 = vector.shape_cast %swap3A_333 : vector<1x16xf32> to vector<16xf32>
      %swap3A_335 = vector.shape_cast %get3A_229 : vector<16xf32> to vector<1x16xf32>
      tpu.vector_store %arg9[%swap3A_331, %swap3A_332], %swap3A_335 {add = true, strides = array<i32>} : memref<128x128xf32, #tpu.memory_space<vmem>>, vector<1x16xf32>,
      %scan3A_336 = arith.constant 0 : i32
      %scan3A_337 = arith.constant 7 : i32
      %scan3A_338 = arith.addi %scan3A_282, %scan3A_337 : i32
      %swap3A_339 = arith.index_cast %scan3A_338 : i32 to index
      %swap3A_340 = arith.constant 80 : index
      %swap3A_341 = tpu.vector_load %arg9[%swap3A_339, %swap3A_340] {strides = array<i32>} : memref<128x128xf32, #tpu.memory_space<vmem>>, vector<1x16xf32>,
      %swap3A_342 = vector.shape_cast %swap3A_341 : vector<1x16xf32> to vector<16xf32>
      %swap3A_343 = vector.shape_cast %get3A_229 : vector<16xf32> to vector<1x16xf32>
      tpu.vector_store %arg9[%swap3A_339, %swap3A_340], %swap3A_343 {add = true, strides = array<i32>} : memref<128x128xf32, #tpu.memory_space<vmem>>, vector<1x16xf32>,
      %scan3A_344 = arith.constant 0 : i32
      scf.yield %scan3A_344 : i32
    }
    %scan3A_236 = arith.constant 128 : i32
    %get3A_237 = arith.constant 49 : i32
    %get3A_238 = arith.index_cast %get3A_237 : i32 to index
    %get3A_239 = arith.constant 96 : index
    %get3A_240 = tpu.vector_load %arg7[%get3A_238, %get3A_239] {strides = array<i32>} : memref<50x128xf32, #tpu.memory_space<vmem>>, vector<1x16xf32>,
    %get3A_241 = vector.shape_cast %get3A_240 : vector<1x16xf32> to vector<16xf32>
    %scan3A_242 = arith.constant 0 : i32
    %scan3A_243 = arith.constant 0 : i32
    %scan3A_244 = arith.constant 128 : i32
    %scan3A_245 = arith.addi %scan3A_243, %scan3A_244 : i32
    %scan3A_246 = arith.constant 8 : i32
    %scan3A_247 = scf.for %scan3A_282 = %scan3A_243 to %scan3A_245 step %scan3A_246 iter_args(%scan3A_283 = %scan3A_242) -> (i32)  : i32 {
      %swap3A = arith.index_cast %scan3A_282 : i32 to index
      %swap3A_284 = arith.constant 96 : index
      %swap3A_285 = tpu.vector_load %arg9[%swap3A, %swap3A_284] {strides = array<i32>} : memref<128x128xf32, #tpu.memory_space<vmem>>, vector<1x16xf32>,
      %swap3A_286 = vector.shape_cast %swap3A_285 : vector<1x16xf32> to vector<16xf32>
      %swap3A_287 = vector.shape_cast %get3A_241 : vector<16xf32> to vector<1x16xf32>
      tpu.vector_store %arg9[%swap3A, %swap3A_284], %swap3A_287 {add = true, strides = array<i32>} : memref<128x128xf32, #tpu.memory_space<vmem>>, vector<1x16xf32>,
      %scan3A_288 = arith.constant 0 : i32
      %scan3A_289 = arith.constant 1 : i32
      %scan3A_290 = arith.addi %scan3A_282, %scan3A_289 : i32
      %swap3A_291 = arith.index_cast %scan3A_290 : i32 to index
      %swap3A_292 = arith.constant 96 : index
      %swap3A_293 = tpu.vector_load %arg9[%swap3A_291, %swap3A_292] {strides = array<i32>} : memref<128x128xf32, #tpu.memory_space<vmem>>, vector<1x16xf32>,
      %swap3A_294 = vector.shape_cast %swap3A_293 : vector<1x16xf32> to vector<16xf32>
      %swap3A_295 = vector.shape_cast %get3A_241 : vector<16xf32> to vector<1x16xf32>
      tpu.vector_store %arg9[%swap3A_291, %swap3A_292], %swap3A_295 {add = true, strides = array<i32>} : memref<128x128xf32, #tpu.memory_space<vmem>>, vector<1x16xf32>,
      %scan3A_296 = arith.constant 0 : i32
      %scan3A_297 = arith.constant 2 : i32
      %scan3A_298 = arith.addi %scan3A_282, %scan3A_297 : i32
      %swap3A_299 = arith.index_cast %scan3A_298 : i32 to index
      %swap3A_300 = arith.constant 96 : index
      %swap3A_301 = tpu.vector_load %arg9[%swap3A_299, %swap3A_300] {strides = array<i32>} : memref<128x128xf32, #tpu.memory_space<vmem>>, vector<1x16xf32>,
      %swap3A_302 = vector.shape_cast %swap3A_301 : vector<1x16xf32> to vector<16xf32>
      %swap3A_303 = vector.shape_cast %get3A_241 : vector<16xf32> to vector<1x16xf32>
      tpu.vector_store %arg9[%swap3A_299, %swap3A_300], %swap3A_303 {add = true, strides = array<i32>} : memref<128x128xf32, #tpu.memory_space<vmem>>, vector<1x16xf32>,
      %scan3A_304 = arith.constant 0 : i32
      %scan3A_305 = arith.constant 3 : i32
      %scan3A_306 = arith.addi %scan3A_282, %scan3A_305 : i32
      %swap3A_307 = arith.index_cast %scan3A_306 : i32 to index
      %swap3A_308 = arith.constant 96 : index
      %swap3A_309 = tpu.vector_load %arg9[%swap3A_307, %swap3A_308] {strides = array<i32>} : memref<128x128xf32, #tpu.memory_space<vmem>>, vector<1x16xf32>,
      %swap3A_310 = vector.shape_cast %swap3A_309 : vector<1x16xf32> to vector<16xf32>
      %swap3A_311 = vector.shape_cast %get3A_241 : vector<16xf32> to vector<1x16xf32>
      tpu.vector_store %arg9[%swap3A_307, %swap3A_308], %swap3A_311 {add = true, strides = array<i32>} : memref<128x128xf32, #tpu.memory_space<vmem>>, vector<1x16xf32>,
      %scan3A_312 = arith.constant 0 : i32
      %scan3A_313 = arith.constant 4 : i32
      %scan3A_314 = arith.addi %scan3A_282, %scan3A_313 : i32
      %swap3A_315 = arith.index_cast %scan3A_314 : i32 to index
      %swap3A_316 = arith.constant 96 : index
      %swap3A_317 = tpu.vector_load %arg9[%swap3A_315, %swap3A_316] {strides = array<i32>} : memref<128x128xf32, #tpu.memory_space<vmem>>, vector<1x16xf32>,
      %swap3A_318 = vector.shape_cast %swap3A_317 : vector<1x16xf32> to vector<16xf32>
      %swap3A_319 = vector.shape_cast %get3A_241 : vector<16xf32> to vector<1x16xf32>
      tpu.vector_store %arg9[%swap3A_315, %swap3A_316], %swap3A_319 {add = true, strides = array<i32>} : memref<128x128xf32, #tpu.memory_space<vmem>>, vector<1x16xf32>,
      %scan3A_320 = arith.constant 0 : i32
      %scan3A_321 = arith.constant 5 : i32
      %scan3A_322 = arith.addi %scan3A_282, %scan3A_321 : i32
      %swap3A_323 = arith.index_cast %scan3A_322 : i32 to index
      %swap3A_324 = arith.constant 96 : index
      %swap3A_325 = tpu.vector_load %arg9[%swap3A_323, %swap3A_324] {strides = array<i32>} : memref<128x128xf32, #tpu.memory_space<vmem>>, vector<1x16xf32>,
      %swap3A_326 = vector.shape_cast %swap3A_325 : vector<1x16xf32> to vector<16xf32>
      %swap3A_327 = vector.shape_cast %get3A_241 : vector<16xf32> to vector<1x16xf32>
      tpu.vector_store %arg9[%swap3A_323, %swap3A_324], %swap3A_327 {add = true, strides = array<i32>} : memref<128x128xf32, #tpu.memory_space<vmem>>, vector<1x16xf32>,
      %scan3A_328 = arith.constant 0 : i32
      %scan3A_329 = arith.constant 6 : i32
      %scan3A_330 = arith.addi %scan3A_282, %scan3A_329 : i32
      %swap3A_331 = arith.index_cast %scan3A_330 : i32 to index
      %swap3A_332 = arith.constant 96 : index
      %swap3A_333 = tpu.vector_load %arg9[%swap3A_331, %swap3A_332] {strides = array<i32>} : memref<128x128xf32, #tpu.memory_space<vmem>>, vector<1x16xf32>,
      %swap3A_334 = vector.shape_cast %swap3A_333 : vector<1x16xf32> to vector<16xf32>
      %swap3A_335 = vector.shape_cast %get3A_241 : vector<16xf32> to vector<1x16xf32>
      tpu.vector_store %arg9[%swap3A_331, %swap3A_332], %swap3A_335 {add = true, strides = array<i32>} : memref<128x128xf32, #tpu.memory_space<vmem>>, vector<1x16xf32>,
      %scan3A_336 = arith.constant 0 : i32
      %scan3A_337 = arith.constant 7 : i32
      %scan3A_338 = arith.addi %scan3A_282, %scan3A_337 : i32
      %swap3A_339 = arith.index_cast %scan3A_338 : i32 to index
      %swap3A_340 = arith.constant 96 : index
      %swap3A_341 = tpu.vector_load %arg9[%swap3A_339, %swap3A_340] {strides = array<i32>} : memref<128x128xf32, #tpu.memory_space<vmem>>, vector<1x16xf32>,
      %swap3A_342 = vector.shape_cast %swap3A_341 : vector<1x16xf32> to vector<16xf32>
      %swap3A_343 = vector.shape_cast %get3A_241 : vector<16xf32> to vector<1x16xf32>
      tpu.vector_store %arg9[%swap3A_339, %swap3A_340], %swap3A_343 {add = true, strides = array<i32>} : memref<128x128xf32, #tpu.memory_space<vmem>>, vector<1x16xf32>,
      %scan3A_344 = arith.constant 0 : i32
      scf.yield %scan3A_344 : i32
    }
    %scan3A_248 = arith.constant 128 : i32
    %get3A_249 = arith.constant 49 : i32
    %get3A_250 = arith.index_cast %get3A_249 : i32 to index
    %get3A_251 = arith.constant 112 : index
    %get3A_252 = tpu.vector_load %arg7[%get3A_250, %get3A_251] {strides = array<i32>} : memref<50x128xf32, #tpu.memory_space<vmem>>, vector<1x16xf32>,
    %get3A_253 = vector.shape_cast %get3A_252 : vector<1x16xf32> to vector<16xf32>
    %scan3A_254 = arith.constant 0 : i32
    %scan3A_255 = arith.constant 0 : i32
    %scan3A_256 = arith.constant 128 : i32
    %scan3A_257 = arith.addi %scan3A_255, %scan3A_256 : i32
    %scan3A_258 = arith.constant 8 : i32
    %scan3A_259 = scf.for %scan3A_282 = %scan3A_255 to %scan3A_257 step %scan3A_258 iter_args(%scan3A_283 = %scan3A_254) -> (i32)  : i32 {
      %swap3A = arith.index_cast %scan3A_282 : i32 to index
      %swap3A_284 = arith.constant 112 : index
      %swap3A_285 = tpu.vector_load %arg9[%swap3A, %swap3A_284] {strides = array<i32>} : memref<128x128xf32, #tpu.memory_space<vmem>>, vector<1x16xf32>,
      %swap3A_286 = vector.shape_cast %swap3A_285 : vector<1x16xf32> to vector<16xf32>
      %swap3A_287 = vector.shape_cast %get3A_253 : vector<16xf32> to vector<1x16xf32>
      tpu.vector_store %arg9[%swap3A, %swap3A_284], %swap3A_287 {add = true, strides = array<i32>} : memref<128x128xf32, #tpu.memory_space<vmem>>, vector<1x16xf32>,
      %scan3A_288 = arith.constant 0 : i32
      %scan3A_289 = arith.constant 1 : i32
      %scan3A_290 = arith.addi %scan3A_282, %scan3A_289 : i32
      %swap3A_291 = arith.index_cast %scan3A_290 : i32 to index
      %swap3A_292 = arith.constant 112 : index
      %swap3A_293 = tpu.vector_load %arg9[%swap3A_291, %swap3A_292] {strides = array<i32>} : memref<128x128xf32, #tpu.memory_space<vmem>>, vector<1x16xf32>,
      %swap3A_294 = vector.shape_cast %swap3A_293 : vector<1x16xf32> to vector<16xf32>
      %swap3A_295 = vector.shape_cast %get3A_253 : vector<16xf32> to vector<1x16xf32>
      tpu.vector_store %arg9[%swap3A_291, %swap3A_292], %swap3A_295 {add = true, strides = array<i32>} : memref<128x128xf32, #tpu.memory_space<vmem>>, vector<1x16xf32>,
      %scan3A_296 = arith.constant 0 : i32
      %scan3A_297 = arith.constant 2 : i32
      %scan3A_298 = arith.addi %scan3A_282, %scan3A_297 : i32
      %swap3A_299 = arith.index_cast %scan3A_298 : i32 to index
      %swap3A_300 = arith.constant 112 : index
      %swap3A_301 = tpu.vector_load %arg9[%swap3A_299, %swap3A_300] {strides = array<i32>} : memref<128x128xf32, #tpu.memory_space<vmem>>, vector<1x16xf32>,
      %swap3A_302 = vector.shape_cast %swap3A_301 : vector<1x16xf32> to vector<16xf32>
      %swap3A_303 = vector.shape_cast %get3A_253 : vector<16xf32> to vector<1x16xf32>
      tpu.vector_store %arg9[%swap3A_299, %swap3A_300], %swap3A_303 {add = true, strides = array<i32>} : memref<128x128xf32, #tpu.memory_space<vmem>>, vector<1x16xf32>,
      %scan3A_304 = arith.constant 0 : i32
      %scan3A_305 = arith.constant 3 : i32
      %scan3A_306 = arith.addi %scan3A_282, %scan3A_305 : i32
      %swap3A_307 = arith.index_cast %scan3A_306 : i32 to index
      %swap3A_308 = arith.constant 112 : index
      %swap3A_309 = tpu.vector_load %arg9[%swap3A_307, %swap3A_308] {strides = array<i32>} : memref<128x128xf32, #tpu.memory_space<vmem>>, vector<1x16xf32>,
      %swap3A_310 = vector.shape_cast %swap3A_309 : vector<1x16xf32> to vector<16xf32>
      %swap3A_311 = vector.shape_cast %get3A_253 : vector<16xf32> to vector<1x16xf32>
      tpu.vector_store %arg9[%swap3A_307, %swap3A_308], %swap3A_311 {add = true, strides = array<i32>} : memref<128x128xf32, #tpu.memory_space<vmem>>, vector<1x16xf32>,
      %scan3A_312 = arith.constant 0 : i32
      %scan3A_313 = arith.constant 4 : i32
      %scan3A_314 = arith.addi %scan3A_282, %scan3A_313 : i32
      %swap3A_315 = arith.index_cast %scan3A_314 : i32 to index
      %swap3A_316 = arith.constant 112 : index
      %swap3A_317 = tpu.vector_load %arg9[%swap3A_315, %swap3A_316] {strides = array<i32>} : memref<128x128xf32, #tpu.memory_space<vmem>>, vector<1x16xf32>,
      %swap3A_318 = vector.shape_cast %swap3A_317 : vector<1x16xf32> to vector<16xf32>
      %swap3A_319 = vector.shape_cast %get3A_253 : vector<16xf32> to vector<1x16xf32>
      tpu.vector_store %arg9[%swap3A_315, %swap3A_316], %swap3A_319 {add = true, strides = array<i32>} : memref<128x128xf32, #tpu.memory_space<vmem>>, vector<1x16xf32>,
      %scan3A_320 = arith.constant 0 : i32
      %scan3A_321 = arith.constant 5 : i32
      %scan3A_322 = arith.addi %scan3A_282, %scan3A_321 : i32
      %swap3A_323 = arith.index_cast %scan3A_322 : i32 to index
      %swap3A_324 = arith.constant 112 : index
      %swap3A_325 = tpu.vector_load %arg9[%swap3A_323, %swap3A_324] {strides = array<i32>} : memref<128x128xf32, #tpu.memory_space<vmem>>, vector<1x16xf32>,
      %swap3A_326 = vector.shape_cast %swap3A_325 : vector<1x16xf32> to vector<16xf32>
      %swap3A_327 = vector.shape_cast %get3A_253 : vector<16xf32> to vector<1x16xf32>
      tpu.vector_store %arg9[%swap3A_323, %swap3A_324], %swap3A_327 {add = true, strides = array<i32>} : memref<128x128xf32, #tpu.memory_space<vmem>>, vector<1x16xf32>,
      %scan3A_328 = arith.constant 0 : i32
      %scan3A_329 = arith.constant 6 : i32
      %scan3A_330 = arith.addi %scan3A_282, %scan3A_329 : i32
      %swap3A_331 = arith.index_cast %scan3A_330 : i32 to index
      %swap3A_332 = arith.constant 112 : index
      %swap3A_333 = tpu.vector_load %arg9[%swap3A_331, %swap3A_332] {strides = array<i32>} : memref<128x128xf32, #tpu.memory_space<vmem>>, vector<1x16xf32>,
      %swap3A_334 = vector.shape_cast %swap3A_333 : vector<1x16xf32> to vector<16xf32>
      %swap3A_335 = vector.shape_cast %get3A_253 : vector<16xf32> to vector<1x16xf32>
      tpu.vector_store %arg9[%swap3A_331, %swap3A_332], %swap3A_335 {add = true, strides = array<i32>} : memref<128x128xf32, #tpu.memory_space<vmem>>, vector<1x16xf32>,
      %scan3A_336 = arith.constant 0 : i32
      %scan3A_337 = arith.constant 7 : i32
      %scan3A_338 = arith.addi %scan3A_282, %scan3A_337 : i32
      %swap3A_339 = arith.index_cast %scan3A_338 : i32 to index
      %swap3A_340 = arith.constant 112 : index
      %swap3A_341 = tpu.vector_load %arg9[%swap3A_339, %swap3A_340] {strides = array<i32>} : memref<128x128xf32, #tpu.memory_space<vmem>>, vector<1x16xf32>,
      %swap3A_342 = vector.shape_cast %swap3A_341 : vector<1x16xf32> to vector<16xf32>
      %swap3A_343 = vector.shape_cast %get3A_253 : vector<16xf32> to vector<1x16xf32>
      tpu.vector_store %arg9[%swap3A_339, %swap3A_340], %swap3A_343 {add = true, strides = array<i32>} : memref<128x128xf32, #tpu.memory_space<vmem>>, vector<1x16xf32>,
      %scan3A_344 = arith.constant 0 : i32
      scf.yield %scan3A_344 : i32
    }
    %scan3A_260 = arith.constant 128 : i32
    %dma_start3A_261 = arith.constant 76 : i32
    %dma_start3A_262 = arith.constant 0 : i32
    %dma_start3A_263 = tpu.memref_slice %arg5[%dma_start3A_261, %mul3A_2, %dma_start3A_262] : memref<77x4096x128xf32, #tpu.memory_space<hbm>> -> memref<1x128x128xf32, #tpu.memory_space<hbm>>
    %dma_start3A_264 = tpu.memref_squeeze %dma_start3A_263 : memref<1x128x128xf32, #tpu.memory_space<hbm>> -> memref<128x128xf32, #tpu.memory_space<hbm>>
    %dma_start3A_265 = arith.constant 0 : i32
    %dma_start3A_266 = tpu.memref_slice %arg5[%dma_start3A_261, %mul3A_2, %dma_start3A_265] : memref<77x4096x128xf32, #tpu.memory_space<hbm>> -> memref<1x128x128xf32, #tpu.memory_space<hbm>>
    %dma_start3A_267 = tpu.memref_squeeze %dma_start3A_266 : memref<1x128x128xf32, #tpu.memory_space<hbm>> -> memref<128x128xf32, #tpu.memory_space<hbm>>
    tpu.enqueue_dma source(%arg9 : memref<128x128xf32, #tpu.memory_space<vmem>>) target(%dma_start3A_267 : memref<128x128xf32, #tpu.memory_space<hbm>>) target_semaphore(%arg17 : memref<!tpu.dma_semaphore, #tpu.memory_space<semaphore_mem>>)
    %dma_wait3A_268 = arith.constant 0 : i32
    %dma_wait3A_269 = arith.constant 0 : i32
    %dma_wait3A_270 = tpu.memref_slice %arg5[%dma_wait3A_268, %mul3A_2, %dma_wait3A_269] : memref<77x4096x128xf32, #tpu.memory_space<hbm>> -> memref<1x128x128xf32, #tpu.memory_space<hbm>>
    %dma_wait3A_271 = tpu.memref_squeeze %dma_wait3A_270 : memref<1x128x128xf32, #tpu.memory_space<hbm>> -> memref<128x128xf32, #tpu.memory_space<hbm>>
    %dma_wait3A_272 = arith.constant 0 : i32
    %dma_wait3A_273 = tpu.memref_slice %arg5[%dma_wait3A_268, %mul3A_2, %dma_wait3A_272] : memref<77x4096x128xf32, #tpu.memory_space<hbm>> -> memref<1x128x128xf32, #tpu.memory_space<hbm>>
    %dma_wait3A_274 = tpu.memref_squeeze %dma_wait3A_273 : memref<1x128x128xf32, #tpu.memory_space<hbm>> -> memref<128x128xf32, #tpu.memory_space<hbm>>
    tpu.wait_dma2 semaphore(%arg16 : memref<!tpu.dma_semaphore, #tpu.memory_space<semaphore_mem>>) src(%arg8 : memref<128x128xf32, #tpu.memory_space<vmem>>) dst(%dma_wait3A_274 : memref<128x128xf32, #tpu.memory_space<hbm>>)
    %dma_wait3A_275 = arith.constant 0 : i32
    %dma_wait3A_276 = arith.constant 0 : i32
    %dma_wait3A_277 = tpu.memref_slice %arg5[%dma_wait3A_275, %mul3A_2, %dma_wait3A_276] : memref<77x4096x128xf32, #tpu.memory_space<hbm>> -> memref<1x128x128xf32, #tpu.memory_space<hbm>>
    %dma_wait3A_278 = tpu.memref_squeeze %dma_wait3A_277 : memref<1x128x128xf32, #tpu.memory_space<hbm>> -> memref<128x128xf32, #tpu.memory_space<hbm>>
    %dma_wait3A_279 = arith.constant 0 : i32
    %dma_wait3A_280 = tpu.memref_slice %arg5[%dma_wait3A_275, %mul3A_2, %dma_wait3A_279] : memref<77x4096x128xf32, #tpu.memory_space<hbm>> -> memref<1x128x128xf32, #tpu.memory_space<hbm>>
    %dma_wait3A_281 = tpu.memref_squeeze %dma_wait3A_280 : memref<1x128x128xf32, #tpu.memory_space<hbm>> -> memref<128x128xf32, #tpu.memory_space<hbm>>
    tpu.wait_dma2 semaphore(%arg17 : memref<!tpu.dma_semaphore, #tpu.memory_space<semaphore_mem>>) src(%arg9 : memref<128x128xf32, #tpu.memory_space<vmem>>) dst(%dma_wait3A_281 : memref<128x128xf32, #tpu.memory_space<hbm>>)
    return
  }
}

module attributes {stable_mosaic.version = 14 : i64} {
  func.func @_tc_dense_body(%arg0: i32, %arg1: memref<77x4096x128xf32, #tpu.memory_space<any>>, %arg2: memref<27x512xf32, #tpu.memory_space<vmem>>, %arg3: memref<27x128xf32, #tpu.memory_space<vmem>>, %arg4: memref<27x128xf32, #tpu.memory_space<vmem>>, %arg5: memref<27x512x128xf32, #tpu.memory_space<vmem>>) attributes {dimension_semantics = [#tpu.dimension_semantics<arbitrary>], iteration_bounds = array<i64: 8>, scalar_prefetch = 0 : i64, scratch_operands = 0 : i64, tpu.core_type = #tpu.core_type<tc>, window_params = [{}, {transform_indices = @transform_1, window_bounds = array<i64: 27, 512>}, {pipeline_mode = #tpu.pipeline_mode<synchronous>, transform_indices = @transform_2, window_bounds = array<i64: 27, 128>}, {pipeline_mode = #tpu.pipeline_mode<synchronous>, transform_indices = @transform_3, window_bounds = array<i64: 27, 128>}, {transform_indices = @transform_4, window_bounds = array<i64: 27, 512, 128>}]} {
    %get3A = arith.constant 0 : index
    %get3A_0 = arith.constant 0 : index
    %get3A_1 = vector.load %arg3[%get3A, %get3A_0] : memref<27x128xf32, #tpu.memory_space<vmem>>, vector<27x128xf32>
    %get3A_2 = arith.constant 0 : index
    %get3A_3 = arith.constant 0 : index
    %get3A_4 = vector.load %arg2[%get3A_2, %get3A_3] : memref<27x512xf32, #tpu.memory_space<vmem>>, vector<27x512xf32>
    %get3A_5 = arith.constant 0 : index
    %get3A_6 = arith.constant 0 : index
    %get3A_7 = vector.load %arg4[%get3A_5, %get3A_6] : memref<27x128xf32, #tpu.memory_space<vmem>>, vector<27x128xf32>
    %broadcast_in_dim3A = vector.shape_cast %get3A_1 : vector<27x128xf32> to vector<27x1x128xf32>
    %broadcast_in_dim3A_8 = vector.shape_cast %get3A_4 : vector<27x512xf32> to vector<27x512x1xf32>
    %mul3A = vector.broadcast %broadcast_in_dim3A : vector<27x1x128xf32> to vector<27x512x128xf32>
    %mul3A_9 = vector.broadcast %broadcast_in_dim3A_8 : vector<27x512x1xf32> to vector<27x512x128xf32>
    %mul3A_10 = arith.mulf %mul3A, %mul3A_9 : vector<27x512x128xf32>
    %broadcast_in_dim3A_11 = vector.shape_cast %get3A_7 : vector<27x128xf32> to vector<27x1x128xf32>
    %add3A = vector.broadcast %broadcast_in_dim3A_11 : vector<27x1x128xf32> to vector<27x512x128xf32>
    %add3A_12 = arith.addf %mul3A_10, %add3A : vector<27x512x128xf32>
    %swap3A = arith.constant 0 : index
    %swap3A_13 = arith.constant 0 : index
    %swap3A_14 = arith.constant 0 : index
    %swap3A_15 = vector.load %arg5[%swap3A, %swap3A_13, %swap3A_14] : memref<27x512x128xf32, #tpu.memory_space<vmem>>, vector<27x512x128xf32>
    tpu.vector_store %arg5[%swap3A, %swap3A_13, %swap3A_14], %add3A_12 {strides = array<i32>} : memref<27x512x128xf32, #tpu.memory_space<vmem>>, vector<27x512x128xf32>,
    return
  }
  func.func @transform_1(%arg0: i32) -> (i32, i32) {
    %c0_i32 = arith.constant 0 : i32
    %c0_i32_0 = arith.constant 0 : i32
    return %c0_i32, %arg0 : i32, i32
  }
  func.func @transform_2(%arg0: i32) -> (i32, i32) {
    %c0_i32 = arith.constant 0 : i32
    %c0_i32_0 = arith.constant 0 : i32
    %c0_i32_1 = arith.constant 0 : i32
    return %c0_i32, %c0_i32_0 : i32, i32
  }
  func.func @transform_3(%arg0: i32) -> (i32, i32) {
    %c0_i32 = arith.constant 0 : i32
    %c0_i32_0 = arith.constant 0 : i32
    %c0_i32_1 = arith.constant 0 : i32
    return %c0_i32, %c0_i32_0 : i32, i32
  }
  func.func @transform_4(%arg0: i32) -> (i32, i32, i32) {
    %c0_i32 = arith.constant 0 : i32
    %c0_i32_0 = arith.constant 0 : i32
    %c0_i32_1 = arith.constant 0 : i32
    return %c0_i32, %arg0, %c0_i32_0 : i32, i32, i32
  }
}

</mosaic_0001>

<sc_bundles>
// kernel: kernel.4.cloned.1.call-start
scs
__scs_entry_jumppad:
0x0: {  	(pc) =	sbr.rel $0x88, $3  }
0x1: {  	(tag) =	ssettag $0x0;
	lr =	simm.s32 $0x1  }
0x2: {  	[smem:$0x3F9C] =	sst lr;
	_ =	strace $0xD0000000  }
0x3: {  	_ = 	snop  }
0x4: {  	_ = 	snop  }
0x5: {  	_ = 	snop  }
0x6: {  	_ = 	snop  }
0x7: {  	_ = 	snop  }
__scs_overlays_trampoline_lowered:
0x8: {  	[smem:$0x3FAB] =	sst s0  }
0x9: {  	[smem:$0x3FAC] =	sst s1  }
0xa: {  	[smem:$0x3FAD] =	sst s2  }
0xb: {  	[smem:$0x3FAE] =	sst s3  }
0xc: {  	[smem:$0x3FAF] =	sst s4  }
0xd: {  	[smem:$0x3FB0] =	sst s5  }
0xe: {  	[smem:$0x3FB1] =	sst s6  }
0xf: {  	[smem:$0x3FB2] =	sst s7  }
0x10: {  	[smem:$0x3FB3] =	sst s8  }
0x11: {  	[smem:$0x3FB4] =	sst s9;
	s0 =	simm.s32 @!p0 $0x0  }
0x12: {  	s1 =	sld [smem:$0x3F9A];
	s0 =	simm.s32 @p0 $0x1  }
0x13: {  	[smem:$0x3FB5] =	sst s0;
	s0 =	simm.s32 @!p1 $0x0  }
0x14: {  	s2 =	sld [smem:$0x3F99];
	s0 =	simm.s32 @p1 $0x1  }
0x15: {  	[smem:$0x3FB6] =	sst s0;
	s0 =	simm.s32 @!p2 $0x0  }
0x16: {  	s3 =	sld [smem:$0x3FDB];
	s0 =	simm.s32 @p2 $0x1  }
0x17: {  	s4 =	simm.s32 $0x1BF5;
	[smem:$0x3FB8] =	sst s0  }
0x18: {  	s0 =	sld [smem:$0x3F9B];
	_ =	swait.ge [sflag:s4], $0x0  }
0x19: {  	s7 =	sld [smem:$0x3F9C]  }
0x1a: {  	s8 =	sadd.s32 $0xFFFFE003, lr  }
0x1b: {  	s9 =	sadd.s32 $0xFFFFFEF7, lr;
	s5 =	simm.s32 $0xFFFFFFFF;
	p2 =	slt.u32 s8, $0xFFFFF086  }
0x1c: {  	p1 =	slt.u32 s9, $0xF7A;
	s5 =	simm.s32 @!p2 $0x0  }
0x1d: {  	s5 =	simm.s32 @p1 $0x1;
	p0 =	seq.s32 s7, s2  }
0x1e: {  	s7 =	smul.u32 @!p0 $0xF7A, s2;
	p2 =	seq.s32 @!p0 s5, $0x0  }
0x1f: {  	s9 =	smul.u32 $0xF7A, s1;
	s8 =	simm.s32 @!p0 $0x1BF5;
	p2 =	por !p2, p0  }
0x20: {  	[sflag:s8] =	ssyncset.s32 @!p0 $0xFFFFF086;
	s6 =	sadd.s32 @!p0 s3, s7;
	s7 =	simm.s32 @!p0 $0x108  }
0x21: {  	s3 =	sadd.s32 s3, s9;
	s6 =	sadd.s32 @!p0 $0x88, s6;
	s7 =	simm.s32 @p2 $0x1082  }
0x22: {  	[simem:s7], [sflag:s8] =	dma.local @!p0 [hbm:s6], $0xF7A  }
0x23: {  	s9 =	sor.u32 $0xD0000000, s2;
	s6 =	simm.s32 $0x108;
	_ =	swait.ge @!p0 [sflag:s8], $0x0  }
0x24: {  	s3 =	sadd.s32 $0x88, s3;
	s6 =	simm.s32 @!p1 $0x1082;
	[sflag:s4] =	ssyncset.s32 $0xFFFFF086  }
0x25: {  	[simem:s6], [sflag:s4] =	dma.local [hbm:s3], $0xF7A  }
0x26: {  	[smem:$0x3F9C] =	sst s1;
	(tag) =	ssettag s2;
	_ =	strace s9  }
0x27: {  	s1 =	sld [smem:$0x3FAC]  }
0x28: {  	s2 =	sld [smem:$0x3FAD]  }
0x29: {  	s4 =	sld [smem:$0x3FAF]  }
0x2a: {  	p0 =	seq.s32 s5, $0x0;
	s5 =	sld [smem:$0x3FB0]  }
0x2b: {  	s6 =	sld [smem:$0x3FB1]  }
0x2c: {  	s7 =	sld [smem:$0x3FB2]  }
0x2d: {  	s3 =	simm.s32 $0x108;
	s8 =	sld [smem:$0x3FB3]  }
0x2e: {  	s3 =	simm.s32 @!p0 $0x1082;
	s9 =	sld [smem:$0x3FB4]  }
0x2f: {  	lr =	sadd.s32 s0, s3;
	s0 =	sld [smem:$0x3FAB]  }
0x30: {  	s3 =	sld [smem:$0x3FAE]  }
0x31: {  	[smem:$0x3FB7] =	sst s10  }
0x32: {  	s10 =	sld [smem:$0x3FB5];
	_ =	sdelay $0x3  }
0x33: {  	p0 =	seq.s32 s10, $0x1;
	s10 =	sld [smem:$0x3FB7];
	_ =	sdelay $0x3  }
0x34: {  	[smem:$0x3FB7] =	sst s10  }
0x35: {  	s10 =	sld [smem:$0x3FB6];
	_ =	sdelay $0x3  }
0x36: {  	p1 =	seq.s32 s10, $0x1;
	s10 =	sld [smem:$0x3FB7];
	_ =	sdelay $0x3  }
0x37: {  	[smem:$0x3FB7] =	sst s10  }
0x38: {  	s10 =	sld [smem:$0x3FB8]  }
0x39: {  	_ = 	snop;
	(pc) =	sbr.ind lr, $3  }
0x3a: {  	_ = 	snop  }
0x3b: {  	_ = 	snop  }
0x3c: {  	p2 =	seq.s32 s10, $0x1;
	s10 =	sld [smem:$0x3FB7]  }
0x3d: {  	_ =	shalt  }
0x3e: {  	_ =	shalt  }
0x3f: {  	_ =	shalt  }
0x40: {  	_ =	shalt  }
0x41: {  	_ =	shalt  }
0x42: {  	_ =	shalt  }
0x43: {  	_ =	shalt  }
0x44: {  	_ =	shalt  }
0x45: {  	_ =	shalt  }
0x46: {  	_ =	shalt  }
0x47: {  	_ =	shalt  }
0x48: {  	_ =	shalt  }
0x49: {  	_ =	shalt  }
0x4a: {  	_ =	shalt  }
0x4b: {  	_ =	shalt  }
0x4c: {  	_ =	shalt  }
0x4d: {  	_ =	shalt  }
0x4e: {  	_ =	shalt  }
0x4f: {  	_ =	shalt  }
0x50: {  	_ =	shalt  }
0x51: {  	_ =	shalt  }
0x52: {  	_ =	shalt  }
0x53: {  	_ =	shalt  }
0x54: {  	_ =	shalt  }
0x55: {  	_ =	shalt  }
0x56: {  	_ =	shalt  }
0x57: {  	_ =	shalt  }
0x58: {  	_ =	shalt  }
0x59: {  	_ =	shalt  }
0x5a: {  	_ =	shalt  }
0x5b: {  	_ =	shalt  }
0x5c: {  	_ =	shalt  }
0x5d: {  	_ =	shalt  }
0x5e: {  	_ =	shalt  }
0x5f: {  	_ =	shalt  }
0x60: {  	_ =	shalt  }
0x61: {  	_ =	shalt  }
0x62: {  	_ =	shalt  }
0x63: {  	_ =	shalt  }
0x64: {  	_ =	shalt  }
0x65: {  	_ =	shalt  }
0x66: {  	_ =	shalt  }
0x67: {  	_ =	shalt  }
0x68: {  	_ =	shalt  }
0x69: {  	_ =	shalt  }
0x6a: {  	_ =	shalt  }
0x6b: {  	_ =	shalt  }
0x6c: {  	_ =	shalt  }
0x6d: {  	_ =	shalt  }
0x6e: {  	_ =	shalt  }
0x6f: {  	_ =	shalt  }
0x70: {  	_ =	shalt  }
0x71: {  	_ =	shalt  }
0x72: {  	_ =	shalt  }
0x73: {  	_ =	shalt  }
0x74: {  	_ =	shalt  }
0x75: {  	_ =	shalt  }
0x76: {  	_ =	shalt  }
0x77: {  	_ =	shalt  }
0x78: {  	_ =	shalt  }
0x79: {  	_ =	shalt  }
0x7a: {  	_ =	shalt  }
0x7b: {  	_ =	shalt  }
0x7c: {  	_ =	shalt  }
0x7d: {  	_ =	shalt  }
0x7e: {  	_ =	shalt  }
0x7f: {  	_ =	shalt  }
0x80: {  	_ =	shalt  }
0x81: {  	_ =	shalt  }
0x82: {  	_ =	shalt  }
0x83: {  	_ =	shalt  }
0x84: {  	_ =	shalt  }
0x85: {  	_ =	shalt  }
0x86: {  	_ =	shalt  }
0x87: {  	_ =	shalt  }
.Lfunc_end0:
.L_simem_size_0:
called_computation_lowered:
.L_overlay_start_0:
0x88: {  	s2 =	sld [smem:$0x3FD9]  }
0x89: {  	s3 =	sld [smem:$0x3FFE];
	_ =	sdelay $0x1  }
0x8a: {  	s1 =	srdreg.scid  }
0x8b: {  	s0 =	sand.u32 $0x1, s1  }
0x8c: {  	s17 =	sshll.u32 s0, $0xA;
	s2 =	sadd.s32 s3, s2  }
0x8d: {  	s2 =	sadd.s32 s2, s17  }
0x8e: {  	[smem:$0x3FC3] =	sst s2  }
0x8f: {  	_ = 	snop  }
0x90: {  	s2 =	sld [smem:$0x3FC8]  }
0x91: {  	s18 =	sld [smem:$0x3FC7]  }
0x92: {  	s4 =	sld [smem:$0x3FD0];
	(tm) =	ssettm $0x1  }
0x93: {  	s5 =	sld [smem:$0x3FFB];
	_ =	sdelay $0x3  }
0x94: {  	_ =	strace s5  }
0x95: {  	s5 =	sld [smem:$0x3FFC];
	_ =	sdelay $0x3  }
0x96: {  	_ =	strace s5  }
0x97: {  	s5 =	sld [smem:$0x3FFD];
	_ =	sdelay $0x3  }
0x98: {  	_ =	strace s5  }
0x99: {  	_ =	strace $0x8FFFFFFF  }
0x9a: {  	s19 =	sld [smem:$0x3FDB];
	_ =	sdelay $0x1  }
0x9b: {  	s6 =	simm.s32 $_scs_section_size  }
0x9c: {  	s7 =	simm.s32 $_size__tile_overlayer_lowered;
	s8 =	simm.s32 $_tile_overlayer_lowered  }
0x9d: {  	s22 =	simm.s32 $0x1BFF;
	s21 =	sshll.u32 s8, $0x1;
	s5 =	sadd.s32 s6, s19  }
0x9e: {  	s9 =	simm.s32 $0x0;
	s20 =	sshll.u32 s7, $0x1;
	s7 =	sadd.s32 s21, s5  }
0x9f: {  	[timem:s9], [sflag:s22] =	dma.local [hbm:s7], s20  }
0xa0: {  	_ =	swait.ge [sflag:s22], s20  }
0xa1: {  	s6 =	ssub.s32 $0x0, s20;
	[sflag:s22] =	ssyncset.done $0x0  }
0xa2: {  	[sflag:s22] =	ssyncadd.s32 s6;
	_ =	sdelay $0x1  }
0xa3: {  	s23 =	simm.s32 $0x1B8B  }
0xa4: {  	_ =	swait.ge [sflag:s23], $0x1  }
0xa5: {  	[sflag:s23] =	ssyncset.done $0x0  }
0xa6: {  	s25 =	simm.s32 $0x1B8E;
	s24 =	sld [smem:$0x3FFE];
	[sflag:s23] =	ssyncadd.s32 $0xFFFFFFFF  }
0xa7: {  	s26 =	simm.s32 $execute0_lowered;
	[smem:$0x3FD2] =	sst s25  }
0xa8: {  	s7 =	sshll.u32 s26, $0x1;
	_ =	strace $0x80000046;
	[dreg:$0x1] =	wrdreg $0xFFFFFFFF  }
0xa9: {  	s28 =	simm.s32 $_size_execute0_lowered;
	s5 =	sadd.s32 s5, s7;
	[dreg:$0x0] =	wrdreg $0x0  }
0xaa: {  	s7 =	sshll.u32 s28, $0x1;
	[dreg:$0x2] =	wrdreg s5  }
0xab: {  	[dreg:$0x3] =	wrdreg s7  }
0xac: {  	[dreg:$0x4] =	wrdreg $0xC0  }
0xad: {  	_ =	task [dreg:s9], $0x5FFFF  }
0xae: {  	[dreg:$0x1] =	wrdreg $0xFFFFFFFF  }
0xaf: {  	[dreg:$0x0] =	wrdreg $0x60  }
0xb0: {  	[dreg:$0x2] =	wrdreg s2  }
0xb1: {  	[dreg:$0x3] =	wrdreg s18  }
0xb2: {  	[dreg:$0x4] =	wrdreg s24  }
0xb3: {  	[dreg:$0x5] =	wrdreg s4  }
0xb4: {  	[dreg:$0x6] =	wrdreg $0x9  }
0xb5: {  	_ =	task.clear_ibuf [dreg:s9], $0x7FFFF;
	_ =	strace $0x90000046  }
0xb6: {  	s29 =	simm.s32 $0x9;
	_ =	strace $0x80000048  }
0xb7: {  	_ =	swait.ge [sflag:s29], $0x1  }
0xb8: {  	[sflag:s29] =	ssyncadd.s32 $0xFFFFFFFF  }
0xb9: {  	_ =	strace $0x90000048  }
0xba: {  	_ =	sfence  }
0xbb: {  	s30 =	sld [smem:$0x0];
	_ =	sdelay $0x2  }
0xbc: {  	s31 =	sshll.u32 s1, $0xD;
	s1 =	sshrl.u32 s1, $0x2  }
0xbd: {  	s3 =	sand.u32 $0x4000, s31;
	s1 =	sadd.s32 s1, s30  }
0xbe: {  	s0 =	sor.u32 s3, s0;
	s1 =	sshll.u32 s1, $0x11  }
0xbf: {  	s0 =	sor.u32 s1, s0  }
0xc0: {  	s0 =	sadd.s32 $0x8F2B, s0  }
0xc1: {  	[sflag:s0] =	ssyncadd.remote.s32 $0x1  }
0xc2: {  	_ =	sfence.sel $0xFFFF  }
0xc3: {  	[dreg:$0x0] =	wrdreg $0xFFFFFFFF;
	(pc) =	sbr.abs _section_cstart, $3  }
0xc4: {  	[dreg:$0x1] =	wrdreg $0xFFFFFFFF  }
0xc5: {  	_ =	task.clear_ibuf [dreg:s9], $0x2FFFF;
	_ =	strace $0x9FFFFFFF  }
0xc6: {  	(tm) =	ssettm $0x7FFFFFFF  }
0xc7: {  	_ =	shalt  }
tec
execute0_lowered:
.L_overlay_start_1:
0x0: {  	(tag) =	ssettag $0x1  }
0x1: {  	s0 =	rddreg [dreg:$0x0]  }
0x2: {  	s1 =	rddreg [dreg:$0x1]  }
0x3: {  	s2 =	rddreg [dreg:$0x2]  }
0x4: {  	s3 =	rddreg [dreg:$0x3]  }
0x5: {  	s5 =	srdreg.scid;
	s4 =	simm.s32 $0x0;
	s6 =	stileid.u32  }
0x6: {  	s18 =	simm.s32 $0x9;
	s20 =	simm.s32 $0x80;
	s28 =	simm.s32 $0x1  }
0x7: {  	s29 =	simm.s32 $0x2;
	s30 =	simm.s32 $0x3;
	s31 =	simm.s32 $0x4  }
0x8: {  	s15 =	simm.s32 $0x7;
	s16 =	simm.s32 $0x8;
	s17 =	simm.s32 $0x0  }
0x9: {  	s5 =	sand.u32 $0x1, s5;
	[smem:$0x7FF] =	sst s4;
	s6 =	sshll.u32 s6, $0x8  }
0xa: {  	s2 =	sadd.s32 $0xC00, s2;
	s7 =	sshll.u32 s5, $0x7;
	_ =	strace $0x80000047  }
0xb: {  	s5 =	ssub.s32 $0x2, s5;
	[dreg:$0x5] =	wrdreg s2;
	s7 =	sor.u32 s7, s6  }
0xc: {  	s2 =	simm.s32 $0x6;
	s21 =	sshrl.u32 s5, $0x1;
	s6 =	sadd.s32 s0, s7  }
0xd: {  	s22 =	ssub.s32 s5, s21;
	s24 =	sshll.u32 s7, $0x7;
	s25 =	sshll.u32 s7, $0x4  }
0xe: {  	s21 =	simm.s32 $0x3800;
	s0 =	simm.s32 $0x5;
	s23 =	sadd.s32 $0x6000, s6  }
0xf: {  	s8 =	sor.u32 $0xD80000, s24;
	s9 =	sor.u32 $0xE00000, s24;
	s10 =	sor.u32 $0xE80000, s24  }
0x10: {  	s11 =	sor.u32 $0xF00000, s24;
	s26 =	sadd.s32 s25, s3;
	s14 =	smax.u32 s22, $0x1  }
0x11: {  	s22 =	simm.s32 $0x7800;
	s24 =	simm.s32 $0xB800;
	[dreg:$0x6] =	wrdreg s23  }
0x12: {  	s12 =	sadd.s32 $0x4B0000, s26;
	s13 =	sadd.s32 $0x4C0000, s26;
	s26 =	simm.s32 $0xF800  }
.LBB2_1:
0x13: {  	s5 =	simm.s32 $0x400;
	s7 =	simm.s32 $0x8000  }
0x14: {  	[tilespmem:s4], [sflag:$0x9] =	stream.strided.gather [hbm4b:s6+s5], $0x1800, s7, s5, $0x38;
	[tilespmem:$0x13800] =	vst v63  }
0x15: {  	s23 =	rddreg [dreg:$0x6];
	s25 =	simm.s32 $0x1800  }
0x16: {  	[tilespmem:s25], [sflag:$0x9] =	stream.linear.gather [hbm4b:s23+s4], $0x100, $0x38;
	[tilespmem:$0x13800] =	vst v63  }
0x17: {  	_ =	swait.ge [sflag:s18], $0x1900  }
0x18: {  	[sflag:s18] =	ssyncset.done $0x0  }
0x19: {  	s19 =	simm.s32 $0x1C00;
	s7 =	rddreg [dreg:$0x5];
	[sflag:s18] =	ssyncadd.s32 $0xFFFFE700  }
0x1a: {  	[tilespmem:s19], [sflag:$0x9] =	stream.linear.gather [hbm4b:s7+s4], $0x1900, $0x38;
	[tilespmem:$0x13800] =	vst v63  }
0x1b: {  	_ =	swait.ge [sflag:s18], $0x1900  }
0x1c: {  	[sflag:s18] =	ssyncset.done $0x0  }
0x1d: {  	[sflag:s18] =	ssyncadd.s32 $0xFFFFE700  }
0x1e: {  	[tilespmem:s21], [sflag:$0x1] =	stream.indirect.gather [hbm4b:s1+s20], $0x80, s4, s20, $0xb8;
	[tilespmem:$0x13800] =	vst v63  }
0x1f: {  	_ = 	snop  }
0x20: {  	[tilespmem:s22], [sflag:$0x2] =	stream.indirect.gather [hbm4b:s1+s20], $0x80, s20, s20, $0xb8;
	[tilespmem:$0x13800] =	vst v63  }
0x21: {  	s23 =	simm.s32 $0x100  }
0x22: {  	[tilespmem:s24], [sflag:$0x3] =	stream.indirect.gather [hbm4b:s1+s20], $0x80, s23, s20, $0xb8;
	[tilespmem:$0x13800] =	vst v63  }
0x23: {  	s25 =	simm.s32 $0x180;
	s19 =	simm.s32 $0x0  }
0x24: {  	[tilespmem:s26], [sflag:$0x4] =	stream.indirect.gather [hbm4b:s1+s20], $0x80, s25, s20, $0xb8;
	[tilespmem:$0x13800] =	vst v63  }
.LBB2_2:
0x25: {  	_ =	swait.ge [sflag:s28], $0x4000  }
0x26: {  	s5 =	sshll.u32 s19, $0xB;
	[sflag:s28] =	ssyncset.done $0x0  }
0x27: {  	s23 =	sshrl.u32 s5, $0x2;
	[sflag:s28] =	ssyncadd.s32 $0xFFFFC000  }
0x28: {  	v0 =	vld [tilespmem:s23+$0x1C00];
	_ =	sdelay $0x3  }
0x29: {  	s5 =	simm.s32 $0x3B80  }
0x2a: {  	[tilespmem:s5+$0xFFFFFC80] =	vst.add.f32.msk $0xffff, v0  }
0x2b: {  	[tilespmem:s5+$0x0] =	vst.add.f32.msk $0xffff, v0  }
0x2c: {  	[tilespmem:s5+$0xFFFFFF80] =	vst.add.f32.msk $0xffff, v0  }
0x2d: {  	[tilespmem:s5+$0xFFFFFF00] =	vst.add.f32.msk $0xffff, v0  }
0x2e: {  	[tilespmem:s5+$0xFFFFFE80] =	vst.add.f32.msk $0xffff, v0  }
0x2f: {  	[tilespmem:s5+$0xFFFFFE00] =	vst.add.f32.msk $0xffff, v0  }
0x30: {  	s25 =	simm.s32 $0x0;
	[tilespmem:s5+$0xFFFFFD80] =	vst.add.f32.msk $0xffff, v0  }
.LBB2_3:
0x31: {  	s25 =	sadd.s32 $0x8, s25;
	[tilespmem:s5+$0xFFFFFD00] =	vst.add.f32.msk $0xffff, v0;
	s5 =	sadd.s32 $0x400, s5  }
0x32: {  	[tilespmem:s5+$0xFFFFFC80] =	vst.add.f32.msk $0xffff, v0;
	p0 =	slt.u32 s25, $0x78  }
0x33: {  	[tilespmem:s5+$0x0] =	vst.add.f32.msk $0xffff, v0  }
.Ltmp0:
0x34: {  	[tilespmem:s5+$0xFFFFFF80] =	vst.add.f32.msk $0xffff, v0;
	(pc) =	sbr.rel @p0 .LBB2_3-.Ltmp0, $4  }
0x35: {  	[tilespmem:s5+$0xFFFFFF00] =	vst.add.f32.msk $0xffff, v0  }
0x36: {  	[tilespmem:s5+$0xFFFFFE80] =	vst.add.f32.msk $0xffff, v0  }
0x37: {  	[tilespmem:s5+$0xFFFFFE00] =	vst.add.f32.msk $0xffff, v0  }
0x38: {  	[tilespmem:s5+$0xFFFFFD80] =	vst.add.f32.msk $0xffff, v0  }
0x39: {  	[tilespmem:s5+$0xFFFFFD00] =	vst.add.f32.msk $0xffff, v0  }
0x3a: {  	v0 =	vld [tilespmem:s23+$0x1C10];
	_ =	sdelay $0x3  }
0x3b: {  	s5 =	simm.s32 $0x3B90  }
0x3c: {  	[tilespmem:s5+$0xFFFFFC80] =	vst.add.f32.msk $0xffff, v0  }
0x3d: {  	[tilespmem:s5+$0x0] =	vst.add.f32.msk $0xffff, v0  }
0x3e: {  	[tilespmem:s5+$0xFFFFFF80] =	vst.add.f32.msk $0xffff, v0  }
0x3f: {  	[tilespmem:s5+$0xFFFFFF00] =	vst.add.f32.msk $0xffff, v0  }
0x40: {  	[tilespmem:s5+$0xFFFFFE80] =	vst.add.f32.msk $0xffff, v0  }
0x41: {  	[tilespmem:s5+$0xFFFFFE00] =	vst.add.f32.msk $0xffff, v0  }
0x42: {  	s25 =	simm.s32 $0x0;
	[tilespmem:s5+$0xFFFFFD80] =	vst.add.f32.msk $0xffff, v0  }
.LBB2_5:
0x43: {  	s25 =	sadd.s32 $0x8, s25;
	[tilespmem:s5+$0xFFFFFD00] =	vst.add.f32.msk $0xffff, v0;
	s5 =	sadd.s32 $0x400, s5  }
0x44: {  	[tilespmem:s5+$0xFFFFFC80] =	vst.add.f32.msk $0xffff, v0;
	p0 =	slt.u32 s25, $0x78  }
0x45: {  	[tilespmem:s5+$0x0] =	vst.add.f32.msk $0xffff, v0  }
.Ltmp1:
0x46: {  	[tilespmem:s5+$0xFFFFFF80] =	vst.add.f32.msk $0xffff, v0;
	(pc) =	sbr.rel @p0 .LBB2_5-.Ltmp1, $4  }
0x47: {  	[tilespmem:s5+$0xFFFFFF00] =	vst.add.f32.msk $0xffff, v0  }
0x48: {  	[tilespmem:s5+$0xFFFFFE80] =	vst.add.f32.msk $0xffff, v0  }
0x49: {  	[tilespmem:s5+$0xFFFFFE00] =	vst.add.f32.msk $0xffff, v0  }
0x4a: {  	[tilespmem:s5+$0xFFFFFD80] =	vst.add.f32.msk $0xffff, v0  }
0x4b: {  	[tilespmem:s5+$0xFFFFFD00] =	vst.add.f32.msk $0xffff, v0  }
0x4c: {  	v0 =	vld [tilespmem:s23+$0x1C20];
	_ =	sdelay $0x3  }
0x4d: {  	s5 =	simm.s32 $0x3BA0  }
0x4e: {  	[tilespmem:s5+$0xFFFFFC80] =	vst.add.f32.msk $0xffff, v0  }
0x4f: {  	[tilespmem:s5+$0x0] =	vst.add.f32.msk $0xffff, v0  }
0x50: {  	[tilespmem:s5+$0xFFFFFF80] =	vst.add.f32.msk $0xffff, v0  }
0x51: {  	[tilespmem:s5+$0xFFFFFF00] =	vst.add.f32.msk $0xffff, v0  }
0x52: {  	[tilespmem:s5+$0xFFFFFE80] =	vst.add.f32.msk $0xffff, v0  }
0x53: {  	[tilespmem:s5+$0xFFFFFE00] =	vst.add.f32.msk $0xffff, v0  }
0x54: {  	s25 =	simm.s32 $0x0;
	[tilespmem:s5+$0xFFFFFD80] =	vst.add.f32.msk $0xffff, v0  }
.LBB2_7:
0x55: {  	s25 =	sadd.s32 $0x8, s25;
	[tilespmem:s5+$0xFFFFFD00] =	vst.add.f32.msk $0xffff, v0;
	s5 =	sadd.s32 $0x400, s5  }
0x56: {  	[tilespmem:s5+$0xFFFFFC80] =	vst.add.f32.msk $0xffff, v0;
	p0 =	slt.u32 s25, $0x78  }
0x57: {  	[tilespmem:s5+$0x0] =	vst.add.f32.msk $0xffff, v0  }
.Ltmp2:
0x58: {  	[tilespmem:s5+$0xFFFFFF80] =	vst.add.f32.msk $0xffff, v0;
	(pc) =	sbr.rel @p0 .LBB2_7-.Ltmp2, $4  }
0x59: {  	[tilespmem:s5+$0xFFFFFF00] =	vst.add.f32.msk $0xffff, v0  }
0x5a: {  	[tilespmem:s5+$0xFFFFFE80] =	vst.add.f32.msk $0xffff, v0  }
0x5b: {  	[tilespmem:s5+$0xFFFFFE00] =	vst.add.f32.msk $0xffff, v0  }
0x5c: {  	[tilespmem:s5+$0xFFFFFD80] =	vst.add.f32.msk $0xffff, v0  }
0x5d: {  	[tilespmem:s5+$0xFFFFFD00] =	vst.add.f32.msk $0xffff, v0  }
0x5e: {  	v0 =	vld [tilespmem:s23+$0x1C30];
	_ =	sdelay $0x3  }
0x5f: {  	s5 =	simm.s32 $0x3BB0  }
0x60: {  	[tilespmem:s5+$0xFFFFFC80] =	vst.add.f32.msk $0xffff, v0  }
0x61: {  	[tilespmem:s5+$0x0] =	vst.add.f32.msk $0xffff, v0  }
0x62: {  	[tilespmem:s5+$0xFFFFFF80] =	vst.add.f32.msk $0xffff, v0  }
0x63: {  	[tilespmem:s5+$0xFFFFFF00] =	vst.add.f32.msk $0xffff, v0  }
0x64: {  	[tilespmem:s5+$0xFFFFFE80] =	vst.add.f32.msk $0xffff, v0  }
0x65: {  	[tilespmem:s5+$0xFFFFFE00] =	vst.add.f32.msk $0xffff, v0  }
0x66: {  	s25 =	simm.s32 $0x0;
	[tilespmem:s5+$0xFFFFFD80] =	vst.add.f32.msk $0xffff, v0  }
.LBB2_9:
0x67: {  	s25 =	sadd.s32 $0x8, s25;
	[tilespmem:s5+$0xFFFFFD00] =	vst.add.f32.msk $0xffff, v0;
	s5 =	sadd.s32 $0x400, s5  }
0x68: {  	[tilespmem:s5+$0xFFFFFC80] =	vst.add.f32.msk $0xffff, v0;
	p0 =	slt.u32 s25, $0x78  }
0x69: {  	[tilespmem:s5+$0x0] =	vst.add.f32.msk $0xffff, v0  }
.Ltmp3:
0x6a: {  	[tilespmem:s5+$0xFFFFFF80] =	vst.add.f32.msk $0xffff, v0;
	(pc) =	sbr.rel @p0 .LBB2_9-.Ltmp3, $4  }
0x6b: {  	[tilespmem:s5+$0xFFFFFF00] =	vst.add.f32.msk $0xffff, v0  }
0x6c: {  	[tilespmem:s5+$0xFFFFFE80] =	vst.add.f32.msk $0xffff, v0  }
0x6d: {  	[tilespmem:s5+$0xFFFFFE00] =	vst.add.f32.msk $0xffff, v0  }
0x6e: {  	[tilespmem:s5+$0xFFFFFD80] =	vst.add.f32.msk $0xffff, v0  }
0x6f: {  	[tilespmem:s5+$0xFFFFFD00] =	vst.add.f32.msk $0xffff, v0  }
0x70: {  	v0 =	vld [tilespmem:s23+$0x1C40];
	_ =	sdelay $0x3  }
0x71: {  	s5 =	simm.s32 $0x3BC0  }
0x72: {  	[tilespmem:s5+$0xFFFFFC80] =	vst.add.f32.msk $0xffff, v0  }
0x73: {  	[tilespmem:s5+$0x0] =	vst.add.f32.msk $0xffff, v0  }
0x74: {  	[tilespmem:s5+$0xFFFFFF80] =	vst.add.f32.msk $0xffff, v0  }
0x75: {  	[tilespmem:s5+$0xFFFFFF00] =	vst.add.f32.msk $0xffff, v0  }
0x76: {  	[tilespmem:s5+$0xFFFFFE80] =	vst.add.f32.msk $0xffff, v0  }
0x77: {  	[tilespmem:s5+$0xFFFFFE00] =	vst.add.f32.msk $0xffff, v0  }
0x78: {  	s25 =	simm.s32 $0x0;
	[tilespmem:s5+$0xFFFFFD80] =	vst.add.f32.msk $0xffff, v0  }
.LBB2_11:
0x79: {  	s25 =	sadd.s32 $0x8, s25;
	[tilespmem:s5+$0xFFFFFD00] =	vst.add.f32.msk $0xffff, v0;
	s5 =	sadd.s32 $0x400, s5  }
0x7a: {  	[tilespmem:s5+$0xFFFFFC80] =	vst.add.f32.msk $0xffff, v0;
	p0 =	slt.u32 s25, $0x78  }
0x7b: {  	[tilespmem:s5+$0x0] =	vst.add.f32.msk $0xffff, v0  }
.Ltmp4:
0x7c: {  	[tilespmem:s5+$0xFFFFFF80] =	vst.add.f32.msk $0xffff, v0;
	(pc) =	sbr.rel @p0 .LBB2_11-.Ltmp4, $4  }
0x7d: {  	[tilespmem:s5+$0xFFFFFF00] =	vst.add.f32.msk $0xffff, v0  }
0x7e: {  	[tilespmem:s5+$0xFFFFFE80] =	vst.add.f32.msk $0xffff, v0  }
0x7f: {  	[tilespmem:s5+$0xFFFFFE00] =	vst.add.f32.msk $0xffff, v0  }
0x80: {  	[tilespmem:s5+$0xFFFFFD80] =	vst.add.f32.msk $0xffff, v0  }
0x81: {  	[tilespmem:s5+$0xFFFFFD00] =	vst.add.f32.msk $0xffff, v0  }
0x82: {  	v0 =	vld [tilespmem:s23+$0x1C50];
	_ =	sdelay $0x3  }
0x83: {  	s5 =	simm.s32 $0x3BD0  }
0x84: {  	[tilespmem:s5+$0xFFFFFC80] =	vst.add.f32.msk $0xffff, v0  }
0x85: {  	[tilespmem:s5+$0x0] =	vst.add.f32.msk $0xffff, v0  }
0x86: {  	[tilespmem:s5+$0xFFFFFF80] =	vst.add.f32.msk $0xffff, v0  }
0x87: {  	[tilespmem:s5+$0xFFFFFF00] =	vst.add.f32.msk $0xffff, v0  }
0x88: {  	[tilespmem:s5+$0xFFFFFE80] =	vst.add.f32.msk $0xffff, v0  }
0x89: {  	[tilespmem:s5+$0xFFFFFE00] =	vst.add.f32.msk $0xffff, v0  }
0x8a: {  	s25 =	simm.s32 $0x0;
	[tilespmem:s5+$0xFFFFFD80] =	vst.add.f32.msk $0xffff, v0  }
.LBB2_13:
0x8b: {  	s25 =	sadd.s32 $0x8, s25;
	[tilespmem:s5+$0xFFFFFD00] =	vst.add.f32.msk $0xffff, v0;
	s5 =	sadd.s32 $0x400, s5  }
0x8c: {  	[tilespmem:s5+$0xFFFFFC80] =	vst.add.f32.msk $0xffff, v0;
	p0 =	slt.u32 s25, $0x78  }
0x8d: {  	[tilespmem:s5+$0x0] =	vst.add.f32.msk $0xffff, v0  }
.Ltmp5:
0x8e: {  	[tilespmem:s5+$0xFFFFFF80] =	vst.add.f32.msk $0xffff, v0;
	(pc) =	sbr.rel @p0 .LBB2_13-.Ltmp5, $4  }
0x8f: {  	[tilespmem:s5+$0xFFFFFF00] =	vst.add.f32.msk $0xffff, v0  }
0x90: {  	[tilespmem:s5+$0xFFFFFE80] =	vst.add.f32.msk $0xffff, v0  }
0x91: {  	[tilespmem:s5+$0xFFFFFE00] =	vst.add.f32.msk $0xffff, v0  }
0x92: {  	[tilespmem:s5+$0xFFFFFD80] =	vst.add.f32.msk $0xffff, v0  }
0x93: {  	[tilespmem:s5+$0xFFFFFD00] =	vst.add.f32.msk $0xffff, v0  }
0x94: {  	v0 =	vld [tilespmem:s23+$0x1C60];
	_ =	sdelay $0x3  }
0x95: {  	s5 =	simm.s32 $0x3BE0  }
0x96: {  	[tilespmem:s5+$0xFFFFFC80] =	vst.add.f32.msk $0xffff, v0  }
0x97: {  	[tilespmem:s5+$0x0] =	vst.add.f32.msk $0xffff, v0  }
0x98: {  	[tilespmem:s5+$0xFFFFFF80] =	vst.add.f32.msk $0xffff, v0  }
0x99: {  	[tilespmem:s5+$0xFFFFFF00] =	vst.add.f32.msk $0xffff, v0  }
0x9a: {  	[tilespmem:s5+$0xFFFFFE80] =	vst.add.f32.msk $0xffff, v0  }
0x9b: {  	[tilespmem:s5+$0xFFFFFE00] =	vst.add.f32.msk $0xffff, v0  }
0x9c: {  	s25 =	simm.s32 $0x0;
	[tilespmem:s5+$0xFFFFFD80] =	vst.add.f32.msk $0xffff, v0  }
.LBB2_15:
0x9d: {  	s25 =	sadd.s32 $0x8, s25;
	[tilespmem:s5+$0xFFFFFD00] =	vst.add.f32.msk $0xffff, v0;
	s5 =	sadd.s32 $0x400, s5  }
0x9e: {  	[tilespmem:s5+$0xFFFFFC80] =	vst.add.f32.msk $0xffff, v0;
	p0 =	slt.u32 s25, $0x78  }
0x9f: {  	[tilespmem:s5+$0x0] =	vst.add.f32.msk $0xffff, v0  }
.Ltmp6:
0xa0: {  	[tilespmem:s5+$0xFFFFFF80] =	vst.add.f32.msk $0xffff, v0;
	(pc) =	sbr.rel @p0 .LBB2_15-.Ltmp6, $4  }
0xa1: {  	[tilespmem:s5+$0xFFFFFF00] =	vst.add.f32.msk $0xffff, v0  }
0xa2: {  	[tilespmem:s5+$0xFFFFFE80] =	vst.add.f32.msk $0xffff, v0  }
0xa3: {  	[tilespmem:s5+$0xFFFFFE00] =	vst.add.f32.msk $0xffff, v0  }
0xa4: {  	[tilespmem:s5+$0xFFFFFD80] =	vst.add.f32.msk $0xffff, v0  }
0xa5: {  	[tilespmem:s5+$0xFFFFFD00] =	vst.add.f32.msk $0xffff, v0  }
0xa6: {  	v0 =	vld [tilespmem:s23+$0x1C70];
	_ =	sdelay $0x3  }
0xa7: {  	s5 =	simm.s32 $0x3BF0  }
0xa8: {  	[tilespmem:s5+$0xFFFFFC80] =	vst.add.f32.msk $0xffff, v0  }
0xa9: {  	[tilespmem:s5+$0x0] =	vst.add.f32.msk $0xffff, v0  }
0xaa: {  	[tilespmem:s5+$0xFFFFFF80] =	vst.add.f32.msk $0xffff, v0  }
0xab: {  	[tilespmem:s5+$0xFFFFFF00] =	vst.add.f32.msk $0xffff, v0  }
0xac: {  	[tilespmem:s5+$0xFFFFFE80] =	vst.add.f32.msk $0xffff, v0  }
0xad: {  	[tilespmem:s5+$0xFFFFFE00] =	vst.add.f32.msk $0xffff, v0  }
0xae: {  	s25 =	simm.s32 $0x0;
	[tilespmem:s5+$0xFFFFFD80] =	vst.add.f32.msk $0xffff, v0  }
.LBB2_17:
0xaf: {  	s25 =	sadd.s32 $0x8, s25;
	[tilespmem:s5+$0xFFFFFD00] =	vst.add.f32.msk $0xffff, v0;
	s5 =	sadd.s32 $0x400, s5  }
0xb0: {  	[tilespmem:s5+$0xFFFFFC80] =	vst.add.f32.msk $0xffff, v0;
	p0 =	slt.u32 s25, $0x78  }
0xb1: {  	[tilespmem:s5+$0x0] =	vst.add.f32.msk $0xffff, v0  }
.Ltmp7:
0xb2: {  	[tilespmem:s5+$0xFFFFFF80] =	vst.add.f32.msk $0xffff, v0;
	(pc) =	sbr.rel @p0 .LBB2_17-.Ltmp7, $4  }
0xb3: {  	[tilespmem:s5+$0xFFFFFF00] =	vst.add.f32.msk $0xffff, v0  }
0xb4: {  	[tilespmem:s5+$0xFFFFFE80] =	vst.add.f32.msk $0xffff, v0  }
0xb5: {  	[tilespmem:s5+$0xFFFFFE00] =	vst.add.f32.msk $0xffff, v0  }
0xb6: {  	[tilespmem:s5+$0xFFFFFD80] =	vst.add.f32.msk $0xffff, v0  }
0xb7: {  	s25 =	sshll.u32 s19, $0x15  }
0xb8: {  	s7 =	sadd.s32 s8, s25  }
0xb9: {  	s7 =	sshrl.u32 s7, $0x3  }
0xba: {  	[tilespmem:s5+$0xFFFFFD00] =	vst.add.f32.msk $0xffff, v0;
	s7 =	sadd.s32 s3, s7  }
0xbb: {  	[hbm4b:s7+s4] =	stream.linear.scatter [tilespmem:s21], [sflag:$0x5], $0x4000, $0x38;
	[tilespmem:$0x13800] =	vst v63  }
0xbc: {  	_ =	swait.ge [sflag:s29], $0x4000  }
0xbd: {  	[sflag:s29] =	ssyncset.done $0x0  }
0xbe: {  	[sflag:s29] =	ssyncadd.s32 $0xFFFFC000  }
0xbf: {  	v0 =	vld [tilespmem:s23+$0x1C80];
	_ =	sdelay $0x3  }
0xc0: {  	s5 =	simm.s32 $0x7B80  }
0xc1: {  	[tilespmem:s5+$0xFFFFFC80] =	vst.add.f32.msk $0xffff, v0  }
0xc2: {  	[tilespmem:s5+$0x0] =	vst.add.f32.msk $0xffff, v0  }
0xc3: {  	[tilespmem:s5+$0xFFFFFF80] =	vst.add.f32.msk $0xffff, v0  }
0xc4: {  	[tilespmem:s5+$0xFFFFFF00] =	vst.add.f32.msk $0xffff, v0  }
0xc5: {  	[tilespmem:s5+$0xFFFFFE80] =	vst.add.f32.msk $0xffff, v0  }
0xc6: {  	[tilespmem:s5+$0xFFFFFE00] =	vst.add.f32.msk $0xffff, v0  }
0xc7: {  	s7 =	simm.s32 $0x0;
	[tilespmem:s5+$0xFFFFFD80] =	vst.add.f32.msk $0xffff, v0  }
.LBB2_19:
0xc8: {  	s7 =	sadd.s32 $0x8, s7;
	[tilespmem:s5+$0xFFFFFD00] =	vst.add.f32.msk $0xffff, v0;
	s5 =	sadd.s32 $0x400, s5  }
0xc9: {  	[tilespmem:s5+$0xFFFFFC80] =	vst.add.f32.msk $0xffff, v0;
	p0 =	slt.u32 s7, $0x78  }
0xca: {  	[tilespmem:s5+$0x0] =	vst.add.f32.msk $0xffff, v0  }
.Ltmp8:
0xcb: {  	[tilespmem:s5+$0xFFFFFF80] =	vst.add.f32.msk $0xffff, v0;
	(pc) =	sbr.rel @p0 .LBB2_19-.Ltmp8, $4  }
0xcc: {  	[tilespmem:s5+$0xFFFFFF00] =	vst.add.f32.msk $0xffff, v0  }
0xcd: {  	[tilespmem:s5+$0xFFFFFE80] =	vst.add.f32.msk $0xffff, v0  }
0xce: {  	[tilespmem:s5+$0xFFFFFE00] =	vst.add.f32.msk $0xffff, v0  }
0xcf: {  	[tilespmem:s5+$0xFFFFFD80] =	vst.add.f32.msk $0xffff, v0  }
0xd0: {  	[tilespmem:s5+$0xFFFFFD00] =	vst.add.f32.msk $0xffff, v0  }
0xd1: {  	v0 =	vld [tilespmem:s23+$0x1C90];
	_ =	sdelay $0x3  }
0xd2: {  	s5 =	simm.s32 $0x7B90  }
0xd3: {  	[tilespmem:s5+$0xFFFFFC80] =	vst.add.f32.msk $0xffff, v0  }
0xd4: {  	[tilespmem:s5+$0x0] =	vst.add.f32.msk $0xffff, v0  }
0xd5: {  	[tilespmem:s5+$0xFFFFFF80] =	vst.add.f32.msk $0xffff, v0  }
0xd6: {  	[tilespmem:s5+$0xFFFFFF00] =	vst.add.f32.msk $0xffff, v0  }
0xd7: {  	[tilespmem:s5+$0xFFFFFE80] =	vst.add.f32.msk $0xffff, v0  }
0xd8: {  	[tilespmem:s5+$0xFFFFFE00] =	vst.add.f32.msk $0xffff, v0  }
0xd9: {  	s7 =	simm.s32 $0x0;
	[tilespmem:s5+$0xFFFFFD80] =	vst.add.f32.msk $0xffff, v0  }
.LBB2_21:
0xda: {  	s7 =	sadd.s32 $0x8, s7;
	[tilespmem:s5+$0xFFFFFD00] =	vst.add.f32.msk $0xffff, v0;
	s5 =	sadd.s32 $0x400, s5  }
0xdb: {  	[tilespmem:s5+$0xFFFFFC80] =	vst.add.f32.msk $0xffff, v0;
	p0 =	slt.u32 s7, $0x78  }
0xdc: {  	[tilespmem:s5+$0x0] =	vst.add.f32.msk $0xffff, v0  }
.Ltmp9:
0xdd: {  	[tilespmem:s5+$0xFFFFFF80] =	vst.add.f32.msk $0xffff, v0;
	(pc) =	sbr.rel @p0 .LBB2_21-.Ltmp9, $4  }
0xde: {  	[tilespmem:s5+$0xFFFFFF00] =	vst.add.f32.msk $0xffff, v0  }
0xdf: {  	[tilespmem:s5+$0xFFFFFE80] =	vst.add.f32.msk $0xffff, v0  }
0xe0: {  	[tilespmem:s5+$0xFFFFFE00] =	vst.add.f32.msk $0xffff, v0  }
0xe1: {  	[tilespmem:s5+$0xFFFFFD80] =	vst.add.f32.msk $0xffff, v0  }
0xe2: {  	[tilespmem:s5+$0xFFFFFD00] =	vst.add.f32.msk $0xffff, v0  }
0xe3: {  	v0 =	vld [tilespmem:s23+$0x1CA0];
	_ =	sdelay $0x3  }
0xe4: {  	s5 =	simm.s32 $0x7BA0  }
0xe5: {  	[tilespmem:s5+$0xFFFFFC80] =	vst.add.f32.msk $0xffff, v0  }
0xe6: {  	[tilespmem:s5+$0x0] =	vst.add.f32.msk $0xffff, v0  }
0xe7: {  	[tilespmem:s5+$0xFFFFFF80] =	vst.add.f32.msk $0xffff, v0  }
0xe8: {  	[tilespmem:s5+$0xFFFFFF00] =	vst.add.f32.msk $0xffff, v0  }
0xe9: {  	[tilespmem:s5+$0xFFFFFE80] =	vst.add.f32.msk $0xffff, v0  }
0xea: {  	[tilespmem:s5+$0xFFFFFE00] =	vst.add.f32.msk $0xffff, v0  }
0xeb: {  	s7 =	simm.s32 $0x0;
	[tilespmem:s5+$0xFFFFFD80] =	vst.add.f32.msk $0xffff, v0  }
.LBB2_23:
0xec: {  	s7 =	sadd.s32 $0x8, s7;
	[tilespmem:s5+$0xFFFFFD00] =	vst.add.f32.msk $0xffff, v0;
	s5 =	sadd.s32 $0x400, s5  }
0xed: {  	[tilespmem:s5+$0xFFFFFC80] =	vst.add.f32.msk $0xffff, v0;
	p0 =	slt.u32 s7, $0x78  }
0xee: {  	[tilespmem:s5+$0x0] =	vst.add.f32.msk $0xffff, v0  }
.Ltmp10:
0xef: {  	[tilespmem:s5+$0xFFFFFF80] =	vst.add.f32.msk $0xffff, v0;
	(pc) =	sbr.rel @p0 .LBB2_23-.Ltmp10, $4  }
0xf0: {  	[tilespmem:s5+$0xFFFFFF00] =	vst.add.f32.msk $0xffff, v0  }
0xf1: {  	[tilespmem:s5+$0xFFFFFE80] =	vst.add.f32.msk $0xffff, v0  }
0xf2: {  	[tilespmem:s5+$0xFFFFFE00] =	vst.add.f32.msk $0xffff, v0  }
0xf3: {  	[tilespmem:s5+$0xFFFFFD80] =	vst.add.f32.msk $0xffff, v0  }
0xf4: {  	[tilespmem:s5+$0xFFFFFD00] =	vst.add.f32.msk $0xffff, v0  }
0xf5: {  	v0 =	vld [tilespmem:s23+$0x1CB0];
	_ =	sdelay $0x3  }
0xf6: {  	s5 =	simm.s32 $0x7BB0  }
0xf7: {  	[tilespmem:s5+$0xFFFFFC80] =	vst.add.f32.msk $0xffff, v0  }
0xf8: {  	[tilespmem:s5+$0x0] =	vst.add.f32.msk $0xffff, v0  }
0xf9: {  	[tilespmem:s5+$0xFFFFFF80] =	vst.add.f32.msk $0xffff, v0  }
0xfa: {  	[tilespmem:s5+$0xFFFFFF00] =	vst.add.f32.msk $0xffff, v0  }
0xfb: {  	[tilespmem:s5+$0xFFFFFE80] =	vst.add.f32.msk $0xffff, v0  }
0xfc: {  	[tilespmem:s5+$0xFFFFFE00] =	vst.add.f32.msk $0xffff, v0  }
0xfd: {  	s7 =	simm.s32 $0x0;
	[tilespmem:s5+$0xFFFFFD80] =	vst.add.f32.msk $0xffff, v0  }
.LBB2_25:
0xfe: {  	s7 =	sadd.s32 $0x8, s7;
	[tilespmem:s5+$0xFFFFFD00] =	vst.add.f32.msk $0xffff, v0;
	s5 =	sadd.s32 $0x400, s5  }
0xff: {  	[tilespmem:s5+$0xFFFFFC80] =	vst.add.f32.msk $0xffff, v0;
	p0 =	slt.u32 s7, $0x78  }
0x100: {  	[tilespmem:s5+$0x0] =	vst.add.f32.msk $0xffff, v0  }
.Ltmp11:
0x101: {  	[tilespmem:s5+$0xFFFFFF80] =	vst.add.f32.msk $0xffff, v0;
	(pc) =	sbr.rel @p0 .LBB2_25-.Ltmp11, $4  }
0x102: {  	[tilespmem:s5+$0xFFFFFF00] =	vst.add.f32.msk $0xffff, v0  }
0x103: {  	[tilespmem:s5+$0xFFFFFE80] =	vst.add.f32.msk $0xffff, v0  }
0x104: {  	[tilespmem:s5+$0xFFFFFE00] =	vst.add.f32.msk $0xffff, v0  }
0x105: {  	[tilespmem:s5+$0xFFFFFD80] =	vst.add.f32.msk $0xffff, v0  }
0x106: {  	[tilespmem:s5+$0xFFFFFD00] =	vst.add.f32.msk $0xffff, v0  }
0x107: {  	v0 =	vld [tilespmem:s23+$0x1CC0];
	_ =	sdelay $0x3  }
0x108: {  	s5 =	simm.s32 $0x7BC0  }
0x109: {  	[tilespmem:s5+$0xFFFFFC80] =	vst.add.f32.msk $0xffff, v0  }
0x10a: {  	[tilespmem:s5+$0x0] =	vst.add.f32.msk $0xffff, v0  }
0x10b: {  	[tilespmem:s5+$0xFFFFFF80] =	vst.add.f32.msk $0xffff, v0  }
0x10c: {  	[tilespmem:s5+$0xFFFFFF00] =	vst.add.f32.msk $0xffff, v0  }
0x10d: {  	[tilespmem:s5+$0xFFFFFE80] =	vst.add.f32.msk $0xffff, v0  }
0x10e: {  	[tilespmem:s5+$0xFFFFFE00] =	vst.add.f32.msk $0xffff, v0  }
0x10f: {  	s7 =	simm.s32 $0x0;
	[tilespmem:s5+$0xFFFFFD80] =	vst.add.f32.msk $0xffff, v0  }
.LBB2_27:
0x110: {  	s7 =	sadd.s32 $0x8, s7;
	[tilespmem:s5+$0xFFFFFD00] =	vst.add.f32.msk $0xffff, v0;
	s5 =	sadd.s32 $0x400, s5  }
0x111: {  	[tilespmem:s5+$0xFFFFFC80] =	vst.add.f32.msk $0xffff, v0;
	p0 =	slt.u32 s7, $0x78  }
0x112: {  	[tilespmem:s5+$0x0] =	vst.add.f32.msk $0xffff, v0  }
.Ltmp12:
0x113: {  	[tilespmem:s5+$0xFFFFFF80] =	vst.add.f32.msk $0xffff, v0;
	(pc) =	sbr.rel @p0 .LBB2_27-.Ltmp12, $4  }
0x114: {  	[tilespmem:s5+$0xFFFFFF00] =	vst.add.f32.msk $0xffff, v0  }
0x115: {  	[tilespmem:s5+$0xFFFFFE80] =	vst.add.f32.msk $0xffff, v0  }
0x116: {  	[tilespmem:s5+$0xFFFFFE00] =	vst.add.f32.msk $0xffff, v0  }
0x117: {  	[tilespmem:s5+$0xFFFFFD80] =	vst.add.f32.msk $0xffff, v0  }
0x118: {  	[tilespmem:s5+$0xFFFFFD00] =	vst.add.f32.msk $0xffff, v0  }
0x119: {  	v0 =	vld [tilespmem:s23+$0x1CD0];
	_ =	sdelay $0x3  }
0x11a: {  	s5 =	simm.s32 $0x7BD0  }
0x11b: {  	[tilespmem:s5+$0xFFFFFC80] =	vst.add.f32.msk $0xffff, v0  }
0x11c: {  	[tilespmem:s5+$0x0] =	vst.add.f32.msk $0xffff, v0  }
0x11d: {  	[tilespmem:s5+$0xFFFFFF80] =	vst.add.f32.msk $0xffff, v0  }
0x11e: {  	[tilespmem:s5+$0xFFFFFF00] =	vst.add.f32.msk $0xffff, v0  }
0x11f: {  	[tilespmem:s5+$0xFFFFFE80] =	vst.add.f32.msk $0xffff, v0  }
0x120: {  	[tilespmem:s5+$0xFFFFFE00] =	vst.add.f32.msk $0xffff, v0  }
0x121: {  	s7 =	simm.s32 $0x0;
	[tilespmem:s5+$0xFFFFFD80] =	vst.add.f32.msk $0xffff, v0  }
.LBB2_29:
0x122: {  	s7 =	sadd.s32 $0x8, s7;
	[tilespmem:s5+$0xFFFFFD00] =	vst.add.f32.msk $0xffff, v0;
	s5 =	sadd.s32 $0x400, s5  }
0x123: {  	[tilespmem:s5+$0xFFFFFC80] =	vst.add.f32.msk $0xffff, v0;
	p0 =	slt.u32 s7, $0x78  }
0x124: {  	[tilespmem:s5+$0x0] =	vst.add.f32.msk $0xffff, v0  }
.Ltmp13:
0x125: {  	[tilespmem:s5+$0xFFFFFF80] =	vst.add.f32.msk $0xffff, v0;
	(pc) =	sbr.rel @p0 .LBB2_29-.Ltmp13, $4  }
0x126: {  	[tilespmem:s5+$0xFFFFFF00] =	vst.add.f32.msk $0xffff, v0  }
0x127: {  	[tilespmem:s5+$0xFFFFFE80] =	vst.add.f32.msk $0xffff, v0  }
0x128: {  	[tilespmem:s5+$0xFFFFFE00] =	vst.add.f32.msk $0xffff, v0  }
0x129: {  	[tilespmem:s5+$0xFFFFFD80] =	vst.add.f32.msk $0xffff, v0  }
0x12a: {  	[tilespmem:s5+$0xFFFFFD00] =	vst.add.f32.msk $0xffff, v0  }
0x12b: {  	v0 =	vld [tilespmem:s23+$0x1CE0];
	_ =	sdelay $0x3  }
0x12c: {  	s5 =	simm.s32 $0x7BE0  }
0x12d: {  	[tilespmem:s5+$0xFFFFFC80] =	vst.add.f32.msk $0xffff, v0  }
0x12e: {  	[tilespmem:s5+$0x0] =	vst.add.f32.msk $0xffff, v0  }
0x12f: {  	[tilespmem:s5+$0xFFFFFF80] =	vst.add.f32.msk $0xffff, v0  }
0x130: {  	[tilespmem:s5+$0xFFFFFF00] =	vst.add.f32.msk $0xffff, v0  }
0x131: {  	[tilespmem:s5+$0xFFFFFE80] =	vst.add.f32.msk $0xffff, v0  }
0x132: {  	[tilespmem:s5+$0xFFFFFE00] =	vst.add.f32.msk $0xffff, v0  }
0x133: {  	s7 =	simm.s32 $0x0;
	[tilespmem:s5+$0xFFFFFD80] =	vst.add.f32.msk $0xffff, v0  }
.LBB2_31:
0x134: {  	s7 =	sadd.s32 $0x8, s7;
	[tilespmem:s5+$0xFFFFFD00] =	vst.add.f32.msk $0xffff, v0;
	s5 =	sadd.s32 $0x400, s5  }
0x135: {  	[tilespmem:s5+$0xFFFFFC80] =	vst.add.f32.msk $0xffff, v0;
	p0 =	slt.u32 s7, $0x78  }
0x136: {  	[tilespmem:s5+$0x0] =	vst.add.f32.msk $0xffff, v0  }
.Ltmp14:
0x137: {  	[tilespmem:s5+$0xFFFFFF80] =	vst.add.f32.msk $0xffff, v0;
	(pc) =	sbr.rel @p0 .LBB2_31-.Ltmp14, $4  }
0x138: {  	[tilespmem:s5+$0xFFFFFF00] =	vst.add.f32.msk $0xffff, v0  }
0x139: {  	[tilespmem:s5+$0xFFFFFE80] =	vst.add.f32.msk $0xffff, v0  }
0x13a: {  	[tilespmem:s5+$0xFFFFFE00] =	vst.add.f32.msk $0xffff, v0  }
0x13b: {  	[tilespmem:s5+$0xFFFFFD80] =	vst.add.f32.msk $0xffff, v0  }
0x13c: {  	[tilespmem:s5+$0xFFFFFD00] =	vst.add.f32.msk $0xffff, v0  }
0x13d: {  	v0 =	vld [tilespmem:s23+$0x1CF0];
	_ =	sdelay $0x3  }
0x13e: {  	s5 =	simm.s32 $0x7BF0  }
0x13f: {  	[tilespmem:s5+$0xFFFFFC80] =	vst.add.f32.msk $0xffff, v0  }
0x140: {  	[tilespmem:s5+$0x0] =	vst.add.f32.msk $0xffff, v0  }
0x141: {  	[tilespmem:s5+$0xFFFFFF80] =	vst.add.f32.msk $0xffff, v0  }
0x142: {  	[tilespmem:s5+$0xFFFFFF00] =	vst.add.f32.msk $0xffff, v0  }
0x143: {  	[tilespmem:s5+$0xFFFFFE80] =	vst.add.f32.msk $0xffff, v0  }
0x144: {  	[tilespmem:s5+$0xFFFFFE00] =	vst.add.f32.msk $0xffff, v0  }
0x145: {  	s7 =	simm.s32 $0x0;
	[tilespmem:s5+$0xFFFFFD80] =	vst.add.f32.msk $0xffff, v0  }
.LBB2_33:
0x146: {  	s7 =	sadd.s32 $0x8, s7;
	[tilespmem:s5+$0xFFFFFD00] =	vst.add.f32.msk $0xffff, v0;
	s5 =	sadd.s32 $0x400, s5  }
0x147: {  	[tilespmem:s5+$0xFFFFFC80] =	vst.add.f32.msk $0xffff, v0;
	p0 =	slt.u32 s7, $0x78  }
0x148: {  	[tilespmem:s5+$0x0] =	vst.add.f32.msk $0xffff, v0  }
.Ltmp15:
0x149: {  	[tilespmem:s5+$0xFFFFFF80] =	vst.add.f32.msk $0xffff, v0;
	(pc) =	sbr.rel @p0 .LBB2_33-.Ltmp15, $4  }
0x14a: {  	[tilespmem:s5+$0xFFFFFF00] =	vst.add.f32.msk $0xffff, v0  }
0x14b: {  	[tilespmem:s5+$0xFFFFFE80] =	vst.add.f32.msk $0xffff, v0  }
0x14c: {  	[tilespmem:s5+$0xFFFFFE00] =	vst.add.f32.msk $0xffff, v0  }
0x14d: {  	[tilespmem:s5+$0xFFFFFD80] =	vst.add.f32.msk $0xffff, v0  }
0x14e: {  	s7 =	sadd.s32 s9, s25  }
0x14f: {  	s7 =	sshrl.u32 s7, $0x3  }
0x150: {  	[tilespmem:s5+$0xFFFFFD00] =	vst.add.f32.msk $0xffff, v0;
	s7 =	sadd.s32 s3, s7  }
0x151: {  	[hbm4b:s7+s4] =	stream.linear.scatter [tilespmem:s22], [sflag:$0x6], $0x4000, $0x38;
	[tilespmem:$0x13800] =	vst v63  }
0x152: {  	_ =	swait.ge [sflag:s30], $0x4000  }
0x153: {  	[sflag:s30] =	ssyncset.done $0x0  }
0x154: {  	[sflag:s30] =	ssyncadd.s32 $0xFFFFC000  }
0x155: {  	v0 =	vld [tilespmem:s23+$0x1D00];
	_ =	sdelay $0x3  }
0x156: {  	s5 =	simm.s32 $0xBB80  }
0x157: {  	[tilespmem:s5+$0xFFFFFC80] =	vst.add.f32.msk $0xffff, v0  }
0x158: {  	[tilespmem:s5+$0x0] =	vst.add.f32.msk $0xffff, v0  }
0x159: {  	[tilespmem:s5+$0xFFFFFF80] =	vst.add.f32.msk $0xffff, v0  }
0x15a: {  	[tilespmem:s5+$0xFFFFFF00] =	vst.add.f32.msk $0xffff, v0  }
0x15b: {  	[tilespmem:s5+$0xFFFFFE80] =	vst.add.f32.msk $0xffff, v0  }
0x15c: {  	[tilespmem:s5+$0xFFFFFE00] =	vst.add.f32.msk $0xffff, v0  }
0x15d: {  	s7 =	simm.s32 $0x0;
	[tilespmem:s5+$0xFFFFFD80] =	vst.add.f32.msk $0xffff, v0  }
.LBB2_35:
0x15e: {  	s7 =	sadd.s32 $0x8, s7;
	[tilespmem:s5+$0xFFFFFD00] =	vst.add.f32.msk $0xffff, v0;
	s5 =	sadd.s32 $0x400, s5  }
0x15f: {  	[tilespmem:s5+$0xFFFFFC80] =	vst.add.f32.msk $0xffff, v0;
	p0 =	slt.u32 s7, $0x78  }
0x160: {  	[tilespmem:s5+$0x0] =	vst.add.f32.msk $0xffff, v0  }
.Ltmp16:
0x161: {  	[tilespmem:s5+$0xFFFFFF80] =	vst.add.f32.msk $0xffff, v0;
	(pc) =	sbr.rel @p0 .LBB2_35-.Ltmp16, $4  }
0x162: {  	[tilespmem:s5+$0xFFFFFF00] =	vst.add.f32.msk $0xffff, v0  }
0x163: {  	[tilespmem:s5+$0xFFFFFE80] =	vst.add.f32.msk $0xffff, v0  }
0x164: {  	[tilespmem:s5+$0xFFFFFE00] =	vst.add.f32.msk $0xffff, v0  }
0x165: {  	[tilespmem:s5+$0xFFFFFD80] =	vst.add.f32.msk $0xffff, v0  }
0x166: {  	[tilespmem:s5+$0xFFFFFD00] =	vst.add.f32.msk $0xffff, v0  }
0x167: {  	v0 =	vld [tilespmem:s23+$0x1D10];
	_ =	sdelay $0x3  }
0x168: {  	s5 =	simm.s32 $0xBB90  }
0x169: {  	[tilespmem:s5+$0xFFFFFC80] =	vst.add.f32.msk $0xffff, v0  }
0x16a: {  	[tilespmem:s5+$0x0] =	vst.add.f32.msk $0xffff, v0  }
0x16b: {  	[tilespmem:s5+$0xFFFFFF80] =	vst.add.f32.msk $0xffff, v0  }
0x16c: {  	[tilespmem:s5+$0xFFFFFF00] =	vst.add.f32.msk $0xffff, v0  }
0x16d: {  	[tilespmem:s5+$0xFFFFFE80] =	vst.add.f32.msk $0xffff, v0  }
0x16e: {  	[tilespmem:s5+$0xFFFFFE00] =	vst.add.f32.msk $0xffff, v0  }
0x16f: {  	s7 =	simm.s32 $0x0;
	[tilespmem:s5+$0xFFFFFD80] =	vst.add.f32.msk $0xffff, v0  }
.LBB2_37:
0x170: {  	s7 =	sadd.s32 $0x8, s7;
	[tilespmem:s5+$0xFFFFFD00] =	vst.add.f32.msk $0xffff, v0;
	s5 =	sadd.s32 $0x400, s5  }
0x171: {  	[tilespmem:s5+$0xFFFFFC80] =	vst.add.f32.msk $0xffff, v0;
	p0 =	slt.u32 s7, $0x78  }
0x172: {  	[tilespmem:s5+$0x0] =	vst.add.f32.msk $0xffff, v0  }
.Ltmp17:
0x173: {  	[tilespmem:s5+$0xFFFFFF80] =	vst.add.f32.msk $0xffff, v0;
	(pc) =	sbr.rel @p0 .LBB2_37-.Ltmp17, $4  }
0x174: {  	[tilespmem:s5+$0xFFFFFF00] =	vst.add.f32.msk $0xffff, v0  }
0x175: {  	[tilespmem:s5+$0xFFFFFE80] =	vst.add.f32.msk $0xffff, v0  }
0x176: {  	[tilespmem:s5+$0xFFFFFE00] =	vst.add.f32.msk $0xffff, v0  }
0x177: {  	[tilespmem:s5+$0xFFFFFD80] =	vst.add.f32.msk $0xffff, v0  }
0x178: {  	[tilespmem:s5+$0xFFFFFD00] =	vst.add.f32.msk $0xffff, v0  }
0x179: {  	v0 =	vld [tilespmem:s23+$0x1D20];
	_ =	sdelay $0x3  }
0x17a: {  	s5 =	simm.s32 $0xBBA0  }
0x17b: {  	[tilespmem:s5+$0xFFFFFC80] =	vst.add.f32.msk $0xffff, v0  }
0x17c: {  	[tilespmem:s5+$0x0] =	vst.add.f32.msk $0xffff, v0  }
0x17d: {  	[tilespmem:s5+$0xFFFFFF80] =	vst.add.f32.msk $0xffff, v0  }
0x17e: {  	[tilespmem:s5+$0xFFFFFF00] =	vst.add.f32.msk $0xffff, v0  }
0x17f: {  	[tilespmem:s5+$0xFFFFFE80] =	vst.add.f32.msk $0xffff, v0  }
0x180: {  	[tilespmem:s5+$0xFFFFFE00] =	vst.add.f32.msk $0xffff, v0  }
0x181: {  	s7 =	simm.s32 $0x0;
	[tilespmem:s5+$0xFFFFFD80] =	vst.add.f32.msk $0xffff, v0  }
.LBB2_39:
0x182: {  	s7 =	sadd.s32 $0x8, s7;
	[tilespmem:s5+$0xFFFFFD00] =	vst.add.f32.msk $0xffff, v0;
	s5 =	sadd.s32 $0x400, s5  }
0x183: {  	[tilespmem:s5+$0xFFFFFC80] =	vst.add.f32.msk $0xffff, v0;
	p0 =	slt.u32 s7, $0x78  }
0x184: {  	[tilespmem:s5+$0x0] =	vst.add.f32.msk $0xffff, v0  }
.Ltmp18:
0x185: {  	[tilespmem:s5+$0xFFFFFF80] =	vst.add.f32.msk $0xffff, v0;
	(pc) =	sbr.rel @p0 .LBB2_39-.Ltmp18, $4  }
0x186: {  	[tilespmem:s5+$0xFFFFFF00] =	vst.add.f32.msk $0xffff, v0  }
0x187: {  	[tilespmem:s5+$0xFFFFFE80] =	vst.add.f32.msk $0xffff, v0  }
0x188: {  	[tilespmem:s5+$0xFFFFFE00] =	vst.add.f32.msk $0xffff, v0  }
0x189: {  	[tilespmem:s5+$0xFFFFFD80] =	vst.add.f32.msk $0xffff, v0  }
0x18a: {  	[tilespmem:s5+$0xFFFFFD00] =	vst.add.f32.msk $0xffff, v0  }
0x18b: {  	v0 =	vld [tilespmem:s23+$0x1D30];
	_ =	sdelay $0x3  }
0x18c: {  	s5 =	simm.s32 $0xBBB0  }
0x18d: {  	[tilespmem:s5+$0xFFFFFC80] =	vst.add.f32.msk $0xffff, v0  }
0x18e: {  	[tilespmem:s5+$0x0] =	vst.add.f32.msk $0xffff, v0  }
0x18f: {  	[tilespmem:s5+$0xFFFFFF80] =	vst.add.f32.msk $0xffff, v0  }
0x190: {  	[tilespmem:s5+$0xFFFFFF00] =	vst.add.f32.msk $0xffff, v0  }
0x191: {  	[tilespmem:s5+$0xFFFFFE80] =	vst.add.f32.msk $0xffff, v0  }
0x192: {  	[tilespmem:s5+$0xFFFFFE00] =	vst.add.f32.msk $0xffff, v0  }
0x193: {  	s7 =	simm.s32 $0x0;
	[tilespmem:s5+$0xFFFFFD80] =	vst.add.f32.msk $0xffff, v0  }
.LBB2_41:
0x194: {  	s7 =	sadd.s32 $0x8, s7;
	[tilespmem:s5+$0xFFFFFD00] =	vst.add.f32.msk $0xffff, v0;
	s5 =	sadd.s32 $0x400, s5  }
0x195: {  	[tilespmem:s5+$0xFFFFFC80] =	vst.add.f32.msk $0xffff, v0;
	p0 =	slt.u32 s7, $0x78  }
0x196: {  	[tilespmem:s5+$0x0] =	vst.add.f32.msk $0xffff, v0  }
.Ltmp19:
0x197: {  	[tilespmem:s5+$0xFFFFFF80] =	vst.add.f32.msk $0xffff, v0;
	(pc) =	sbr.rel @p0 .LBB2_41-.Ltmp19, $4  }
0x198: {  	[tilespmem:s5+$0xFFFFFF00] =	vst.add.f32.msk $0xffff, v0  }
0x199: {  	[tilespmem:s5+$0xFFFFFE80] =	vst.add.f32.msk $0xffff, v0  }
0x19a: {  	[tilespmem:s5+$0xFFFFFE00] =	vst.add.f32.msk $0xffff, v0  }
0x19b: {  	[tilespmem:s5+$0xFFFFFD80] =	vst.add.f32.msk $0xffff, v0  }
0x19c: {  	[tilespmem:s5+$0xFFFFFD00] =	vst.add.f32.msk $0xffff, v0  }
0x19d: {  	v0 =	vld [tilespmem:s23+$0x1D40];
	_ =	sdelay $0x3  }
0x19e: {  	s5 =	simm.s32 $0xBBC0  }
0x19f: {  	[tilespmem:s5+$0xFFFFFC80] =	vst.add.f32.msk $0xffff, v0  }
0x1a0: {  	[tilespmem:s5+$0x0] =	vst.add.f32.msk $0xffff, v0  }
0x1a1: {  	[tilespmem:s5+$0xFFFFFF80] =	vst.add.f32.msk $0xffff, v0  }
0x1a2: {  	[tilespmem:s5+$0xFFFFFF00] =	vst.add.f32.msk $0xffff, v0  }
0x1a3: {  	[tilespmem:s5+$0xFFFFFE80] =	vst.add.f32.msk $0xffff, v0  }
0x1a4: {  	[tilespmem:s5+$0xFFFFFE00] =	vst.add.f32.msk $0xffff, v0  }
0x1a5: {  	s7 =	simm.s32 $0x0;
	[tilespmem:s5+$0xFFFFFD80] =	vst.add.f32.msk $0xffff, v0  }
.LBB2_43:
0x1a6: {  	s7 =	sadd.s32 $0x8, s7;
	[tilespmem:s5+$0xFFFFFD00] =	vst.add.f32.msk $0xffff, v0;
	s5 =	sadd.s32 $0x400, s5  }
0x1a7: {  	[tilespmem:s5+$0xFFFFFC80] =	vst.add.f32.msk $0xffff, v0;
	p0 =	slt.u32 s7, $0x78  }
0x1a8: {  	[tilespmem:s5+$0x0] =	vst.add.f32.msk $0xffff, v0  }
.Ltmp20:
0x1a9: {  	[tilespmem:s5+$0xFFFFFF80] =	vst.add.f32.msk $0xffff, v0;
	(pc) =	sbr.rel @p0 .LBB2_43-.Ltmp20, $4  }
0x1aa: {  	[tilespmem:s5+$0xFFFFFF00] =	vst.add.f32.msk $0xffff, v0  }
0x1ab: {  	[tilespmem:s5+$0xFFFFFE80] =	vst.add.f32.msk $0xffff, v0  }
0x1ac: {  	[tilespmem:s5+$0xFFFFFE00] =	vst.add.f32.msk $0xffff, v0  }
0x1ad: {  	[tilespmem:s5+$0xFFFFFD80] =	vst.add.f32.msk $0xffff, v0  }
0x1ae: {  	[tilespmem:s5+$0xFFFFFD00] =	vst.add.f32.msk $0xffff, v0  }
0x1af: {  	v0 =	vld [tilespmem:s23+$0x1D50];
	_ =	sdelay $0x3  }
0x1b0: {  	s5 =	simm.s32 $0xBBD0  }
0x1b1: {  	[tilespmem:s5+$0xFFFFFC80] =	vst.add.f32.msk $0xffff, v0  }
0x1b2: {  	[tilespmem:s5+$0x0] =	vst.add.f32.msk $0xffff, v0  }
0x1b3: {  	[tilespmem:s5+$0xFFFFFF80] =	vst.add.f32.msk $0xffff, v0  }
0x1b4: {  	[tilespmem:s5+$0xFFFFFF00] =	vst.add.f32.msk $0xffff, v0  }
0x1b5: {  	[tilespmem:s5+$0xFFFFFE80] =	vst.add.f32.msk $0xffff, v0  }
0x1b6: {  	[tilespmem:s5+$0xFFFFFE00] =	vst.add.f32.msk $0xffff, v0  }
0x1b7: {  	s7 =	simm.s32 $0x0;
	[tilespmem:s5+$0xFFFFFD80] =	vst.add.f32.msk $0xffff, v0  }
.LBB2_45:
0x1b8: {  	s7 =	sadd.s32 $0x8, s7;
	[tilespmem:s5+$0xFFFFFD00] =	vst.add.f32.msk $0xffff, v0;
	s5 =	sadd.s32 $0x400, s5  }
0x1b9: {  	[tilespmem:s5+$0xFFFFFC80] =	vst.add.f32.msk $0xffff, v0;
	p0 =	slt.u32 s7, $0x78  }
0x1ba: {  	[tilespmem:s5+$0x0] =	vst.add.f32.msk $0xffff, v0  }
.Ltmp21:
0x1bb: {  	[tilespmem:s5+$0xFFFFFF80] =	vst.add.f32.msk $0xffff, v0;
	(pc) =	sbr.rel @p0 .LBB2_45-.Ltmp21, $4  }
0x1bc: {  	[tilespmem:s5+$0xFFFFFF00] =	vst.add.f32.msk $0xffff, v0  }
0x1bd: {  	[tilespmem:s5+$0xFFFFFE80] =	vst.add.f32.msk $0xffff, v0  }
0x1be: {  	[tilespmem:s5+$0xFFFFFE00] =	vst.add.f32.msk $0xffff, v0  }
0x1bf: {  	[tilespmem:s5+$0xFFFFFD80] =	vst.add.f32.msk $0xffff, v0  }
0x1c0: {  	[tilespmem:s5+$0xFFFFFD00] =	vst.add.f32.msk $0xffff, v0  }
0x1c1: {  	v0 =	vld [tilespmem:s23+$0x1D60];
	_ =	sdelay $0x3  }
0x1c2: {  	s5 =	simm.s32 $0xBBE0  }
0x1c3: {  	[tilespmem:s5+$0xFFFFFC80] =	vst.add.f32.msk $0xffff, v0  }
0x1c4: {  	[tilespmem:s5+$0x0] =	vst.add.f32.msk $0xffff, v0  }
0x1c5: {  	[tilespmem:s5+$0xFFFFFF80] =	vst.add.f32.msk $0xffff, v0  }
0x1c6: {  	[tilespmem:s5+$0xFFFFFF00] =	vst.add.f32.msk $0xffff, v0  }
0x1c7: {  	[tilespmem:s5+$0xFFFFFE80] =	vst.add.f32.msk $0xffff, v0  }
0x1c8: {  	[tilespmem:s5+$0xFFFFFE00] =	vst.add.f32.msk $0xffff, v0  }
0x1c9: {  	s7 =	simm.s32 $0x0;
	[tilespmem:s5+$0xFFFFFD80] =	vst.add.f32.msk $0xffff, v0  }
.LBB2_47:
0x1ca: {  	s7 =	sadd.s32 $0x8, s7;
	[tilespmem:s5+$0xFFFFFD00] =	vst.add.f32.msk $0xffff, v0;
	s5 =	sadd.s32 $0x400, s5  }
0x1cb: {  	[tilespmem:s5+$0xFFFFFC80] =	vst.add.f32.msk $0xffff, v0;
	p0 =	slt.u32 s7, $0x78  }
0x1cc: {  	[tilespmem:s5+$0x0] =	vst.add.f32.msk $0xffff, v0  }
.Ltmp22:
0x1cd: {  	[tilespmem:s5+$0xFFFFFF80] =	vst.add.f32.msk $0xffff, v0;
	(pc) =	sbr.rel @p0 .LBB2_47-.Ltmp22, $4  }
0x1ce: {  	[tilespmem:s5+$0xFFFFFF00] =	vst.add.f32.msk $0xffff, v0  }
0x1cf: {  	[tilespmem:s5+$0xFFFFFE80] =	vst.add.f32.msk $0xffff, v0  }
0x1d0: {  	[tilespmem:s5+$0xFFFFFE00] =	vst.add.f32.msk $0xffff, v0  }
0x1d1: {  	[tilespmem:s5+$0xFFFFFD80] =	vst.add.f32.msk $0xffff, v0  }
0x1d2: {  	[tilespmem:s5+$0xFFFFFD00] =	vst.add.f32.msk $0xffff, v0  }
0x1d3: {  	v0 =	vld [tilespmem:s23+$0x1D70];
	_ =	sdelay $0x3  }
0x1d4: {  	s5 =	simm.s32 $0xBBF0  }
0x1d5: {  	[tilespmem:s5+$0xFFFFFC80] =	vst.add.f32.msk $0xffff, v0  }
0x1d6: {  	[tilespmem:s5+$0x0] =	vst.add.f32.msk $0xffff, v0  }
0x1d7: {  	[tilespmem:s5+$0xFFFFFF80] =	vst.add.f32.msk $0xffff, v0  }
0x1d8: {  	[tilespmem:s5+$0xFFFFFF00] =	vst.add.f32.msk $0xffff, v0  }
0x1d9: {  	[tilespmem:s5+$0xFFFFFE80] =	vst.add.f32.msk $0xffff, v0  }
0x1da: {  	[tilespmem:s5+$0xFFFFFE00] =	vst.add.f32.msk $0xffff, v0  }
0x1db: {  	s7 =	simm.s32 $0x0;
	[tilespmem:s5+$0xFFFFFD80] =	vst.add.f32.msk $0xffff, v0  }
.LBB2_49:
0x1dc: {  	s7 =	sadd.s32 $0x8, s7;
	[tilespmem:s5+$0xFFFFFD00] =	vst.add.f32.msk $0xffff, v0;
	s5 =	sadd.s32 $0x400, s5  }
0x1dd: {  	[tilespmem:s5+$0xFFFFFC80] =	vst.add.f32.msk $0xffff, v0;
	p0 =	slt.u32 s7, $0x78  }
0x1de: {  	[tilespmem:s5+$0x0] =	vst.add.f32.msk $0xffff, v0  }
.Ltmp23:
0x1df: {  	[tilespmem:s5+$0xFFFFFF80] =	vst.add.f32.msk $0xffff, v0;
	(pc) =	sbr.rel @p0 .LBB2_49-.Ltmp23, $4  }
0x1e0: {  	[tilespmem:s5+$0xFFFFFF00] =	vst.add.f32.msk $0xffff, v0  }
0x1e1: {  	[tilespmem:s5+$0xFFFFFE80] =	vst.add.f32.msk $0xffff, v0  }
0x1e2: {  	[tilespmem:s5+$0xFFFFFE00] =	vst.add.f32.msk $0xffff, v0  }
0x1e3: {  	[tilespmem:s5+$0xFFFFFD80] =	vst.add.f32.msk $0xffff, v0  }
0x1e4: {  	s7 =	sadd.s32 s10, s25  }
0x1e5: {  	s7 =	sshrl.u32 s7, $0x3  }
0x1e6: {  	[tilespmem:s5+$0xFFFFFD00] =	vst.add.f32.msk $0xffff, v0;
	s7 =	sadd.s32 s3, s7  }
0x1e7: {  	[hbm4b:s7+s4] =	stream.linear.scatter [tilespmem:s24], [sflag:$0x7], $0x4000, $0x38;
	[tilespmem:$0x13800] =	vst v63  }
0x1e8: {  	_ =	swait.ge [sflag:s31], $0x4000  }
0x1e9: {  	[sflag:s31] =	ssyncset.done $0x0  }
0x1ea: {  	[sflag:s31] =	ssyncadd.s32 $0xFFFFC000  }
0x1eb: {  	v0 =	vld [tilespmem:s23+$0x1D80];
	_ =	sdelay $0x3  }
0x1ec: {  	s5 =	simm.s32 $0xFB80  }
0x1ed: {  	[tilespmem:s5+$0xFFFFFC80] =	vst.add.f32.msk $0xffff, v0  }
0x1ee: {  	[tilespmem:s5+$0x0] =	vst.add.f32.msk $0xffff, v0  }
0x1ef: {  	[tilespmem:s5+$0xFFFFFF80] =	vst.add.f32.msk $0xffff, v0  }
0x1f0: {  	[tilespmem:s5+$0xFFFFFF00] =	vst.add.f32.msk $0xffff, v0  }
0x1f1: {  	[tilespmem:s5+$0xFFFFFE80] =	vst.add.f32.msk $0xffff, v0  }
0x1f2: {  	[tilespmem:s5+$0xFFFFFE00] =	vst.add.f32.msk $0xffff, v0  }
0x1f3: {  	s7 =	simm.s32 $0x0;
	[tilespmem:s5+$0xFFFFFD80] =	vst.add.f32.msk $0xffff, v0  }
.LBB2_51:
0x1f4: {  	s7 =	sadd.s32 $0x8, s7;
	[tilespmem:s5+$0xFFFFFD00] =	vst.add.f32.msk $0xffff, v0;
	s5 =	sadd.s32 $0x400, s5  }
0x1f5: {  	[tilespmem:s5+$0xFFFFFC80] =	vst.add.f32.msk $0xffff, v0;
	p0 =	slt.u32 s7, $0x78  }
0x1f6: {  	[tilespmem:s5+$0x0] =	vst.add.f32.msk $0xffff, v0  }
.Ltmp24:
0x1f7: {  	[tilespmem:s5+$0xFFFFFF80] =	vst.add.f32.msk $0xffff, v0;
	(pc) =	sbr.rel @p0 .LBB2_51-.Ltmp24, $4  }
0x1f8: {  	[tilespmem:s5+$0xFFFFFF00] =	vst.add.f32.msk $0xffff, v0  }
0x1f9: {  	[tilespmem:s5+$0xFFFFFE80] =	vst.add.f32.msk $0xffff, v0  }
0x1fa: {  	[tilespmem:s5+$0xFFFFFE00] =	vst.add.f32.msk $0xffff, v0  }
0x1fb: {  	[tilespmem:s5+$0xFFFFFD80] =	vst.add.f32.msk $0xffff, v0  }
0x1fc: {  	[tilespmem:s5+$0xFFFFFD00] =	vst.add.f32.msk $0xffff, v0  }
0x1fd: {  	v0 =	vld [tilespmem:s23+$0x1D90];
	_ =	sdelay $0x3  }
0x1fe: {  	s5 =	simm.s32 $0xFB90  }
0x1ff: {  	[tilespmem:s5+$0xFFFFFC80] =	vst.add.f32.msk $0xffff, v0  }
0x200: {  	[tilespmem:s5+$0x0] =	vst.add.f32.msk $0xffff, v0  }
0x201: {  	[tilespmem:s5+$0xFFFFFF80] =	vst.add.f32.msk $0xffff, v0  }
0x202: {  	[tilespmem:s5+$0xFFFFFF00] =	vst.add.f32.msk $0xffff, v0  }
0x203: {  	[tilespmem:s5+$0xFFFFFE80] =	vst.add.f32.msk $0xffff, v0  }
0x204: {  	[tilespmem:s5+$0xFFFFFE00] =	vst.add.f32.msk $0xffff, v0  }
0x205: {  	s7 =	simm.s32 $0x0;
	[tilespmem:s5+$0xFFFFFD80] =	vst.add.f32.msk $0xffff, v0  }
.LBB2_53:
0x206: {  	s7 =	sadd.s32 $0x8, s7;
	[tilespmem:s5+$0xFFFFFD00] =	vst.add.f32.msk $0xffff, v0;
	s5 =	sadd.s32 $0x400, s5  }
0x207: {  	[tilespmem:s5+$0xFFFFFC80] =	vst.add.f32.msk $0xffff, v0;
	p0 =	slt.u32 s7, $0x78  }
0x208: {  	[tilespmem:s5+$0x0] =	vst.add.f32.msk $0xffff, v0  }
.Ltmp25:
0x209: {  	[tilespmem:s5+$0xFFFFFF80] =	vst.add.f32.msk $0xffff, v0;
	(pc) =	sbr.rel @p0 .LBB2_53-.Ltmp25, $4  }
0x20a: {  	[tilespmem:s5+$0xFFFFFF00] =	vst.add.f32.msk $0xffff, v0  }
0x20b: {  	[tilespmem:s5+$0xFFFFFE80] =	vst.add.f32.msk $0xffff, v0  }
0x20c: {  	[tilespmem:s5+$0xFFFFFE00] =	vst.add.f32.msk $0xffff, v0  }
0x20d: {  	[tilespmem:s5+$0xFFFFFD80] =	vst.add.f32.msk $0xffff, v0  }
0x20e: {  	[tilespmem:s5+$0xFFFFFD00] =	vst.add.f32.msk $0xffff, v0  }
0x20f: {  	v0 =	vld [tilespmem:s23+$0x1DA0];
	_ =	sdelay $0x3  }
0x210: {  	s5 =	simm.s32 $0xFBA0  }
0x211: {  	[tilespmem:s5+$0xFFFFFC80] =	vst.add.f32.msk $0xffff, v0  }
0x212: {  	[tilespmem:s5+$0x0] =	vst.add.f32.msk $0xffff, v0  }
0x213: {  	[tilespmem:s5+$0xFFFFFF80] =	vst.add.f32.msk $0xffff, v0  }
0x214: {  	[tilespmem:s5+$0xFFFFFF00] =	vst.add.f32.msk $0xffff, v0  }
0x215: {  	[tilespmem:s5+$0xFFFFFE80] =	vst.add.f32.msk $0xffff, v0  }
0x216: {  	[tilespmem:s5+$0xFFFFFE00] =	vst.add.f32.msk $0xffff, v0  }
0x217: {  	s7 =	simm.s32 $0x0;
	[tilespmem:s5+$0xFFFFFD80] =	vst.add.f32.msk $0xffff, v0  }
.LBB2_55:
0x218: {  	s7 =	sadd.s32 $0x8, s7;
	[tilespmem:s5+$0xFFFFFD00] =	vst.add.f32.msk $0xffff, v0;
	s5 =	sadd.s32 $0x400, s5  }
0x219: {  	[tilespmem:s5+$0xFFFFFC80] =	vst.add.f32.msk $0xffff, v0;
	p0 =	slt.u32 s7, $0x78  }
0x21a: {  	[tilespmem:s5+$0x0] =	vst.add.f32.msk $0xffff, v0  }
.Ltmp26:
0x21b: {  	[tilespmem:s5+$0xFFFFFF80] =	vst.add.f32.msk $0xffff, v0;
	(pc) =	sbr.rel @p0 .LBB2_55-.Ltmp26, $4  }
0x21c: {  	[tilespmem:s5+$0xFFFFFF00] =	vst.add.f32.msk $0xffff, v0  }
0x21d: {  	[tilespmem:s5+$0xFFFFFE80] =	vst.add.f32.msk $0xffff, v0  }
0x21e: {  	[tilespmem:s5+$0xFFFFFE00] =	vst.add.f32.msk $0xffff, v0  }
0x21f: {  	[tilespmem:s5+$0xFFFFFD80] =	vst.add.f32.msk $0xffff, v0  }
0x220: {  	[tilespmem:s5+$0xFFFFFD00] =	vst.add.f32.msk $0xffff, v0  }
0x221: {  	v0 =	vld [tilespmem:s23+$0x1DB0];
	_ =	sdelay $0x3  }
0x222: {  	s5 =	simm.s32 $0xFBB0  }
0x223: {  	[tilespmem:s5+$0xFFFFFC80] =	vst.add.f32.msk $0xffff, v0  }
0x224: {  	[tilespmem:s5+$0x0] =	vst.add.f32.msk $0xffff, v0  }
0x225: {  	[tilespmem:s5+$0xFFFFFF80] =	vst.add.f32.msk $0xffff, v0  }
0x226: {  	[tilespmem:s5+$0xFFFFFF00] =	vst.add.f32.msk $0xffff, v0  }
0x227: {  	[tilespmem:s5+$0xFFFFFE80] =	vst.add.f32.msk $0xffff, v0  }
0x228: {  	[tilespmem:s5+$0xFFFFFE00] =	vst.add.f32.msk $0xffff, v0  }
0x229: {  	s7 =	simm.s32 $0x0;
	[tilespmem:s5+$0xFFFFFD80] =	vst.add.f32.msk $0xffff, v0  }
.LBB2_57:
0x22a: {  	s7 =	sadd.s32 $0x8, s7;
	[tilespmem:s5+$0xFFFFFD00] =	vst.add.f32.msk $0xffff, v0;
	s5 =	sadd.s32 $0x400, s5  }
0x22b: {  	[tilespmem:s5+$0xFFFFFC80] =	vst.add.f32.msk $0xffff, v0;
	p0 =	slt.u32 s7, $0x78  }
0x22c: {  	[tilespmem:s5+$0x0] =	vst.add.f32.msk $0xffff, v0  }
.Ltmp27:
0x22d: {  	[tilespmem:s5+$0xFFFFFF80] =	vst.add.f32.msk $0xffff, v0;
	(pc) =	sbr.rel @p0 .LBB2_57-.Ltmp27, $4  }
0x22e: {  	[tilespmem:s5+$0xFFFFFF00] =	vst.add.f32.msk $0xffff, v0  }
0x22f: {  	[tilespmem:s5+$0xFFFFFE80] =	vst.add.f32.msk $0xffff, v0  }
0x230: {  	[tilespmem:s5+$0xFFFFFE00] =	vst.add.f32.msk $0xffff, v0  }
0x231: {  	[tilespmem:s5+$0xFFFFFD80] =	vst.add.f32.msk $0xffff, v0  }
0x232: {  	[tilespmem:s5+$0xFFFFFD00] =	vst.add.f32.msk $0xffff, v0  }
0x233: {  	v0 =	vld [tilespmem:s23+$0x1DC0];
	_ =	sdelay $0x3  }
0x234: {  	s5 =	simm.s32 $0xFBC0  }
0x235: {  	[tilespmem:s5+$0xFFFFFC80] =	vst.add.f32.msk $0xffff, v0  }
0x236: {  	[tilespmem:s5+$0x0] =	vst.add.f32.msk $0xffff, v0  }
0x237: {  	[tilespmem:s5+$0xFFFFFF80] =	vst.add.f32.msk $0xffff, v0  }
0x238: {  	[tilespmem:s5+$0xFFFFFF00] =	vst.add.f32.msk $0xffff, v0  }
0x239: {  	[tilespmem:s5+$0xFFFFFE80] =	vst.add.f32.msk $0xffff, v0  }
0x23a: {  	[tilespmem:s5+$0xFFFFFE00] =	vst.add.f32.msk $0xffff, v0  }
0x23b: {  	s7 =	simm.s32 $0x0;
	[tilespmem:s5+$0xFFFFFD80] =	vst.add.f32.msk $0xffff, v0  }
.LBB2_59:
0x23c: {  	s7 =	sadd.s32 $0x8, s7;
	[tilespmem:s5+$0xFFFFFD00] =	vst.add.f32.msk $0xffff, v0;
	s5 =	sadd.s32 $0x400, s5  }
0x23d: {  	[tilespmem:s5+$0xFFFFFC80] =	vst.add.f32.msk $0xffff, v0;
	p0 =	slt.u32 s7, $0x78  }
0x23e: {  	[tilespmem:s5+$0x0] =	vst.add.f32.msk $0xffff, v0  }
.Ltmp28:
0x23f: {  	[tilespmem:s5+$0xFFFFFF80] =	vst.add.f32.msk $0xffff, v0;
	(pc) =	sbr.rel @p0 .LBB2_59-.Ltmp28, $4  }
0x240: {  	[tilespmem:s5+$0xFFFFFF00] =	vst.add.f32.msk $0xffff, v0  }
0x241: {  	[tilespmem:s5+$0xFFFFFE80] =	vst.add.f32.msk $0xffff, v0  }
0x242: {  	[tilespmem:s5+$0xFFFFFE00] =	vst.add.f32.msk $0xffff, v0  }
0x243: {  	[tilespmem:s5+$0xFFFFFD80] =	vst.add.f32.msk $0xffff, v0  }
0x244: {  	[tilespmem:s5+$0xFFFFFD00] =	vst.add.f32.msk $0xffff, v0  }
0x245: {  	v0 =	vld [tilespmem:s23+$0x1DD0];
	_ =	sdelay $0x3  }
0x246: {  	s5 =	simm.s32 $0xFBD0  }
0x247: {  	[tilespmem:s5+$0xFFFFFC80] =	vst.add.f32.msk $0xffff, v0  }
0x248: {  	[tilespmem:s5+$0x0] =	vst.add.f32.msk $0xffff, v0  }
0x249: {  	[tilespmem:s5+$0xFFFFFF80] =	vst.add.f32.msk $0xffff, v0  }
0x24a: {  	[tilespmem:s5+$0xFFFFFF00] =	vst.add.f32.msk $0xffff, v0  }
0x24b: {  	[tilespmem:s5+$0xFFFFFE80] =	vst.add.f32.msk $0xffff, v0  }
0x24c: {  	[tilespmem:s5+$0xFFFFFE00] =	vst.add.f32.msk $0xffff, v0  }
0x24d: {  	s7 =	simm.s32 $0x0;
	[tilespmem:s5+$0xFFFFFD80] =	vst.add.f32.msk $0xffff, v0  }
.LBB2_61:
0x24e: {  	s7 =	sadd.s32 $0x8, s7;
	[tilespmem:s5+$0xFFFFFD00] =	vst.add.f32.msk $0xffff, v0;
	s5 =	sadd.s32 $0x400, s5  }
0x24f: {  	[tilespmem:s5+$0xFFFFFC80] =	vst.add.f32.msk $0xffff, v0;
	p0 =	slt.u32 s7, $0x78  }
0x250: {  	[tilespmem:s5+$0x0] =	vst.add.f32.msk $0xffff, v0  }
.Ltmp29:
0x251: {  	[tilespmem:s5+$0xFFFFFF80] =	vst.add.f32.msk $0xffff, v0;
	(pc) =	sbr.rel @p0 .LBB2_61-.Ltmp29, $4  }
0x252: {  	[tilespmem:s5+$0xFFFFFF00] =	vst.add.f32.msk $0xffff, v0  }
0x253: {  	[tilespmem:s5+$0xFFFFFE80] =	vst.add.f32.msk $0xffff, v0  }
0x254: {  	[tilespmem:s5+$0xFFFFFE00] =	vst.add.f32.msk $0xffff, v0  }
0x255: {  	[tilespmem:s5+$0xFFFFFD80] =	vst.add.f32.msk $0xffff, v0  }
0x256: {  	[tilespmem:s5+$0xFFFFFD00] =	vst.add.f32.msk $0xffff, v0  }
0x257: {  	v0 =	vld [tilespmem:s23+$0x1DE0];
	_ =	sdelay $0x3  }
0x258: {  	s5 =	simm.s32 $0xFBE0  }
0x259: {  	[tilespmem:s5+$0xFFFFFC80] =	vst.add.f32.msk $0xffff, v0  }
0x25a: {  	[tilespmem:s5+$0x0] =	vst.add.f32.msk $0xffff, v0  }
0x25b: {  	[tilespmem:s5+$0xFFFFFF80] =	vst.add.f32.msk $0xffff, v0  }
0x25c: {  	[tilespmem:s5+$0xFFFFFF00] =	vst.add.f32.msk $0xffff, v0  }
0x25d: {  	[tilespmem:s5+$0xFFFFFE80] =	vst.add.f32.msk $0xffff, v0  }
0x25e: {  	[tilespmem:s5+$0xFFFFFE00] =	vst.add.f32.msk $0xffff, v0  }
0x25f: {  	s7 =	simm.s32 $0x0;
	[tilespmem:s5+$0xFFFFFD80] =	vst.add.f32.msk $0xffff, v0  }
.LBB2_63:
0x260: {  	s7 =	sadd.s32 $0x8, s7;
	[tilespmem:s5+$0xFFFFFD00] =	vst.add.f32.msk $0xffff, v0;
	s5 =	sadd.s32 $0x400, s5  }
0x261: {  	[tilespmem:s5+$0xFFFFFC80] =	vst.add.f32.msk $0xffff, v0;
	p0 =	slt.u32 s7, $0x78  }
0x262: {  	[tilespmem:s5+$0x0] =	vst.add.f32.msk $0xffff, v0  }
.Ltmp30:
0x263: {  	[tilespmem:s5+$0xFFFFFF80] =	vst.add.f32.msk $0xffff, v0;
	(pc) =	sbr.rel @p0 .LBB2_63-.Ltmp30, $4  }
0x264: {  	[tilespmem:s5+$0xFFFFFF00] =	vst.add.f32.msk $0xffff, v0  }
0x265: {  	[tilespmem:s5+$0xFFFFFE80] =	vst.add.f32.msk $0xffff, v0  }
0x266: {  	[tilespmem:s5+$0xFFFFFE00] =	vst.add.f32.msk $0xffff, v0  }
0x267: {  	[tilespmem:s5+$0xFFFFFD80] =	vst.add.f32.msk $0xffff, v0  }
0x268: {  	[tilespmem:s5+$0xFFFFFD00] =	vst.add.f32.msk $0xffff, v0  }
0x269: {  	v0 =	vld [tilespmem:s23+$0x1DF0];
	_ =	sdelay $0x3  }
0x26a: {  	s5 =	simm.s32 $0xFBF0  }
0x26b: {  	[tilespmem:s5+$0xFFFFFC80] =	vst.add.f32.msk $0xffff, v0  }
0x26c: {  	[tilespmem:s5+$0x0] =	vst.add.f32.msk $0xffff, v0  }
0x26d: {  	[tilespmem:s5+$0xFFFFFF80] =	vst.add.f32.msk $0xffff, v0  }
0x26e: {  	[tilespmem:s5+$0xFFFFFF00] =	vst.add.f32.msk $0xffff, v0  }
0x26f: {  	[tilespmem:s5+$0xFFFFFE80] =	vst.add.f32.msk $0xffff, v0  }
0x270: {  	[tilespmem:s5+$0xFFFFFE00] =	vst.add.f32.msk $0xffff, v0  }
0x271: {  	s7 =	simm.s32 $0x0;
	[tilespmem:s5+$0xFFFFFD80] =	vst.add.f32.msk $0xffff, v0  }
.LBB2_65:
0x272: {  	s7 =	sadd.s32 $0x8, s7;
	[tilespmem:s5+$0xFFFFFD00] =	vst.add.f32.msk $0xffff, v0;
	s5 =	sadd.s32 $0x400, s5  }
0x273: {  	[tilespmem:s5+$0xFFFFFC80] =	vst.add.f32.msk $0xffff, v0;
	p0 =	slt.u32 s7, $0x78  }
0x274: {  	[tilespmem:s5+$0x0] =	vst.add.f32.msk $0xffff, v0  }
.Ltmp31:
0x275: {  	[tilespmem:s5+$0xFFFFFF80] =	vst.add.f32.msk $0xffff, v0;
	(pc) =	sbr.rel @p0 .LBB2_65-.Ltmp31, $4  }
0x276: {  	[tilespmem:s5+$0xFFFFFF00] =	vst.add.f32.msk $0xffff, v0  }
0x277: {  	[tilespmem:s5+$0xFFFFFE80] =	vst.add.f32.msk $0xffff, v0  }
0x278: {  	[tilespmem:s5+$0xFFFFFE00] =	vst.add.f32.msk $0xffff, v0  }
0x279: {  	[tilespmem:s5+$0xFFFFFD80] =	vst.add.f32.msk $0xffff, v0  }
0x27a: {  	s7 =	sadd.s32 s11, s25  }
0x27b: {  	s7 =	sshrl.u32 s7, $0x3  }
0x27c: {  	[tilespmem:s5+$0xFFFFFD00] =	vst.add.f32.msk $0xffff, v0;
	s25 =	sadd.s32 s3, s7  }
0x27d: {  	[hbm4b:s25+s4] =	stream.linear.scatter [tilespmem:s26], [sflag:$0x8], $0x4000, $0x38;
	[tilespmem:$0x13800] =	vst v63  }
0x27e: {  	_ =	swait.ge [sflag:s0], $0x4000  }
0x27f: {  	[sflag:s0] =	ssyncset.done $0x0  }
0x280: {  	s7 =	sadd.s32 $0x200, s23;
	[sflag:s0] =	ssyncadd.s32 $0xFFFFC000  }
0x281: {  	[tilespmem:s21], [sflag:$0x1] =	stream.indirect.gather [hbm4b:s1+s20], $0x80, s7, s20, $0xb8;
	[tilespmem:$0x13800] =	vst v63  }
0x282: {  	_ =	swait.ge [sflag:s2], $0x4000  }
0x283: {  	[sflag:s2] =	ssyncset.done $0x0  }
0x284: {  	s5 =	sshll.u32 s19, $0x2;
	s23 =	sadd.s32 $0x280, s23;
	[sflag:s2] =	ssyncadd.s32 $0xFFFFC000  }
0x285: {  	[tilespmem:s22], [sflag:$0x2] =	stream.indirect.gather [hbm4b:s1+s20], $0x80, s23, s20, $0xb8;
	[tilespmem:$0x13800] =	vst v63  }
0x286: {  	s25 =	smin.u32 s5, $0x2B;
	_ =	swait.ge [sflag:s15], $0x4000  }
0x287: {  	s19 =	sadd.s32 $0x1, s19;
	s7 =	sshll.u32 s25, $0x7;
	[sflag:s15] =	ssyncset.done $0x0  }
0x288: {  	p0 =	sne.s32 s19, $0xC;
	s7 =	sadd.s32 $0x300, s7;
	[sflag:s15] =	ssyncadd.s32 $0xFFFFC000  }
0x289: {  	[tilespmem:s24], [sflag:$0x3] =	stream.indirect.gather [hbm4b:s1+s20], $0x80, s7, s20, $0xb8;
	[tilespmem:$0x13800] =	vst v63  }
.Ltmp32:
0x28a: {  	_ = 	snop;
	(pc) =	sbr.rel @p0 .LBB2_2-.Ltmp32, $4  }
0x28b: {  	s5 =	smin.u32 s5, $0x2A;
	_ =	swait.ge [sflag:s16], $0x4000  }
0x28c: {  	s5 =	sshll.u32 s5, $0x7;
	[sflag:s16] =	ssyncset.done $0x0  }
0x28d: {  	s5 =	sadd.s32 $0x380, s5;
	[sflag:s16] =	ssyncadd.s32 $0xFFFFC000  }
0x28e: {  	[tilespmem:s26], [sflag:$0x4] =	stream.indirect.gather [hbm4b:s1+s20], $0x80, s5, s20, $0xb8;
	[tilespmem:$0x13800] =	vst v63  }
0x28f: {  	_ =	swait.ge [sflag:s28], $0x4000  }
0x290: {  	[sflag:s28] =	ssyncset.done $0x0  }
0x291: {  	[sflag:s28] =	ssyncadd.s32 $0xFFFFC000  }
0x292: {  	_ =	swait.ge [sflag:s29], $0x4000  }
0x293: {  	[sflag:s29] =	ssyncset.done $0x0  }
0x294: {  	[sflag:s29] =	ssyncadd.s32 $0xFFFFC000  }
0x295: {  	_ =	swait.ge [sflag:s30], $0x4000  }
0x296: {  	[sflag:s30] =	ssyncset.done $0x0  }
0x297: {  	[sflag:s30] =	ssyncadd.s32 $0xFFFFC000  }
0x298: {  	_ =	swait.ge [sflag:s31], $0x4000  }
0x299: {  	[sflag:s31] =	ssyncset.done $0x0  }
0x29a: {  	[sflag:s31] =	ssyncadd.s32 $0xFFFFC000  }
0x29b: {  	v0 =	vld [tilespmem:$0x3400];
	_ =	sdelay $0x3  }
0x29c: {  	s5 =	simm.s32 $0x3B80  }
0x29d: {  	[tilespmem:s5+$0xFFFFFC80] =	vst.add.f32.msk $0xffff, v0  }
0x29e: {  	[tilespmem:s5+$0x0] =	vst.add.f32.msk $0xffff, v0  }
0x29f: {  	[tilespmem:s5+$0xFFFFFF80] =	vst.add.f32.msk $0xffff, v0  }
0x2a0: {  	[tilespmem:s5+$0xFFFFFF00] =	vst.add.f32.msk $0xffff, v0  }
0x2a1: {  	[tilespmem:s5+$0xFFFFFE80] =	vst.add.f32.msk $0xffff, v0  }
0x2a2: {  	[tilespmem:s5+$0xFFFFFE00] =	vst.add.f32.msk $0xffff, v0  }
0x2a3: {  	s7 =	simm.s32 $0x0;
	[tilespmem:s5+$0xFFFFFD80] =	vst.add.f32.msk $0xffff, v0  }
.LBB2_68:
0x2a4: {  	s7 =	sadd.s32 $0x8, s7;
	[tilespmem:s5+$0xFFFFFD00] =	vst.add.f32.msk $0xffff, v0;
	s5 =	sadd.s32 $0x400, s5  }
0x2a5: {  	[tilespmem:s5+$0xFFFFFC80] =	vst.add.f32.msk $0xffff, v0;
	p0 =	slt.u32 s7, $0x78  }
0x2a6: {  	[tilespmem:s5+$0x0] =	vst.add.f32.msk $0xffff, v0  }
.Ltmp33:
0x2a7: {  	[tilespmem:s5+$0xFFFFFF80] =	vst.add.f32.msk $0xffff, v0;
	(pc) =	sbr.rel @p0 .LBB2_68-.Ltmp33, $4  }
0x2a8: {  	[tilespmem:s5+$0xFFFFFF00] =	vst.add.f32.msk $0xffff, v0  }
0x2a9: {  	[tilespmem:s5+$0xFFFFFE80] =	vst.add.f32.msk $0xffff, v0  }
0x2aa: {  	[tilespmem:s5+$0xFFFFFE00] =	vst.add.f32.msk $0xffff, v0  }
0x2ab: {  	[tilespmem:s5+$0xFFFFFD80] =	vst.add.f32.msk $0xffff, v0  }
0x2ac: {  	[tilespmem:s5+$0xFFFFFD00] =	vst.add.f32.msk $0xffff, v0  }
0x2ad: {  	v0 =	vld [tilespmem:$0x3410];
	_ =	sdelay $0x3  }
0x2ae: {  	s5 =	simm.s32 $0x3B90  }
0x2af: {  	[tilespmem:s5+$0xFFFFFC80] =	vst.add.f32.msk $0xffff, v0  }
0x2b0: {  	[tilespmem:s5+$0x0] =	vst.add.f32.msk $0xffff, v0  }
0x2b1: {  	[tilespmem:s5+$0xFFFFFF80] =	vst.add.f32.msk $0xffff, v0  }
0x2b2: {  	[tilespmem:s5+$0xFFFFFF00] =	vst.add.f32.msk $0xffff, v0  }
0x2b3: {  	[tilespmem:s5+$0xFFFFFE80] =	vst.add.f32.msk $0xffff, v0  }
0x2b4: {  	[tilespmem:s5+$0xFFFFFE00] =	vst.add.f32.msk $0xffff, v0  }
0x2b5: {  	s7 =	simm.s32 $0x0;
	[tilespmem:s5+$0xFFFFFD80] =	vst.add.f32.msk $0xffff, v0  }
.LBB2_70:
0x2b6: {  	s7 =	sadd.s32 $0x8, s7;
	[tilespmem:s5+$0xFFFFFD00] =	vst.add.f32.msk $0xffff, v0;
	s5 =	sadd.s32 $0x400, s5  }
0x2b7: {  	[tilespmem:s5+$0xFFFFFC80] =	vst.add.f32.msk $0xffff, v0;
	p0 =	slt.u32 s7, $0x78  }
0x2b8: {  	[tilespmem:s5+$0x0] =	vst.add.f32.msk $0xffff, v0  }
.Ltmp34:
0x2b9: {  	[tilespmem:s5+$0xFFFFFF80] =	vst.add.f32.msk $0xffff, v0;
	(pc) =	sbr.rel @p0 .LBB2_70-.Ltmp34, $4  }
0x2ba: {  	[tilespmem:s5+$0xFFFFFF00] =	vst.add.f32.msk $0xffff, v0  }
0x2bb: {  	[tilespmem:s5+$0xFFFFFE80] =	vst.add.f32.msk $0xffff, v0  }
0x2bc: {  	[tilespmem:s5+$0xFFFFFE00] =	vst.add.f32.msk $0xffff, v0  }
0x2bd: {  	[tilespmem:s5+$0xFFFFFD80] =	vst.add.f32.msk $0xffff, v0  }
0x2be: {  	[tilespmem:s5+$0xFFFFFD00] =	vst.add.f32.msk $0xffff, v0  }
0x2bf: {  	v0 =	vld [tilespmem:$0x3420];
	_ =	sdelay $0x3  }
0x2c0: {  	s5 =	simm.s32 $0x3BA0  }
0x2c1: {  	[tilespmem:s5+$0xFFFFFC80] =	vst.add.f32.msk $0xffff, v0  }
0x2c2: {  	[tilespmem:s5+$0x0] =	vst.add.f32.msk $0xffff, v0  }
0x2c3: {  	[tilespmem:s5+$0xFFFFFF80] =	vst.add.f32.msk $0xffff, v0  }
0x2c4: {  	[tilespmem:s5+$0xFFFFFF00] =	vst.add.f32.msk $0xffff, v0  }
0x2c5: {  	[tilespmem:s5+$0xFFFFFE80] =	vst.add.f32.msk $0xffff, v0  }
0x2c6: {  	[tilespmem:s5+$0xFFFFFE00] =	vst.add.f32.msk $0xffff, v0  }
0x2c7: {  	s7 =	simm.s32 $0x0;
	[tilespmem:s5+$0xFFFFFD80] =	vst.add.f32.msk $0xffff, v0  }
.LBB2_72:
0x2c8: {  	s7 =	sadd.s32 $0x8, s7;
	[tilespmem:s5+$0xFFFFFD00] =	vst.add.f32.msk $0xffff, v0;
	s5 =	sadd.s32 $0x400, s5  }
0x2c9: {  	[tilespmem:s5+$0xFFFFFC80] =	vst.add.f32.msk $0xffff, v0;
	p0 =	slt.u32 s7, $0x78  }
0x2ca: {  	[tilespmem:s5+$0x0] =	vst.add.f32.msk $0xffff, v0  }
.Ltmp35:
0x2cb: {  	[tilespmem:s5+$0xFFFFFF80] =	vst.add.f32.msk $0xffff, v0;
	(pc) =	sbr.rel @p0 .LBB2_72-.Ltmp35, $4  }
0x2cc: {  	[tilespmem:s5+$0xFFFFFF00] =	vst.add.f32.msk $0xffff, v0  }
0x2cd: {  	[tilespmem:s5+$0xFFFFFE80] =	vst.add.f32.msk $0xffff, v0  }
0x2ce: {  	[tilespmem:s5+$0xFFFFFE00] =	vst.add.f32.msk $0xffff, v0  }
0x2cf: {  	[tilespmem:s5+$0xFFFFFD80] =	vst.add.f32.msk $0xffff, v0  }
0x2d0: {  	[tilespmem:s5+$0xFFFFFD00] =	vst.add.f32.msk $0xffff, v0  }
0x2d1: {  	v0 =	vld [tilespmem:$0x3430];
	_ =	sdelay $0x3  }
0x2d2: {  	s5 =	simm.s32 $0x3BB0  }
0x2d3: {  	[tilespmem:s5+$0xFFFFFC80] =	vst.add.f32.msk $0xffff, v0  }
0x2d4: {  	[tilespmem:s5+$0x0] =	vst.add.f32.msk $0xffff, v0  }
0x2d5: {  	[tilespmem:s5+$0xFFFFFF80] =	vst.add.f32.msk $0xffff, v0  }
0x2d6: {  	[tilespmem:s5+$0xFFFFFF00] =	vst.add.f32.msk $0xffff, v0  }
0x2d7: {  	[tilespmem:s5+$0xFFFFFE80] =	vst.add.f32.msk $0xffff, v0  }
0x2d8: {  	[tilespmem:s5+$0xFFFFFE00] =	vst.add.f32.msk $0xffff, v0  }
0x2d9: {  	s7 =	simm.s32 $0x0;
	[tilespmem:s5+$0xFFFFFD80] =	vst.add.f32.msk $0xffff, v0  }
.LBB2_74:
0x2da: {  	s7 =	sadd.s32 $0x8, s7;
	[tilespmem:s5+$0xFFFFFD00] =	vst.add.f32.msk $0xffff, v0;
	s5 =	sadd.s32 $0x400, s5  }
0x2db: {  	[tilespmem:s5+$0xFFFFFC80] =	vst.add.f32.msk $0xffff, v0;
	p0 =	slt.u32 s7, $0x78  }
0x2dc: {  	[tilespmem:s5+$0x0] =	vst.add.f32.msk $0xffff, v0  }
.Ltmp36:
0x2dd: {  	[tilespmem:s5+$0xFFFFFF80] =	vst.add.f32.msk $0xffff, v0;
	(pc) =	sbr.rel @p0 .LBB2_74-.Ltmp36, $4  }
0x2de: {  	[tilespmem:s5+$0xFFFFFF00] =	vst.add.f32.msk $0xffff, v0  }
0x2df: {  	[tilespmem:s5+$0xFFFFFE80] =	vst.add.f32.msk $0xffff, v0  }
0x2e0: {  	[tilespmem:s5+$0xFFFFFE00] =	vst.add.f32.msk $0xffff, v0  }
0x2e1: {  	[tilespmem:s5+$0xFFFFFD80] =	vst.add.f32.msk $0xffff, v0  }
0x2e2: {  	[tilespmem:s5+$0xFFFFFD00] =	vst.add.f32.msk $0xffff, v0  }
0x2e3: {  	v0 =	vld [tilespmem:$0x3440];
	_ =	sdelay $0x3  }
0x2e4: {  	s5 =	simm.s32 $0x3BC0  }
0x2e5: {  	[tilespmem:s5+$0xFFFFFC80] =	vst.add.f32.msk $0xffff, v0  }
0x2e6: {  	[tilespmem:s5+$0x0] =	vst.add.f32.msk $0xffff, v0  }
0x2e7: {  	[tilespmem:s5+$0xFFFFFF80] =	vst.add.f32.msk $0xffff, v0  }
0x2e8: {  	[tilespmem:s5+$0xFFFFFF00] =	vst.add.f32.msk $0xffff, v0  }
0x2e9: {  	[tilespmem:s5+$0xFFFFFE80] =	vst.add.f32.msk $0xffff, v0  }
0x2ea: {  	[tilespmem:s5+$0xFFFFFE00] =	vst.add.f32.msk $0xffff, v0  }
0x2eb: {  	s7 =	simm.s32 $0x0;
	[tilespmem:s5+$0xFFFFFD80] =	vst.add.f32.msk $0xffff, v0  }
.LBB2_76:
0x2ec: {  	s7 =	sadd.s32 $0x8, s7;
	[tilespmem:s5+$0xFFFFFD00] =	vst.add.f32.msk $0xffff, v0;
	s5 =	sadd.s32 $0x400, s5  }
0x2ed: {  	[tilespmem:s5+$0xFFFFFC80] =	vst.add.f32.msk $0xffff, v0;
	p0 =	slt.u32 s7, $0x78  }
0x2ee: {  	[tilespmem:s5+$0x0] =	vst.add.f32.msk $0xffff, v0  }
.Ltmp37:
0x2ef: {  	[tilespmem:s5+$0xFFFFFF80] =	vst.add.f32.msk $0xffff, v0;
	(pc) =	sbr.rel @p0 .LBB2_76-.Ltmp37, $4  }
0x2f0: {  	[tilespmem:s5+$0xFFFFFF00] =	vst.add.f32.msk $0xffff, v0  }
0x2f1: {  	[tilespmem:s5+$0xFFFFFE80] =	vst.add.f32.msk $0xffff, v0  }
0x2f2: {  	[tilespmem:s5+$0xFFFFFE00] =	vst.add.f32.msk $0xffff, v0  }
0x2f3: {  	[tilespmem:s5+$0xFFFFFD80] =	vst.add.f32.msk $0xffff, v0  }
0x2f4: {  	[tilespmem:s5+$0xFFFFFD00] =	vst.add.f32.msk $0xffff, v0  }
0x2f5: {  	v0 =	vld [tilespmem:$0x3450];
	_ =	sdelay $0x3  }
0x2f6: {  	s5 =	simm.s32 $0x3BD0  }
0x2f7: {  	[tilespmem:s5+$0xFFFFFC80] =	vst.add.f32.msk $0xffff, v0  }
0x2f8: {  	[tilespmem:s5+$0x0] =	vst.add.f32.msk $0xffff, v0  }
0x2f9: {  	[tilespmem:s5+$0xFFFFFF80] =	vst.add.f32.msk $0xffff, v0  }
0x2fa: {  	[tilespmem:s5+$0xFFFFFF00] =	vst.add.f32.msk $0xffff, v0  }
0x2fb: {  	[tilespmem:s5+$0xFFFFFE80] =	vst.add.f32.msk $0xffff, v0  }
0x2fc: {  	[tilespmem:s5+$0xFFFFFE00] =	vst.add.f32.msk $0xffff, v0  }
0x2fd: {  	s7 =	simm.s32 $0x0;
	[tilespmem:s5+$0xFFFFFD80] =	vst.add.f32.msk $0xffff, v0  }
.LBB2_78:
0x2fe: {  	s7 =	sadd.s32 $0x8, s7;
	[tilespmem:s5+$0xFFFFFD00] =	vst.add.f32.msk $0xffff, v0;
	s5 =	sadd.s32 $0x400, s5  }
0x2ff: {  	[tilespmem:s5+$0xFFFFFC80] =	vst.add.f32.msk $0xffff, v0;
	p0 =	slt.u32 s7, $0x78  }
0x300: {  	[tilespmem:s5+$0x0] =	vst.add.f32.msk $0xffff, v0  }
.Ltmp38:
0x301: {  	[tilespmem:s5+$0xFFFFFF80] =	vst.add.f32.msk $0xffff, v0;
	(pc) =	sbr.rel @p0 .LBB2_78-.Ltmp38, $4  }
0x302: {  	[tilespmem:s5+$0xFFFFFF00] =	vst.add.f32.msk $0xffff, v0  }
0x303: {  	[tilespmem:s5+$0xFFFFFE80] =	vst.add.f32.msk $0xffff, v0  }
0x304: {  	[tilespmem:s5+$0xFFFFFE00] =	vst.add.f32.msk $0xffff, v0  }
0x305: {  	[tilespmem:s5+$0xFFFFFD80] =	vst.add.f32.msk $0xffff, v0  }
0x306: {  	[tilespmem:s5+$0xFFFFFD00] =	vst.add.f32.msk $0xffff, v0  }
0x307: {  	v0 =	vld [tilespmem:$0x3460];
	_ =	sdelay $0x3  }
0x308: {  	s5 =	simm.s32 $0x3BE0  }
0x309: {  	[tilespmem:s5+$0xFFFFFC80] =	vst.add.f32.msk $0xffff, v0  }
0x30a: {  	[tilespmem:s5+$0x0] =	vst.add.f32.msk $0xffff, v0  }
0x30b: {  	[tilespmem:s5+$0xFFFFFF80] =	vst.add.f32.msk $0xffff, v0  }
0x30c: {  	[tilespmem:s5+$0xFFFFFF00] =	vst.add.f32.msk $0xffff, v0  }
0x30d: {  	[tilespmem:s5+$0xFFFFFE80] =	vst.add.f32.msk $0xffff, v0  }
0x30e: {  	[tilespmem:s5+$0xFFFFFE00] =	vst.add.f32.msk $0xffff, v0  }
0x30f: {  	s7 =	simm.s32 $0x0;
	[tilespmem:s5+$0xFFFFFD80] =	vst.add.f32.msk $0xffff, v0  }
.LBB2_80:
0x310: {  	s7 =	sadd.s32 $0x8, s7;
	[tilespmem:s5+$0xFFFFFD00] =	vst.add.f32.msk $0xffff, v0;
	s5 =	sadd.s32 $0x400, s5  }
0x311: {  	[tilespmem:s5+$0xFFFFFC80] =	vst.add.f32.msk $0xffff, v0;
	p0 =	slt.u32 s7, $0x78  }
0x312: {  	[tilespmem:s5+$0x0] =	vst.add.f32.msk $0xffff, v0  }
.Ltmp39:
0x313: {  	[tilespmem:s5+$0xFFFFFF80] =	vst.add.f32.msk $0xffff, v0;
	(pc) =	sbr.rel @p0 .LBB2_80-.Ltmp39, $4  }
0x314: {  	[tilespmem:s5+$0xFFFFFF00] =	vst.add.f32.msk $0xffff, v0  }
0x315: {  	[tilespmem:s5+$0xFFFFFE80] =	vst.add.f32.msk $0xffff, v0  }
0x316: {  	[tilespmem:s5+$0xFFFFFE00] =	vst.add.f32.msk $0xffff, v0  }
0x317: {  	[tilespmem:s5+$0xFFFFFD80] =	vst.add.f32.msk $0xffff, v0  }
0x318: {  	[tilespmem:s5+$0xFFFFFD00] =	vst.add.f32.msk $0xffff, v0  }
0x319: {  	v0 =	vld [tilespmem:$0x3470];
	_ =	sdelay $0x3  }
0x31a: {  	s5 =	simm.s32 $0x3BF0  }
0x31b: {  	[tilespmem:s5+$0xFFFFFC80] =	vst.add.f32.msk $0xffff, v0  }
0x31c: {  	[tilespmem:s5+$0x0] =	vst.add.f32.msk $0xffff, v0  }
0x31d: {  	[tilespmem:s5+$0xFFFFFF80] =	vst.add.f32.msk $0xffff, v0  }
0x31e: {  	[tilespmem:s5+$0xFFFFFF00] =	vst.add.f32.msk $0xffff, v0  }
0x31f: {  	[tilespmem:s5+$0xFFFFFE80] =	vst.add.f32.msk $0xffff, v0  }
0x320: {  	[tilespmem:s5+$0xFFFFFE00] =	vst.add.f32.msk $0xffff, v0  }
0x321: {  	s7 =	simm.s32 $0x0;
	[tilespmem:s5+$0xFFFFFD80] =	vst.add.f32.msk $0xffff, v0  }
.LBB2_82:
0x322: {  	s7 =	sadd.s32 $0x8, s7;
	[tilespmem:s5+$0xFFFFFD00] =	vst.add.f32.msk $0xffff, v0;
	s5 =	sadd.s32 $0x400, s5  }
0x323: {  	[tilespmem:s5+$0xFFFFFC80] =	vst.add.f32.msk $0xffff, v0;
	p0 =	slt.u32 s7, $0x78  }
0x324: {  	[tilespmem:s5+$0x0] =	vst.add.f32.msk $0xffff, v0  }
.Ltmp40:
0x325: {  	[tilespmem:s5+$0xFFFFFF80] =	vst.add.f32.msk $0xffff, v0;
	(pc) =	sbr.rel @p0 .LBB2_82-.Ltmp40, $4  }
0x326: {  	[tilespmem:s5+$0xFFFFFF00] =	vst.add.f32.msk $0xffff, v0  }
0x327: {  	[tilespmem:s5+$0xFFFFFE80] =	vst.add.f32.msk $0xffff, v0  }
0x328: {  	[tilespmem:s5+$0xFFFFFE00] =	vst.add.f32.msk $0xffff, v0  }
0x329: {  	[tilespmem:s5+$0xFFFFFD80] =	vst.add.f32.msk $0xffff, v0  }
0x32a: {  	[tilespmem:s5+$0xFFFFFD00] =	vst.add.f32.msk $0xffff, v0  }
0x32b: {  	[hbm4b:s12+s4] =	stream.linear.scatter [tilespmem:s21], [sflag:$0x5], $0x4000, $0x38;
	[tilespmem:$0x13800] =	vst v63  }
0x32c: {  	v0 =	vld [tilespmem:$0x3480];
	_ =	sdelay $0x3  }
0x32d: {  	s5 =	simm.s32 $0x7B80  }
0x32e: {  	[tilespmem:s5+$0xFFFFFC80] =	vst.add.f32.msk $0xffff, v0  }
0x32f: {  	[tilespmem:s5+$0x0] =	vst.add.f32.msk $0xffff, v0  }
0x330: {  	[tilespmem:s5+$0xFFFFFF80] =	vst.add.f32.msk $0xffff, v0  }
0x331: {  	[tilespmem:s5+$0xFFFFFF00] =	vst.add.f32.msk $0xffff, v0  }
0x332: {  	[tilespmem:s5+$0xFFFFFE80] =	vst.add.f32.msk $0xffff, v0  }
0x333: {  	[tilespmem:s5+$0xFFFFFE00] =	vst.add.f32.msk $0xffff, v0  }
0x334: {  	s7 =	simm.s32 $0x0;
	[tilespmem:s5+$0xFFFFFD80] =	vst.add.f32.msk $0xffff, v0  }
.LBB2_84:
0x335: {  	s7 =	sadd.s32 $0x8, s7;
	[tilespmem:s5+$0xFFFFFD00] =	vst.add.f32.msk $0xffff, v0;
	s5 =	sadd.s32 $0x400, s5  }
0x336: {  	[tilespmem:s5+$0xFFFFFC80] =	vst.add.f32.msk $0xffff, v0;
	p0 =	slt.u32 s7, $0x78  }
0x337: {  	[tilespmem:s5+$0x0] =	vst.add.f32.msk $0xffff, v0  }
.Ltmp41:
0x338: {  	[tilespmem:s5+$0xFFFFFF80] =	vst.add.f32.msk $0xffff, v0;
	(pc) =	sbr.rel @p0 .LBB2_84-.Ltmp41, $4  }
0x339: {  	[tilespmem:s5+$0xFFFFFF00] =	vst.add.f32.msk $0xffff, v0  }
0x33a: {  	[tilespmem:s5+$0xFFFFFE80] =	vst.add.f32.msk $0xffff, v0  }
0x33b: {  	[tilespmem:s5+$0xFFFFFE00] =	vst.add.f32.msk $0xffff, v0  }
0x33c: {  	[tilespmem:s5+$0xFFFFFD80] =	vst.add.f32.msk $0xffff, v0  }
0x33d: {  	[tilespmem:s5+$0xFFFFFD00] =	vst.add.f32.msk $0xffff, v0  }
0x33e: {  	v0 =	vld [tilespmem:$0x3490];
	_ =	sdelay $0x3  }
0x33f: {  	s5 =	simm.s32 $0x7B90  }
0x340: {  	[tilespmem:s5+$0xFFFFFC80] =	vst.add.f32.msk $0xffff, v0  }
0x341: {  	[tilespmem:s5+$0x0] =	vst.add.f32.msk $0xffff, v0  }
0x342: {  	[tilespmem:s5+$0xFFFFFF80] =	vst.add.f32.msk $0xffff, v0  }
0x343: {  	[tilespmem:s5+$0xFFFFFF00] =	vst.add.f32.msk $0xffff, v0  }
0x344: {  	[tilespmem:s5+$0xFFFFFE80] =	vst.add.f32.msk $0xffff, v0  }
0x345: {  	[tilespmem:s5+$0xFFFFFE00] =	vst.add.f32.msk $0xffff, v0  }
0x346: {  	s7 =	simm.s32 $0x0;
	[tilespmem:s5+$0xFFFFFD80] =	vst.add.f32.msk $0xffff, v0  }
.LBB2_86:
0x347: {  	s7 =	sadd.s32 $0x8, s7;
	[tilespmem:s5+$0xFFFFFD00] =	vst.add.f32.msk $0xffff, v0;
	s5 =	sadd.s32 $0x400, s5  }
0x348: {  	[tilespmem:s5+$0xFFFFFC80] =	vst.add.f32.msk $0xffff, v0;
	p0 =	slt.u32 s7, $0x78  }
0x349: {  	[tilespmem:s5+$0x0] =	vst.add.f32.msk $0xffff, v0  }
.Ltmp42:
0x34a: {  	[tilespmem:s5+$0xFFFFFF80] =	vst.add.f32.msk $0xffff, v0;
	(pc) =	sbr.rel @p0 .LBB2_86-.Ltmp42, $4  }
0x34b: {  	[tilespmem:s5+$0xFFFFFF00] =	vst.add.f32.msk $0xffff, v0  }
0x34c: {  	[tilespmem:s5+$0xFFFFFE80] =	vst.add.f32.msk $0xffff, v0  }
0x34d: {  	[tilespmem:s5+$0xFFFFFE00] =	vst.add.f32.msk $0xffff, v0  }
0x34e: {  	[tilespmem:s5+$0xFFFFFD80] =	vst.add.f32.msk $0xffff, v0  }
0x34f: {  	[tilespmem:s5+$0xFFFFFD00] =	vst.add.f32.msk $0xffff, v0  }
0x350: {  	v0 =	vld [tilespmem:$0x34A0];
	_ =	sdelay $0x3  }
0x351: {  	s5 =	simm.s32 $0x7BA0  }
0x352: {  	[tilespmem:s5+$0xFFFFFC80] =	vst.add.f32.msk $0xffff, v0  }
0x353: {  	[tilespmem:s5+$0x0] =	vst.add.f32.msk $0xffff, v0  }
0x354: {  	[tilespmem:s5+$0xFFFFFF80] =	vst.add.f32.msk $0xffff, v0  }
0x355: {  	[tilespmem:s5+$0xFFFFFF00] =	vst.add.f32.msk $0xffff, v0  }
0x356: {  	[tilespmem:s5+$0xFFFFFE80] =	vst.add.f32.msk $0xffff, v0  }
0x357: {  	[tilespmem:s5+$0xFFFFFE00] =	vst.add.f32.msk $0xffff, v0  }
0x358: {  	s7 =	simm.s32 $0x0;
	[tilespmem:s5+$0xFFFFFD80] =	vst.add.f32.msk $0xffff, v0  }
.LBB2_88:
0x359: {  	s7 =	sadd.s32 $0x8, s7;
	[tilespmem:s5+$0xFFFFFD00] =	vst.add.f32.msk $0xffff, v0;
	s5 =	sadd.s32 $0x400, s5  }
0x35a: {  	[tilespmem:s5+$0xFFFFFC80] =	vst.add.f32.msk $0xffff, v0;
	p0 =	slt.u32 s7, $0x78  }
0x35b: {  	[tilespmem:s5+$0x0] =	vst.add.f32.msk $0xffff, v0  }
.Ltmp43:
0x35c: {  	[tilespmem:s5+$0xFFFFFF80] =	vst.add.f32.msk $0xffff, v0;
	(pc) =	sbr.rel @p0 .LBB2_88-.Ltmp43, $4  }
0x35d: {  	[tilespmem:s5+$0xFFFFFF00] =	vst.add.f32.msk $0xffff, v0  }
0x35e: {  	[tilespmem:s5+$0xFFFFFE80] =	vst.add.f32.msk $0xffff, v0  }
0x35f: {  	[tilespmem:s5+$0xFFFFFE00] =	vst.add.f32.msk $0xffff, v0  }
0x360: {  	[tilespmem:s5+$0xFFFFFD80] =	vst.add.f32.msk $0xffff, v0  }
0x361: {  	[tilespmem:s5+$0xFFFFFD00] =	vst.add.f32.msk $0xffff, v0  }
0x362: {  	v0 =	vld [tilespmem:$0x34B0];
	_ =	sdelay $0x3  }
0x363: {  	s5 =	simm.s32 $0x7BB0  }
0x364: {  	[tilespmem:s5+$0xFFFFFC80] =	vst.add.f32.msk $0xffff, v0  }
0x365: {  	[tilespmem:s5+$0x0] =	vst.add.f32.msk $0xffff, v0  }
0x366: {  	[tilespmem:s5+$0xFFFFFF80] =	vst.add.f32.msk $0xffff, v0  }
0x367: {  	[tilespmem:s5+$0xFFFFFF00] =	vst.add.f32.msk $0xffff, v0  }
0x368: {  	[tilespmem:s5+$0xFFFFFE80] =	vst.add.f32.msk $0xffff, v0  }
0x369: {  	[tilespmem:s5+$0xFFFFFE00] =	vst.add.f32.msk $0xffff, v0  }
0x36a: {  	s7 =	simm.s32 $0x0;
	[tilespmem:s5+$0xFFFFFD80] =	vst.add.f32.msk $0xffff, v0  }
.LBB2_90:
0x36b: {  	s7 =	sadd.s32 $0x8, s7;
	[tilespmem:s5+$0xFFFFFD00] =	vst.add.f32.msk $0xffff, v0;
	s5 =	sadd.s32 $0x400, s5  }
0x36c: {  	[tilespmem:s5+$0xFFFFFC80] =	vst.add.f32.msk $0xffff, v0;
	p0 =	slt.u32 s7, $0x78  }
0x36d: {  	[tilespmem:s5+$0x0] =	vst.add.f32.msk $0xffff, v0  }
.Ltmp44:
0x36e: {  	[tilespmem:s5+$0xFFFFFF80] =	vst.add.f32.msk $0xffff, v0;
	(pc) =	sbr.rel @p0 .LBB2_90-.Ltmp44, $4  }
0x36f: {  	[tilespmem:s5+$0xFFFFFF00] =	vst.add.f32.msk $0xffff, v0  }
0x370: {  	[tilespmem:s5+$0xFFFFFE80] =	vst.add.f32.msk $0xffff, v0  }
0x371: {  	[tilespmem:s5+$0xFFFFFE00] =	vst.add.f32.msk $0xffff, v0  }
0x372: {  	[tilespmem:s5+$0xFFFFFD80] =	vst.add.f32.msk $0xffff, v0  }
0x373: {  	[tilespmem:s5+$0xFFFFFD00] =	vst.add.f32.msk $0xffff, v0  }
0x374: {  	v0 =	vld [tilespmem:$0x34C0];
	_ =	sdelay $0x3  }
0x375: {  	s5 =	simm.s32 $0x7BC0  }
0x376: {  	[tilespmem:s5+$0xFFFFFC80] =	vst.add.f32.msk $0xffff, v0  }
0x377: {  	[tilespmem:s5+$0x0] =	vst.add.f32.msk $0xffff, v0  }
0x378: {  	[tilespmem:s5+$0xFFFFFF80] =	vst.add.f32.msk $0xffff, v0  }
0x379: {  	[tilespmem:s5+$0xFFFFFF00] =	vst.add.f32.msk $0xffff, v0  }
0x37a: {  	[tilespmem:s5+$0xFFFFFE80] =	vst.add.f32.msk $0xffff, v0  }
0x37b: {  	[tilespmem:s5+$0xFFFFFE00] =	vst.add.f32.msk $0xffff, v0  }
0x37c: {  	s7 =	simm.s32 $0x0;
	[tilespmem:s5+$0xFFFFFD80] =	vst.add.f32.msk $0xffff, v0  }
.LBB2_92:
0x37d: {  	s7 =	sadd.s32 $0x8, s7;
	[tilespmem:s5+$0xFFFFFD00] =	vst.add.f32.msk $0xffff, v0;
	s5 =	sadd.s32 $0x400, s5  }
0x37e: {  	[tilespmem:s5+$0xFFFFFC80] =	vst.add.f32.msk $0xffff, v0;
	p0 =	slt.u32 s7, $0x78  }
0x37f: {  	[tilespmem:s5+$0x0] =	vst.add.f32.msk $0xffff, v0  }
.Ltmp45:
0x380: {  	[tilespmem:s5+$0xFFFFFF80] =	vst.add.f32.msk $0xffff, v0;
	(pc) =	sbr.rel @p0 .LBB2_92-.Ltmp45, $4  }
0x381: {  	[tilespmem:s5+$0xFFFFFF00] =	vst.add.f32.msk $0xffff, v0  }
0x382: {  	[tilespmem:s5+$0xFFFFFE80] =	vst.add.f32.msk $0xffff, v0  }
0x383: {  	[tilespmem:s5+$0xFFFFFE00] =	vst.add.f32.msk $0xffff, v0  }
0x384: {  	[tilespmem:s5+$0xFFFFFD80] =	vst.add.f32.msk $0xffff, v0  }
0x385: {  	[tilespmem:s5+$0xFFFFFD00] =	vst.add.f32.msk $0xffff, v0  }
0x386: {  	v0 =	vld [tilespmem:$0x34D0];
	_ =	sdelay $0x3  }
0x387: {  	s5 =	simm.s32 $0x7BD0  }
0x388: {  	[tilespmem:s5+$0xFFFFFC80] =	vst.add.f32.msk $0xffff, v0  }
0x389: {  	[tilespmem:s5+$0x0] =	vst.add.f32.msk $0xffff, v0  }
0x38a: {  	[tilespmem:s5+$0xFFFFFF80] =	vst.add.f32.msk $0xffff, v0  }
0x38b: {  	[tilespmem:s5+$0xFFFFFF00] =	vst.add.f32.msk $0xffff, v0  }
0x38c: {  	[tilespmem:s5+$0xFFFFFE80] =	vst.add.f32.msk $0xffff, v0  }
0x38d: {  	[tilespmem:s5+$0xFFFFFE00] =	vst.add.f32.msk $0xffff, v0  }
0x38e: {  	s7 =	simm.s32 $0x0;
	[tilespmem:s5+$0xFFFFFD80] =	vst.add.f32.msk $0xffff, v0  }
.LBB2_94:
0x38f: {  	s7 =	sadd.s32 $0x8, s7;
	[tilespmem:s5+$0xFFFFFD00] =	vst.add.f32.msk $0xffff, v0;
	s5 =	sadd.s32 $0x400, s5  }
0x390: {  	[tilespmem:s5+$0xFFFFFC80] =	vst.add.f32.msk $0xffff, v0;
	p0 =	slt.u32 s7, $0x78  }
0x391: {  	[tilespmem:s5+$0x0] =	vst.add.f32.msk $0xffff, v0  }
.Ltmp46:
0x392: {  	[tilespmem:s5+$0xFFFFFF80] =	vst.add.f32.msk $0xffff, v0;
	(pc) =	sbr.rel @p0 .LBB2_94-.Ltmp46, $4  }
0x393: {  	[tilespmem:s5+$0xFFFFFF00] =	vst.add.f32.msk $0xffff, v0  }
0x394: {  	[tilespmem:s5+$0xFFFFFE80] =	vst.add.f32.msk $0xffff, v0  }
0x395: {  	[tilespmem:s5+$0xFFFFFE00] =	vst.add.f32.msk $0xffff, v0  }
0x396: {  	[tilespmem:s5+$0xFFFFFD80] =	vst.add.f32.msk $0xffff, v0  }
0x397: {  	[tilespmem:s5+$0xFFFFFD00] =	vst.add.f32.msk $0xffff, v0  }
0x398: {  	v0 =	vld [tilespmem:$0x34E0];
	_ =	sdelay $0x3  }
0x399: {  	s5 =	simm.s32 $0x7BE0  }
0x39a: {  	[tilespmem:s5+$0xFFFFFC80] =	vst.add.f32.msk $0xffff, v0  }
0x39b: {  	[tilespmem:s5+$0x0] =	vst.add.f32.msk $0xffff, v0  }
0x39c: {  	[tilespmem:s5+$0xFFFFFF80] =	vst.add.f32.msk $0xffff, v0  }
0x39d: {  	[tilespmem:s5+$0xFFFFFF00] =	vst.add.f32.msk $0xffff, v0  }
0x39e: {  	[tilespmem:s5+$0xFFFFFE80] =	vst.add.f32.msk $0xffff, v0  }
0x39f: {  	[tilespmem:s5+$0xFFFFFE00] =	vst.add.f32.msk $0xffff, v0  }
0x3a0: {  	s7 =	simm.s32 $0x0;
	[tilespmem:s5+$0xFFFFFD80] =	vst.add.f32.msk $0xffff, v0  }
.LBB2_96:
0x3a1: {  	s7 =	sadd.s32 $0x8, s7;
	[tilespmem:s5+$0xFFFFFD00] =	vst.add.f32.msk $0xffff, v0;
	s5 =	sadd.s32 $0x400, s5  }
0x3a2: {  	[tilespmem:s5+$0xFFFFFC80] =	vst.add.f32.msk $0xffff, v0;
	p0 =	slt.u32 s7, $0x78  }
0x3a3: {  	[tilespmem:s5+$0x0] =	vst.add.f32.msk $0xffff, v0  }
.Ltmp47:
0x3a4: {  	[tilespmem:s5+$0xFFFFFF80] =	vst.add.f32.msk $0xffff, v0;
	(pc) =	sbr.rel @p0 .LBB2_96-.Ltmp47, $4  }
0x3a5: {  	[tilespmem:s5+$0xFFFFFF00] =	vst.add.f32.msk $0xffff, v0  }
0x3a6: {  	[tilespmem:s5+$0xFFFFFE80] =	vst.add.f32.msk $0xffff, v0  }
0x3a7: {  	[tilespmem:s5+$0xFFFFFE00] =	vst.add.f32.msk $0xffff, v0  }
0x3a8: {  	[tilespmem:s5+$0xFFFFFD80] =	vst.add.f32.msk $0xffff, v0  }
0x3a9: {  	[tilespmem:s5+$0xFFFFFD00] =	vst.add.f32.msk $0xffff, v0  }
0x3aa: {  	v0 =	vld [tilespmem:$0x34F0];
	_ =	sdelay $0x3  }
0x3ab: {  	s5 =	simm.s32 $0x7BF0  }
0x3ac: {  	[tilespmem:s5+$0xFFFFFC80] =	vst.add.f32.msk $0xffff, v0  }
0x3ad: {  	[tilespmem:s5+$0x0] =	vst.add.f32.msk $0xffff, v0  }
0x3ae: {  	[tilespmem:s5+$0xFFFFFF80] =	vst.add.f32.msk $0xffff, v0  }
0x3af: {  	[tilespmem:s5+$0xFFFFFF00] =	vst.add.f32.msk $0xffff, v0  }
0x3b0: {  	[tilespmem:s5+$0xFFFFFE80] =	vst.add.f32.msk $0xffff, v0  }
0x3b1: {  	[tilespmem:s5+$0xFFFFFE00] =	vst.add.f32.msk $0xffff, v0  }
0x3b2: {  	s7 =	simm.s32 $0x0;
	[tilespmem:s5+$0xFFFFFD80] =	vst.add.f32.msk $0xffff, v0  }
.LBB2_98:
0x3b3: {  	s7 =	sadd.s32 $0x8, s7;
	[tilespmem:s5+$0xFFFFFD00] =	vst.add.f32.msk $0xffff, v0;
	s5 =	sadd.s32 $0x400, s5  }
0x3b4: {  	[tilespmem:s5+$0xFFFFFC80] =	vst.add.f32.msk $0xffff, v0;
	p0 =	slt.u32 s7, $0x78  }
0x3b5: {  	[tilespmem:s5+$0x0] =	vst.add.f32.msk $0xffff, v0  }
.Ltmp48:
0x3b6: {  	[tilespmem:s5+$0xFFFFFF80] =	vst.add.f32.msk $0xffff, v0;
	(pc) =	sbr.rel @p0 .LBB2_98-.Ltmp48, $4  }
0x3b7: {  	[tilespmem:s5+$0xFFFFFF00] =	vst.add.f32.msk $0xffff, v0  }
0x3b8: {  	[tilespmem:s5+$0xFFFFFE80] =	vst.add.f32.msk $0xffff, v0  }
0x3b9: {  	[tilespmem:s5+$0xFFFFFE00] =	vst.add.f32.msk $0xffff, v0  }
0x3ba: {  	[tilespmem:s5+$0xFFFFFD80] =	vst.add.f32.msk $0xffff, v0  }
0x3bb: {  	[tilespmem:s5+$0xFFFFFD00] =	vst.add.f32.msk $0xffff, v0;
	s17 =	sadd.s32 $0x1, s17  }
0x3bc: {  	[hbm4b:s13+s4] =	stream.linear.scatter [tilespmem:s22], [sflag:$0x6], $0x4000, $0x38;
	[tilespmem:$0x13800] =	vst v63  }
0x3bd: {  	p0 =	sne.s32 s17, s14;
	_ =	swait.ge [sflag:s0], $0x4000  }
.Ltmp49:
0x3be: {  	[sflag:s0] =	ssyncset.done $0x0;
	(pc) =	sbr.rel @p0 .LBB2_1-.Ltmp49, $4  }
0x3bf: {  	[sflag:s0] =	ssyncadd.s32 $0xFFFFC000  }
0x3c0: {  	_ =	swait.ge [sflag:s2], $0x4000  }
0x3c1: {  	[sflag:s2] =	ssyncset.done $0x0  }
0x3c2: {  	[sflag:s2] =	ssyncadd.s32 $0xFFFFC000  }
0x3c3: {  	_ =	sfence.sel $0x180000  }
0x3c4: {  	[bflag:$0x0] =	sbarrier.arrive $0xFFFF  }
0x3c5: {  	_ =	strace $0x90000047  }
0x3c6: {  	s0 =	stileid.u32;
	[bflag:$0x2] =	sbarrier.arrive $0xFFFF  }
0x3c7: {  	p0 =	sne.s32 s0, $0x0;
	s0 =	rddreg [dreg:$0x4]  }
0x3c8: {  	s0 =	sadd.s32 @!p0 $0x100000, s0  }
0x3c9: {  	[sflag:s0] =	ssyncadd.tile.s32 @!p0 $0x1;
	_ =	shalt  }
.Lfunc_end2:
_tile_overlayer_lowered:
.L_overlay_start_2:
0x3ca: {  	(tag) =	ssettag $0x2  }
0x3cb: {  	s0 =	rddreg [dreg:$0x0];
	s2 =	stileid.u32  }
0x3cc: {  	s1 =	rddreg [dreg:$0x1];
	p0 =	sne.s32 s2, $0x0  }
0x3cd: {  	s3 =	rddreg [dreg:$0x2];
	[bflag:$0x3] =	sbarrier.arrive $0xFFFF;
	s2 =	simm.s32 @!p0 $0x1C09  }
0x3ce: {  	[timem:s3], [sflag:s2] =	dma.local @!p0 [hbm:s0], s1  }
0x3cf: {  	s0 =	simm.s32 @!p0 $0x9  }
0x3d0: {  	_ =	swait.ge @!p0 [sflag:s0], s1  }
0x3d1: {  	s1 =	ssub.s32 @!p0 $0x0, s1;
	[sflag:s0] =	ssyncset.done @!p0 $0x0  }
0x3d2: {  	[sflag:s0] =	ssyncadd.s32 @!p0 s1  }
0x3d3: {  	[bflag:$0x3] =	sbarrier.arrive $0xFFFF  }
0x3d4: {  	_ =	shalt  }

</sc_bundles>
